<compile_context>
chip_gen: v7x
topology: tpu7x:2x2x1
jax: 0.10.2.dev20260603
libtpu: 0.0.44.dev20260713+nightly
codegen_flags: <defaults>
</compile_context>

<pallas_src>
import functools

import jax
import jax.numpy as jnp
from jax import lax
from jax.experimental import pallas as pl
from jax.experimental.pallas import tpu as pltpu
from jax.experimental.pallas import tpu_sc as plsc

D = 64
K = 1024
B = 16
ROWS = B * 1024
NHALF = 2
HB = B // NHALF
HROWS = ROWS // NHALF
BLK = 1024
SUB = 128
NSUB = BLK // SUB
GRP = 128
NGRP = K // GRP
BETA = 0.25



def _tc_body(half, z_hbm, emb_m2t_ref, idx_ref, loss_ref, z_buf, sem):
    i = pl.program_id(0)

    def z_copy(step, slot):
        return pltpu.make_async_copy(
            z_hbm.at[pl.ds(half * HB + step, 1)], z_buf.at[slot],
            sem.at[slot])

    @pl.when(i == 0)
    def _prologue():
        z_copy(0, 0).start()

    @pl.when(i + 1 < HB)
    def _prefetch():
        z_copy(i + 1, (i + 1) % 2).start()

    z_copy(i, i % 2).wait()
    z = z_buf[i % 2, 0]
    sz = jnp.sum(z * z, axis=1, keepdims=True)
    m2 = emb_m2t_ref[...]
    se = jnp.sum(m2 * m2, axis=0, keepdims=True) * 0.25

    lane = lax.broadcasted_iota(jnp.int32, (SUB, GRP), 1)
    loss_part = None
    for r in range(NSUB):
        zr = z[r * SUB:(r + 1) * SUB]
        szr = sz[r * SUB:(r + 1) * SUB]
        val = None
        idx = None
        for c in range(NGRP):
            mm2 = jnp.dot(zr, m2[:, c * GRP:(c + 1) * GRP],
                          preferred_element_type=jnp.float32)
            d_c = (szr + se[:, c * GRP:(c + 1) * GRP]) + mm2
            if c == 0:
                val, idx = d_c, lane
            else:
                take = d_c < val
                val = jnp.where(take, d_c, val)
                idx = jnp.where(take, lane + c * GRP, idx)
        m = jnp.min(val, axis=1, keepdims=True)
        jmin = jnp.min(jnp.where(val == m, idx, K), axis=1)
        idx_ref[0, 0, r * SUB:(r + 1) * SUB] = jmin
        part = jnp.sum(m)
        loss_part = part if loss_part is None else loss_part + part

    @pl.when(i == 0)
    def _init():
        loss_ref[0, 0] = 0.0

    loss_ref[0, 0] += loss_part


def _make_tc_call(half):
    return pl.pallas_call(
        functools.partial(_tc_body, half),
        grid=(HB,),
        in_specs=[
            pl.BlockSpec(memory_space=pltpu.HBM),
            pl.BlockSpec((D, K), lambda i: (0, 0)),
        ],
        out_specs=[
            pl.BlockSpec((1, 1, BLK), lambda i: (i, 0, 0)),
            pl.BlockSpec(memory_space=pltpu.SMEM),
        ],
        out_shape=[
            jax.ShapeDtypeStruct((HB, 1, BLK), jnp.int32),
            jax.ShapeDtypeStruct((1, 1), jnp.float32),
        ],
        scratch_shapes=[
            pltpu.VMEM((2, 1, BLK, D), jnp.float32),
            pltpu.SemaphoreType.DMA((2,)),
        ],
    )


_tc_calls = [_make_tc_call(h) for h in range(NHALF)]


_NC, _NS = 2, 16
_NW = _NC * _NS
SPB = _NW // HB
DPW = D // SPB
L = 16
RV = 1024 // L


@functools.cache
def _sc_gather_call():
    mesh = plsc.VectorSubcoreMesh(
        core_axis_name="c", subcore_axis_name="s")

    @functools.partial(
        pl.kernel,
        out_type=jax.ShapeDtypeStruct((HB * D, 1024), jnp.float32),
        mesh=mesh,
        scratch_types=[
            pltpu.VMEM((1024,), jnp.int32),
            pltpu.VMEM((DPW * 1024,), jnp.float32),
            pltpu.VMEM((DPW, 1024), jnp.float32),
            pltpu.SemaphoreType.DMA,
            pltpu.SemaphoreType.DMA,
        ],
        compiler_params=pltpu.CompilerParams(
            use_tc_tiling_on_sc=False, needs_layout_passes=False),
    )
    def _sc_gather(embt_hbm, idx_hbm, out_hbm, idx_t, embt_t, out_t,
                   sem1, sem2):
        wid = lax.axis_index("s") * _NC + lax.axis_index("c")
        b = wid // SPB
        p = wid % SPB
        c1 = pltpu.async_copy(
            idx_hbm.at[pl.ds(b * 1024, 1024)], idx_t, sem1)
        c2 = pltpu.async_copy(
            embt_hbm.at[pl.ds(p * DPW * 1024, DPW * 1024)], embt_t, sem2)
        c1.wait()
        c2.wait()

        def body(v2, carry):
            for u in range(2):
                v = v2 * 2 + u
                iv = idx_t[pl.ds(v * L, L)]
                for d in range(DPW):
                    out_t[d, pl.ds(v * L, L)] = plsc.load_gather(
                        embt_t, [iv + d * 1024])
            return carry

        lax.fori_loop(0, RV // 2, body, 0)
        pltpu.sync_copy(out_t, out_hbm.at[pl.ds(b * D + p * DPW, DPW)])

    return _sc_gather




def kernel(z, emb_w):
    emb_m2t = emb_w.T * -2.0
    sc = _sc_gather_call()
    zq_halves = []
    loss_sum = None
    embt = emb_w.T.reshape(D * K)
    for h in range(NHALF):
        idx3d, loss2d = _tc_calls[h](z, emb_m2t)
        zq_halves.append(sc(embt, idx3d.reshape(HROWS)))
        part = loss2d[0, 0]
        loss_sum = part if loss_sum is None else loss_sum + part
    zq_t = jnp.concatenate(zq_halves, axis=0).reshape(B, D, 1024)
    zq = jnp.swapaxes(zq_t, 1, 2)
    loss = loss_sum * ((1.0 + BETA) / (ROWS * D))
    return zq, loss

# --- scband reference (transcript-rebuilt; emitter-appended) ---
"""Pipeline reference for scband-vector-quantizer-18700287606891 (READ-ONLY COPY).

The authoritative reference and input builder live on the scoring server;
editing this copy changes nothing except your own understanding.
"""

import jax, jax.numpy as jnp
import numpy as np

NUM_EMBEDDINGS = 1024
EMBEDDING_DIM = 64
BETA = 0.25


def setup_inputs(seed: int = 0) -> dict:
    key = jax.random.key(seed)
    k_z, k_w = jax.random.split(key)
    z = jax.random.normal(k_z, (16, 1024, 64), dtype=jnp.float32)
    emb_w = jax.random.uniform(
        k_w, (NUM_EMBEDDINGS, EMBEDDING_DIM), dtype=jnp.float32,
        minval=-1.0 / NUM_EMBEDDINGS, maxval=1.0 / NUM_EMBEDDINGS)
    return {"z": z, "emb_w": emb_w}


def reference(z, emb_w):
    z_flat = z.reshape(-1, EMBEDDING_DIM)
    distances = (
        jnp.sum(z_flat ** 2, axis=1, keepdims=True)
        + jnp.sum(emb_w ** 2, axis=1)
        - 2.0 * jnp.matmul(z_flat, emb_w.T)
    )
    encoding_indices = jnp.argmin(distances, axis=1)
    z_quantized = jnp.take(emb_w, encoding_indices, axis=0).reshape(z.shape)
    quantization_loss = (
        jnp.mean((jax.lax.stop_gradient(z_quantized) - z) ** 2)
        + BETA * jnp.mean((z_quantized - jax.lax.stop_gradient(z)) ** 2)
    )
    z_quantized_st = z + jax.lax.stop_gradient(z_quantized - z)
    return (z_quantized_st, quantization_loss)

if __name__ == "__main__":
    import jax
    _d = setup_inputs()
    print(jax.jit(kernel)(*tuple(_d.values())))

</pallas_src>

<mosaic_0001>
#map = affine_map<(d0, d1) -> (0)>
#map1 = affine_map<(d0, d1) -> (0, 0)>
module attributes {stable_mosaic.version = 14 : i64} {
  func.func @_sc_gather(%arg0: i32, %arg1: i32, %arg2: memref<65536xf32, #tpu.memory_space<hbm>>, %arg3: memref<8192xi32, #tpu.memory_space<hbm>>, %arg4: memref<512x1024xf32, #tpu.memory_space<hbm>>, %arg5: memref<1024xi32, #tpu.memory_space<vmem>>, %arg6: memref<16384xf32, #tpu.memory_space<vmem>>, %arg7: memref<16x1024xf32, #tpu.memory_space<vmem>>, %arg8: memref<!tpu.dma_semaphore, #tpu.memory_space<semaphore_mem>>, %arg9: memref<!tpu.dma_semaphore, #tpu.memory_space<semaphore_mem>>) attributes {dimension_semantics = [#tpu.dimension_semantics<core_parallel>, #tpu.dimension_semantics<subcore_parallel>], iteration_bounds = array<i64: 2, 16>, scalar_prefetch = 0 : i64, scratch_operands = 5 : i64, tpu.core_type = #tpu.core_type<sc_vector_subcore>, window_params = [{transform_indices = #map}, {transform_indices = #map}, {transform_indices = #map1}]} {
    %mul3A = arith.constant 2 : i32
    %mul3A_0 = arith.muli %arg1, %mul3A : i32
    %add3A = arith.addi %mul3A_0, %arg0 : i32
    %jit3A = arith.constant 4 : i32
    %div3A = arith.divsi %add3A, %jit3A : i32
    %sign3A = arith.constant 0 : i32
    %sign3A_1 = arith.cmpi sgt, %add3A, %sign3A : i32
    %sign3A_2 = arith.extui %sign3A_1 : i1 to i32
    %sign3A_3 = arith.constant 0 : i32
    %sign3A_4 = arith.cmpi slt, %add3A, %sign3A_3 : i32
    %sign3A_5 = arith.extui %sign3A_4 : i1 to i32
    %sign3A_6 = arith.subi %sign3A_2, %sign3A_5 : i32
    %sign3A_7 = arith.constant 0 : i32
    %sign3A_8 = arith.cmpi sgt, %jit3A, %sign3A_7 : i32
    %sign3A_9 = arith.extui %sign3A_8 : i1 to i32
    %sign3A_10 = arith.constant 0 : i32
    %sign3A_11 = arith.cmpi slt, %jit3A, %sign3A_10 : i32
    %sign3A_12 = arith.extui %sign3A_11 : i1 to i32
    %sign3A_13 = arith.subi %sign3A_9, %sign3A_12 : i32
    %ne3A = arith.cmpi ne, %sign3A_6, %sign3A_13 : i32
    %rem3A = arith.remsi %add3A, %jit3A : i32
    %ne3A_14 = arith.constant 0 : i32
    %ne3A_15 = arith.cmpi ne, %rem3A, %ne3A_14 : i32
    %and3A = arith.andi %ne3A, %ne3A_15 : i1
    %sub3A = arith.constant 1 : i32
    %sub3A_16 = arith.subi %div3A, %sub3A : i32
    %select_n3A = arith.select %and3A, %sub3A_16, %div3A : i32
    %jit3A_17 = arith.constant 4 : i32
    %eq3A = arith.constant 0 : i32
    %eq3A_18 = arith.cmpi eq, %jit3A_17, %eq3A : i32
    %jit3A_19 = arith.constant 1 : i32
    %select_n3A_20 = arith.select %eq3A_18, %jit3A_19, %jit3A_17 : i32
    %rem3A_21 = arith.remsi %add3A, %select_n3A_20 : i32
    %ne3A_22 = arith.constant 0 : i32
    %ne3A_23 = arith.cmpi ne, %rem3A_21, %ne3A_22 : i32
    %lt3A = arith.constant 0 : i32
    %lt3A_24 = arith.cmpi slt, %rem3A_21, %lt3A : i32
    %lt3A_25 = arith.constant 0 : i32
    %lt3A_26 = arith.cmpi slt, %select_n3A_20, %lt3A_25 : i32
    %ne3A_27 = arith.xori %lt3A_24, %lt3A_26 : i1
    %and3A_28 = arith.andi %ne3A_27, %ne3A_23 : i1
    %add3A_29 = arith.addi %rem3A_21, %select_n3A_20 : i32
    %select_n3A_30 = arith.select %and3A_28, %add3A_29, %rem3A_21 : i32
    %mul3A_31 = arith.constant 1024 : i32
    %mul3A_32 = arith.muli %select_n3A, %mul3A_31 : i32
    %dma_start3A = tpu.memref_slice %arg3[%mul3A_32] : memref<8192xi32, #tpu.memory_space<hbm>> -> memref<1024xi32, #tpu.memory_space<hbm>>
    %dma_start3A_33 = tpu.memref_slice %arg3[%mul3A_32] : memref<8192xi32, #tpu.memory_space<hbm>> -> memref<1024xi32, #tpu.memory_space<hbm>>
    tpu.enqueue_dma source(%dma_start3A_33 : memref<1024xi32, #tpu.memory_space<hbm>>) target(%arg5 : memref<1024xi32, #tpu.memory_space<vmem>>) target_semaphore(%arg8 : memref<!tpu.dma_semaphore, #tpu.memory_space<semaphore_mem>>)
    %mul3A_34 = arith.constant 16 : i32
    %mul3A_35 = arith.muli %select_n3A_30, %mul3A_34 : i32
    %mul3A_36 = arith.constant 1024 : i32
    %mul3A_37 = arith.muli %mul3A_35, %mul3A_36 : i32
    %dma_start3A_38 = tpu.memref_slice %arg2[%mul3A_37] : memref<65536xf32, #tpu.memory_space<hbm>> -> memref<16384xf32, #tpu.memory_space<hbm>>
    %dma_start3A_39 = tpu.memref_slice %arg2[%mul3A_37] : memref<65536xf32, #tpu.memory_space<hbm>> -> memref<16384xf32, #tpu.memory_space<hbm>>
    tpu.enqueue_dma source(%dma_start3A_39 : memref<16384xf32, #tpu.memory_space<hbm>>) target(%arg6 : memref<16384xf32, #tpu.memory_space<vmem>>) target_semaphore(%arg9 : memref<!tpu.dma_semaphore, #tpu.memory_space<semaphore_mem>>)
    %dma_wait3A = tpu.memref_slice %arg3[%mul3A_32] : memref<8192xi32, #tpu.memory_space<hbm>> -> memref<1024xi32, #tpu.memory_space<hbm>>
    %dma_wait3A_40 = tpu.memref_slice %arg3[%mul3A_32] : memref<8192xi32, #tpu.memory_space<hbm>> -> memref<1024xi32, #tpu.memory_space<hbm>>
    tpu.wait_dma2 semaphore(%arg8 : memref<!tpu.dma_semaphore, #tpu.memory_space<semaphore_mem>>) src(%dma_wait3A_40 : memref<1024xi32, #tpu.memory_space<hbm>>) dst(%arg5 : memref<1024xi32, #tpu.memory_space<vmem>>)
    %dma_wait3A_41 = tpu.memref_slice %arg2[%mul3A_37] : memref<65536xf32, #tpu.memory_space<hbm>> -> memref<16384xf32, #tpu.memory_space<hbm>>
    %dma_wait3A_42 = tpu.memref_slice %arg2[%mul3A_37] : memref<65536xf32, #tpu.memory_space<hbm>> -> memref<16384xf32, #tpu.memory_space<hbm>>
    tpu.wait_dma2 semaphore(%arg9 : memref<!tpu.dma_semaphore, #tpu.memory_space<semaphore_mem>>) src(%dma_wait3A_42 : memref<16384xf32, #tpu.memory_space<hbm>>) dst(%arg6 : memref<16384xf32, #tpu.memory_space<vmem>>)
    %scan3A = arith.constant 0 : i32
    %scan3A_43 = arith.constant 0 : i32
    %scan3A_44 = arith.constant 32 : i32
    %scan3A_45 = arith.addi %scan3A_43, %scan3A_44 : i32
    %scan3A_46 = arith.constant 1 : i32
    scf.for %scan3A_53 = %scan3A_43 to %scan3A_45 step %scan3A_46  : i32 {
      %mul3A_54 = arith.constant 2 : i32
      %mul3A_55 = arith.muli %scan3A_53, %mul3A_54 : i32
      %add3A_56 = arith.constant 0 : i32
      %add3A_57 = arith.addi %mul3A_55, %add3A_56 : i32
      %mul3A_58 = arith.constant 16 : i32
      %mul3A_59 = arith.muli %add3A_57, %mul3A_58 : i32
      %get3A = arith.index_cast %mul3A_59 : i32 to index
      %get3A_60 = tpu.vector_load %arg5[%get3A] {strides = array<i32>} : memref<1024xi32, #tpu.memory_space<vmem>>, vector<16xi32>,
      %add3A_61 = arith.constant 0 : i32
      %add3A_62 = vector.broadcast %add3A_61 : i32 to vector<16xi32>
      %add3A_63 = arith.addi %get3A_60, %add3A_62 : vector<16xi32>
      %gather3A = tpu.vector_load_idx %arg6[%add3A_63] : memref<16384xf32, #tpu.memory_space<vmem>>[vector<16xi32>], vector<16xf32>,
      %mul3A_64 = arith.constant 16 : i32
      %mul3A_65 = arith.muli %add3A_57, %mul3A_64 : i32
      %swap3A = arith.constant 0 : i32
      %swap3A_66 = arith.index_cast %swap3A : i32 to index
      %swap3A_67 = arith.index_cast %mul3A_65 : i32 to index
      %swap3A_68 = tpu.vector_load %arg7[%swap3A_66, %swap3A_67] {strides = array<i32>} : memref<16x1024xf32, #tpu.memory_space<vmem>>, vector<16xf32>,
      tpu.vector_store %arg7[%swap3A_66, %swap3A_67], %gather3A {strides = array<i32>} : memref<16x1024xf32, #tpu.memory_space<vmem>>, vector<16xf32>,
      %add3A_69 = arith.constant 1024 : i32
      %add3A_70 = vector.broadcast %add3A_69 : i32 to vector<16xi32>
      %add3A_71 = arith.addi %get3A_60, %add3A_70 : vector<16xi32>
      %gather3A_72 = tpu.vector_load_idx %arg6[%add3A_71] : memref<16384xf32, #tpu.memory_space<vmem>>[vector<16xi32>], vector<16xf32>,
      %mul3A_73 = arith.constant 16 : i32
      %mul3A_74 = arith.muli %add3A_57, %mul3A_73 : i32
      %swap3A_75 = arith.constant 1 : i32
      %swap3A_76 = arith.index_cast %swap3A_75 : i32 to index
      %swap3A_77 = arith.index_cast %mul3A_74 : i32 to index
      %swap3A_78 = tpu.vector_load %arg7[%swap3A_76, %swap3A_77] {strides = array<i32>} : memref<16x1024xf32, #tpu.memory_space<vmem>>, vector<16xf32>,
      tpu.vector_store %arg7[%swap3A_76, %swap3A_77], %gather3A_72 {strides = array<i32>} : memref<16x1024xf32, #tpu.memory_space<vmem>>, vector<16xf32>,
      %add3A_79 = arith.constant 2048 : i32
      %add3A_80 = vector.broadcast %add3A_79 : i32 to vector<16xi32>
      %add3A_81 = arith.addi %get3A_60, %add3A_80 : vector<16xi32>
      %gather3A_82 = tpu.vector_load_idx %arg6[%add3A_81] : memref<16384xf32, #tpu.memory_space<vmem>>[vector<16xi32>], vector<16xf32>,
      %mul3A_83 = arith.constant 16 : i32
      %mul3A_84 = arith.muli %add3A_57, %mul3A_83 : i32
      %swap3A_85 = arith.constant 2 : i32
      %swap3A_86 = arith.index_cast %swap3A_85 : i32 to index
      %swap3A_87 = arith.index_cast %mul3A_84 : i32 to index
      %swap3A_88 = tpu.vector_load %arg7[%swap3A_86, %swap3A_87] {strides = array<i32>} : memref<16x1024xf32, #tpu.memory_space<vmem>>, vector<16xf32>,
      tpu.vector_store %arg7[%swap3A_86, %swap3A_87], %gather3A_82 {strides = array<i32>} : memref<16x1024xf32, #tpu.memory_space<vmem>>, vector<16xf32>,
      %add3A_89 = arith.constant 3072 : i32
      %add3A_90 = vector.broadcast %add3A_89 : i32 to vector<16xi32>
      %add3A_91 = arith.addi %get3A_60, %add3A_90 : vector<16xi32>
      %gather3A_92 = tpu.vector_load_idx %arg6[%add3A_91] : memref<16384xf32, #tpu.memory_space<vmem>>[vector<16xi32>], vector<16xf32>,
      %mul3A_93 = arith.constant 16 : i32
      %mul3A_94 = arith.muli %add3A_57, %mul3A_93 : i32
      %swap3A_95 = arith.constant 3 : i32
      %swap3A_96 = arith.index_cast %swap3A_95 : i32 to index
      %swap3A_97 = arith.index_cast %mul3A_94 : i32 to index
      %swap3A_98 = tpu.vector_load %arg7[%swap3A_96, %swap3A_97] {strides = array<i32>} : memref<16x1024xf32, #tpu.memory_space<vmem>>, vector<16xf32>,
      tpu.vector_store %arg7[%swap3A_96, %swap3A_97], %gather3A_92 {strides = array<i32>} : memref<16x1024xf32, #tpu.memory_space<vmem>>, vector<16xf32>,
      %add3A_99 = arith.constant 4096 : i32
      %add3A_100 = vector.broadcast %add3A_99 : i32 to vector<16xi32>
      %add3A_101 = arith.addi %get3A_60, %add3A_100 : vector<16xi32>
      %gather3A_102 = tpu.vector_load_idx %arg6[%add3A_101] : memref<16384xf32, #tpu.memory_space<vmem>>[vector<16xi32>], vector<16xf32>,
      %mul3A_103 = arith.constant 16 : i32
      %mul3A_104 = arith.muli %add3A_57, %mul3A_103 : i32
      %swap3A_105 = arith.constant 4 : i32
      %swap3A_106 = arith.index_cast %swap3A_105 : i32 to index
      %swap3A_107 = arith.index_cast %mul3A_104 : i32 to index
      %swap3A_108 = tpu.vector_load %arg7[%swap3A_106, %swap3A_107] {strides = array<i32>} : memref<16x1024xf32, #tpu.memory_space<vmem>>, vector<16xf32>,
      tpu.vector_store %arg7[%swap3A_106, %swap3A_107], %gather3A_102 {strides = array<i32>} : memref<16x1024xf32, #tpu.memory_space<vmem>>, vector<16xf32>,
      %add3A_109 = arith.constant 5120 : i32
      %add3A_110 = vector.broadcast %add3A_109 : i32 to vector<16xi32>
      %add3A_111 = arith.addi %get3A_60, %add3A_110 : vector<16xi32>
      %gather3A_112 = tpu.vector_load_idx %arg6[%add3A_111] : memref<16384xf32, #tpu.memory_space<vmem>>[vector<16xi32>], vector<16xf32>,
      %mul3A_113 = arith.constant 16 : i32
      %mul3A_114 = arith.muli %add3A_57, %mul3A_113 : i32
      %swap3A_115 = arith.constant 5 : i32
      %swap3A_116 = arith.index_cast %swap3A_115 : i32 to index
      %swap3A_117 = arith.index_cast %mul3A_114 : i32 to index
      %swap3A_118 = tpu.vector_load %arg7[%swap3A_116, %swap3A_117] {strides = array<i32>} : memref<16x1024xf32, #tpu.memory_space<vmem>>, vector<16xf32>,
      tpu.vector_store %arg7[%swap3A_116, %swap3A_117], %gather3A_112 {strides = array<i32>} : memref<16x1024xf32, #tpu.memory_space<vmem>>, vector<16xf32>,
      %add3A_119 = arith.constant 6144 : i32
      %add3A_120 = vector.broadcast %add3A_119 : i32 to vector<16xi32>
      %add3A_121 = arith.addi %get3A_60, %add3A_120 : vector<16xi32>
      %gather3A_122 = tpu.vector_load_idx %arg6[%add3A_121] : memref<16384xf32, #tpu.memory_space<vmem>>[vector<16xi32>], vector<16xf32>,
      %mul3A_123 = arith.constant 16 : i32
      %mul3A_124 = arith.muli %add3A_57, %mul3A_123 : i32
      %swap3A_125 = arith.constant 6 : i32
      %swap3A_126 = arith.index_cast %swap3A_125 : i32 to index
      %swap3A_127 = arith.index_cast %mul3A_124 : i32 to index
      %swap3A_128 = tpu.vector_load %arg7[%swap3A_126, %swap3A_127] {strides = array<i32>} : memref<16x1024xf32, #tpu.memory_space<vmem>>, vector<16xf32>,
      tpu.vector_store %arg7[%swap3A_126, %swap3A_127], %gather3A_122 {strides = array<i32>} : memref<16x1024xf32, #tpu.memory_space<vmem>>, vector<16xf32>,
      %add3A_129 = arith.constant 7168 : i32
      %add3A_130 = vector.broadcast %add3A_129 : i32 to vector<16xi32>
      %add3A_131 = arith.addi %get3A_60, %add3A_130 : vector<16xi32>
      %gather3A_132 = tpu.vector_load_idx %arg6[%add3A_131] : memref<16384xf32, #tpu.memory_space<vmem>>[vector<16xi32>], vector<16xf32>,
      %mul3A_133 = arith.constant 16 : i32
      %mul3A_134 = arith.muli %add3A_57, %mul3A_133 : i32
      %swap3A_135 = arith.constant 7 : i32
      %swap3A_136 = arith.index_cast %swap3A_135 : i32 to index
      %swap3A_137 = arith.index_cast %mul3A_134 : i32 to index
      %swap3A_138 = tpu.vector_load %arg7[%swap3A_136, %swap3A_137] {strides = array<i32>} : memref<16x1024xf32, #tpu.memory_space<vmem>>, vector<16xf32>,
      tpu.vector_store %arg7[%swap3A_136, %swap3A_137], %gather3A_132 {strides = array<i32>} : memref<16x1024xf32, #tpu.memory_space<vmem>>, vector<16xf32>,
      %add3A_139 = arith.constant 8192 : i32
      %add3A_140 = vector.broadcast %add3A_139 : i32 to vector<16xi32>
      %add3A_141 = arith.addi %get3A_60, %add3A_140 : vector<16xi32>
      %gather3A_142 = tpu.vector_load_idx %arg6[%add3A_141] : memref<16384xf32, #tpu.memory_space<vmem>>[vector<16xi32>], vector<16xf32>,
      %mul3A_143 = arith.constant 16 : i32
      %mul3A_144 = arith.muli %add3A_57, %mul3A_143 : i32
      %swap3A_145 = arith.constant 8 : i32
      %swap3A_146 = arith.index_cast %swap3A_145 : i32 to index
      %swap3A_147 = arith.index_cast %mul3A_144 : i32 to index
      %swap3A_148 = tpu.vector_load %arg7[%swap3A_146, %swap3A_147] {strides = array<i32>} : memref<16x1024xf32, #tpu.memory_space<vmem>>, vector<16xf32>,
      tpu.vector_store %arg7[%swap3A_146, %swap3A_147], %gather3A_142 {strides = array<i32>} : memref<16x1024xf32, #tpu.memory_space<vmem>>, vector<16xf32>,
      %add3A_149 = arith.constant 9216 : i32
      %add3A_150 = vector.broadcast %add3A_149 : i32 to vector<16xi32>
      %add3A_151 = arith.addi %get3A_60, %add3A_150 : vector<16xi32>
      %gather3A_152 = tpu.vector_load_idx %arg6[%add3A_151] : memref<16384xf32, #tpu.memory_space<vmem>>[vector<16xi32>], vector<16xf32>,
      %mul3A_153 = arith.constant 16 : i32
      %mul3A_154 = arith.muli %add3A_57, %mul3A_153 : i32
      %swap3A_155 = arith.constant 9 : i32
      %swap3A_156 = arith.index_cast %swap3A_155 : i32 to index
      %swap3A_157 = arith.index_cast %mul3A_154 : i32 to index
      %swap3A_158 = tpu.vector_load %arg7[%swap3A_156, %swap3A_157] {strides = array<i32>} : memref<16x1024xf32, #tpu.memory_space<vmem>>, vector<16xf32>,
      tpu.vector_store %arg7[%swap3A_156, %swap3A_157], %gather3A_152 {strides = array<i32>} : memref<16x1024xf32, #tpu.memory_space<vmem>>, vector<16xf32>,
      %add3A_159 = arith.constant 10240 : i32
      %add3A_160 = vector.broadcast %add3A_159 : i32 to vector<16xi32>
      %add3A_161 = arith.addi %get3A_60, %add3A_160 : vector<16xi32>
      %gather3A_162 = tpu.vector_load_idx %arg6[%add3A_161] : memref<16384xf32, #tpu.memory_space<vmem>>[vector<16xi32>], vector<16xf32>,
      %mul3A_163 = arith.constant 16 : i32
      %mul3A_164 = arith.muli %add3A_57, %mul3A_163 : i32
      %swap3A_165 = arith.constant 10 : i32
      %swap3A_166 = arith.index_cast %swap3A_165 : i32 to index
      %swap3A_167 = arith.index_cast %mul3A_164 : i32 to index
      %swap3A_168 = tpu.vector_load %arg7[%swap3A_166, %swap3A_167] {strides = array<i32>} : memref<16x1024xf32, #tpu.memory_space<vmem>>, vector<16xf32>,
      tpu.vector_store %arg7[%swap3A_166, %swap3A_167], %gather3A_162 {strides = array<i32>} : memref<16x1024xf32, #tpu.memory_space<vmem>>, vector<16xf32>,
      %add3A_169 = arith.constant 11264 : i32
      %add3A_170 = vector.broadcast %add3A_169 : i32 to vector<16xi32>
      %add3A_171 = arith.addi %get3A_60, %add3A_170 : vector<16xi32>
      %gather3A_172 = tpu.vector_load_idx %arg6[%add3A_171] : memref<16384xf32, #tpu.memory_space<vmem>>[vector<16xi32>], vector<16xf32>,
      %mul3A_173 = arith.constant 16 : i32
      %mul3A_174 = arith.muli %add3A_57, %mul3A_173 : i32
      %swap3A_175 = arith.constant 11 : i32
      %swap3A_176 = arith.index_cast %swap3A_175 : i32 to index
      %swap3A_177 = arith.index_cast %mul3A_174 : i32 to index
      %swap3A_178 = tpu.vector_load %arg7[%swap3A_176, %swap3A_177] {strides = array<i32>} : memref<16x1024xf32, #tpu.memory_space<vmem>>, vector<16xf32>,
      tpu.vector_store %arg7[%swap3A_176, %swap3A_177], %gather3A_172 {strides = array<i32>} : memref<16x1024xf32, #tpu.memory_space<vmem>>, vector<16xf32>,
      %add3A_179 = arith.constant 12288 : i32
      %add3A_180 = vector.broadcast %add3A_179 : i32 to vector<16xi32>
      %add3A_181 = arith.addi %get3A_60, %add3A_180 : vector<16xi32>
      %gather3A_182 = tpu.vector_load_idx %arg6[%add3A_181] : memref<16384xf32, #tpu.memory_space<vmem>>[vector<16xi32>], vector<16xf32>,
      %mul3A_183 = arith.constant 16 : i32
      %mul3A_184 = arith.muli %add3A_57, %mul3A_183 : i32
      %swap3A_185 = arith.constant 12 : i32
      %swap3A_186 = arith.index_cast %swap3A_185 : i32 to index
      %swap3A_187 = arith.index_cast %mul3A_184 : i32 to index
      %swap3A_188 = tpu.vector_load %arg7[%swap3A_186, %swap3A_187] {strides = array<i32>} : memref<16x1024xf32, #tpu.memory_space<vmem>>, vector<16xf32>,
      tpu.vector_store %arg7[%swap3A_186, %swap3A_187], %gather3A_182 {strides = array<i32>} : memref<16x1024xf32, #tpu.memory_space<vmem>>, vector<16xf32>,
      %add3A_189 = arith.constant 13312 : i32
      %add3A_190 = vector.broadcast %add3A_189 : i32 to vector<16xi32>
      %add3A_191 = arith.addi %get3A_60, %add3A_190 : vector<16xi32>
      %gather3A_192 = tpu.vector_load_idx %arg6[%add3A_191] : memref<16384xf32, #tpu.memory_space<vmem>>[vector<16xi32>], vector<16xf32>,
      %mul3A_193 = arith.constant 16 : i32
      %mul3A_194 = arith.muli %add3A_57, %mul3A_193 : i32
      %swap3A_195 = arith.constant 13 : i32
      %swap3A_196 = arith.index_cast %swap3A_195 : i32 to index
      %swap3A_197 = arith.index_cast %mul3A_194 : i32 to index
      %swap3A_198 = tpu.vector_load %arg7[%swap3A_196, %swap3A_197] {strides = array<i32>} : memref<16x1024xf32, #tpu.memory_space<vmem>>, vector<16xf32>,
      tpu.vector_store %arg7[%swap3A_196, %swap3A_197], %gather3A_192 {strides = array<i32>} : memref<16x1024xf32, #tpu.memory_space<vmem>>, vector<16xf32>,
      %add3A_199 = arith.constant 14336 : i32
      %add3A_200 = vector.broadcast %add3A_199 : i32 to vector<16xi32>
      %add3A_201 = arith.addi %get3A_60, %add3A_200 : vector<16xi32>
      %gather3A_202 = tpu.vector_load_idx %arg6[%add3A_201] : memref<16384xf32, #tpu.memory_space<vmem>>[vector<16xi32>], vector<16xf32>,
      %mul3A_203 = arith.constant 16 : i32
      %mul3A_204 = arith.muli %add3A_57, %mul3A_203 : i32
      %swap3A_205 = arith.constant 14 : i32
      %swap3A_206 = arith.index_cast %swap3A_205 : i32 to index
      %swap3A_207 = arith.index_cast %mul3A_204 : i32 to index
      %swap3A_208 = tpu.vector_load %arg7[%swap3A_206, %swap3A_207] {strides = array<i32>} : memref<16x1024xf32, #tpu.memory_space<vmem>>, vector<16xf32>,
      tpu.vector_store %arg7[%swap3A_206, %swap3A_207], %gather3A_202 {strides = array<i32>} : memref<16x1024xf32, #tpu.memory_space<vmem>>, vector<16xf32>,
      %add3A_209 = arith.constant 15360 : i32
      %add3A_210 = vector.broadcast %add3A_209 : i32 to vector<16xi32>
      %add3A_211 = arith.addi %get3A_60, %add3A_210 : vector<16xi32>
      %gather3A_212 = tpu.vector_load_idx %arg6[%add3A_211] : memref<16384xf32, #tpu.memory_space<vmem>>[vector<16xi32>], vector<16xf32>,
      %mul3A_213 = arith.constant 16 : i32
      %mul3A_214 = arith.muli %add3A_57, %mul3A_213 : i32
      %swap3A_215 = arith.constant 15 : i32
      %swap3A_216 = arith.index_cast %swap3A_215 : i32 to index
      %swap3A_217 = arith.index_cast %mul3A_214 : i32 to index
      %swap3A_218 = tpu.vector_load %arg7[%swap3A_216, %swap3A_217] {strides = array<i32>} : memref<16x1024xf32, #tpu.memory_space<vmem>>, vector<16xf32>,
      tpu.vector_store %arg7[%swap3A_216, %swap3A_217], %gather3A_212 {strides = array<i32>} : memref<16x1024xf32, #tpu.memory_space<vmem>>, vector<16xf32>,
      %mul3A_219 = arith.constant 2 : i32
      %mul3A_220 = arith.muli %scan3A_53, %mul3A_219 : i32
      %add3A_221 = arith.constant 1 : i32
      %add3A_222 = arith.addi %mul3A_220, %add3A_221 : i32
      %mul3A_223 = arith.constant 16 : i32
      %mul3A_224 = arith.muli %add3A_222, %mul3A_223 : i32
      %get3A_225 = arith.index_cast %mul3A_224 : i32 to index
      %get3A_226 = tpu.vector_load %arg5[%get3A_225] {strides = array<i32>} : memref<1024xi32, #tpu.memory_space<vmem>>, vector<16xi32>,
      %add3A_227 = arith.constant 0 : i32
      %add3A_228 = vector.broadcast %add3A_227 : i32 to vector<16xi32>
      %add3A_229 = arith.addi %get3A_226, %add3A_228 : vector<16xi32>
      %gather3A_230 = tpu.vector_load_idx %arg6[%add3A_229] : memref<16384xf32, #tpu.memory_space<vmem>>[vector<16xi32>], vector<16xf32>,
      %mul3A_231 = arith.constant 16 : i32
      %mul3A_232 = arith.muli %add3A_222, %mul3A_231 : i32
      %swap3A_233 = arith.constant 0 : i32
      %swap3A_234 = arith.index_cast %swap3A_233 : i32 to index
      %swap3A_235 = arith.index_cast %mul3A_232 : i32 to index
      %swap3A_236 = tpu.vector_load %arg7[%swap3A_234, %swap3A_235] {strides = array<i32>} : memref<16x1024xf32, #tpu.memory_space<vmem>>, vector<16xf32>,
      tpu.vector_store %arg7[%swap3A_234, %swap3A_235], %gather3A_230 {strides = array<i32>} : memref<16x1024xf32, #tpu.memory_space<vmem>>, vector<16xf32>,
      %add3A_237 = arith.constant 1024 : i32
      %add3A_238 = vector.broadcast %add3A_237 : i32 to vector<16xi32>
      %add3A_239 = arith.addi %get3A_226, %add3A_238 : vector<16xi32>
      %gather3A_240 = tpu.vector_load_idx %arg6[%add3A_239] : memref<16384xf32, #tpu.memory_space<vmem>>[vector<16xi32>], vector<16xf32>,
      %mul3A_241 = arith.constant 16 : i32
      %mul3A_242 = arith.muli %add3A_222, %mul3A_241 : i32
      %swap3A_243 = arith.constant 1 : i32
      %swap3A_244 = arith.index_cast %swap3A_243 : i32 to index
      %swap3A_245 = arith.index_cast %mul3A_242 : i32 to index
      %swap3A_246 = tpu.vector_load %arg7[%swap3A_244, %swap3A_245] {strides = array<i32>} : memref<16x1024xf32, #tpu.memory_space<vmem>>, vector<16xf32>,
      tpu.vector_store %arg7[%swap3A_244, %swap3A_245], %gather3A_240 {strides = array<i32>} : memref<16x1024xf32, #tpu.memory_space<vmem>>, vector<16xf32>,
      %add3A_247 = arith.constant 2048 : i32
      %add3A_248 = vector.broadcast %add3A_247 : i32 to vector<16xi32>
      %add3A_249 = arith.addi %get3A_226, %add3A_248 : vector<16xi32>
      %gather3A_250 = tpu.vector_load_idx %arg6[%add3A_249] : memref<16384xf32, #tpu.memory_space<vmem>>[vector<16xi32>], vector<16xf32>,
      %mul3A_251 = arith.constant 16 : i32
      %mul3A_252 = arith.muli %add3A_222, %mul3A_251 : i32
      %swap3A_253 = arith.constant 2 : i32
      %swap3A_254 = arith.index_cast %swap3A_253 : i32 to index
      %swap3A_255 = arith.index_cast %mul3A_252 : i32 to index
      %swap3A_256 = tpu.vector_load %arg7[%swap3A_254, %swap3A_255] {strides = array<i32>} : memref<16x1024xf32, #tpu.memory_space<vmem>>, vector<16xf32>,
      tpu.vector_store %arg7[%swap3A_254, %swap3A_255], %gather3A_250 {strides = array<i32>} : memref<16x1024xf32, #tpu.memory_space<vmem>>, vector<16xf32>,
      %add3A_257 = arith.constant 3072 : i32
      %add3A_258 = vector.broadcast %add3A_257 : i32 to vector<16xi32>
      %add3A_259 = arith.addi %get3A_226, %add3A_258 : vector<16xi32>
      %gather3A_260 = tpu.vector_load_idx %arg6[%add3A_259] : memref<16384xf32, #tpu.memory_space<vmem>>[vector<16xi32>], vector<16xf32>,
      %mul3A_261 = arith.constant 16 : i32
      %mul3A_262 = arith.muli %add3A_222, %mul3A_261 : i32
      %swap3A_263 = arith.constant 3 : i32
      %swap3A_264 = arith.index_cast %swap3A_263 : i32 to index
      %swap3A_265 = arith.index_cast %mul3A_262 : i32 to index
      %swap3A_266 = tpu.vector_load %arg7[%swap3A_264, %swap3A_265] {strides = array<i32>} : memref<16x1024xf32, #tpu.memory_space<vmem>>, vector<16xf32>,
      tpu.vector_store %arg7[%swap3A_264, %swap3A_265], %gather3A_260 {strides = array<i32>} : memref<16x1024xf32, #tpu.memory_space<vmem>>, vector<16xf32>,
      %add3A_267 = arith.constant 4096 : i32
      %add3A_268 = vector.broadcast %add3A_267 : i32 to vector<16xi32>
      %add3A_269 = arith.addi %get3A_226, %add3A_268 : vector<16xi32>
      %gather3A_270 = tpu.vector_load_idx %arg6[%add3A_269] : memref<16384xf32, #tpu.memory_space<vmem>>[vector<16xi32>], vector<16xf32>,
      %mul3A_271 = arith.constant 16 : i32
      %mul3A_272 = arith.muli %add3A_222, %mul3A_271 : i32
      %swap3A_273 = arith.constant 4 : i32
      %swap3A_274 = arith.index_cast %swap3A_273 : i32 to index
      %swap3A_275 = arith.index_cast %mul3A_272 : i32 to index
      %swap3A_276 = tpu.vector_load %arg7[%swap3A_274, %swap3A_275] {strides = array<i32>} : memref<16x1024xf32, #tpu.memory_space<vmem>>, vector<16xf32>,
      tpu.vector_store %arg7[%swap3A_274, %swap3A_275], %gather3A_270 {strides = array<i32>} : memref<16x1024xf32, #tpu.memory_space<vmem>>, vector<16xf32>,
      %add3A_277 = arith.constant 5120 : i32
      %add3A_278 = vector.broadcast %add3A_277 : i32 to vector<16xi32>
      %add3A_279 = arith.addi %get3A_226, %add3A_278 : vector<16xi32>
      %gather3A_280 = tpu.vector_load_idx %arg6[%add3A_279] : memref<16384xf32, #tpu.memory_space<vmem>>[vector<16xi32>], vector<16xf32>,
      %mul3A_281 = arith.constant 16 : i32
      %mul3A_282 = arith.muli %add3A_222, %mul3A_281 : i32
      %swap3A_283 = arith.constant 5 : i32
      %swap3A_284 = arith.index_cast %swap3A_283 : i32 to index
      %swap3A_285 = arith.index_cast %mul3A_282 : i32 to index
      %swap3A_286 = tpu.vector_load %arg7[%swap3A_284, %swap3A_285] {strides = array<i32>} : memref<16x1024xf32, #tpu.memory_space<vmem>>, vector<16xf32>,
      tpu.vector_store %arg7[%swap3A_284, %swap3A_285], %gather3A_280 {strides = array<i32>} : memref<16x1024xf32, #tpu.memory_space<vmem>>, vector<16xf32>,
      %add3A_287 = arith.constant 6144 : i32
      %add3A_288 = vector.broadcast %add3A_287 : i32 to vector<16xi32>
      %add3A_289 = arith.addi %get3A_226, %add3A_288 : vector<16xi32>
      %gather3A_290 = tpu.vector_load_idx %arg6[%add3A_289] : memref<16384xf32, #tpu.memory_space<vmem>>[vector<16xi32>], vector<16xf32>,
      %mul3A_291 = arith.constant 16 : i32
      %mul3A_292 = arith.muli %add3A_222, %mul3A_291 : i32
      %swap3A_293 = arith.constant 6 : i32
      %swap3A_294 = arith.index_cast %swap3A_293 : i32 to index
      %swap3A_295 = arith.index_cast %mul3A_292 : i32 to index
      %swap3A_296 = tpu.vector_load %arg7[%swap3A_294, %swap3A_295] {strides = array<i32>} : memref<16x1024xf32, #tpu.memory_space<vmem>>, vector<16xf32>,
      tpu.vector_store %arg7[%swap3A_294, %swap3A_295], %gather3A_290 {strides = array<i32>} : memref<16x1024xf32, #tpu.memory_space<vmem>>, vector<16xf32>,
      %add3A_297 = arith.constant 7168 : i32
      %add3A_298 = vector.broadcast %add3A_297 : i32 to vector<16xi32>
      %add3A_299 = arith.addi %get3A_226, %add3A_298 : vector<16xi32>
      %gather3A_300 = tpu.vector_load_idx %arg6[%add3A_299] : memref<16384xf32, #tpu.memory_space<vmem>>[vector<16xi32>], vector<16xf32>,
      %mul3A_301 = arith.constant 16 : i32
      %mul3A_302 = arith.muli %add3A_222, %mul3A_301 : i32
      %swap3A_303 = arith.constant 7 : i32
      %swap3A_304 = arith.index_cast %swap3A_303 : i32 to index
      %swap3A_305 = arith.index_cast %mul3A_302 : i32 to index
      %swap3A_306 = tpu.vector_load %arg7[%swap3A_304, %swap3A_305] {strides = array<i32>} : memref<16x1024xf32, #tpu.memory_space<vmem>>, vector<16xf32>,
      tpu.vector_store %arg7[%swap3A_304, %swap3A_305], %gather3A_300 {strides = array<i32>} : memref<16x1024xf32, #tpu.memory_space<vmem>>, vector<16xf32>,
      %add3A_307 = arith.constant 8192 : i32
      %add3A_308 = vector.broadcast %add3A_307 : i32 to vector<16xi32>
      %add3A_309 = arith.addi %get3A_226, %add3A_308 : vector<16xi32>
      %gather3A_310 = tpu.vector_load_idx %arg6[%add3A_309] : memref<16384xf32, #tpu.memory_space<vmem>>[vector<16xi32>], vector<16xf32>,
      %mul3A_311 = arith.constant 16 : i32
      %mul3A_312 = arith.muli %add3A_222, %mul3A_311 : i32
      %swap3A_313 = arith.constant 8 : i32
      %swap3A_314 = arith.index_cast %swap3A_313 : i32 to index
      %swap3A_315 = arith.index_cast %mul3A_312 : i32 to index
      %swap3A_316 = tpu.vector_load %arg7[%swap3A_314, %swap3A_315] {strides = array<i32>} : memref<16x1024xf32, #tpu.memory_space<vmem>>, vector<16xf32>,
      tpu.vector_store %arg7[%swap3A_314, %swap3A_315], %gather3A_310 {strides = array<i32>} : memref<16x1024xf32, #tpu.memory_space<vmem>>, vector<16xf32>,
      %add3A_317 = arith.constant 9216 : i32
      %add3A_318 = vector.broadcast %add3A_317 : i32 to vector<16xi32>
      %add3A_319 = arith.addi %get3A_226, %add3A_318 : vector<16xi32>
      %gather3A_320 = tpu.vector_load_idx %arg6[%add3A_319] : memref<16384xf32, #tpu.memory_space<vmem>>[vector<16xi32>], vector<16xf32>,
      %mul3A_321 = arith.constant 16 : i32
      %mul3A_322 = arith.muli %add3A_222, %mul3A_321 : i32
      %swap3A_323 = arith.constant 9 : i32
      %swap3A_324 = arith.index_cast %swap3A_323 : i32 to index
      %swap3A_325 = arith.index_cast %mul3A_322 : i32 to index
      %swap3A_326 = tpu.vector_load %arg7[%swap3A_324, %swap3A_325] {strides = array<i32>} : memref<16x1024xf32, #tpu.memory_space<vmem>>, vector<16xf32>,
      tpu.vector_store %arg7[%swap3A_324, %swap3A_325], %gather3A_320 {strides = array<i32>} : memref<16x1024xf32, #tpu.memory_space<vmem>>, vector<16xf32>,
      %add3A_327 = arith.constant 10240 : i32
      %add3A_328 = vector.broadcast %add3A_327 : i32 to vector<16xi32>
      %add3A_329 = arith.addi %get3A_226, %add3A_328 : vector<16xi32>
      %gather3A_330 = tpu.vector_load_idx %arg6[%add3A_329] : memref<16384xf32, #tpu.memory_space<vmem>>[vector<16xi32>], vector<16xf32>,
      %mul3A_331 = arith.constant 16 : i32
      %mul3A_332 = arith.muli %add3A_222, %mul3A_331 : i32
      %swap3A_333 = arith.constant 10 : i32
      %swap3A_334 = arith.index_cast %swap3A_333 : i32 to index
      %swap3A_335 = arith.index_cast %mul3A_332 : i32 to index
      %swap3A_336 = tpu.vector_load %arg7[%swap3A_334, %swap3A_335] {strides = array<i32>} : memref<16x1024xf32, #tpu.memory_space<vmem>>, vector<16xf32>,
      tpu.vector_store %arg7[%swap3A_334, %swap3A_335], %gather3A_330 {strides = array<i32>} : memref<16x1024xf32, #tpu.memory_space<vmem>>, vector<16xf32>,
      %add3A_337 = arith.constant 11264 : i32
      %add3A_338 = vector.broadcast %add3A_337 : i32 to vector<16xi32>
      %add3A_339 = arith.addi %get3A_226, %add3A_338 : vector<16xi32>
      %gather3A_340 = tpu.vector_load_idx %arg6[%add3A_339] : memref<16384xf32, #tpu.memory_space<vmem>>[vector<16xi32>], vector<16xf32>,
      %mul3A_341 = arith.constant 16 : i32
      %mul3A_342 = arith.muli %add3A_222, %mul3A_341 : i32
      %swap3A_343 = arith.constant 11 : i32
      %swap3A_344 = arith.index_cast %swap3A_343 : i32 to index
      %swap3A_345 = arith.index_cast %mul3A_342 : i32 to index
      %swap3A_346 = tpu.vector_load %arg7[%swap3A_344, %swap3A_345] {strides = array<i32>} : memref<16x1024xf32, #tpu.memory_space<vmem>>, vector<16xf32>,
      tpu.vector_store %arg7[%swap3A_344, %swap3A_345], %gather3A_340 {strides = array<i32>} : memref<16x1024xf32, #tpu.memory_space<vmem>>, vector<16xf32>,
      %add3A_347 = arith.constant 12288 : i32
      %add3A_348 = vector.broadcast %add3A_347 : i32 to vector<16xi32>
      %add3A_349 = arith.addi %get3A_226, %add3A_348 : vector<16xi32>
      %gather3A_350 = tpu.vector_load_idx %arg6[%add3A_349] : memref<16384xf32, #tpu.memory_space<vmem>>[vector<16xi32>], vector<16xf32>,
      %mul3A_351 = arith.constant 16 : i32
      %mul3A_352 = arith.muli %add3A_222, %mul3A_351 : i32
      %swap3A_353 = arith.constant 12 : i32
      %swap3A_354 = arith.index_cast %swap3A_353 : i32 to index
      %swap3A_355 = arith.index_cast %mul3A_352 : i32 to index
      %swap3A_356 = tpu.vector_load %arg7[%swap3A_354, %swap3A_355] {strides = array<i32>} : memref<16x1024xf32, #tpu.memory_space<vmem>>, vector<16xf32>,
      tpu.vector_store %arg7[%swap3A_354, %swap3A_355], %gather3A_350 {strides = array<i32>} : memref<16x1024xf32, #tpu.memory_space<vmem>>, vector<16xf32>,
      %add3A_357 = arith.constant 13312 : i32
      %add3A_358 = vector.broadcast %add3A_357 : i32 to vector<16xi32>
      %add3A_359 = arith.addi %get3A_226, %add3A_358 : vector<16xi32>
      %gather3A_360 = tpu.vector_load_idx %arg6[%add3A_359] : memref<16384xf32, #tpu.memory_space<vmem>>[vector<16xi32>], vector<16xf32>,
      %mul3A_361 = arith.constant 16 : i32
      %mul3A_362 = arith.muli %add3A_222, %mul3A_361 : i32
      %swap3A_363 = arith.constant 13 : i32
      %swap3A_364 = arith.index_cast %swap3A_363 : i32 to index
      %swap3A_365 = arith.index_cast %mul3A_362 : i32 to index
      %swap3A_366 = tpu.vector_load %arg7[%swap3A_364, %swap3A_365] {strides = array<i32>} : memref<16x1024xf32, #tpu.memory_space<vmem>>, vector<16xf32>,
      tpu.vector_store %arg7[%swap3A_364, %swap3A_365], %gather3A_360 {strides = array<i32>} : memref<16x1024xf32, #tpu.memory_space<vmem>>, vector<16xf32>,
      %add3A_367 = arith.constant 14336 : i32
      %add3A_368 = vector.broadcast %add3A_367 : i32 to vector<16xi32>
      %add3A_369 = arith.addi %get3A_226, %add3A_368 : vector<16xi32>
      %gather3A_370 = tpu.vector_load_idx %arg6[%add3A_369] : memref<16384xf32, #tpu.memory_space<vmem>>[vector<16xi32>], vector<16xf32>,
      %mul3A_371 = arith.constant 16 : i32
      %mul3A_372 = arith.muli %add3A_222, %mul3A_371 : i32
      %swap3A_373 = arith.constant 14 : i32
      %swap3A_374 = arith.index_cast %swap3A_373 : i32 to index
      %swap3A_375 = arith.index_cast %mul3A_372 : i32 to index
      %swap3A_376 = tpu.vector_load %arg7[%swap3A_374, %swap3A_375] {strides = array<i32>} : memref<16x1024xf32, #tpu.memory_space<vmem>>, vector<16xf32>,
      tpu.vector_store %arg7[%swap3A_374, %swap3A_375], %gather3A_370 {strides = array<i32>} : memref<16x1024xf32, #tpu.memory_space<vmem>>, vector<16xf32>,
      %add3A_377 = arith.constant 15360 : i32
      %add3A_378 = vector.broadcast %add3A_377 : i32 to vector<16xi32>
      %add3A_379 = arith.addi %get3A_226, %add3A_378 : vector<16xi32>
      %gather3A_380 = tpu.vector_load_idx %arg6[%add3A_379] : memref<16384xf32, #tpu.memory_space<vmem>>[vector<16xi32>], vector<16xf32>,
      %mul3A_381 = arith.constant 16 : i32
      %mul3A_382 = arith.muli %add3A_222, %mul3A_381 : i32
      %swap3A_383 = arith.constant 15 : i32
      %swap3A_384 = arith.index_cast %swap3A_383 : i32 to index
      %swap3A_385 = arith.index_cast %mul3A_382 : i32 to index
      %swap3A_386 = tpu.vector_load %arg7[%swap3A_384, %swap3A_385] {strides = array<i32>} : memref<16x1024xf32, #tpu.memory_space<vmem>>, vector<16xf32>,
      tpu.vector_store %arg7[%swap3A_384, %swap3A_385], %gather3A_380 {strides = array<i32>} : memref<16x1024xf32, #tpu.memory_space<vmem>>, vector<16xf32>,
    }
    %scan3A_47 = arith.constant 32 : i32
    %mul3A_48 = arith.constant 64 : i32
    %mul3A_49 = arith.muli %select_n3A, %mul3A_48 : i32
    %mul3A_50 = arith.constant 16 : i32
    %mul3A_51 = arith.muli %select_n3A_30, %mul3A_50 : i32
    %add3A_52 = arith.addi %mul3A_49, %mul3A_51 : i32
    "tpu.region"() ({
      %run_scoped3A = tpu.sem_alloc : memref<!tpu.dma_semaphore, #tpu.memory_space<semaphore_mem>>
      %dma_start3A_53 = arith.constant 0 : i32
      %dma_start3A_54 = tpu.memref_slice %arg4[%add3A_52, %dma_start3A_53] : memref<512x1024xf32, #tpu.memory_space<hbm>> -> memref<16x1024xf32, #tpu.memory_space<hbm>>
      %dma_start3A_55 = arith.constant 0 : i32
      %dma_start3A_56 = tpu.memref_slice %arg4[%add3A_52, %dma_start3A_55] : memref<512x1024xf32, #tpu.memory_space<hbm>> -> memref<16x1024xf32, #tpu.memory_space<hbm>>
      tpu.enqueue_dma source(%arg7 : memref<16x1024xf32, #tpu.memory_space<vmem>>) target(%dma_start3A_56 : memref<16x1024xf32, #tpu.memory_space<hbm>>) target_semaphore(%run_scoped3A : memref<!tpu.dma_semaphore, #tpu.memory_space<semaphore_mem>>)
      %dma_wait3A_57 = arith.constant 0 : i32
      %dma_wait3A_58 = tpu.memref_slice %arg4[%add3A_52, %dma_wait3A_57] : memref<512x1024xf32, #tpu.memory_space<hbm>> -> memref<16x1024xf32, #tpu.memory_space<hbm>>
      %dma_wait3A_59 = arith.constant 0 : i32
      %dma_wait3A_60 = tpu.memref_slice %arg4[%add3A_52, %dma_wait3A_59] : memref<512x1024xf32, #tpu.memory_space<hbm>> -> memref<16x1024xf32, #tpu.memory_space<hbm>>
      tpu.wait_dma2 semaphore(%run_scoped3A : memref<!tpu.dma_semaphore, #tpu.memory_space<semaphore_mem>>) src(%arg7 : memref<16x1024xf32, #tpu.memory_space<vmem>>) dst(%dma_wait3A_60 : memref<16x1024xf32, #tpu.memory_space<hbm>>)
      tpu.yield
    }) : () -> ()
    return
  }
}

#map = affine_map<(d0, d1) -> (0)>
#map1 = affine_map<(d0, d1) -> (0, 0)>
module attributes {stable_mosaic.version = 14 : i64} {
  func.func @_sc_gather(%arg0: i32, %arg1: i32, %arg2: memref<65536xf32, #tpu.memory_space<hbm>>, %arg3: memref<8192xi32, #tpu.memory_space<hbm>>, %arg4: memref<512x1024xf32, #tpu.memory_space<hbm>>, %arg5: memref<1024xi32, #tpu.memory_space<vmem>>, %arg6: memref<16384xf32, #tpu.memory_space<vmem>>, %arg7: memref<16x1024xf32, #tpu.memory_space<vmem>>, %arg8: memref<!tpu.dma_semaphore, #tpu.memory_space<semaphore_mem>>, %arg9: memref<!tpu.dma_semaphore, #tpu.memory_space<semaphore_mem>>) attributes {dimension_semantics = [#tpu.dimension_semantics<core_parallel>, #tpu.dimension_semantics<subcore_parallel>], iteration_bounds = array<i64: 2, 16>, scalar_prefetch = 0 : i64, scratch_operands = 5 : i64, tpu.core_type = #tpu.core_type<sc_vector_subcore>, window_params = [{transform_indices = #map}, {transform_indices = #map}, {transform_indices = #map1}]} {
    %mul3A = arith.constant 2 : i32
    %mul3A_0 = arith.muli %arg1, %mul3A : i32
    %add3A = arith.addi %mul3A_0, %arg0 : i32
    %jit3A = arith.constant 4 : i32
    %div3A = arith.divsi %add3A, %jit3A : i32
    %sign3A = arith.constant 0 : i32
    %sign3A_1 = arith.cmpi sgt, %add3A, %sign3A : i32
    %sign3A_2 = arith.extui %sign3A_1 : i1 to i32
    %sign3A_3 = arith.constant 0 : i32
    %sign3A_4 = arith.cmpi slt, %add3A, %sign3A_3 : i32
    %sign3A_5 = arith.extui %sign3A_4 : i1 to i32
    %sign3A_6 = arith.subi %sign3A_2, %sign3A_5 : i32
    %sign3A_7 = arith.constant 0 : i32
    %sign3A_8 = arith.cmpi sgt, %jit3A, %sign3A_7 : i32
    %sign3A_9 = arith.extui %sign3A_8 : i1 to i32
    %sign3A_10 = arith.constant 0 : i32
    %sign3A_11 = arith.cmpi slt, %jit3A, %sign3A_10 : i32
    %sign3A_12 = arith.extui %sign3A_11 : i1 to i32
    %sign3A_13 = arith.subi %sign3A_9, %sign3A_12 : i32
    %ne3A = arith.cmpi ne, %sign3A_6, %sign3A_13 : i32
    %rem3A = arith.remsi %add3A, %jit3A : i32
    %ne3A_14 = arith.constant 0 : i32
    %ne3A_15 = arith.cmpi ne, %rem3A, %ne3A_14 : i32
    %and3A = arith.andi %ne3A, %ne3A_15 : i1
    %sub3A = arith.constant 1 : i32
    %sub3A_16 = arith.subi %div3A, %sub3A : i32
    %select_n3A = arith.select %and3A, %sub3A_16, %div3A : i32
    %jit3A_17 = arith.constant 4 : i32
    %eq3A = arith.constant 0 : i32
    %eq3A_18 = arith.cmpi eq, %jit3A_17, %eq3A : i32
    %jit3A_19 = arith.constant 1 : i32
    %select_n3A_20 = arith.select %eq3A_18, %jit3A_19, %jit3A_17 : i32
    %rem3A_21 = arith.remsi %add3A, %select_n3A_20 : i32
    %ne3A_22 = arith.constant 0 : i32
    %ne3A_23 = arith.cmpi ne, %rem3A_21, %ne3A_22 : i32
    %lt3A = arith.constant 0 : i32
    %lt3A_24 = arith.cmpi slt, %rem3A_21, %lt3A : i32
    %lt3A_25 = arith.constant 0 : i32
    %lt3A_26 = arith.cmpi slt, %select_n3A_20, %lt3A_25 : i32
    %ne3A_27 = arith.xori %lt3A_24, %lt3A_26 : i1
    %and3A_28 = arith.andi %ne3A_27, %ne3A_23 : i1
    %add3A_29 = arith.addi %rem3A_21, %select_n3A_20 : i32
    %select_n3A_30 = arith.select %and3A_28, %add3A_29, %rem3A_21 : i32
    %mul3A_31 = arith.constant 1024 : i32
    %mul3A_32 = arith.muli %select_n3A, %mul3A_31 : i32
    %dma_start3A = tpu.memref_slice %arg3[%mul3A_32] : memref<8192xi32, #tpu.memory_space<hbm>> -> memref<1024xi32, #tpu.memory_space<hbm>>
    %dma_start3A_33 = tpu.memref_slice %arg3[%mul3A_32] : memref<8192xi32, #tpu.memory_space<hbm>> -> memref<1024xi32, #tpu.memory_space<hbm>>
    tpu.enqueue_dma source(%dma_start3A_33 : memref<1024xi32, #tpu.memory_space<hbm>>) target(%arg5 : memref<1024xi32, #tpu.memory_space<vmem>>) target_semaphore(%arg8 : memref<!tpu.dma_semaphore, #tpu.memory_space<semaphore_mem>>)
    %mul3A_34 = arith.constant 16 : i32
    %mul3A_35 = arith.muli %select_n3A_30, %mul3A_34 : i32
    %mul3A_36 = arith.constant 1024 : i32
    %mul3A_37 = arith.muli %mul3A_35, %mul3A_36 : i32
    %dma_start3A_38 = tpu.memref_slice %arg2[%mul3A_37] : memref<65536xf32, #tpu.memory_space<hbm>> -> memref<16384xf32, #tpu.memory_space<hbm>>
    %dma_start3A_39 = tpu.memref_slice %arg2[%mul3A_37] : memref<65536xf32, #tpu.memory_space<hbm>> -> memref<16384xf32, #tpu.memory_space<hbm>>
    tpu.enqueue_dma source(%dma_start3A_39 : memref<16384xf32, #tpu.memory_space<hbm>>) target(%arg6 : memref<16384xf32, #tpu.memory_space<vmem>>) target_semaphore(%arg9 : memref<!tpu.dma_semaphore, #tpu.memory_space<semaphore_mem>>)
    %dma_wait3A = tpu.memref_slice %arg3[%mul3A_32] : memref<8192xi32, #tpu.memory_space<hbm>> -> memref<1024xi32, #tpu.memory_space<hbm>>
    %dma_wait3A_40 = tpu.memref_slice %arg3[%mul3A_32] : memref<8192xi32, #tpu.memory_space<hbm>> -> memref<1024xi32, #tpu.memory_space<hbm>>
    tpu.wait_dma2 semaphore(%arg8 : memref<!tpu.dma_semaphore, #tpu.memory_space<semaphore_mem>>) src(%dma_wait3A_40 : memref<1024xi32, #tpu.memory_space<hbm>>) dst(%arg5 : memref<1024xi32, #tpu.memory_space<vmem>>)
    %dma_wait3A_41 = tpu.memref_slice %arg2[%mul3A_37] : memref<65536xf32, #tpu.memory_space<hbm>> -> memref<16384xf32, #tpu.memory_space<hbm>>
    %dma_wait3A_42 = tpu.memref_slice %arg2[%mul3A_37] : memref<65536xf32, #tpu.memory_space<hbm>> -> memref<16384xf32, #tpu.memory_space<hbm>>
    tpu.wait_dma2 semaphore(%arg9 : memref<!tpu.dma_semaphore, #tpu.memory_space<semaphore_mem>>) src(%dma_wait3A_42 : memref<16384xf32, #tpu.memory_space<hbm>>) dst(%arg6 : memref<16384xf32, #tpu.memory_space<vmem>>)
    %scan3A = arith.constant 0 : i32
    %scan3A_43 = arith.constant 0 : i32
    %scan3A_44 = arith.constant 32 : i32
    %scan3A_45 = arith.addi %scan3A_43, %scan3A_44 : i32
    %scan3A_46 = arith.constant 1 : i32
    scf.for %scan3A_53 = %scan3A_43 to %scan3A_45 step %scan3A_46  : i32 {
      %mul3A_54 = arith.constant 2 : i32
      %mul3A_55 = arith.muli %scan3A_53, %mul3A_54 : i32
      %add3A_56 = arith.constant 0 : i32
      %add3A_57 = arith.addi %mul3A_55, %add3A_56 : i32
      %mul3A_58 = arith.constant 16 : i32
      %mul3A_59 = arith.muli %add3A_57, %mul3A_58 : i32
      %get3A = arith.index_cast %mul3A_59 : i32 to index
      %get3A_60 = tpu.vector_load %arg5[%get3A] {strides = array<i32>} : memref<1024xi32, #tpu.memory_space<vmem>>, vector<16xi32>,
      %add3A_61 = arith.constant 0 : i32
      %add3A_62 = vector.broadcast %add3A_61 : i32 to vector<16xi32>
      %add3A_63 = arith.addi %get3A_60, %add3A_62 : vector<16xi32>
      %gather3A = tpu.vector_load_idx %arg6[%add3A_63] : memref<16384xf32, #tpu.memory_space<vmem>>[vector<16xi32>], vector<16xf32>,
      %mul3A_64 = arith.constant 16 : i32
      %mul3A_65 = arith.muli %add3A_57, %mul3A_64 : i32
      %swap3A = arith.constant 0 : i32
      %swap3A_66 = arith.index_cast %swap3A : i32 to index
      %swap3A_67 = arith.index_cast %mul3A_65 : i32 to index
      %swap3A_68 = tpu.vector_load %arg7[%swap3A_66, %swap3A_67] {strides = array<i32>} : memref<16x1024xf32, #tpu.memory_space<vmem>>, vector<16xf32>,
      tpu.vector_store %arg7[%swap3A_66, %swap3A_67], %gather3A {strides = array<i32>} : memref<16x1024xf32, #tpu.memory_space<vmem>>, vector<16xf32>,
      %add3A_69 = arith.constant 1024 : i32
      %add3A_70 = vector.broadcast %add3A_69 : i32 to vector<16xi32>
      %add3A_71 = arith.addi %get3A_60, %add3A_70 : vector<16xi32>
      %gather3A_72 = tpu.vector_load_idx %arg6[%add3A_71] : memref<16384xf32, #tpu.memory_space<vmem>>[vector<16xi32>], vector<16xf32>,
      %mul3A_73 = arith.constant 16 : i32
      %mul3A_74 = arith.muli %add3A_57, %mul3A_73 : i32
      %swap3A_75 = arith.constant 1 : i32
      %swap3A_76 = arith.index_cast %swap3A_75 : i32 to index
      %swap3A_77 = arith.index_cast %mul3A_74 : i32 to index
      %swap3A_78 = tpu.vector_load %arg7[%swap3A_76, %swap3A_77] {strides = array<i32>} : memref<16x1024xf32, #tpu.memory_space<vmem>>, vector<16xf32>,
      tpu.vector_store %arg7[%swap3A_76, %swap3A_77], %gather3A_72 {strides = array<i32>} : memref<16x1024xf32, #tpu.memory_space<vmem>>, vector<16xf32>,
      %add3A_79 = arith.constant 2048 : i32
      %add3A_80 = vector.broadcast %add3A_79 : i32 to vector<16xi32>
      %add3A_81 = arith.addi %get3A_60, %add3A_80 : vector<16xi32>
      %gather3A_82 = tpu.vector_load_idx %arg6[%add3A_81] : memref<16384xf32, #tpu.memory_space<vmem>>[vector<16xi32>], vector<16xf32>,
      %mul3A_83 = arith.constant 16 : i32
      %mul3A_84 = arith.muli %add3A_57, %mul3A_83 : i32
      %swap3A_85 = arith.constant 2 : i32
      %swap3A_86 = arith.index_cast %swap3A_85 : i32 to index
      %swap3A_87 = arith.index_cast %mul3A_84 : i32 to index
      %swap3A_88 = tpu.vector_load %arg7[%swap3A_86, %swap3A_87] {strides = array<i32>} : memref<16x1024xf32, #tpu.memory_space<vmem>>, vector<16xf32>,
      tpu.vector_store %arg7[%swap3A_86, %swap3A_87], %gather3A_82 {strides = array<i32>} : memref<16x1024xf32, #tpu.memory_space<vmem>>, vector<16xf32>,
      %add3A_89 = arith.constant 3072 : i32
      %add3A_90 = vector.broadcast %add3A_89 : i32 to vector<16xi32>
      %add3A_91 = arith.addi %get3A_60, %add3A_90 : vector<16xi32>
      %gather3A_92 = tpu.vector_load_idx %arg6[%add3A_91] : memref<16384xf32, #tpu.memory_space<vmem>>[vector<16xi32>], vector<16xf32>,
      %mul3A_93 = arith.constant 16 : i32
      %mul3A_94 = arith.muli %add3A_57, %mul3A_93 : i32
      %swap3A_95 = arith.constant 3 : i32
      %swap3A_96 = arith.index_cast %swap3A_95 : i32 to index
      %swap3A_97 = arith.index_cast %mul3A_94 : i32 to index
      %swap3A_98 = tpu.vector_load %arg7[%swap3A_96, %swap3A_97] {strides = array<i32>} : memref<16x1024xf32, #tpu.memory_space<vmem>>, vector<16xf32>,
      tpu.vector_store %arg7[%swap3A_96, %swap3A_97], %gather3A_92 {strides = array<i32>} : memref<16x1024xf32, #tpu.memory_space<vmem>>, vector<16xf32>,
      %add3A_99 = arith.constant 4096 : i32
      %add3A_100 = vector.broadcast %add3A_99 : i32 to vector<16xi32>
      %add3A_101 = arith.addi %get3A_60, %add3A_100 : vector<16xi32>
      %gather3A_102 = tpu.vector_load_idx %arg6[%add3A_101] : memref<16384xf32, #tpu.memory_space<vmem>>[vector<16xi32>], vector<16xf32>,
      %mul3A_103 = arith.constant 16 : i32
      %mul3A_104 = arith.muli %add3A_57, %mul3A_103 : i32
      %swap3A_105 = arith.constant 4 : i32
      %swap3A_106 = arith.index_cast %swap3A_105 : i32 to index
      %swap3A_107 = arith.index_cast %mul3A_104 : i32 to index
      %swap3A_108 = tpu.vector_load %arg7[%swap3A_106, %swap3A_107] {strides = array<i32>} : memref<16x1024xf32, #tpu.memory_space<vmem>>, vector<16xf32>,
      tpu.vector_store %arg7[%swap3A_106, %swap3A_107], %gather3A_102 {strides = array<i32>} : memref<16x1024xf32, #tpu.memory_space<vmem>>, vector<16xf32>,
      %add3A_109 = arith.constant 5120 : i32
      %add3A_110 = vector.broadcast %add3A_109 : i32 to vector<16xi32>
      %add3A_111 = arith.addi %get3A_60, %add3A_110 : vector<16xi32>
      %gather3A_112 = tpu.vector_load_idx %arg6[%add3A_111] : memref<16384xf32, #tpu.memory_space<vmem>>[vector<16xi32>], vector<16xf32>,
      %mul3A_113 = arith.constant 16 : i32
      %mul3A_114 = arith.muli %add3A_57, %mul3A_113 : i32
      %swap3A_115 = arith.constant 5 : i32
      %swap3A_116 = arith.index_cast %swap3A_115 : i32 to index
      %swap3A_117 = arith.index_cast %mul3A_114 : i32 to index
      %swap3A_118 = tpu.vector_load %arg7[%swap3A_116, %swap3A_117] {strides = array<i32>} : memref<16x1024xf32, #tpu.memory_space<vmem>>, vector<16xf32>,
      tpu.vector_store %arg7[%swap3A_116, %swap3A_117], %gather3A_112 {strides = array<i32>} : memref<16x1024xf32, #tpu.memory_space<vmem>>, vector<16xf32>,
      %add3A_119 = arith.constant 6144 : i32
      %add3A_120 = vector.broadcast %add3A_119 : i32 to vector<16xi32>
      %add3A_121 = arith.addi %get3A_60, %add3A_120 : vector<16xi32>
      %gather3A_122 = tpu.vector_load_idx %arg6[%add3A_121] : memref<16384xf32, #tpu.memory_space<vmem>>[vector<16xi32>], vector<16xf32>,
      %mul3A_123 = arith.constant 16 : i32
      %mul3A_124 = arith.muli %add3A_57, %mul3A_123 : i32
      %swap3A_125 = arith.constant 6 : i32
      %swap3A_126 = arith.index_cast %swap3A_125 : i32 to index
      %swap3A_127 = arith.index_cast %mul3A_124 : i32 to index
      %swap3A_128 = tpu.vector_load %arg7[%swap3A_126, %swap3A_127] {strides = array<i32>} : memref<16x1024xf32, #tpu.memory_space<vmem>>, vector<16xf32>,
      tpu.vector_store %arg7[%swap3A_126, %swap3A_127], %gather3A_122 {strides = array<i32>} : memref<16x1024xf32, #tpu.memory_space<vmem>>, vector<16xf32>,
      %add3A_129 = arith.constant 7168 : i32
      %add3A_130 = vector.broadcast %add3A_129 : i32 to vector<16xi32>
      %add3A_131 = arith.addi %get3A_60, %add3A_130 : vector<16xi32>
      %gather3A_132 = tpu.vector_load_idx %arg6[%add3A_131] : memref<16384xf32, #tpu.memory_space<vmem>>[vector<16xi32>], vector<16xf32>,
      %mul3A_133 = arith.constant 16 : i32
      %mul3A_134 = arith.muli %add3A_57, %mul3A_133 : i32
      %swap3A_135 = arith.constant 7 : i32
      %swap3A_136 = arith.index_cast %swap3A_135 : i32 to index
      %swap3A_137 = arith.index_cast %mul3A_134 : i32 to index
      %swap3A_138 = tpu.vector_load %arg7[%swap3A_136, %swap3A_137] {strides = array<i32>} : memref<16x1024xf32, #tpu.memory_space<vmem>>, vector<16xf32>,
      tpu.vector_store %arg7[%swap3A_136, %swap3A_137], %gather3A_132 {strides = array<i32>} : memref<16x1024xf32, #tpu.memory_space<vmem>>, vector<16xf32>,
      %add3A_139 = arith.constant 8192 : i32
      %add3A_140 = vector.broadcast %add3A_139 : i32 to vector<16xi32>
      %add3A_141 = arith.addi %get3A_60, %add3A_140 : vector<16xi32>
      %gather3A_142 = tpu.vector_load_idx %arg6[%add3A_141] : memref<16384xf32, #tpu.memory_space<vmem>>[vector<16xi32>], vector<16xf32>,
      %mul3A_143 = arith.constant 16 : i32
      %mul3A_144 = arith.muli %add3A_57, %mul3A_143 : i32
      %swap3A_145 = arith.constant 8 : i32
      %swap3A_146 = arith.index_cast %swap3A_145 : i32 to index
      %swap3A_147 = arith.index_cast %mul3A_144 : i32 to index
      %swap3A_148 = tpu.vector_load %arg7[%swap3A_146, %swap3A_147] {strides = array<i32>} : memref<16x1024xf32, #tpu.memory_space<vmem>>, vector<16xf32>,
      tpu.vector_store %arg7[%swap3A_146, %swap3A_147], %gather3A_142 {strides = array<i32>} : memref<16x1024xf32, #tpu.memory_space<vmem>>, vector<16xf32>,
      %add3A_149 = arith.constant 9216 : i32
      %add3A_150 = vector.broadcast %add3A_149 : i32 to vector<16xi32>
      %add3A_151 = arith.addi %get3A_60, %add3A_150 : vector<16xi32>
      %gather3A_152 = tpu.vector_load_idx %arg6[%add3A_151] : memref<16384xf32, #tpu.memory_space<vmem>>[vector<16xi32>], vector<16xf32>,
      %mul3A_153 = arith.constant 16 : i32
      %mul3A_154 = arith.muli %add3A_57, %mul3A_153 : i32
      %swap3A_155 = arith.constant 9 : i32
      %swap3A_156 = arith.index_cast %swap3A_155 : i32 to index
      %swap3A_157 = arith.index_cast %mul3A_154 : i32 to index
      %swap3A_158 = tpu.vector_load %arg7[%swap3A_156, %swap3A_157] {strides = array<i32>} : memref<16x1024xf32, #tpu.memory_space<vmem>>, vector<16xf32>,
      tpu.vector_store %arg7[%swap3A_156, %swap3A_157], %gather3A_152 {strides = array<i32>} : memref<16x1024xf32, #tpu.memory_space<vmem>>, vector<16xf32>,
      %add3A_159 = arith.constant 10240 : i32
      %add3A_160 = vector.broadcast %add3A_159 : i32 to vector<16xi32>
      %add3A_161 = arith.addi %get3A_60, %add3A_160 : vector<16xi32>
      %gather3A_162 = tpu.vector_load_idx %arg6[%add3A_161] : memref<16384xf32, #tpu.memory_space<vmem>>[vector<16xi32>], vector<16xf32>,
      %mul3A_163 = arith.constant 16 : i32
      %mul3A_164 = arith.muli %add3A_57, %mul3A_163 : i32
      %swap3A_165 = arith.constant 10 : i32
      %swap3A_166 = arith.index_cast %swap3A_165 : i32 to index
      %swap3A_167 = arith.index_cast %mul3A_164 : i32 to index
      %swap3A_168 = tpu.vector_load %arg7[%swap3A_166, %swap3A_167] {strides = array<i32>} : memref<16x1024xf32, #tpu.memory_space<vmem>>, vector<16xf32>,
      tpu.vector_store %arg7[%swap3A_166, %swap3A_167], %gather3A_162 {strides = array<i32>} : memref<16x1024xf32, #tpu.memory_space<vmem>>, vector<16xf32>,
      %add3A_169 = arith.constant 11264 : i32
      %add3A_170 = vector.broadcast %add3A_169 : i32 to vector<16xi32>
      %add3A_171 = arith.addi %get3A_60, %add3A_170 : vector<16xi32>
      %gather3A_172 = tpu.vector_load_idx %arg6[%add3A_171] : memref<16384xf32, #tpu.memory_space<vmem>>[vector<16xi32>], vector<16xf32>,
      %mul3A_173 = arith.constant 16 : i32
      %mul3A_174 = arith.muli %add3A_57, %mul3A_173 : i32
      %swap3A_175 = arith.constant 11 : i32
      %swap3A_176 = arith.index_cast %swap3A_175 : i32 to index
      %swap3A_177 = arith.index_cast %mul3A_174 : i32 to index
      %swap3A_178 = tpu.vector_load %arg7[%swap3A_176, %swap3A_177] {strides = array<i32>} : memref<16x1024xf32, #tpu.memory_space<vmem>>, vector<16xf32>,
      tpu.vector_store %arg7[%swap3A_176, %swap3A_177], %gather3A_172 {strides = array<i32>} : memref<16x1024xf32, #tpu.memory_space<vmem>>, vector<16xf32>,
      %add3A_179 = arith.constant 12288 : i32
      %add3A_180 = vector.broadcast %add3A_179 : i32 to vector<16xi32>
      %add3A_181 = arith.addi %get3A_60, %add3A_180 : vector<16xi32>
      %gather3A_182 = tpu.vector_load_idx %arg6[%add3A_181] : memref<16384xf32, #tpu.memory_space<vmem>>[vector<16xi32>], vector<16xf32>,
      %mul3A_183 = arith.constant 16 : i32
      %mul3A_184 = arith.muli %add3A_57, %mul3A_183 : i32
      %swap3A_185 = arith.constant 12 : i32
      %swap3A_186 = arith.index_cast %swap3A_185 : i32 to index
      %swap3A_187 = arith.index_cast %mul3A_184 : i32 to index
      %swap3A_188 = tpu.vector_load %arg7[%swap3A_186, %swap3A_187] {strides = array<i32>} : memref<16x1024xf32, #tpu.memory_space<vmem>>, vector<16xf32>,
      tpu.vector_store %arg7[%swap3A_186, %swap3A_187], %gather3A_182 {strides = array<i32>} : memref<16x1024xf32, #tpu.memory_space<vmem>>, vector<16xf32>,
      %add3A_189 = arith.constant 13312 : i32
      %add3A_190 = vector.broadcast %add3A_189 : i32 to vector<16xi32>
      %add3A_191 = arith.addi %get3A_60, %add3A_190 : vector<16xi32>
      %gather3A_192 = tpu.vector_load_idx %arg6[%add3A_191] : memref<16384xf32, #tpu.memory_space<vmem>>[vector<16xi32>], vector<16xf32>,
      %mul3A_193 = arith.constant 16 : i32
      %mul3A_194 = arith.muli %add3A_57, %mul3A_193 : i32
      %swap3A_195 = arith.constant 13 : i32
      %swap3A_196 = arith.index_cast %swap3A_195 : i32 to index
      %swap3A_197 = arith.index_cast %mul3A_194 : i32 to index
      %swap3A_198 = tpu.vector_load %arg7[%swap3A_196, %swap3A_197] {strides = array<i32>} : memref<16x1024xf32, #tpu.memory_space<vmem>>, vector<16xf32>,
      tpu.vector_store %arg7[%swap3A_196, %swap3A_197], %gather3A_192 {strides = array<i32>} : memref<16x1024xf32, #tpu.memory_space<vmem>>, vector<16xf32>,
      %add3A_199 = arith.constant 14336 : i32
      %add3A_200 = vector.broadcast %add3A_199 : i32 to vector<16xi32>
      %add3A_201 = arith.addi %get3A_60, %add3A_200 : vector<16xi32>
      %gather3A_202 = tpu.vector_load_idx %arg6[%add3A_201] : memref<16384xf32, #tpu.memory_space<vmem>>[vector<16xi32>], vector<16xf32>,
      %mul3A_203 = arith.constant 16 : i32
      %mul3A_204 = arith.muli %add3A_57, %mul3A_203 : i32
      %swap3A_205 = arith.constant 14 : i32
      %swap3A_206 = arith.index_cast %swap3A_205 : i32 to index
      %swap3A_207 = arith.index_cast %mul3A_204 : i32 to index
      %swap3A_208 = tpu.vector_load %arg7[%swap3A_206, %swap3A_207] {strides = array<i32>} : memref<16x1024xf32, #tpu.memory_space<vmem>>, vector<16xf32>,
      tpu.vector_store %arg7[%swap3A_206, %swap3A_207], %gather3A_202 {strides = array<i32>} : memref<16x1024xf32, #tpu.memory_space<vmem>>, vector<16xf32>,
      %add3A_209 = arith.constant 15360 : i32
      %add3A_210 = vector.broadcast %add3A_209 : i32 to vector<16xi32>
      %add3A_211 = arith.addi %get3A_60, %add3A_210 : vector<16xi32>
      %gather3A_212 = tpu.vector_load_idx %arg6[%add3A_211] : memref<16384xf32, #tpu.memory_space<vmem>>[vector<16xi32>], vector<16xf32>,
      %mul3A_213 = arith.constant 16 : i32
      %mul3A_214 = arith.muli %add3A_57, %mul3A_213 : i32
      %swap3A_215 = arith.constant 15 : i32
      %swap3A_216 = arith.index_cast %swap3A_215 : i32 to index
      %swap3A_217 = arith.index_cast %mul3A_214 : i32 to index
      %swap3A_218 = tpu.vector_load %arg7[%swap3A_216, %swap3A_217] {strides = array<i32>} : memref<16x1024xf32, #tpu.memory_space<vmem>>, vector<16xf32>,
      tpu.vector_store %arg7[%swap3A_216, %swap3A_217], %gather3A_212 {strides = array<i32>} : memref<16x1024xf32, #tpu.memory_space<vmem>>, vector<16xf32>,
      %mul3A_219 = arith.constant 2 : i32
      %mul3A_220 = arith.muli %scan3A_53, %mul3A_219 : i32
      %add3A_221 = arith.constant 1 : i32
      %add3A_222 = arith.addi %mul3A_220, %add3A_221 : i32
      %mul3A_223 = arith.constant 16 : i32
      %mul3A_224 = arith.muli %add3A_222, %mul3A_223 : i32
      %get3A_225 = arith.index_cast %mul3A_224 : i32 to index
      %get3A_226 = tpu.vector_load %arg5[%get3A_225] {strides = array<i32>} : memref<1024xi32, #tpu.memory_space<vmem>>, vector<16xi32>,
      %add3A_227 = arith.constant 0 : i32
      %add3A_228 = vector.broadcast %add3A_227 : i32 to vector<16xi32>
      %add3A_229 = arith.addi %get3A_226, %add3A_228 : vector<16xi32>
      %gather3A_230 = tpu.vector_load_idx %arg6[%add3A_229] : memref<16384xf32, #tpu.memory_space<vmem>>[vector<16xi32>], vector<16xf32>,
      %mul3A_231 = arith.constant 16 : i32
      %mul3A_232 = arith.muli %add3A_222, %mul3A_231 : i32
      %swap3A_233 = arith.constant 0 : i32
      %swap3A_234 = arith.index_cast %swap3A_233 : i32 to index
      %swap3A_235 = arith.index_cast %mul3A_232 : i32 to index
      %swap3A_236 = tpu.vector_load %arg7[%swap3A_234, %swap3A_235] {strides = array<i32>} : memref<16x1024xf32, #tpu.memory_space<vmem>>, vector<16xf32>,
      tpu.vector_store %arg7[%swap3A_234, %swap3A_235], %gather3A_230 {strides = array<i32>} : memref<16x1024xf32, #tpu.memory_space<vmem>>, vector<16xf32>,
      %add3A_237 = arith.constant 1024 : i32
      %add3A_238 = vector.broadcast %add3A_237 : i32 to vector<16xi32>
      %add3A_239 = arith.addi %get3A_226, %add3A_238 : vector<16xi32>
      %gather3A_240 = tpu.vector_load_idx %arg6[%add3A_239] : memref<16384xf32, #tpu.memory_space<vmem>>[vector<16xi32>], vector<16xf32>,
      %mul3A_241 = arith.constant 16 : i32
      %mul3A_242 = arith.muli %add3A_222, %mul3A_241 : i32
      %swap3A_243 = arith.constant 1 : i32
      %swap3A_244 = arith.index_cast %swap3A_243 : i32 to index
      %swap3A_245 = arith.index_cast %mul3A_242 : i32 to index
      %swap3A_246 = tpu.vector_load %arg7[%swap3A_244, %swap3A_245] {strides = array<i32>} : memref<16x1024xf32, #tpu.memory_space<vmem>>, vector<16xf32>,
      tpu.vector_store %arg7[%swap3A_244, %swap3A_245], %gather3A_240 {strides = array<i32>} : memref<16x1024xf32, #tpu.memory_space<vmem>>, vector<16xf32>,
      %add3A_247 = arith.constant 2048 : i32
      %add3A_248 = vector.broadcast %add3A_247 : i32 to vector<16xi32>
      %add3A_249 = arith.addi %get3A_226, %add3A_248 : vector<16xi32>
      %gather3A_250 = tpu.vector_load_idx %arg6[%add3A_249] : memref<16384xf32, #tpu.memory_space<vmem>>[vector<16xi32>], vector<16xf32>,
      %mul3A_251 = arith.constant 16 : i32
      %mul3A_252 = arith.muli %add3A_222, %mul3A_251 : i32
      %swap3A_253 = arith.constant 2 : i32
      %swap3A_254 = arith.index_cast %swap3A_253 : i32 to index
      %swap3A_255 = arith.index_cast %mul3A_252 : i32 to index
      %swap3A_256 = tpu.vector_load %arg7[%swap3A_254, %swap3A_255] {strides = array<i32>} : memref<16x1024xf32, #tpu.memory_space<vmem>>, vector<16xf32>,
      tpu.vector_store %arg7[%swap3A_254, %swap3A_255], %gather3A_250 {strides = array<i32>} : memref<16x1024xf32, #tpu.memory_space<vmem>>, vector<16xf32>,
      %add3A_257 = arith.constant 3072 : i32
      %add3A_258 = vector.broadcast %add3A_257 : i32 to vector<16xi32>
      %add3A_259 = arith.addi %get3A_226, %add3A_258 : vector<16xi32>
      %gather3A_260 = tpu.vector_load_idx %arg6[%add3A_259] : memref<16384xf32, #tpu.memory_space<vmem>>[vector<16xi32>], vector<16xf32>,
      %mul3A_261 = arith.constant 16 : i32
      %mul3A_262 = arith.muli %add3A_222, %mul3A_261 : i32
      %swap3A_263 = arith.constant 3 : i32
      %swap3A_264 = arith.index_cast %swap3A_263 : i32 to index
      %swap3A_265 = arith.index_cast %mul3A_262 : i32 to index
      %swap3A_266 = tpu.vector_load %arg7[%swap3A_264, %swap3A_265] {strides = array<i32>} : memref<16x1024xf32, #tpu.memory_space<vmem>>, vector<16xf32>,
      tpu.vector_store %arg7[%swap3A_264, %swap3A_265], %gather3A_260 {strides = array<i32>} : memref<16x1024xf32, #tpu.memory_space<vmem>>, vector<16xf32>,
      %add3A_267 = arith.constant 4096 : i32
      %add3A_268 = vector.broadcast %add3A_267 : i32 to vector<16xi32>
      %add3A_269 = arith.addi %get3A_226, %add3A_268 : vector<16xi32>
      %gather3A_270 = tpu.vector_load_idx %arg6[%add3A_269] : memref<16384xf32, #tpu.memory_space<vmem>>[vector<16xi32>], vector<16xf32>,
      %mul3A_271 = arith.constant 16 : i32
      %mul3A_272 = arith.muli %add3A_222, %mul3A_271 : i32
      %swap3A_273 = arith.constant 4 : i32
      %swap3A_274 = arith.index_cast %swap3A_273 : i32 to index
      %swap3A_275 = arith.index_cast %mul3A_272 : i32 to index
      %swap3A_276 = tpu.vector_load %arg7[%swap3A_274, %swap3A_275] {strides = array<i32>} : memref<16x1024xf32, #tpu.memory_space<vmem>>, vector<16xf32>,
      tpu.vector_store %arg7[%swap3A_274, %swap3A_275], %gather3A_270 {strides = array<i32>} : memref<16x1024xf32, #tpu.memory_space<vmem>>, vector<16xf32>,
      %add3A_277 = arith.constant 5120 : i32
      %add3A_278 = vector.broadcast %add3A_277 : i32 to vector<16xi32>
      %add3A_279 = arith.addi %get3A_226, %add3A_278 : vector<16xi32>
      %gather3A_280 = tpu.vector_load_idx %arg6[%add3A_279] : memref<16384xf32, #tpu.memory_space<vmem>>[vector<16xi32>], vector<16xf32>,
      %mul3A_281 = arith.constant 16 : i32
      %mul3A_282 = arith.muli %add3A_222, %mul3A_281 : i32
      %swap3A_283 = arith.constant 5 : i32
      %swap3A_284 = arith.index_cast %swap3A_283 : i32 to index
      %swap3A_285 = arith.index_cast %mul3A_282 : i32 to index
      %swap3A_286 = tpu.vector_load %arg7[%swap3A_284, %swap3A_285] {strides = array<i32>} : memref<16x1024xf32, #tpu.memory_space<vmem>>, vector<16xf32>,
      tpu.vector_store %arg7[%swap3A_284, %swap3A_285], %gather3A_280 {strides = array<i32>} : memref<16x1024xf32, #tpu.memory_space<vmem>>, vector<16xf32>,
      %add3A_287 = arith.constant 6144 : i32
      %add3A_288 = vector.broadcast %add3A_287 : i32 to vector<16xi32>
      %add3A_289 = arith.addi %get3A_226, %add3A_288 : vector<16xi32>
      %gather3A_290 = tpu.vector_load_idx %arg6[%add3A_289] : memref<16384xf32, #tpu.memory_space<vmem>>[vector<16xi32>], vector<16xf32>,
      %mul3A_291 = arith.constant 16 : i32
      %mul3A_292 = arith.muli %add3A_222, %mul3A_291 : i32
      %swap3A_293 = arith.constant 6 : i32
      %swap3A_294 = arith.index_cast %swap3A_293 : i32 to index
      %swap3A_295 = arith.index_cast %mul3A_292 : i32 to index
      %swap3A_296 = tpu.vector_load %arg7[%swap3A_294, %swap3A_295] {strides = array<i32>} : memref<16x1024xf32, #tpu.memory_space<vmem>>, vector<16xf32>,
      tpu.vector_store %arg7[%swap3A_294, %swap3A_295], %gather3A_290 {strides = array<i32>} : memref<16x1024xf32, #tpu.memory_space<vmem>>, vector<16xf32>,
      %add3A_297 = arith.constant 7168 : i32
      %add3A_298 = vector.broadcast %add3A_297 : i32 to vector<16xi32>
      %add3A_299 = arith.addi %get3A_226, %add3A_298 : vector<16xi32>
      %gather3A_300 = tpu.vector_load_idx %arg6[%add3A_299] : memref<16384xf32, #tpu.memory_space<vmem>>[vector<16xi32>], vector<16xf32>,
      %mul3A_301 = arith.constant 16 : i32
      %mul3A_302 = arith.muli %add3A_222, %mul3A_301 : i32
      %swap3A_303 = arith.constant 7 : i32
      %swap3A_304 = arith.index_cast %swap3A_303 : i32 to index
      %swap3A_305 = arith.index_cast %mul3A_302 : i32 to index
      %swap3A_306 = tpu.vector_load %arg7[%swap3A_304, %swap3A_305] {strides = array<i32>} : memref<16x1024xf32, #tpu.memory_space<vmem>>, vector<16xf32>,
      tpu.vector_store %arg7[%swap3A_304, %swap3A_305], %gather3A_300 {strides = array<i32>} : memref<16x1024xf32, #tpu.memory_space<vmem>>, vector<16xf32>,
      %add3A_307 = arith.constant 8192 : i32
      %add3A_308 = vector.broadcast %add3A_307 : i32 to vector<16xi32>
      %add3A_309 = arith.addi %get3A_226, %add3A_308 : vector<16xi32>
      %gather3A_310 = tpu.vector_load_idx %arg6[%add3A_309] : memref<16384xf32, #tpu.memory_space<vmem>>[vector<16xi32>], vector<16xf32>,
      %mul3A_311 = arith.constant 16 : i32
      %mul3A_312 = arith.muli %add3A_222, %mul3A_311 : i32
      %swap3A_313 = arith.constant 8 : i32
      %swap3A_314 = arith.index_cast %swap3A_313 : i32 to index
      %swap3A_315 = arith.index_cast %mul3A_312 : i32 to index
      %swap3A_316 = tpu.vector_load %arg7[%swap3A_314, %swap3A_315] {strides = array<i32>} : memref<16x1024xf32, #tpu.memory_space<vmem>>, vector<16xf32>,
      tpu.vector_store %arg7[%swap3A_314, %swap3A_315], %gather3A_310 {strides = array<i32>} : memref<16x1024xf32, #tpu.memory_space<vmem>>, vector<16xf32>,
      %add3A_317 = arith.constant 9216 : i32
      %add3A_318 = vector.broadcast %add3A_317 : i32 to vector<16xi32>
      %add3A_319 = arith.addi %get3A_226, %add3A_318 : vector<16xi32>
      %gather3A_320 = tpu.vector_load_idx %arg6[%add3A_319] : memref<16384xf32, #tpu.memory_space<vmem>>[vector<16xi32>], vector<16xf32>,
      %mul3A_321 = arith.constant 16 : i32
      %mul3A_322 = arith.muli %add3A_222, %mul3A_321 : i32
      %swap3A_323 = arith.constant 9 : i32
      %swap3A_324 = arith.index_cast %swap3A_323 : i32 to index
      %swap3A_325 = arith.index_cast %mul3A_322 : i32 to index
      %swap3A_326 = tpu.vector_load %arg7[%swap3A_324, %swap3A_325] {strides = array<i32>} : memref<16x1024xf32, #tpu.memory_space<vmem>>, vector<16xf32>,
      tpu.vector_store %arg7[%swap3A_324, %swap3A_325], %gather3A_320 {strides = array<i32>} : memref<16x1024xf32, #tpu.memory_space<vmem>>, vector<16xf32>,
      %add3A_327 = arith.constant 10240 : i32
      %add3A_328 = vector.broadcast %add3A_327 : i32 to vector<16xi32>
      %add3A_329 = arith.addi %get3A_226, %add3A_328 : vector<16xi32>
      %gather3A_330 = tpu.vector_load_idx %arg6[%add3A_329] : memref<16384xf32, #tpu.memory_space<vmem>>[vector<16xi32>], vector<16xf32>,
      %mul3A_331 = arith.constant 16 : i32
      %mul3A_332 = arith.muli %add3A_222, %mul3A_331 : i32
      %swap3A_333 = arith.constant 10 : i32
      %swap3A_334 = arith.index_cast %swap3A_333 : i32 to index
      %swap3A_335 = arith.index_cast %mul3A_332 : i32 to index
      %swap3A_336 = tpu.vector_load %arg7[%swap3A_334, %swap3A_335] {strides = array<i32>} : memref<16x1024xf32, #tpu.memory_space<vmem>>, vector<16xf32>,
      tpu.vector_store %arg7[%swap3A_334, %swap3A_335], %gather3A_330 {strides = array<i32>} : memref<16x1024xf32, #tpu.memory_space<vmem>>, vector<16xf32>,
      %add3A_337 = arith.constant 11264 : i32
      %add3A_338 = vector.broadcast %add3A_337 : i32 to vector<16xi32>
      %add3A_339 = arith.addi %get3A_226, %add3A_338 : vector<16xi32>
      %gather3A_340 = tpu.vector_load_idx %arg6[%add3A_339] : memref<16384xf32, #tpu.memory_space<vmem>>[vector<16xi32>], vector<16xf32>,
      %mul3A_341 = arith.constant 16 : i32
      %mul3A_342 = arith.muli %add3A_222, %mul3A_341 : i32
      %swap3A_343 = arith.constant 11 : i32
      %swap3A_344 = arith.index_cast %swap3A_343 : i32 to index
      %swap3A_345 = arith.index_cast %mul3A_342 : i32 to index
      %swap3A_346 = tpu.vector_load %arg7[%swap3A_344, %swap3A_345] {strides = array<i32>} : memref<16x1024xf32, #tpu.memory_space<vmem>>, vector<16xf32>,
      tpu.vector_store %arg7[%swap3A_344, %swap3A_345], %gather3A_340 {strides = array<i32>} : memref<16x1024xf32, #tpu.memory_space<vmem>>, vector<16xf32>,
      %add3A_347 = arith.constant 12288 : i32
      %add3A_348 = vector.broadcast %add3A_347 : i32 to vector<16xi32>
      %add3A_349 = arith.addi %get3A_226, %add3A_348 : vector<16xi32>
      %gather3A_350 = tpu.vector_load_idx %arg6[%add3A_349] : memref<16384xf32, #tpu.memory_space<vmem>>[vector<16xi32>], vector<16xf32>,
      %mul3A_351 = arith.constant 16 : i32
      %mul3A_352 = arith.muli %add3A_222, %mul3A_351 : i32
      %swap3A_353 = arith.constant 12 : i32
      %swap3A_354 = arith.index_cast %swap3A_353 : i32 to index
      %swap3A_355 = arith.index_cast %mul3A_352 : i32 to index
      %swap3A_356 = tpu.vector_load %arg7[%swap3A_354, %swap3A_355] {strides = array<i32>} : memref<16x1024xf32, #tpu.memory_space<vmem>>, vector<16xf32>,
      tpu.vector_store %arg7[%swap3A_354, %swap3A_355], %gather3A_350 {strides = array<i32>} : memref<16x1024xf32, #tpu.memory_space<vmem>>, vector<16xf32>,
      %add3A_357 = arith.constant 13312 : i32
      %add3A_358 = vector.broadcast %add3A_357 : i32 to vector<16xi32>
      %add3A_359 = arith.addi %get3A_226, %add3A_358 : vector<16xi32>
      %gather3A_360 = tpu.vector_load_idx %arg6[%add3A_359] : memref<16384xf32, #tpu.memory_space<vmem>>[vector<16xi32>], vector<16xf32>,
      %mul3A_361 = arith.constant 16 : i32
      %mul3A_362 = arith.muli %add3A_222, %mul3A_361 : i32
      %swap3A_363 = arith.constant 13 : i32
      %swap3A_364 = arith.index_cast %swap3A_363 : i32 to index
      %swap3A_365 = arith.index_cast %mul3A_362 : i32 to index
      %swap3A_366 = tpu.vector_load %arg7[%swap3A_364, %swap3A_365] {strides = array<i32>} : memref<16x1024xf32, #tpu.memory_space<vmem>>, vector<16xf32>,
      tpu.vector_store %arg7[%swap3A_364, %swap3A_365], %gather3A_360 {strides = array<i32>} : memref<16x1024xf32, #tpu.memory_space<vmem>>, vector<16xf32>,
      %add3A_367 = arith.constant 14336 : i32
      %add3A_368 = vector.broadcast %add3A_367 : i32 to vector<16xi32>
      %add3A_369 = arith.addi %get3A_226, %add3A_368 : vector<16xi32>
      %gather3A_370 = tpu.vector_load_idx %arg6[%add3A_369] : memref<16384xf32, #tpu.memory_space<vmem>>[vector<16xi32>], vector<16xf32>,
      %mul3A_371 = arith.constant 16 : i32
      %mul3A_372 = arith.muli %add3A_222, %mul3A_371 : i32
      %swap3A_373 = arith.constant 14 : i32
      %swap3A_374 = arith.index_cast %swap3A_373 : i32 to index
      %swap3A_375 = arith.index_cast %mul3A_372 : i32 to index
      %swap3A_376 = tpu.vector_load %arg7[%swap3A_374, %swap3A_375] {strides = array<i32>} : memref<16x1024xf32, #tpu.memory_space<vmem>>, vector<16xf32>,
      tpu.vector_store %arg7[%swap3A_374, %swap3A_375], %gather3A_370 {strides = array<i32>} : memref<16x1024xf32, #tpu.memory_space<vmem>>, vector<16xf32>,
      %add3A_377 = arith.constant 15360 : i32
      %add3A_378 = vector.broadcast %add3A_377 : i32 to vector<16xi32>
      %add3A_379 = arith.addi %get3A_226, %add3A_378 : vector<16xi32>
      %gather3A_380 = tpu.vector_load_idx %arg6[%add3A_379] : memref<16384xf32, #tpu.memory_space<vmem>>[vector<16xi32>], vector<16xf32>,
      %mul3A_381 = arith.constant 16 : i32
      %mul3A_382 = arith.muli %add3A_222, %mul3A_381 : i32
      %swap3A_383 = arith.constant 15 : i32
      %swap3A_384 = arith.index_cast %swap3A_383 : i32 to index
      %swap3A_385 = arith.index_cast %mul3A_382 : i32 to index
      %swap3A_386 = tpu.vector_load %arg7[%swap3A_384, %swap3A_385] {strides = array<i32>} : memref<16x1024xf32, #tpu.memory_space<vmem>>, vector<16xf32>,
      tpu.vector_store %arg7[%swap3A_384, %swap3A_385], %gather3A_380 {strides = array<i32>} : memref<16x1024xf32, #tpu.memory_space<vmem>>, vector<16xf32>,
    }
    %scan3A_47 = arith.constant 32 : i32
    %mul3A_48 = arith.constant 64 : i32
    %mul3A_49 = arith.muli %select_n3A, %mul3A_48 : i32
    %mul3A_50 = arith.constant 16 : i32
    %mul3A_51 = arith.muli %select_n3A_30, %mul3A_50 : i32
    %add3A_52 = arith.addi %mul3A_49, %mul3A_51 : i32
    "tpu.region"() ({
      %run_scoped3A = tpu.sem_alloc : memref<!tpu.dma_semaphore, #tpu.memory_space<semaphore_mem>>
      %dma_start3A_53 = arith.constant 0 : i32
      %dma_start3A_54 = tpu.memref_slice %arg4[%add3A_52, %dma_start3A_53] : memref<512x1024xf32, #tpu.memory_space<hbm>> -> memref<16x1024xf32, #tpu.memory_space<hbm>>
      %dma_start3A_55 = arith.constant 0 : i32
      %dma_start3A_56 = tpu.memref_slice %arg4[%add3A_52, %dma_start3A_55] : memref<512x1024xf32, #tpu.memory_space<hbm>> -> memref<16x1024xf32, #tpu.memory_space<hbm>>
      tpu.enqueue_dma source(%arg7 : memref<16x1024xf32, #tpu.memory_space<vmem>>) target(%dma_start3A_56 : memref<16x1024xf32, #tpu.memory_space<hbm>>) target_semaphore(%run_scoped3A : memref<!tpu.dma_semaphore, #tpu.memory_space<semaphore_mem>>)
      %dma_wait3A_57 = arith.constant 0 : i32
      %dma_wait3A_58 = tpu.memref_slice %arg4[%add3A_52, %dma_wait3A_57] : memref<512x1024xf32, #tpu.memory_space<hbm>> -> memref<16x1024xf32, #tpu.memory_space<hbm>>
      %dma_wait3A_59 = arith.constant 0 : i32
      %dma_wait3A_60 = tpu.memref_slice %arg4[%add3A_52, %dma_wait3A_59] : memref<512x1024xf32, #tpu.memory_space<hbm>> -> memref<16x1024xf32, #tpu.memory_space<hbm>>
      tpu.wait_dma2 semaphore(%run_scoped3A : memref<!tpu.dma_semaphore, #tpu.memory_space<semaphore_mem>>) src(%arg7 : memref<16x1024xf32, #tpu.memory_space<vmem>>) dst(%dma_wait3A_60 : memref<16x1024xf32, #tpu.memory_space<hbm>>)
      tpu.yield
    }) : () -> ()
    return
  }
}

module attributes {stable_mosaic.version = 14 : i64} {
  func.func @_tc_body(%arg0: i32, %arg1: memref<16x1024x64xf32, #tpu.memory_space<hbm>>, %arg2: memref<64x1024xf32, #tpu.memory_space<vmem>>, %arg3: memref<1x1x1024xi32, #tpu.memory_space<vmem>>, %arg4: memref<1x1xf32, #tpu.memory_space<smem>>, %arg5: memref<2x1x1024x64xf32, #tpu.memory_space<vmem>>, %arg6: memref<2x!tpu.dma_semaphore, #tpu.memory_space<semaphore_mem>>) attributes {dimension_semantics = [#tpu.dimension_semantics<arbitrary>], iteration_bounds = array<i64: 8>, scalar_prefetch = 0 : i64, scratch_operands = 2 : i64, tpu.core_type = #tpu.core_type<tc>, window_params = [{}, {pipeline_mode = #tpu.pipeline_mode<synchronous>, transform_indices = @transform_1, window_bounds = array<i64: 64, 1024>}, {transform_indices = @transform_2, window_bounds = array<i64: 1, 1, 1024>}, {transform_indices = @transform_3, window_bounds = array<i64: 1, 1>}]} {
    %eq3A = arith.constant 0 : i32
    %eq3A_0 = arith.cmpi eq, %arg0, %eq3A : i32
    %convert_element_type3A = arith.extui %eq3A_0 : i1 to i32
    %cond3A = arith.constant 0 : i32
    %cond3A_1 = arith.cmpi ne, %convert_element_type3A, %cond3A : i32
    scf.if %cond3A_1 {
      %dma_start3A = arith.constant 0 : i32
      %dma_start3A_1108 = arith.constant 0 : i32
      %dma_start3A_1109 = tpu.memref_slice %arg6[%dma_start3A_1108] : memref<2x!tpu.dma_semaphore, #tpu.memory_space<semaphore_mem>> -> memref<1x!tpu.dma_semaphore, #tpu.memory_space<semaphore_mem>>
      %dma_start3A_1110 = tpu.memref_squeeze %dma_start3A_1109 : memref<1x!tpu.dma_semaphore, #tpu.memory_space<semaphore_mem>> -> memref<!tpu.dma_semaphore, #tpu.memory_space<semaphore_mem>>
      %dma_start3A_1111 = arith.constant 0 : i32
      %dma_start3A_1112 = arith.constant 0 : i32
      %dma_start3A_1113 = arith.constant 0 : i32
      %dma_start3A_1114 = tpu.memref_slice %arg5[%dma_start3A, %dma_start3A_1111, %dma_start3A_1112, %dma_start3A_1113] : memref<2x1x1024x64xf32, #tpu.memory_space<vmem>> -> memref<1x1x1024x64xf32, #tpu.memory_space<vmem>>
      %dma_start3A_1115 = tpu.memref_squeeze %dma_start3A_1114 : memref<1x1x1024x64xf32, #tpu.memory_space<vmem>> -> memref<1x1024x64xf32, #tpu.memory_space<vmem>>
      %dma_start3A_1116 = arith.constant 0 : i32
      %dma_start3A_1117 = arith.constant 0 : i32
      %dma_start3A_1118 = arith.constant 0 : i32
      %dma_start3A_1119 = tpu.memref_slice %arg1[%dma_start3A_1116, %dma_start3A_1117, %dma_start3A_1118] : memref<16x1024x64xf32, #tpu.memory_space<hbm>> -> memref<1x1024x64xf32, #tpu.memory_space<hbm>>
      tpu.enqueue_dma source(%dma_start3A_1119 : memref<1x1024x64xf32, #tpu.memory_space<hbm>>) target(%dma_start3A_1115 : memref<1x1024x64xf32, #tpu.memory_space<vmem>>) target_semaphore(%dma_start3A_1110 : memref<!tpu.dma_semaphore, #tpu.memory_space<semaphore_mem>>)
    } else {
    }
    %add3A = arith.constant 1 : i32
    %add3A_2 = arith.addi %arg0, %add3A : i32
    %lt3A = arith.constant 8 : i32
    %lt3A_3 = arith.cmpi slt, %add3A_2, %lt3A : i32
    %convert_element_type3A_4 = arith.extui %lt3A_3 : i1 to i32
    %cond3A_5 = arith.constant 0 : i32
    %cond3A_6 = arith.cmpi ne, %convert_element_type3A_4, %cond3A_5 : i32
    scf.if %cond3A_6 {
      %add3A_1108 = arith.constant 1 : i32
      %add3A_1109 = arith.addi %arg0, %add3A_1108 : i32
      %add3A_1110 = arith.constant 1 : i32
      %add3A_1111 = arith.addi %arg0, %add3A_1110 : i32
      %jit3A_1112 = arith.constant 2 : i32
      %eq3A_1113 = arith.constant 0 : i32
      %eq3A_1114 = arith.cmpi eq, %jit3A_1112, %eq3A_1113 : i32
      %jit3A_1115 = arith.constant 1 : i32
      %select_n3A_1116 = arith.select %eq3A_1114, %jit3A_1115, %jit3A_1112 : i32
      %rem3A_1117 = arith.remsi %add3A_1111, %select_n3A_1116 : i32
      %ne3A_1118 = arith.constant 0 : i32
      %ne3A_1119 = arith.cmpi ne, %rem3A_1117, %ne3A_1118 : i32
      %lt3A_1120 = arith.constant 0 : i32
      %lt3A_1121 = arith.cmpi slt, %rem3A_1117, %lt3A_1120 : i32
      %lt3A_1122 = arith.constant 0 : i32
      %lt3A_1123 = arith.cmpi slt, %select_n3A_1116, %lt3A_1122 : i32
      %ne3A_1124 = arith.xori %lt3A_1121, %lt3A_1123 : i1
      %and3A_1125 = arith.andi %ne3A_1124, %ne3A_1119 : i1
      %add3A_1126 = arith.addi %rem3A_1117, %select_n3A_1116 : i32
      %select_n3A_1127 = arith.select %and3A_1125, %add3A_1126, %rem3A_1117 : i32
      %add3A_1128 = arith.constant 0 : i32
      %add3A_1129 = arith.addi %add3A_1128, %add3A_1109 : i32
      %dma_start3A = tpu.memref_slice %arg6[%select_n3A_1127] : memref<2x!tpu.dma_semaphore, #tpu.memory_space<semaphore_mem>> -> memref<1x!tpu.dma_semaphore, #tpu.memory_space<semaphore_mem>>
      %dma_start3A_1130 = tpu.memref_squeeze %dma_start3A : memref<1x!tpu.dma_semaphore, #tpu.memory_space<semaphore_mem>> -> memref<!tpu.dma_semaphore, #tpu.memory_space<semaphore_mem>>
      %dma_start3A_1131 = arith.constant 0 : i32
      %dma_start3A_1132 = arith.constant 0 : i32
      %dma_start3A_1133 = arith.constant 0 : i32
      %dma_start3A_1134 = tpu.memref_slice %arg5[%select_n3A_1127, %dma_start3A_1131, %dma_start3A_1132, %dma_start3A_1133] : memref<2x1x1024x64xf32, #tpu.memory_space<vmem>> -> memref<1x1x1024x64xf32, #tpu.memory_space<vmem>>
      %dma_start3A_1135 = tpu.memref_squeeze %dma_start3A_1134 : memref<1x1x1024x64xf32, #tpu.memory_space<vmem>> -> memref<1x1024x64xf32, #tpu.memory_space<vmem>>
      %dma_start3A_1136 = arith.constant 0 : i32
      %dma_start3A_1137 = arith.constant 0 : i32
      %dma_start3A_1138 = tpu.memref_slice %arg1[%add3A_1129, %dma_start3A_1136, %dma_start3A_1137] : memref<16x1024x64xf32, #tpu.memory_space<hbm>> -> memref<1x1024x64xf32, #tpu.memory_space<hbm>>
      tpu.enqueue_dma source(%dma_start3A_1138 : memref<1x1024x64xf32, #tpu.memory_space<hbm>>) target(%dma_start3A_1135 : memref<1x1024x64xf32, #tpu.memory_space<vmem>>) target_semaphore(%dma_start3A_1130 : memref<!tpu.dma_semaphore, #tpu.memory_space<semaphore_mem>>)
    } else {
    }
    %jit3A = arith.constant 2 : i32
    %eq3A_7 = arith.constant 0 : i32
    %eq3A_8 = arith.cmpi eq, %jit3A, %eq3A_7 : i32
    %jit3A_9 = arith.constant 1 : i32
    %select_n3A = arith.select %eq3A_8, %jit3A_9, %jit3A : i32
    %rem3A = arith.remsi %arg0, %select_n3A : i32
    %ne3A = arith.constant 0 : i32
    %ne3A_10 = arith.cmpi ne, %rem3A, %ne3A : i32
    %lt3A_11 = arith.constant 0 : i32
    %lt3A_12 = arith.cmpi slt, %rem3A, %lt3A_11 : i32
    %lt3A_13 = arith.constant 0 : i32
    %lt3A_14 = arith.cmpi slt, %select_n3A, %lt3A_13 : i32
    %ne3A_15 = arith.xori %lt3A_12, %lt3A_14 : i1
    %and3A = arith.andi %ne3A_15, %ne3A_10 : i1
    %add3A_16 = arith.addi %rem3A, %select_n3A : i32
    %select_n3A_17 = arith.select %and3A, %add3A_16, %rem3A : i32
    %add3A_18 = arith.constant 0 : i32
    %add3A_19 = arith.addi %add3A_18, %arg0 : i32
    %dma_wait3A = tpu.memref_slice %arg6[%select_n3A_17] : memref<2x!tpu.dma_semaphore, #tpu.memory_space<semaphore_mem>> -> memref<1x!tpu.dma_semaphore, #tpu.memory_space<semaphore_mem>>
    %dma_wait3A_20 = tpu.memref_squeeze %dma_wait3A : memref<1x!tpu.dma_semaphore, #tpu.memory_space<semaphore_mem>> -> memref<!tpu.dma_semaphore, #tpu.memory_space<semaphore_mem>>
    %dma_wait3A_21 = arith.constant 0 : i32
    %dma_wait3A_22 = arith.constant 0 : i32
    %dma_wait3A_23 = arith.constant 0 : i32
    %dma_wait3A_24 = tpu.memref_slice %arg5[%select_n3A_17, %dma_wait3A_21, %dma_wait3A_22, %dma_wait3A_23] : memref<2x1x1024x64xf32, #tpu.memory_space<vmem>> -> memref<1x1x1024x64xf32, #tpu.memory_space<vmem>>
    %dma_wait3A_25 = tpu.memref_squeeze %dma_wait3A_24 : memref<1x1x1024x64xf32, #tpu.memory_space<vmem>> -> memref<1x1024x64xf32, #tpu.memory_space<vmem>>
    %dma_wait3A_26 = arith.constant 0 : i32
    %dma_wait3A_27 = arith.constant 0 : i32
    %dma_wait3A_28 = tpu.memref_slice %arg1[%add3A_19, %dma_wait3A_26, %dma_wait3A_27] : memref<16x1024x64xf32, #tpu.memory_space<hbm>> -> memref<1x1024x64xf32, #tpu.memory_space<hbm>>
    tpu.wait_dma2 semaphore(%dma_wait3A_20 : memref<!tpu.dma_semaphore, #tpu.memory_space<semaphore_mem>>) src(%dma_wait3A_28 : memref<1x1024x64xf32, #tpu.memory_space<hbm>>) dst(%dma_wait3A_25 : memref<1x1024x64xf32, #tpu.memory_space<vmem>>)
    %jit3A_29 = arith.constant 2 : i32
    %eq3A_30 = arith.constant 0 : i32
    %eq3A_31 = arith.cmpi eq, %jit3A_29, %eq3A_30 : i32
    %jit3A_32 = arith.constant 1 : i32
    %select_n3A_33 = arith.select %eq3A_31, %jit3A_32, %jit3A_29 : i32
    %rem3A_34 = arith.remsi %arg0, %select_n3A_33 : i32
    %ne3A_35 = arith.constant 0 : i32
    %ne3A_36 = arith.cmpi ne, %rem3A_34, %ne3A_35 : i32
    %lt3A_37 = arith.constant 0 : i32
    %lt3A_38 = arith.cmpi slt, %rem3A_34, %lt3A_37 : i32
    %lt3A_39 = arith.constant 0 : i32
    %lt3A_40 = arith.cmpi slt, %select_n3A_33, %lt3A_39 : i32
    %ne3A_41 = arith.xori %lt3A_38, %lt3A_40 : i1
    %and3A_42 = arith.andi %ne3A_41, %ne3A_36 : i1
    %add3A_43 = arith.addi %rem3A_34, %select_n3A_33 : i32
    %select_n3A_44 = arith.select %and3A_42, %add3A_43, %rem3A_34 : i32
    %get3A = arith.index_cast %select_n3A_44 : i32 to index
    %get3A_45 = arith.constant 0 : index
    %get3A_46 = arith.constant 0 : index
    %get3A_47 = arith.constant 0 : index
    %get3A_48 = vector.load %arg5[%get3A, %get3A_45, %get3A_46, %get3A_47] : memref<2x1x1024x64xf32, #tpu.memory_space<vmem>>, vector<1x1x1024x64xf32>
    %get3A_49 = vector.shape_cast %get3A_48 : vector<1x1x1024x64xf32> to vector<1024x64xf32>
    %mul3A = arith.mulf %get3A_49, %get3A_49 : vector<1024x64xf32>
    %reduce_sum3A = arith.constant dense<0.000000e+00> : vector<1024xf32>
    %reduce_sum3A_50 = vector.multi_reduction <add>, %mul3A, %reduce_sum3A [1] : vector<1024x64xf32> to vector<1024xf32>
    %broadcast_in_dim3A = vector.shape_cast %reduce_sum3A_50 : vector<1024xf32> to vector<1024x1xf32>
    %get3A_51 = arith.constant 0 : index
    %get3A_52 = arith.constant 0 : index
    %get3A_53 = vector.load %arg2[%get3A_51, %get3A_52] : memref<64x1024xf32, #tpu.memory_space<vmem>>, vector<64x1024xf32>
    %mul3A_54 = arith.mulf %get3A_53, %get3A_53 : vector<64x1024xf32>
    %reduce_sum3A_55 = arith.constant dense<0.000000e+00> : vector<1024xf32>
    %reduce_sum3A_56 = vector.multi_reduction <add>, %mul3A_54, %reduce_sum3A_55 [0] : vector<64x1024xf32> to vector<1024xf32>
    %broadcast_in_dim3A_57 = vector.shape_cast %reduce_sum3A_56 : vector<1024xf32> to vector<1x1024xf32>
    %mul3A_58 = arith.constant 2.500000e-01 : f32
    %mul3A_59 = vector.broadcast %mul3A_58 : f32 to vector<1x1024xf32>
    %mul3A_60 = arith.mulf %broadcast_in_dim3A_57, %mul3A_59 : vector<1x1024xf32>
    %iota3A = tpu.iota {dimensions = array<i32: 1>} : vector<128x128xi32>
    %slice3A = vector.extract_strided_slice %get3A_49 {offsets = [0, 0], sizes = [128, 64], strides = [1, 1]} : vector<1024x64xf32> to vector<128x64xf32>
    %slice3A_61 = vector.extract_strided_slice %broadcast_in_dim3A {offsets = [0, 0], sizes = [128, 1], strides = [1, 1]} : vector<1024x1xf32> to vector<128x1xf32>
    %slice3A_62 = vector.extract_strided_slice %get3A_53 {offsets = [0, 0], sizes = [64, 128], strides = [1, 1]} : vector<64x1024xf32> to vector<64x128xf32>
    %dot_general3A = arith.constant dense<0.000000e+00> : vector<128x128xf32>
    %dot_general3A_63 = tpu.matmul %slice3A, %slice3A_62, %dot_general3A {dimension_numbers = #tpu.dot_dimension_numbers<[1], [0], [0], [1], [0, 0, 1, 1], [], []>, transpose_lhs_hint = false} : vector<128x64xf32>, vector<64x128xf32>, vector<128x128xf32> -> vector<128x128xf32>
    %slice3A_64 = vector.extract_strided_slice %mul3A_60 {offsets = [0, 0], sizes = [1, 128], strides = [1, 1]} : vector<1x1024xf32> to vector<1x128xf32>
    %add3A_65 = vector.broadcast %slice3A_61 : vector<128x1xf32> to vector<128x128xf32>
    %add3A_66 = vector.broadcast %slice3A_64 : vector<1x128xf32> to vector<128x128xf32>
    %add3A_67 = arith.addf %add3A_65, %add3A_66 : vector<128x128xf32>
    %add3A_68 = arith.addf %add3A_67, %dot_general3A_63 : vector<128x128xf32>
    %slice3A_69 = vector.extract_strided_slice %get3A_53 {offsets = [0, 128], sizes = [64, 128], strides = [1, 1]} : vector<64x1024xf32> to vector<64x128xf32>
    %dot_general3A_70 = arith.constant dense<0.000000e+00> : vector<128x128xf32>
    %dot_general3A_71 = tpu.matmul %slice3A, %slice3A_69, %dot_general3A_70 {dimension_numbers = #tpu.dot_dimension_numbers<[1], [0], [0], [1], [0, 0, 1, 1], [], []>, transpose_lhs_hint = false} : vector<128x64xf32>, vector<64x128xf32>, vector<128x128xf32> -> vector<128x128xf32>
    %slice3A_72 = vector.extract_strided_slice %mul3A_60 {offsets = [0, 128], sizes = [1, 128], strides = [1, 1]} : vector<1x1024xf32> to vector<1x128xf32>
    %add3A_73 = vector.broadcast %slice3A_61 : vector<128x1xf32> to vector<128x128xf32>
    %add3A_74 = vector.broadcast %slice3A_72 : vector<1x128xf32> to vector<128x128xf32>
    %add3A_75 = arith.addf %add3A_73, %add3A_74 : vector<128x128xf32>
    %add3A_76 = arith.addf %add3A_75, %dot_general3A_71 : vector<128x128xf32>
    %lt3A_77 = arith.cmpf olt, %add3A_76, %add3A_68 : vector<128x128xf32>
    %select_n3A_78 = arith.select %lt3A_77, %add3A_76, %add3A_68 : vector<128x128xi1>, vector<128x128xf32>
    %add3A_79 = arith.constant 128 : i32
    %add3A_80 = vector.broadcast %add3A_79 : i32 to vector<128x128xi32>
    %add3A_81 = arith.addi %iota3A, %add3A_80 : vector<128x128xi32>
    %select_n3A_82 = arith.select %lt3A_77, %add3A_81, %iota3A : vector<128x128xi1>, vector<128x128xi32>
    %slice3A_83 = vector.extract_strided_slice %get3A_53 {offsets = [0, 256], sizes = [64, 128], strides = [1, 1]} : vector<64x1024xf32> to vector<64x128xf32>
    %dot_general3A_84 = arith.constant dense<0.000000e+00> : vector<128x128xf32>
    %dot_general3A_85 = tpu.matmul %slice3A, %slice3A_83, %dot_general3A_84 {dimension_numbers = #tpu.dot_dimension_numbers<[1], [0], [0], [1], [0, 0, 1, 1], [], []>, transpose_lhs_hint = false} : vector<128x64xf32>, vector<64x128xf32>, vector<128x128xf32> -> vector<128x128xf32>
    %slice3A_86 = vector.extract_strided_slice %mul3A_60 {offsets = [0, 256], sizes = [1, 128], strides = [1, 1]} : vector<1x1024xf32> to vector<1x128xf32>
    %add3A_87 = vector.broadcast %slice3A_61 : vector<128x1xf32> to vector<128x128xf32>
    %add3A_88 = vector.broadcast %slice3A_86 : vector<1x128xf32> to vector<128x128xf32>
    %add3A_89 = arith.addf %add3A_87, %add3A_88 : vector<128x128xf32>
    %add3A_90 = arith.addf %add3A_89, %dot_general3A_85 : vector<128x128xf32>
    %lt3A_91 = arith.cmpf olt, %add3A_90, %select_n3A_78 : vector<128x128xf32>
    %select_n3A_92 = arith.select %lt3A_91, %add3A_90, %select_n3A_78 : vector<128x128xi1>, vector<128x128xf32>
    %add3A_93 = arith.constant 256 : i32
    %add3A_94 = vector.broadcast %add3A_93 : i32 to vector<128x128xi32>
    %add3A_95 = arith.addi %iota3A, %add3A_94 : vector<128x128xi32>
    %select_n3A_96 = arith.select %lt3A_91, %add3A_95, %select_n3A_82 : vector<128x128xi1>, vector<128x128xi32>
    %slice3A_97 = vector.extract_strided_slice %get3A_53 {offsets = [0, 384], sizes = [64, 128], strides = [1, 1]} : vector<64x1024xf32> to vector<64x128xf32>
    %dot_general3A_98 = arith.constant dense<0.000000e+00> : vector<128x128xf32>
    %dot_general3A_99 = tpu.matmul %slice3A, %slice3A_97, %dot_general3A_98 {dimension_numbers = #tpu.dot_dimension_numbers<[1], [0], [0], [1], [0, 0, 1, 1], [], []>, transpose_lhs_hint = false} : vector<128x64xf32>, vector<64x128xf32>, vector<128x128xf32> -> vector<128x128xf32>
    %slice3A_100 = vector.extract_strided_slice %mul3A_60 {offsets = [0, 384], sizes = [1, 128], strides = [1, 1]} : vector<1x1024xf32> to vector<1x128xf32>
    %add3A_101 = vector.broadcast %slice3A_61 : vector<128x1xf32> to vector<128x128xf32>
    %add3A_102 = vector.broadcast %slice3A_100 : vector<1x128xf32> to vector<128x128xf32>
    %add3A_103 = arith.addf %add3A_101, %add3A_102 : vector<128x128xf32>
    %add3A_104 = arith.addf %add3A_103, %dot_general3A_99 : vector<128x128xf32>
    %lt3A_105 = arith.cmpf olt, %add3A_104, %select_n3A_92 : vector<128x128xf32>
    %select_n3A_106 = arith.select %lt3A_105, %add3A_104, %select_n3A_92 : vector<128x128xi1>, vector<128x128xf32>
    %add3A_107 = arith.constant 384 : i32
    %add3A_108 = vector.broadcast %add3A_107 : i32 to vector<128x128xi32>
    %add3A_109 = arith.addi %iota3A, %add3A_108 : vector<128x128xi32>
    %select_n3A_110 = arith.select %lt3A_105, %add3A_109, %select_n3A_96 : vector<128x128xi1>, vector<128x128xi32>
    %slice3A_111 = vector.extract_strided_slice %get3A_53 {offsets = [0, 512], sizes = [64, 128], strides = [1, 1]} : vector<64x1024xf32> to vector<64x128xf32>
    %dot_general3A_112 = arith.constant dense<0.000000e+00> : vector<128x128xf32>
    %dot_general3A_113 = tpu.matmul %slice3A, %slice3A_111, %dot_general3A_112 {dimension_numbers = #tpu.dot_dimension_numbers<[1], [0], [0], [1], [0, 0, 1, 1], [], []>, transpose_lhs_hint = false} : vector<128x64xf32>, vector<64x128xf32>, vector<128x128xf32> -> vector<128x128xf32>
    %slice3A_114 = vector.extract_strided_slice %mul3A_60 {offsets = [0, 512], sizes = [1, 128], strides = [1, 1]} : vector<1x1024xf32> to vector<1x128xf32>
    %add3A_115 = vector.broadcast %slice3A_61 : vector<128x1xf32> to vector<128x128xf32>
    %add3A_116 = vector.broadcast %slice3A_114 : vector<1x128xf32> to vector<128x128xf32>
    %add3A_117 = arith.addf %add3A_115, %add3A_116 : vector<128x128xf32>
    %add3A_118 = arith.addf %add3A_117, %dot_general3A_113 : vector<128x128xf32>
    %lt3A_119 = arith.cmpf olt, %add3A_118, %select_n3A_106 : vector<128x128xf32>
    %select_n3A_120 = arith.select %lt3A_119, %add3A_118, %select_n3A_106 : vector<128x128xi1>, vector<128x128xf32>
    %add3A_121 = arith.constant 512 : i32
    %add3A_122 = vector.broadcast %add3A_121 : i32 to vector<128x128xi32>
    %add3A_123 = arith.addi %iota3A, %add3A_122 : vector<128x128xi32>
    %select_n3A_124 = arith.select %lt3A_119, %add3A_123, %select_n3A_110 : vector<128x128xi1>, vector<128x128xi32>
    %slice3A_125 = vector.extract_strided_slice %get3A_53 {offsets = [0, 640], sizes = [64, 128], strides = [1, 1]} : vector<64x1024xf32> to vector<64x128xf32>
    %dot_general3A_126 = arith.constant dense<0.000000e+00> : vector<128x128xf32>
    %dot_general3A_127 = tpu.matmul %slice3A, %slice3A_125, %dot_general3A_126 {dimension_numbers = #tpu.dot_dimension_numbers<[1], [0], [0], [1], [0, 0, 1, 1], [], []>, transpose_lhs_hint = false} : vector<128x64xf32>, vector<64x128xf32>, vector<128x128xf32> -> vector<128x128xf32>
    %slice3A_128 = vector.extract_strided_slice %mul3A_60 {offsets = [0, 640], sizes = [1, 128], strides = [1, 1]} : vector<1x1024xf32> to vector<1x128xf32>
    %add3A_129 = vector.broadcast %slice3A_61 : vector<128x1xf32> to vector<128x128xf32>
    %add3A_130 = vector.broadcast %slice3A_128 : vector<1x128xf32> to vector<128x128xf32>
    %add3A_131 = arith.addf %add3A_129, %add3A_130 : vector<128x128xf32>
    %add3A_132 = arith.addf %add3A_131, %dot_general3A_127 : vector<128x128xf32>
    %lt3A_133 = arith.cmpf olt, %add3A_132, %select_n3A_120 : vector<128x128xf32>
    %select_n3A_134 = arith.select %lt3A_133, %add3A_132, %select_n3A_120 : vector<128x128xi1>, vector<128x128xf32>
    %add3A_135 = arith.constant 640 : i32
    %add3A_136 = vector.broadcast %add3A_135 : i32 to vector<128x128xi32>
    %add3A_137 = arith.addi %iota3A, %add3A_136 : vector<128x128xi32>
    %select_n3A_138 = arith.select %lt3A_133, %add3A_137, %select_n3A_124 : vector<128x128xi1>, vector<128x128xi32>
    %slice3A_139 = vector.extract_strided_slice %get3A_53 {offsets = [0, 768], sizes = [64, 128], strides = [1, 1]} : vector<64x1024xf32> to vector<64x128xf32>
    %dot_general3A_140 = arith.constant dense<0.000000e+00> : vector<128x128xf32>
    %dot_general3A_141 = tpu.matmul %slice3A, %slice3A_139, %dot_general3A_140 {dimension_numbers = #tpu.dot_dimension_numbers<[1], [0], [0], [1], [0, 0, 1, 1], [], []>, transpose_lhs_hint = false} : vector<128x64xf32>, vector<64x128xf32>, vector<128x128xf32> -> vector<128x128xf32>
    %slice3A_142 = vector.extract_strided_slice %mul3A_60 {offsets = [0, 768], sizes = [1, 128], strides = [1, 1]} : vector<1x1024xf32> to vector<1x128xf32>
    %add3A_143 = vector.broadcast %slice3A_61 : vector<128x1xf32> to vector<128x128xf32>
    %add3A_144 = vector.broadcast %slice3A_142 : vector<1x128xf32> to vector<128x128xf32>
    %add3A_145 = arith.addf %add3A_143, %add3A_144 : vector<128x128xf32>
    %add3A_146 = arith.addf %add3A_145, %dot_general3A_141 : vector<128x128xf32>
    %lt3A_147 = arith.cmpf olt, %add3A_146, %select_n3A_134 : vector<128x128xf32>
    %select_n3A_148 = arith.select %lt3A_147, %add3A_146, %select_n3A_134 : vector<128x128xi1>, vector<128x128xf32>
    %add3A_149 = arith.constant 768 : i32
    %add3A_150 = vector.broadcast %add3A_149 : i32 to vector<128x128xi32>
    %add3A_151 = arith.addi %iota3A, %add3A_150 : vector<128x128xi32>
    %select_n3A_152 = arith.select %lt3A_147, %add3A_151, %select_n3A_138 : vector<128x128xi1>, vector<128x128xi32>
    %slice3A_153 = vector.extract_strided_slice %get3A_53 {offsets = [0, 896], sizes = [64, 128], strides = [1, 1]} : vector<64x1024xf32> to vector<64x128xf32>
    %dot_general3A_154 = arith.constant dense<0.000000e+00> : vector<128x128xf32>
    %dot_general3A_155 = tpu.matmul %slice3A, %slice3A_153, %dot_general3A_154 {dimension_numbers = #tpu.dot_dimension_numbers<[1], [0], [0], [1], [0, 0, 1, 1], [], []>, transpose_lhs_hint = false} : vector<128x64xf32>, vector<64x128xf32>, vector<128x128xf32> -> vector<128x128xf32>
    %slice3A_156 = vector.extract_strided_slice %mul3A_60 {offsets = [0, 896], sizes = [1, 128], strides = [1, 1]} : vector<1x1024xf32> to vector<1x128xf32>
    %add3A_157 = vector.broadcast %slice3A_61 : vector<128x1xf32> to vector<128x128xf32>
    %add3A_158 = vector.broadcast %slice3A_156 : vector<1x128xf32> to vector<128x128xf32>
    %add3A_159 = arith.addf %add3A_157, %add3A_158 : vector<128x128xf32>
    %add3A_160 = arith.addf %add3A_159, %dot_general3A_155 : vector<128x128xf32>
    %lt3A_161 = arith.cmpf olt, %add3A_160, %select_n3A_148 : vector<128x128xf32>
    %select_n3A_162 = arith.select %lt3A_161, %add3A_160, %select_n3A_148 : vector<128x128xi1>, vector<128x128xf32>
    %add3A_163 = arith.constant 896 : i32
    %add3A_164 = vector.broadcast %add3A_163 : i32 to vector<128x128xi32>
    %add3A_165 = arith.addi %iota3A, %add3A_164 : vector<128x128xi32>
    %select_n3A_166 = arith.select %lt3A_161, %add3A_165, %select_n3A_152 : vector<128x128xi1>, vector<128x128xi32>
    %reduce_min3A = arith.constant dense<0x7F800000> : vector<128xf32>
    %reduce_min3A_167 = vector.multi_reduction <minimumf>, %select_n3A_162, %reduce_min3A [1] : vector<128x128xf32> to vector<128xf32>
    %broadcast_in_dim3A_168 = vector.shape_cast %reduce_min3A_167 : vector<128xf32> to vector<128x1xf32>
    %eq3A_169 = vector.broadcast %broadcast_in_dim3A_168 : vector<128x1xf32> to vector<128x128xf32>
    %eq3A_170 = arith.cmpf oeq, %select_n3A_162, %eq3A_169 : vector<128x128xf32>
    %jit3A_171 = arith.constant 1024 : i32
    %broadcast_in_dim3A_172 = vector.broadcast %jit3A_171 : i32 to vector<128x128xi32>
    %select_n3A_173 = arith.select %eq3A_170, %select_n3A_166, %broadcast_in_dim3A_172 : vector<128x128xi1>, vector<128x128xi32>
    %reduce_min3A_174 = arith.constant dense<2147483647> : vector<128xi32>
    %reduce_min3A_175 = vector.multi_reduction <minsi>, %select_n3A_173, %reduce_min3A_174 [1] : vector<128x128xi32> to vector<128xi32>
    %swap3A = arith.constant 0 : index
    %swap3A_176 = arith.constant 0 : index
    %swap3A_177 = arith.constant 0 : index
    %swap3A_178 = vector.load %arg3[%swap3A, %swap3A_176, %swap3A_177] : memref<1x1x1024xi32, #tpu.memory_space<vmem>>, vector<1x1x128xi32>
    %swap3A_179 = vector.shape_cast %swap3A_178 : vector<1x1x128xi32> to vector<128xi32>
    %swap3A_180 = vector.shape_cast %reduce_min3A_175 : vector<128xi32> to vector<1x1x128xi32>
    tpu.vector_store %arg3[%swap3A, %swap3A_176, %swap3A_177], %swap3A_180 {strides = array<i32>} : memref<1x1x1024xi32, #tpu.memory_space<vmem>>, vector<1x1x128xi32>,
    %reduce_sum3A_181 = vector.shape_cast %broadcast_in_dim3A_168 : vector<128x1xf32> to vector<1x128x1xf32>
    %reduce_sum3A_182 = arith.constant dense<0.000000e+00> : vector<1xf32>
    %reduce_sum3A_183 = vector.multi_reduction <add>, %reduce_sum3A_181, %reduce_sum3A_182 [1, 2] : vector<1x128x1xf32> to vector<1xf32>
    %reduce_sum3A_184 = vector.shape_cast %reduce_sum3A_183 : vector<1xf32> to vector<1x1x1xf32>
    %reduce_sum3A_185 = vector.extract %reduce_sum3A_184[0, 0, 0] : f32 from vector<1x1x1xf32>
    %slice3A_186 = vector.extract_strided_slice %get3A_49 {offsets = [128, 0], sizes = [128, 64], strides = [1, 1]} : vector<1024x64xf32> to vector<128x64xf32>
    %slice3A_187 = vector.extract_strided_slice %broadcast_in_dim3A {offsets = [128, 0], sizes = [128, 1], strides = [1, 1]} : vector<1024x1xf32> to vector<128x1xf32>
    %slice3A_188 = vector.extract_strided_slice %get3A_53 {offsets = [0, 0], sizes = [64, 128], strides = [1, 1]} : vector<64x1024xf32> to vector<64x128xf32>
    %dot_general3A_189 = arith.constant dense<0.000000e+00> : vector<128x128xf32>
    %dot_general3A_190 = tpu.matmul %slice3A_186, %slice3A_188, %dot_general3A_189 {dimension_numbers = #tpu.dot_dimension_numbers<[1], [0], [0], [1], [0, 0, 1, 1], [], []>, transpose_lhs_hint = false} : vector<128x64xf32>, vector<64x128xf32>, vector<128x128xf32> -> vector<128x128xf32>
    %slice3A_191 = vector.extract_strided_slice %mul3A_60 {offsets = [0, 0], sizes = [1, 128], strides = [1, 1]} : vector<1x1024xf32> to vector<1x128xf32>
    %add3A_192 = vector.broadcast %slice3A_187 : vector<128x1xf32> to vector<128x128xf32>
    %add3A_193 = vector.broadcast %slice3A_191 : vector<1x128xf32> to vector<128x128xf32>
    %add3A_194 = arith.addf %add3A_192, %add3A_193 : vector<128x128xf32>
    %add3A_195 = arith.addf %add3A_194, %dot_general3A_190 : vector<128x128xf32>
    %slice3A_196 = vector.extract_strided_slice %get3A_53 {offsets = [0, 128], sizes = [64, 128], strides = [1, 1]} : vector<64x1024xf32> to vector<64x128xf32>
    %dot_general3A_197 = arith.constant dense<0.000000e+00> : vector<128x128xf32>
    %dot_general3A_198 = tpu.matmul %slice3A_186, %slice3A_196, %dot_general3A_197 {dimension_numbers = #tpu.dot_dimension_numbers<[1], [0], [0], [1], [0, 0, 1, 1], [], []>, transpose_lhs_hint = false} : vector<128x64xf32>, vector<64x128xf32>, vector<128x128xf32> -> vector<128x128xf32>
    %slice3A_199 = vector.extract_strided_slice %mul3A_60 {offsets = [0, 128], sizes = [1, 128], strides = [1, 1]} : vector<1x1024xf32> to vector<1x128xf32>
    %add3A_200 = vector.broadcast %slice3A_187 : vector<128x1xf32> to vector<128x128xf32>
    %add3A_201 = vector.broadcast %slice3A_199 : vector<1x128xf32> to vector<128x128xf32>
    %add3A_202 = arith.addf %add3A_200, %add3A_201 : vector<128x128xf32>
    %add3A_203 = arith.addf %add3A_202, %dot_general3A_198 : vector<128x128xf32>
    %lt3A_204 = arith.cmpf olt, %add3A_203, %add3A_195 : vector<128x128xf32>
    %select_n3A_205 = arith.select %lt3A_204, %add3A_203, %add3A_195 : vector<128x128xi1>, vector<128x128xf32>
    %add3A_206 = arith.constant 128 : i32
    %add3A_207 = vector.broadcast %add3A_206 : i32 to vector<128x128xi32>
    %add3A_208 = arith.addi %iota3A, %add3A_207 : vector<128x128xi32>
    %select_n3A_209 = arith.select %lt3A_204, %add3A_208, %iota3A : vector<128x128xi1>, vector<128x128xi32>
    %slice3A_210 = vector.extract_strided_slice %get3A_53 {offsets = [0, 256], sizes = [64, 128], strides = [1, 1]} : vector<64x1024xf32> to vector<64x128xf32>
    %dot_general3A_211 = arith.constant dense<0.000000e+00> : vector<128x128xf32>
    %dot_general3A_212 = tpu.matmul %slice3A_186, %slice3A_210, %dot_general3A_211 {dimension_numbers = #tpu.dot_dimension_numbers<[1], [0], [0], [1], [0, 0, 1, 1], [], []>, transpose_lhs_hint = false} : vector<128x64xf32>, vector<64x128xf32>, vector<128x128xf32> -> vector<128x128xf32>
    %slice3A_213 = vector.extract_strided_slice %mul3A_60 {offsets = [0, 256], sizes = [1, 128], strides = [1, 1]} : vector<1x1024xf32> to vector<1x128xf32>
    %add3A_214 = vector.broadcast %slice3A_187 : vector<128x1xf32> to vector<128x128xf32>
    %add3A_215 = vector.broadcast %slice3A_213 : vector<1x128xf32> to vector<128x128xf32>
    %add3A_216 = arith.addf %add3A_214, %add3A_215 : vector<128x128xf32>
    %add3A_217 = arith.addf %add3A_216, %dot_general3A_212 : vector<128x128xf32>
    %lt3A_218 = arith.cmpf olt, %add3A_217, %select_n3A_205 : vector<128x128xf32>
    %select_n3A_219 = arith.select %lt3A_218, %add3A_217, %select_n3A_205 : vector<128x128xi1>, vector<128x128xf32>
    %add3A_220 = arith.constant 256 : i32
    %add3A_221 = vector.broadcast %add3A_220 : i32 to vector<128x128xi32>
    %add3A_222 = arith.addi %iota3A, %add3A_221 : vector<128x128xi32>
    %select_n3A_223 = arith.select %lt3A_218, %add3A_222, %select_n3A_209 : vector<128x128xi1>, vector<128x128xi32>
    %slice3A_224 = vector.extract_strided_slice %get3A_53 {offsets = [0, 384], sizes = [64, 128], strides = [1, 1]} : vector<64x1024xf32> to vector<64x128xf32>
    %dot_general3A_225 = arith.constant dense<0.000000e+00> : vector<128x128xf32>
    %dot_general3A_226 = tpu.matmul %slice3A_186, %slice3A_224, %dot_general3A_225 {dimension_numbers = #tpu.dot_dimension_numbers<[1], [0], [0], [1], [0, 0, 1, 1], [], []>, transpose_lhs_hint = false} : vector<128x64xf32>, vector<64x128xf32>, vector<128x128xf32> -> vector<128x128xf32>
    %slice3A_227 = vector.extract_strided_slice %mul3A_60 {offsets = [0, 384], sizes = [1, 128], strides = [1, 1]} : vector<1x1024xf32> to vector<1x128xf32>
    %add3A_228 = vector.broadcast %slice3A_187 : vector<128x1xf32> to vector<128x128xf32>
    %add3A_229 = vector.broadcast %slice3A_227 : vector<1x128xf32> to vector<128x128xf32>
    %add3A_230 = arith.addf %add3A_228, %add3A_229 : vector<128x128xf32>
    %add3A_231 = arith.addf %add3A_230, %dot_general3A_226 : vector<128x128xf32>
    %lt3A_232 = arith.cmpf olt, %add3A_231, %select_n3A_219 : vector<128x128xf32>
    %select_n3A_233 = arith.select %lt3A_232, %add3A_231, %select_n3A_219 : vector<128x128xi1>, vector<128x128xf32>
    %add3A_234 = arith.constant 384 : i32
    %add3A_235 = vector.broadcast %add3A_234 : i32 to vector<128x128xi32>
    %add3A_236 = arith.addi %iota3A, %add3A_235 : vector<128x128xi32>
    %select_n3A_237 = arith.select %lt3A_232, %add3A_236, %select_n3A_223 : vector<128x128xi1>, vector<128x128xi32>
    %slice3A_238 = vector.extract_strided_slice %get3A_53 {offsets = [0, 512], sizes = [64, 128], strides = [1, 1]} : vector<64x1024xf32> to vector<64x128xf32>
    %dot_general3A_239 = arith.constant dense<0.000000e+00> : vector<128x128xf32>
    %dot_general3A_240 = tpu.matmul %slice3A_186, %slice3A_238, %dot_general3A_239 {dimension_numbers = #tpu.dot_dimension_numbers<[1], [0], [0], [1], [0, 0, 1, 1], [], []>, transpose_lhs_hint = false} : vector<128x64xf32>, vector<64x128xf32>, vector<128x128xf32> -> vector<128x128xf32>
    %slice3A_241 = vector.extract_strided_slice %mul3A_60 {offsets = [0, 512], sizes = [1, 128], strides = [1, 1]} : vector<1x1024xf32> to vector<1x128xf32>
    %add3A_242 = vector.broadcast %slice3A_187 : vector<128x1xf32> to vector<128x128xf32>
    %add3A_243 = vector.broadcast %slice3A_241 : vector<1x128xf32> to vector<128x128xf32>
    %add3A_244 = arith.addf %add3A_242, %add3A_243 : vector<128x128xf32>
    %add3A_245 = arith.addf %add3A_244, %dot_general3A_240 : vector<128x128xf32>
    %lt3A_246 = arith.cmpf olt, %add3A_245, %select_n3A_233 : vector<128x128xf32>
    %select_n3A_247 = arith.select %lt3A_246, %add3A_245, %select_n3A_233 : vector<128x128xi1>, vector<128x128xf32>
    %add3A_248 = arith.constant 512 : i32
    %add3A_249 = vector.broadcast %add3A_248 : i32 to vector<128x128xi32>
    %add3A_250 = arith.addi %iota3A, %add3A_249 : vector<128x128xi32>
    %select_n3A_251 = arith.select %lt3A_246, %add3A_250, %select_n3A_237 : vector<128x128xi1>, vector<128x128xi32>
    %slice3A_252 = vector.extract_strided_slice %get3A_53 {offsets = [0, 640], sizes = [64, 128], strides = [1, 1]} : vector<64x1024xf32> to vector<64x128xf32>
    %dot_general3A_253 = arith.constant dense<0.000000e+00> : vector<128x128xf32>
    %dot_general3A_254 = tpu.matmul %slice3A_186, %slice3A_252, %dot_general3A_253 {dimension_numbers = #tpu.dot_dimension_numbers<[1], [0], [0], [1], [0, 0, 1, 1], [], []>, transpose_lhs_hint = false} : vector<128x64xf32>, vector<64x128xf32>, vector<128x128xf32> -> vector<128x128xf32>
    %slice3A_255 = vector.extract_strided_slice %mul3A_60 {offsets = [0, 640], sizes = [1, 128], strides = [1, 1]} : vector<1x1024xf32> to vector<1x128xf32>
    %add3A_256 = vector.broadcast %slice3A_187 : vector<128x1xf32> to vector<128x128xf32>
    %add3A_257 = vector.broadcast %slice3A_255 : vector<1x128xf32> to vector<128x128xf32>
    %add3A_258 = arith.addf %add3A_256, %add3A_257 : vector<128x128xf32>
    %add3A_259 = arith.addf %add3A_258, %dot_general3A_254 : vector<128x128xf32>
    %lt3A_260 = arith.cmpf olt, %add3A_259, %select_n3A_247 : vector<128x128xf32>
    %select_n3A_261 = arith.select %lt3A_260, %add3A_259, %select_n3A_247 : vector<128x128xi1>, vector<128x128xf32>
    %add3A_262 = arith.constant 640 : i32
    %add3A_263 = vector.broadcast %add3A_262 : i32 to vector<128x128xi32>
    %add3A_264 = arith.addi %iota3A, %add3A_263 : vector<128x128xi32>
    %select_n3A_265 = arith.select %lt3A_260, %add3A_264, %select_n3A_251 : vector<128x128xi1>, vector<128x128xi32>
    %slice3A_266 = vector.extract_strided_slice %get3A_53 {offsets = [0, 768], sizes = [64, 128], strides = [1, 1]} : vector<64x1024xf32> to vector<64x128xf32>
    %dot_general3A_267 = arith.constant dense<0.000000e+00> : vector<128x128xf32>
    %dot_general3A_268 = tpu.matmul %slice3A_186, %slice3A_266, %dot_general3A_267 {dimension_numbers = #tpu.dot_dimension_numbers<[1], [0], [0], [1], [0, 0, 1, 1], [], []>, transpose_lhs_hint = false} : vector<128x64xf32>, vector<64x128xf32>, vector<128x128xf32> -> vector<128x128xf32>
    %slice3A_269 = vector.extract_strided_slice %mul3A_60 {offsets = [0, 768], sizes = [1, 128], strides = [1, 1]} : vector<1x1024xf32> to vector<1x128xf32>
    %add3A_270 = vector.broadcast %slice3A_187 : vector<128x1xf32> to vector<128x128xf32>
    %add3A_271 = vector.broadcast %slice3A_269 : vector<1x128xf32> to vector<128x128xf32>
    %add3A_272 = arith.addf %add3A_270, %add3A_271 : vector<128x128xf32>
    %add3A_273 = arith.addf %add3A_272, %dot_general3A_268 : vector<128x128xf32>
    %lt3A_274 = arith.cmpf olt, %add3A_273, %select_n3A_261 : vector<128x128xf32>
    %select_n3A_275 = arith.select %lt3A_274, %add3A_273, %select_n3A_261 : vector<128x128xi1>, vector<128x128xf32>
    %add3A_276 = arith.constant 768 : i32
    %add3A_277 = vector.broadcast %add3A_276 : i32 to vector<128x128xi32>
    %add3A_278 = arith.addi %iota3A, %add3A_277 : vector<128x128xi32>
    %select_n3A_279 = arith.select %lt3A_274, %add3A_278, %select_n3A_265 : vector<128x128xi1>, vector<128x128xi32>
    %slice3A_280 = vector.extract_strided_slice %get3A_53 {offsets = [0, 896], sizes = [64, 128], strides = [1, 1]} : vector<64x1024xf32> to vector<64x128xf32>
    %dot_general3A_281 = arith.constant dense<0.000000e+00> : vector<128x128xf32>
    %dot_general3A_282 = tpu.matmul %slice3A_186, %slice3A_280, %dot_general3A_281 {dimension_numbers = #tpu.dot_dimension_numbers<[1], [0], [0], [1], [0, 0, 1, 1], [], []>, transpose_lhs_hint = false} : vector<128x64xf32>, vector<64x128xf32>, vector<128x128xf32> -> vector<128x128xf32>
    %slice3A_283 = vector.extract_strided_slice %mul3A_60 {offsets = [0, 896], sizes = [1, 128], strides = [1, 1]} : vector<1x1024xf32> to vector<1x128xf32>
    %add3A_284 = vector.broadcast %slice3A_187 : vector<128x1xf32> to vector<128x128xf32>
    %add3A_285 = vector.broadcast %slice3A_283 : vector<1x128xf32> to vector<128x128xf32>
    %add3A_286 = arith.addf %add3A_284, %add3A_285 : vector<128x128xf32>
    %add3A_287 = arith.addf %add3A_286, %dot_general3A_282 : vector<128x128xf32>
    %lt3A_288 = arith.cmpf olt, %add3A_287, %select_n3A_275 : vector<128x128xf32>
    %select_n3A_289 = arith.select %lt3A_288, %add3A_287, %select_n3A_275 : vector<128x128xi1>, vector<128x128xf32>
    %add3A_290 = arith.constant 896 : i32
    %add3A_291 = vector.broadcast %add3A_290 : i32 to vector<128x128xi32>
    %add3A_292 = arith.addi %iota3A, %add3A_291 : vector<128x128xi32>
    %select_n3A_293 = arith.select %lt3A_288, %add3A_292, %select_n3A_279 : vector<128x128xi1>, vector<128x128xi32>
    %reduce_min3A_294 = arith.constant dense<0x7F800000> : vector<128xf32>
    %reduce_min3A_295 = vector.multi_reduction <minimumf>, %select_n3A_289, %reduce_min3A_294 [1] : vector<128x128xf32> to vector<128xf32>
    %broadcast_in_dim3A_296 = vector.shape_cast %reduce_min3A_295 : vector<128xf32> to vector<128x1xf32>
    %eq3A_297 = vector.broadcast %broadcast_in_dim3A_296 : vector<128x1xf32> to vector<128x128xf32>
    %eq3A_298 = arith.cmpf oeq, %select_n3A_289, %eq3A_297 : vector<128x128xf32>
    %jit3A_299 = arith.constant 1024 : i32
    %broadcast_in_dim3A_300 = vector.broadcast %jit3A_299 : i32 to vector<128x128xi32>
    %select_n3A_301 = arith.select %eq3A_298, %select_n3A_293, %broadcast_in_dim3A_300 : vector<128x128xi1>, vector<128x128xi32>
    %reduce_min3A_302 = arith.constant dense<2147483647> : vector<128xi32>
    %reduce_min3A_303 = vector.multi_reduction <minsi>, %select_n3A_301, %reduce_min3A_302 [1] : vector<128x128xi32> to vector<128xi32>
    %swap3A_304 = arith.constant 0 : index
    %swap3A_305 = arith.constant 0 : index
    %swap3A_306 = arith.constant 128 : index
    %swap3A_307 = vector.load %arg3[%swap3A_304, %swap3A_305, %swap3A_306] : memref<1x1x1024xi32, #tpu.memory_space<vmem>>, vector<1x1x128xi32>
    %swap3A_308 = vector.shape_cast %swap3A_307 : vector<1x1x128xi32> to vector<128xi32>
    %swap3A_309 = vector.shape_cast %reduce_min3A_303 : vector<128xi32> to vector<1x1x128xi32>
    tpu.vector_store %arg3[%swap3A_304, %swap3A_305, %swap3A_306], %swap3A_309 {strides = array<i32>} : memref<1x1x1024xi32, #tpu.memory_space<vmem>>, vector<1x1x128xi32>,
    %reduce_sum3A_310 = vector.shape_cast %broadcast_in_dim3A_296 : vector<128x1xf32> to vector<1x128x1xf32>
    %reduce_sum3A_311 = arith.constant dense<0.000000e+00> : vector<1xf32>
    %reduce_sum3A_312 = vector.multi_reduction <add>, %reduce_sum3A_310, %reduce_sum3A_311 [1, 2] : vector<1x128x1xf32> to vector<1xf32>
    %reduce_sum3A_313 = vector.shape_cast %reduce_sum3A_312 : vector<1xf32> to vector<1x1x1xf32>
    %reduce_sum3A_314 = vector.extract %reduce_sum3A_313[0, 0, 0] : f32 from vector<1x1x1xf32>
    %add3A_315 = arith.addf %reduce_sum3A_185, %reduce_sum3A_314 : f32
    %slice3A_316 = vector.extract_strided_slice %get3A_49 {offsets = [256, 0], sizes = [128, 64], strides = [1, 1]} : vector<1024x64xf32> to vector<128x64xf32>
    %slice3A_317 = vector.extract_strided_slice %broadcast_in_dim3A {offsets = [256, 0], sizes = [128, 1], strides = [1, 1]} : vector<1024x1xf32> to vector<128x1xf32>
    %slice3A_318 = vector.extract_strided_slice %get3A_53 {offsets = [0, 0], sizes = [64, 128], strides = [1, 1]} : vector<64x1024xf32> to vector<64x128xf32>
    %dot_general3A_319 = arith.constant dense<0.000000e+00> : vector<128x128xf32>
    %dot_general3A_320 = tpu.matmul %slice3A_316, %slice3A_318, %dot_general3A_319 {dimension_numbers = #tpu.dot_dimension_numbers<[1], [0], [0], [1], [0, 0, 1, 1], [], []>, transpose_lhs_hint = false} : vector<128x64xf32>, vector<64x128xf32>, vector<128x128xf32> -> vector<128x128xf32>
    %slice3A_321 = vector.extract_strided_slice %mul3A_60 {offsets = [0, 0], sizes = [1, 128], strides = [1, 1]} : vector<1x1024xf32> to vector<1x128xf32>
    %add3A_322 = vector.broadcast %slice3A_317 : vector<128x1xf32> to vector<128x128xf32>
    %add3A_323 = vector.broadcast %slice3A_321 : vector<1x128xf32> to vector<128x128xf32>
    %add3A_324 = arith.addf %add3A_322, %add3A_323 : vector<128x128xf32>
    %add3A_325 = arith.addf %add3A_324, %dot_general3A_320 : vector<128x128xf32>
    %slice3A_326 = vector.extract_strided_slice %get3A_53 {offsets = [0, 128], sizes = [64, 128], strides = [1, 1]} : vector<64x1024xf32> to vector<64x128xf32>
    %dot_general3A_327 = arith.constant dense<0.000000e+00> : vector<128x128xf32>
    %dot_general3A_328 = tpu.matmul %slice3A_316, %slice3A_326, %dot_general3A_327 {dimension_numbers = #tpu.dot_dimension_numbers<[1], [0], [0], [1], [0, 0, 1, 1], [], []>, transpose_lhs_hint = false} : vector<128x64xf32>, vector<64x128xf32>, vector<128x128xf32> -> vector<128x128xf32>
    %slice3A_329 = vector.extract_strided_slice %mul3A_60 {offsets = [0, 128], sizes = [1, 128], strides = [1, 1]} : vector<1x1024xf32> to vector<1x128xf32>
    %add3A_330 = vector.broadcast %slice3A_317 : vector<128x1xf32> to vector<128x128xf32>
    %add3A_331 = vector.broadcast %slice3A_329 : vector<1x128xf32> to vector<128x128xf32>
    %add3A_332 = arith.addf %add3A_330, %add3A_331 : vector<128x128xf32>
    %add3A_333 = arith.addf %add3A_332, %dot_general3A_328 : vector<128x128xf32>
    %lt3A_334 = arith.cmpf olt, %add3A_333, %add3A_325 : vector<128x128xf32>
    %select_n3A_335 = arith.select %lt3A_334, %add3A_333, %add3A_325 : vector<128x128xi1>, vector<128x128xf32>
    %add3A_336 = arith.constant 128 : i32
    %add3A_337 = vector.broadcast %add3A_336 : i32 to vector<128x128xi32>
    %add3A_338 = arith.addi %iota3A, %add3A_337 : vector<128x128xi32>
    %select_n3A_339 = arith.select %lt3A_334, %add3A_338, %iota3A : vector<128x128xi1>, vector<128x128xi32>
    %slice3A_340 = vector.extract_strided_slice %get3A_53 {offsets = [0, 256], sizes = [64, 128], strides = [1, 1]} : vector<64x1024xf32> to vector<64x128xf32>
    %dot_general3A_341 = arith.constant dense<0.000000e+00> : vector<128x128xf32>
    %dot_general3A_342 = tpu.matmul %slice3A_316, %slice3A_340, %dot_general3A_341 {dimension_numbers = #tpu.dot_dimension_numbers<[1], [0], [0], [1], [0, 0, 1, 1], [], []>, transpose_lhs_hint = false} : vector<128x64xf32>, vector<64x128xf32>, vector<128x128xf32> -> vector<128x128xf32>
    %slice3A_343 = vector.extract_strided_slice %mul3A_60 {offsets = [0, 256], sizes = [1, 128], strides = [1, 1]} : vector<1x1024xf32> to vector<1x128xf32>
    %add3A_344 = vector.broadcast %slice3A_317 : vector<128x1xf32> to vector<128x128xf32>
    %add3A_345 = vector.broadcast %slice3A_343 : vector<1x128xf32> to vector<128x128xf32>
    %add3A_346 = arith.addf %add3A_344, %add3A_345 : vector<128x128xf32>
    %add3A_347 = arith.addf %add3A_346, %dot_general3A_342 : vector<128x128xf32>
    %lt3A_348 = arith.cmpf olt, %add3A_347, %select_n3A_335 : vector<128x128xf32>
    %select_n3A_349 = arith.select %lt3A_348, %add3A_347, %select_n3A_335 : vector<128x128xi1>, vector<128x128xf32>
    %add3A_350 = arith.constant 256 : i32
    %add3A_351 = vector.broadcast %add3A_350 : i32 to vector<128x128xi32>
    %add3A_352 = arith.addi %iota3A, %add3A_351 : vector<128x128xi32>
    %select_n3A_353 = arith.select %lt3A_348, %add3A_352, %select_n3A_339 : vector<128x128xi1>, vector<128x128xi32>
    %slice3A_354 = vector.extract_strided_slice %get3A_53 {offsets = [0, 384], sizes = [64, 128], strides = [1, 1]} : vector<64x1024xf32> to vector<64x128xf32>
    %dot_general3A_355 = arith.constant dense<0.000000e+00> : vector<128x128xf32>
    %dot_general3A_356 = tpu.matmul %slice3A_316, %slice3A_354, %dot_general3A_355 {dimension_numbers = #tpu.dot_dimension_numbers<[1], [0], [0], [1], [0, 0, 1, 1], [], []>, transpose_lhs_hint = false} : vector<128x64xf32>, vector<64x128xf32>, vector<128x128xf32> -> vector<128x128xf32>
    %slice3A_357 = vector.extract_strided_slice %mul3A_60 {offsets = [0, 384], sizes = [1, 128], strides = [1, 1]} : vector<1x1024xf32> to vector<1x128xf32>
    %add3A_358 = vector.broadcast %slice3A_317 : vector<128x1xf32> to vector<128x128xf32>
    %add3A_359 = vector.broadcast %slice3A_357 : vector<1x128xf32> to vector<128x128xf32>
    %add3A_360 = arith.addf %add3A_358, %add3A_359 : vector<128x128xf32>
    %add3A_361 = arith.addf %add3A_360, %dot_general3A_356 : vector<128x128xf32>
    %lt3A_362 = arith.cmpf olt, %add3A_361, %select_n3A_349 : vector<128x128xf32>
    %select_n3A_363 = arith.select %lt3A_362, %add3A_361, %select_n3A_349 : vector<128x128xi1>, vector<128x128xf32>
    %add3A_364 = arith.constant 384 : i32
    %add3A_365 = vector.broadcast %add3A_364 : i32 to vector<128x128xi32>
    %add3A_366 = arith.addi %iota3A, %add3A_365 : vector<128x128xi32>
    %select_n3A_367 = arith.select %lt3A_362, %add3A_366, %select_n3A_353 : vector<128x128xi1>, vector<128x128xi32>
    %slice3A_368 = vector.extract_strided_slice %get3A_53 {offsets = [0, 512], sizes = [64, 128], strides = [1, 1]} : vector<64x1024xf32> to vector<64x128xf32>
    %dot_general3A_369 = arith.constant dense<0.000000e+00> : vector<128x128xf32>
    %dot_general3A_370 = tpu.matmul %slice3A_316, %slice3A_368, %dot_general3A_369 {dimension_numbers = #tpu.dot_dimension_numbers<[1], [0], [0], [1], [0, 0, 1, 1], [], []>, transpose_lhs_hint = false} : vector<128x64xf32>, vector<64x128xf32>, vector<128x128xf32> -> vector<128x128xf32>
    %slice3A_371 = vector.extract_strided_slice %mul3A_60 {offsets = [0, 512], sizes = [1, 128], strides = [1, 1]} : vector<1x1024xf32> to vector<1x128xf32>
    %add3A_372 = vector.broadcast %slice3A_317 : vector<128x1xf32> to vector<128x128xf32>
    %add3A_373 = vector.broadcast %slice3A_371 : vector<1x128xf32> to vector<128x128xf32>
    %add3A_374 = arith.addf %add3A_372, %add3A_373 : vector<128x128xf32>
    %add3A_375 = arith.addf %add3A_374, %dot_general3A_370 : vector<128x128xf32>
    %lt3A_376 = arith.cmpf olt, %add3A_375, %select_n3A_363 : vector<128x128xf32>
    %select_n3A_377 = arith.select %lt3A_376, %add3A_375, %select_n3A_363 : vector<128x128xi1>, vector<128x128xf32>
    %add3A_378 = arith.constant 512 : i32
    %add3A_379 = vector.broadcast %add3A_378 : i32 to vector<128x128xi32>
    %add3A_380 = arith.addi %iota3A, %add3A_379 : vector<128x128xi32>
    %select_n3A_381 = arith.select %lt3A_376, %add3A_380, %select_n3A_367 : vector<128x128xi1>, vector<128x128xi32>
    %slice3A_382 = vector.extract_strided_slice %get3A_53 {offsets = [0, 640], sizes = [64, 128], strides = [1, 1]} : vector<64x1024xf32> to vector<64x128xf32>
    %dot_general3A_383 = arith.constant dense<0.000000e+00> : vector<128x128xf32>
    %dot_general3A_384 = tpu.matmul %slice3A_316, %slice3A_382, %dot_general3A_383 {dimension_numbers = #tpu.dot_dimension_numbers<[1], [0], [0], [1], [0, 0, 1, 1], [], []>, transpose_lhs_hint = false} : vector<128x64xf32>, vector<64x128xf32>, vector<128x128xf32> -> vector<128x128xf32>
    %slice3A_385 = vector.extract_strided_slice %mul3A_60 {offsets = [0, 640], sizes = [1, 128], strides = [1, 1]} : vector<1x1024xf32> to vector<1x128xf32>
    %add3A_386 = vector.broadcast %slice3A_317 : vector<128x1xf32> to vector<128x128xf32>
    %add3A_387 = vector.broadcast %slice3A_385 : vector<1x128xf32> to vector<128x128xf32>
    %add3A_388 = arith.addf %add3A_386, %add3A_387 : vector<128x128xf32>
    %add3A_389 = arith.addf %add3A_388, %dot_general3A_384 : vector<128x128xf32>
    %lt3A_390 = arith.cmpf olt, %add3A_389, %select_n3A_377 : vector<128x128xf32>
    %select_n3A_391 = arith.select %lt3A_390, %add3A_389, %select_n3A_377 : vector<128x128xi1>, vector<128x128xf32>
    %add3A_392 = arith.constant 640 : i32
    %add3A_393 = vector.broadcast %add3A_392 : i32 to vector<128x128xi32>
    %add3A_394 = arith.addi %iota3A, %add3A_393 : vector<128x128xi32>
    %select_n3A_395 = arith.select %lt3A_390, %add3A_394, %select_n3A_381 : vector<128x128xi1>, vector<128x128xi32>
    %slice3A_396 = vector.extract_strided_slice %get3A_53 {offsets = [0, 768], sizes = [64, 128], strides = [1, 1]} : vector<64x1024xf32> to vector<64x128xf32>
    %dot_general3A_397 = arith.constant dense<0.000000e+00> : vector<128x128xf32>
    %dot_general3A_398 = tpu.matmul %slice3A_316, %slice3A_396, %dot_general3A_397 {dimension_numbers = #tpu.dot_dimension_numbers<[1], [0], [0], [1], [0, 0, 1, 1], [], []>, transpose_lhs_hint = false} : vector<128x64xf32>, vector<64x128xf32>, vector<128x128xf32> -> vector<128x128xf32>
    %slice3A_399 = vector.extract_strided_slice %mul3A_60 {offsets = [0, 768], sizes = [1, 128], strides = [1, 1]} : vector<1x1024xf32> to vector<1x128xf32>
    %add3A_400 = vector.broadcast %slice3A_317 : vector<128x1xf32> to vector<128x128xf32>
    %add3A_401 = vector.broadcast %slice3A_399 : vector<1x128xf32> to vector<128x128xf32>
    %add3A_402 = arith.addf %add3A_400, %add3A_401 : vector<128x128xf32>
    %add3A_403 = arith.addf %add3A_402, %dot_general3A_398 : vector<128x128xf32>
    %lt3A_404 = arith.cmpf olt, %add3A_403, %select_n3A_391 : vector<128x128xf32>
    %select_n3A_405 = arith.select %lt3A_404, %add3A_403, %select_n3A_391 : vector<128x128xi1>, vector<128x128xf32>
    %add3A_406 = arith.constant 768 : i32
    %add3A_407 = vector.broadcast %add3A_406 : i32 to vector<128x128xi32>
    %add3A_408 = arith.addi %iota3A, %add3A_407 : vector<128x128xi32>
    %select_n3A_409 = arith.select %lt3A_404, %add3A_408, %select_n3A_395 : vector<128x128xi1>, vector<128x128xi32>
    %slice3A_410 = vector.extract_strided_slice %get3A_53 {offsets = [0, 896], sizes = [64, 128], strides = [1, 1]} : vector<64x1024xf32> to vector<64x128xf32>
    %dot_general3A_411 = arith.constant dense<0.000000e+00> : vector<128x128xf32>
    %dot_general3A_412 = tpu.matmul %slice3A_316, %slice3A_410, %dot_general3A_411 {dimension_numbers = #tpu.dot_dimension_numbers<[1], [0], [0], [1], [0, 0, 1, 1], [], []>, transpose_lhs_hint = false} : vector<128x64xf32>, vector<64x128xf32>, vector<128x128xf32> -> vector<128x128xf32>
    %slice3A_413 = vector.extract_strided_slice %mul3A_60 {offsets = [0, 896], sizes = [1, 128], strides = [1, 1]} : vector<1x1024xf32> to vector<1x128xf32>
    %add3A_414 = vector.broadcast %slice3A_317 : vector<128x1xf32> to vector<128x128xf32>
    %add3A_415 = vector.broadcast %slice3A_413 : vector<1x128xf32> to vector<128x128xf32>
    %add3A_416 = arith.addf %add3A_414, %add3A_415 : vector<128x128xf32>
    %add3A_417 = arith.addf %add3A_416, %dot_general3A_412 : vector<128x128xf32>
    %lt3A_418 = arith.cmpf olt, %add3A_417, %select_n3A_405 : vector<128x128xf32>
    %select_n3A_419 = arith.select %lt3A_418, %add3A_417, %select_n3A_405 : vector<128x128xi1>, vector<128x128xf32>
    %add3A_420 = arith.constant 896 : i32
    %add3A_421 = vector.broadcast %add3A_420 : i32 to vector<128x128xi32>
    %add3A_422 = arith.addi %iota3A, %add3A_421 : vector<128x128xi32>
    %select_n3A_423 = arith.select %lt3A_418, %add3A_422, %select_n3A_409 : vector<128x128xi1>, vector<128x128xi32>
    %reduce_min3A_424 = arith.constant dense<0x7F800000> : vector<128xf32>
    %reduce_min3A_425 = vector.multi_reduction <minimumf>, %select_n3A_419, %reduce_min3A_424 [1] : vector<128x128xf32> to vector<128xf32>
    %broadcast_in_dim3A_426 = vector.shape_cast %reduce_min3A_425 : vector<128xf32> to vector<128x1xf32>
    %eq3A_427 = vector.broadcast %broadcast_in_dim3A_426 : vector<128x1xf32> to vector<128x128xf32>
    %eq3A_428 = arith.cmpf oeq, %select_n3A_419, %eq3A_427 : vector<128x128xf32>
    %jit3A_429 = arith.constant 1024 : i32
    %broadcast_in_dim3A_430 = vector.broadcast %jit3A_429 : i32 to vector<128x128xi32>
    %select_n3A_431 = arith.select %eq3A_428, %select_n3A_423, %broadcast_in_dim3A_430 : vector<128x128xi1>, vector<128x128xi32>
    %reduce_min3A_432 = arith.constant dense<2147483647> : vector<128xi32>
    %reduce_min3A_433 = vector.multi_reduction <minsi>, %select_n3A_431, %reduce_min3A_432 [1] : vector<128x128xi32> to vector<128xi32>
    %swap3A_434 = arith.constant 0 : index
    %swap3A_435 = arith.constant 0 : index
    %swap3A_436 = arith.constant 256 : index
    %swap3A_437 = vector.load %arg3[%swap3A_434, %swap3A_435, %swap3A_436] : memref<1x1x1024xi32, #tpu.memory_space<vmem>>, vector<1x1x128xi32>
    %swap3A_438 = vector.shape_cast %swap3A_437 : vector<1x1x128xi32> to vector<128xi32>
    %swap3A_439 = vector.shape_cast %reduce_min3A_433 : vector<128xi32> to vector<1x1x128xi32>
    tpu.vector_store %arg3[%swap3A_434, %swap3A_435, %swap3A_436], %swap3A_439 {strides = array<i32>} : memref<1x1x1024xi32, #tpu.memory_space<vmem>>, vector<1x1x128xi32>,
    %reduce_sum3A_440 = vector.shape_cast %broadcast_in_dim3A_426 : vector<128x1xf32> to vector<1x128x1xf32>
    %reduce_sum3A_441 = arith.constant dense<0.000000e+00> : vector<1xf32>
    %reduce_sum3A_442 = vector.multi_reduction <add>, %reduce_sum3A_440, %reduce_sum3A_441 [1, 2] : vector<1x128x1xf32> to vector<1xf32>
    %reduce_sum3A_443 = vector.shape_cast %reduce_sum3A_442 : vector<1xf32> to vector<1x1x1xf32>
    %reduce_sum3A_444 = vector.extract %reduce_sum3A_443[0, 0, 0] : f32 from vector<1x1x1xf32>
    %add3A_445 = arith.addf %add3A_315, %reduce_sum3A_444 : f32
    %slice3A_446 = vector.extract_strided_slice %get3A_49 {offsets = [384, 0], sizes = [128, 64], strides = [1, 1]} : vector<1024x64xf32> to vector<128x64xf32>
    %slice3A_447 = vector.extract_strided_slice %broadcast_in_dim3A {offsets = [384, 0], sizes = [128, 1], strides = [1, 1]} : vector<1024x1xf32> to vector<128x1xf32>
    %slice3A_448 = vector.extract_strided_slice %get3A_53 {offsets = [0, 0], sizes = [64, 128], strides = [1, 1]} : vector<64x1024xf32> to vector<64x128xf32>
    %dot_general3A_449 = arith.constant dense<0.000000e+00> : vector<128x128xf32>
    %dot_general3A_450 = tpu.matmul %slice3A_446, %slice3A_448, %dot_general3A_449 {dimension_numbers = #tpu.dot_dimension_numbers<[1], [0], [0], [1], [0, 0, 1, 1], [], []>, transpose_lhs_hint = false} : vector<128x64xf32>, vector<64x128xf32>, vector<128x128xf32> -> vector<128x128xf32>
    %slice3A_451 = vector.extract_strided_slice %mul3A_60 {offsets = [0, 0], sizes = [1, 128], strides = [1, 1]} : vector<1x1024xf32> to vector<1x128xf32>
    %add3A_452 = vector.broadcast %slice3A_447 : vector<128x1xf32> to vector<128x128xf32>
    %add3A_453 = vector.broadcast %slice3A_451 : vector<1x128xf32> to vector<128x128xf32>
    %add3A_454 = arith.addf %add3A_452, %add3A_453 : vector<128x128xf32>
    %add3A_455 = arith.addf %add3A_454, %dot_general3A_450 : vector<128x128xf32>
    %slice3A_456 = vector.extract_strided_slice %get3A_53 {offsets = [0, 128], sizes = [64, 128], strides = [1, 1]} : vector<64x1024xf32> to vector<64x128xf32>
    %dot_general3A_457 = arith.constant dense<0.000000e+00> : vector<128x128xf32>
    %dot_general3A_458 = tpu.matmul %slice3A_446, %slice3A_456, %dot_general3A_457 {dimension_numbers = #tpu.dot_dimension_numbers<[1], [0], [0], [1], [0, 0, 1, 1], [], []>, transpose_lhs_hint = false} : vector<128x64xf32>, vector<64x128xf32>, vector<128x128xf32> -> vector<128x128xf32>
    %slice3A_459 = vector.extract_strided_slice %mul3A_60 {offsets = [0, 128], sizes = [1, 128], strides = [1, 1]} : vector<1x1024xf32> to vector<1x128xf32>
    %add3A_460 = vector.broadcast %slice3A_447 : vector<128x1xf32> to vector<128x128xf32>
    %add3A_461 = vector.broadcast %slice3A_459 : vector<1x128xf32> to vector<128x128xf32>
    %add3A_462 = arith.addf %add3A_460, %add3A_461 : vector<128x128xf32>
    %add3A_463 = arith.addf %add3A_462, %dot_general3A_458 : vector<128x128xf32>
    %lt3A_464 = arith.cmpf olt, %add3A_463, %add3A_455 : vector<128x128xf32>
    %select_n3A_465 = arith.select %lt3A_464, %add3A_463, %add3A_455 : vector<128x128xi1>, vector<128x128xf32>
    %add3A_466 = arith.constant 128 : i32
    %add3A_467 = vector.broadcast %add3A_466 : i32 to vector<128x128xi32>
    %add3A_468 = arith.addi %iota3A, %add3A_467 : vector<128x128xi32>
    %select_n3A_469 = arith.select %lt3A_464, %add3A_468, %iota3A : vector<128x128xi1>, vector<128x128xi32>
    %slice3A_470 = vector.extract_strided_slice %get3A_53 {offsets = [0, 256], sizes = [64, 128], strides = [1, 1]} : vector<64x1024xf32> to vector<64x128xf32>
    %dot_general3A_471 = arith.constant dense<0.000000e+00> : vector<128x128xf32>
    %dot_general3A_472 = tpu.matmul %slice3A_446, %slice3A_470, %dot_general3A_471 {dimension_numbers = #tpu.dot_dimension_numbers<[1], [0], [0], [1], [0, 0, 1, 1], [], []>, transpose_lhs_hint = false} : vector<128x64xf32>, vector<64x128xf32>, vector<128x128xf32> -> vector<128x128xf32>
    %slice3A_473 = vector.extract_strided_slice %mul3A_60 {offsets = [0, 256], sizes = [1, 128], strides = [1, 1]} : vector<1x1024xf32> to vector<1x128xf32>
    %add3A_474 = vector.broadcast %slice3A_447 : vector<128x1xf32> to vector<128x128xf32>
    %add3A_475 = vector.broadcast %slice3A_473 : vector<1x128xf32> to vector<128x128xf32>
    %add3A_476 = arith.addf %add3A_474, %add3A_475 : vector<128x128xf32>
    %add3A_477 = arith.addf %add3A_476, %dot_general3A_472 : vector<128x128xf32>
    %lt3A_478 = arith.cmpf olt, %add3A_477, %select_n3A_465 : vector<128x128xf32>
    %select_n3A_479 = arith.select %lt3A_478, %add3A_477, %select_n3A_465 : vector<128x128xi1>, vector<128x128xf32>
    %add3A_480 = arith.constant 256 : i32
    %add3A_481 = vector.broadcast %add3A_480 : i32 to vector<128x128xi32>
    %add3A_482 = arith.addi %iota3A, %add3A_481 : vector<128x128xi32>
    %select_n3A_483 = arith.select %lt3A_478, %add3A_482, %select_n3A_469 : vector<128x128xi1>, vector<128x128xi32>
    %slice3A_484 = vector.extract_strided_slice %get3A_53 {offsets = [0, 384], sizes = [64, 128], strides = [1, 1]} : vector<64x1024xf32> to vector<64x128xf32>
    %dot_general3A_485 = arith.constant dense<0.000000e+00> : vector<128x128xf32>
    %dot_general3A_486 = tpu.matmul %slice3A_446, %slice3A_484, %dot_general3A_485 {dimension_numbers = #tpu.dot_dimension_numbers<[1], [0], [0], [1], [0, 0, 1, 1], [], []>, transpose_lhs_hint = false} : vector<128x64xf32>, vector<64x128xf32>, vector<128x128xf32> -> vector<128x128xf32>
    %slice3A_487 = vector.extract_strided_slice %mul3A_60 {offsets = [0, 384], sizes = [1, 128], strides = [1, 1]} : vector<1x1024xf32> to vector<1x128xf32>
    %add3A_488 = vector.broadcast %slice3A_447 : vector<128x1xf32> to vector<128x128xf32>
    %add3A_489 = vector.broadcast %slice3A_487 : vector<1x128xf32> to vector<128x128xf32>
    %add3A_490 = arith.addf %add3A_488, %add3A_489 : vector<128x128xf32>
    %add3A_491 = arith.addf %add3A_490, %dot_general3A_486 : vector<128x128xf32>
    %lt3A_492 = arith.cmpf olt, %add3A_491, %select_n3A_479 : vector<128x128xf32>
    %select_n3A_493 = arith.select %lt3A_492, %add3A_491, %select_n3A_479 : vector<128x128xi1>, vector<128x128xf32>
    %add3A_494 = arith.constant 384 : i32
    %add3A_495 = vector.broadcast %add3A_494 : i32 to vector<128x128xi32>
    %add3A_496 = arith.addi %iota3A, %add3A_495 : vector<128x128xi32>
    %select_n3A_497 = arith.select %lt3A_492, %add3A_496, %select_n3A_483 : vector<128x128xi1>, vector<128x128xi32>
    %slice3A_498 = vector.extract_strided_slice %get3A_53 {offsets = [0, 512], sizes = [64, 128], strides = [1, 1]} : vector<64x1024xf32> to vector<64x128xf32>
    %dot_general3A_499 = arith.constant dense<0.000000e+00> : vector<128x128xf32>
    %dot_general3A_500 = tpu.matmul %slice3A_446, %slice3A_498, %dot_general3A_499 {dimension_numbers = #tpu.dot_dimension_numbers<[1], [0], [0], [1], [0, 0, 1, 1], [], []>, transpose_lhs_hint = false} : vector<128x64xf32>, vector<64x128xf32>, vector<128x128xf32> -> vector<128x128xf32>
    %slice3A_501 = vector.extract_strided_slice %mul3A_60 {offsets = [0, 512], sizes = [1, 128], strides = [1, 1]} : vector<1x1024xf32> to vector<1x128xf32>
    %add3A_502 = vector.broadcast %slice3A_447 : vector<128x1xf32> to vector<128x128xf32>
    %add3A_503 = vector.broadcast %slice3A_501 : vector<1x128xf32> to vector<128x128xf32>
    %add3A_504 = arith.addf %add3A_502, %add3A_503 : vector<128x128xf32>
    %add3A_505 = arith.addf %add3A_504, %dot_general3A_500 : vector<128x128xf32>
    %lt3A_506 = arith.cmpf olt, %add3A_505, %select_n3A_493 : vector<128x128xf32>
    %select_n3A_507 = arith.select %lt3A_506, %add3A_505, %select_n3A_493 : vector<128x128xi1>, vector<128x128xf32>
    %add3A_508 = arith.constant 512 : i32
    %add3A_509 = vector.broadcast %add3A_508 : i32 to vector<128x128xi32>
    %add3A_510 = arith.addi %iota3A, %add3A_509 : vector<128x128xi32>
    %select_n3A_511 = arith.select %lt3A_506, %add3A_510, %select_n3A_497 : vector<128x128xi1>, vector<128x128xi32>
    %slice3A_512 = vector.extract_strided_slice %get3A_53 {offsets = [0, 640], sizes = [64, 128], strides = [1, 1]} : vector<64x1024xf32> to vector<64x128xf32>
    %dot_general3A_513 = arith.constant dense<0.000000e+00> : vector<128x128xf32>
    %dot_general3A_514 = tpu.matmul %slice3A_446, %slice3A_512, %dot_general3A_513 {dimension_numbers = #tpu.dot_dimension_numbers<[1], [0], [0], [1], [0, 0, 1, 1], [], []>, transpose_lhs_hint = false} : vector<128x64xf32>, vector<64x128xf32>, vector<128x128xf32> -> vector<128x128xf32>
    %slice3A_515 = vector.extract_strided_slice %mul3A_60 {offsets = [0, 640], sizes = [1, 128], strides = [1, 1]} : vector<1x1024xf32> to vector<1x128xf32>
    %add3A_516 = vector.broadcast %slice3A_447 : vector<128x1xf32> to vector<128x128xf32>
    %add3A_517 = vector.broadcast %slice3A_515 : vector<1x128xf32> to vector<128x128xf32>
    %add3A_518 = arith.addf %add3A_516, %add3A_517 : vector<128x128xf32>
    %add3A_519 = arith.addf %add3A_518, %dot_general3A_514 : vector<128x128xf32>
    %lt3A_520 = arith.cmpf olt, %add3A_519, %select_n3A_507 : vector<128x128xf32>
    %select_n3A_521 = arith.select %lt3A_520, %add3A_519, %select_n3A_507 : vector<128x128xi1>, vector<128x128xf32>
    %add3A_522 = arith.constant 640 : i32
    %add3A_523 = vector.broadcast %add3A_522 : i32 to vector<128x128xi32>
    %add3A_524 = arith.addi %iota3A, %add3A_523 : vector<128x128xi32>
    %select_n3A_525 = arith.select %lt3A_520, %add3A_524, %select_n3A_511 : vector<128x128xi1>, vector<128x128xi32>
    %slice3A_526 = vector.extract_strided_slice %get3A_53 {offsets = [0, 768], sizes = [64, 128], strides = [1, 1]} : vector<64x1024xf32> to vector<64x128xf32>
    %dot_general3A_527 = arith.constant dense<0.000000e+00> : vector<128x128xf32>
    %dot_general3A_528 = tpu.matmul %slice3A_446, %slice3A_526, %dot_general3A_527 {dimension_numbers = #tpu.dot_dimension_numbers<[1], [0], [0], [1], [0, 0, 1, 1], [], []>, transpose_lhs_hint = false} : vector<128x64xf32>, vector<64x128xf32>, vector<128x128xf32> -> vector<128x128xf32>
    %slice3A_529 = vector.extract_strided_slice %mul3A_60 {offsets = [0, 768], sizes = [1, 128], strides = [1, 1]} : vector<1x1024xf32> to vector<1x128xf32>
    %add3A_530 = vector.broadcast %slice3A_447 : vector<128x1xf32> to vector<128x128xf32>
    %add3A_531 = vector.broadcast %slice3A_529 : vector<1x128xf32> to vector<128x128xf32>
    %add3A_532 = arith.addf %add3A_530, %add3A_531 : vector<128x128xf32>
    %add3A_533 = arith.addf %add3A_532, %dot_general3A_528 : vector<128x128xf32>
    %lt3A_534 = arith.cmpf olt, %add3A_533, %select_n3A_521 : vector<128x128xf32>
    %select_n3A_535 = arith.select %lt3A_534, %add3A_533, %select_n3A_521 : vector<128x128xi1>, vector<128x128xf32>
    %add3A_536 = arith.constant 768 : i32
    %add3A_537 = vector.broadcast %add3A_536 : i32 to vector<128x128xi32>
    %add3A_538 = arith.addi %iota3A, %add3A_537 : vector<128x128xi32>
    %select_n3A_539 = arith.select %lt3A_534, %add3A_538, %select_n3A_525 : vector<128x128xi1>, vector<128x128xi32>
    %slice3A_540 = vector.extract_strided_slice %get3A_53 {offsets = [0, 896], sizes = [64, 128], strides = [1, 1]} : vector<64x1024xf32> to vector<64x128xf32>
    %dot_general3A_541 = arith.constant dense<0.000000e+00> : vector<128x128xf32>
    %dot_general3A_542 = tpu.matmul %slice3A_446, %slice3A_540, %dot_general3A_541 {dimension_numbers = #tpu.dot_dimension_numbers<[1], [0], [0], [1], [0, 0, 1, 1], [], []>, transpose_lhs_hint = false} : vector<128x64xf32>, vector<64x128xf32>, vector<128x128xf32> -> vector<128x128xf32>
    %slice3A_543 = vector.extract_strided_slice %mul3A_60 {offsets = [0, 896], sizes = [1, 128], strides = [1, 1]} : vector<1x1024xf32> to vector<1x128xf32>
    %add3A_544 = vector.broadcast %slice3A_447 : vector<128x1xf32> to vector<128x128xf32>
    %add3A_545 = vector.broadcast %slice3A_543 : vector<1x128xf32> to vector<128x128xf32>
    %add3A_546 = arith.addf %add3A_544, %add3A_545 : vector<128x128xf32>
    %add3A_547 = arith.addf %add3A_546, %dot_general3A_542 : vector<128x128xf32>
    %lt3A_548 = arith.cmpf olt, %add3A_547, %select_n3A_535 : vector<128x128xf32>
    %select_n3A_549 = arith.select %lt3A_548, %add3A_547, %select_n3A_535 : vector<128x128xi1>, vector<128x128xf32>
    %add3A_550 = arith.constant 896 : i32
    %add3A_551 = vector.broadcast %add3A_550 : i32 to vector<128x128xi32>
    %add3A_552 = arith.addi %iota3A, %add3A_551 : vector<128x128xi32>
    %select_n3A_553 = arith.select %lt3A_548, %add3A_552, %select_n3A_539 : vector<128x128xi1>, vector<128x128xi32>
    %reduce_min3A_554 = arith.constant dense<0x7F800000> : vector<128xf32>
    %reduce_min3A_555 = vector.multi_reduction <minimumf>, %select_n3A_549, %reduce_min3A_554 [1] : vector<128x128xf32> to vector<128xf32>
    %broadcast_in_dim3A_556 = vector.shape_cast %reduce_min3A_555 : vector<128xf32> to vector<128x1xf32>
    %eq3A_557 = vector.broadcast %broadcast_in_dim3A_556 : vector<128x1xf32> to vector<128x128xf32>
    %eq3A_558 = arith.cmpf oeq, %select_n3A_549, %eq3A_557 : vector<128x128xf32>
    %jit3A_559 = arith.constant 1024 : i32
    %broadcast_in_dim3A_560 = vector.broadcast %jit3A_559 : i32 to vector<128x128xi32>
    %select_n3A_561 = arith.select %eq3A_558, %select_n3A_553, %broadcast_in_dim3A_560 : vector<128x128xi1>, vector<128x128xi32>
    %reduce_min3A_562 = arith.constant dense<2147483647> : vector<128xi32>
    %reduce_min3A_563 = vector.multi_reduction <minsi>, %select_n3A_561, %reduce_min3A_562 [1] : vector<128x128xi32> to vector<128xi32>
    %swap3A_564 = arith.constant 0 : index
    %swap3A_565 = arith.constant 0 : index
    %swap3A_566 = arith.constant 384 : index
    %swap3A_567 = vector.load %arg3[%swap3A_564, %swap3A_565, %swap3A_566] : memref<1x1x1024xi32, #tpu.memory_space<vmem>>, vector<1x1x128xi32>
    %swap3A_568 = vector.shape_cast %swap3A_567 : vector<1x1x128xi32> to vector<128xi32>
    %swap3A_569 = vector.shape_cast %reduce_min3A_563 : vector<128xi32> to vector<1x1x128xi32>
    tpu.vector_store %arg3[%swap3A_564, %swap3A_565, %swap3A_566], %swap3A_569 {strides = array<i32>} : memref<1x1x1024xi32, #tpu.memory_space<vmem>>, vector<1x1x128xi32>,
    %reduce_sum3A_570 = vector.shape_cast %broadcast_in_dim3A_556 : vector<128x1xf32> to vector<1x128x1xf32>
    %reduce_sum3A_571 = arith.constant dense<0.000000e+00> : vector<1xf32>
    %reduce_sum3A_572 = vector.multi_reduction <add>, %reduce_sum3A_570, %reduce_sum3A_571 [1, 2] : vector<1x128x1xf32> to vector<1xf32>
    %reduce_sum3A_573 = vector.shape_cast %reduce_sum3A_572 : vector<1xf32> to vector<1x1x1xf32>
    %reduce_sum3A_574 = vector.extract %reduce_sum3A_573[0, 0, 0] : f32 from vector<1x1x1xf32>
    %add3A_575 = arith.addf %add3A_445, %reduce_sum3A_574 : f32
    %slice3A_576 = vector.extract_strided_slice %get3A_49 {offsets = [512, 0], sizes = [128, 64], strides = [1, 1]} : vector<1024x64xf32> to vector<128x64xf32>
    %slice3A_577 = vector.extract_strided_slice %broadcast_in_dim3A {offsets = [512, 0], sizes = [128, 1], strides = [1, 1]} : vector<1024x1xf32> to vector<128x1xf32>
    %slice3A_578 = vector.extract_strided_slice %get3A_53 {offsets = [0, 0], sizes = [64, 128], strides = [1, 1]} : vector<64x1024xf32> to vector<64x128xf32>
    %dot_general3A_579 = arith.constant dense<0.000000e+00> : vector<128x128xf32>
    %dot_general3A_580 = tpu.matmul %slice3A_576, %slice3A_578, %dot_general3A_579 {dimension_numbers = #tpu.dot_dimension_numbers<[1], [0], [0], [1], [0, 0, 1, 1], [], []>, transpose_lhs_hint = false} : vector<128x64xf32>, vector<64x128xf32>, vector<128x128xf32> -> vector<128x128xf32>
    %slice3A_581 = vector.extract_strided_slice %mul3A_60 {offsets = [0, 0], sizes = [1, 128], strides = [1, 1]} : vector<1x1024xf32> to vector<1x128xf32>
    %add3A_582 = vector.broadcast %slice3A_577 : vector<128x1xf32> to vector<128x128xf32>
    %add3A_583 = vector.broadcast %slice3A_581 : vector<1x128xf32> to vector<128x128xf32>
    %add3A_584 = arith.addf %add3A_582, %add3A_583 : vector<128x128xf32>
    %add3A_585 = arith.addf %add3A_584, %dot_general3A_580 : vector<128x128xf32>
    %slice3A_586 = vector.extract_strided_slice %get3A_53 {offsets = [0, 128], sizes = [64, 128], strides = [1, 1]} : vector<64x1024xf32> to vector<64x128xf32>
    %dot_general3A_587 = arith.constant dense<0.000000e+00> : vector<128x128xf32>
    %dot_general3A_588 = tpu.matmul %slice3A_576, %slice3A_586, %dot_general3A_587 {dimension_numbers = #tpu.dot_dimension_numbers<[1], [0], [0], [1], [0, 0, 1, 1], [], []>, transpose_lhs_hint = false} : vector<128x64xf32>, vector<64x128xf32>, vector<128x128xf32> -> vector<128x128xf32>
    %slice3A_589 = vector.extract_strided_slice %mul3A_60 {offsets = [0, 128], sizes = [1, 128], strides = [1, 1]} : vector<1x1024xf32> to vector<1x128xf32>
    %add3A_590 = vector.broadcast %slice3A_577 : vector<128x1xf32> to vector<128x128xf32>
    %add3A_591 = vector.broadcast %slice3A_589 : vector<1x128xf32> to vector<128x128xf32>
    %add3A_592 = arith.addf %add3A_590, %add3A_591 : vector<128x128xf32>
    %add3A_593 = arith.addf %add3A_592, %dot_general3A_588 : vector<128x128xf32>
    %lt3A_594 = arith.cmpf olt, %add3A_593, %add3A_585 : vector<128x128xf32>
    %select_n3A_595 = arith.select %lt3A_594, %add3A_593, %add3A_585 : vector<128x128xi1>, vector<128x128xf32>
    %add3A_596 = arith.constant 128 : i32
    %add3A_597 = vector.broadcast %add3A_596 : i32 to vector<128x128xi32>
    %add3A_598 = arith.addi %iota3A, %add3A_597 : vector<128x128xi32>
    %select_n3A_599 = arith.select %lt3A_594, %add3A_598, %iota3A : vector<128x128xi1>, vector<128x128xi32>
    %slice3A_600 = vector.extract_strided_slice %get3A_53 {offsets = [0, 256], sizes = [64, 128], strides = [1, 1]} : vector<64x1024xf32> to vector<64x128xf32>
    %dot_general3A_601 = arith.constant dense<0.000000e+00> : vector<128x128xf32>
    %dot_general3A_602 = tpu.matmul %slice3A_576, %slice3A_600, %dot_general3A_601 {dimension_numbers = #tpu.dot_dimension_numbers<[1], [0], [0], [1], [0, 0, 1, 1], [], []>, transpose_lhs_hint = false} : vector<128x64xf32>, vector<64x128xf32>, vector<128x128xf32> -> vector<128x128xf32>
    %slice3A_603 = vector.extract_strided_slice %mul3A_60 {offsets = [0, 256], sizes = [1, 128], strides = [1, 1]} : vector<1x1024xf32> to vector<1x128xf32>
    %add3A_604 = vector.broadcast %slice3A_577 : vector<128x1xf32> to vector<128x128xf32>
    %add3A_605 = vector.broadcast %slice3A_603 : vector<1x128xf32> to vector<128x128xf32>
    %add3A_606 = arith.addf %add3A_604, %add3A_605 : vector<128x128xf32>
    %add3A_607 = arith.addf %add3A_606, %dot_general3A_602 : vector<128x128xf32>
    %lt3A_608 = arith.cmpf olt, %add3A_607, %select_n3A_595 : vector<128x128xf32>
    %select_n3A_609 = arith.select %lt3A_608, %add3A_607, %select_n3A_595 : vector<128x128xi1>, vector<128x128xf32>
    %add3A_610 = arith.constant 256 : i32
    %add3A_611 = vector.broadcast %add3A_610 : i32 to vector<128x128xi32>
    %add3A_612 = arith.addi %iota3A, %add3A_611 : vector<128x128xi32>
    %select_n3A_613 = arith.select %lt3A_608, %add3A_612, %select_n3A_599 : vector<128x128xi1>, vector<128x128xi32>
    %slice3A_614 = vector.extract_strided_slice %get3A_53 {offsets = [0, 384], sizes = [64, 128], strides = [1, 1]} : vector<64x1024xf32> to vector<64x128xf32>
    %dot_general3A_615 = arith.constant dense<0.000000e+00> : vector<128x128xf32>
    %dot_general3A_616 = tpu.matmul %slice3A_576, %slice3A_614, %dot_general3A_615 {dimension_numbers = #tpu.dot_dimension_numbers<[1], [0], [0], [1], [0, 0, 1, 1], [], []>, transpose_lhs_hint = false} : vector<128x64xf32>, vector<64x128xf32>, vector<128x128xf32> -> vector<128x128xf32>
    %slice3A_617 = vector.extract_strided_slice %mul3A_60 {offsets = [0, 384], sizes = [1, 128], strides = [1, 1]} : vector<1x1024xf32> to vector<1x128xf32>
    %add3A_618 = vector.broadcast %slice3A_577 : vector<128x1xf32> to vector<128x128xf32>
    %add3A_619 = vector.broadcast %slice3A_617 : vector<1x128xf32> to vector<128x128xf32>
    %add3A_620 = arith.addf %add3A_618, %add3A_619 : vector<128x128xf32>
    %add3A_621 = arith.addf %add3A_620, %dot_general3A_616 : vector<128x128xf32>
    %lt3A_622 = arith.cmpf olt, %add3A_621, %select_n3A_609 : vector<128x128xf32>
    %select_n3A_623 = arith.select %lt3A_622, %add3A_621, %select_n3A_609 : vector<128x128xi1>, vector<128x128xf32>
    %add3A_624 = arith.constant 384 : i32
    %add3A_625 = vector.broadcast %add3A_624 : i32 to vector<128x128xi32>
    %add3A_626 = arith.addi %iota3A, %add3A_625 : vector<128x128xi32>
    %select_n3A_627 = arith.select %lt3A_622, %add3A_626, %select_n3A_613 : vector<128x128xi1>, vector<128x128xi32>
    %slice3A_628 = vector.extract_strided_slice %get3A_53 {offsets = [0, 512], sizes = [64, 128], strides = [1, 1]} : vector<64x1024xf32> to vector<64x128xf32>
    %dot_general3A_629 = arith.constant dense<0.000000e+00> : vector<128x128xf32>
    %dot_general3A_630 = tpu.matmul %slice3A_576, %slice3A_628, %dot_general3A_629 {dimension_numbers = #tpu.dot_dimension_numbers<[1], [0], [0], [1], [0, 0, 1, 1], [], []>, transpose_lhs_hint = false} : vector<128x64xf32>, vector<64x128xf32>, vector<128x128xf32> -> vector<128x128xf32>
    %slice3A_631 = vector.extract_strided_slice %mul3A_60 {offsets = [0, 512], sizes = [1, 128], strides = [1, 1]} : vector<1x1024xf32> to vector<1x128xf32>
    %add3A_632 = vector.broadcast %slice3A_577 : vector<128x1xf32> to vector<128x128xf32>
    %add3A_633 = vector.broadcast %slice3A_631 : vector<1x128xf32> to vector<128x128xf32>
    %add3A_634 = arith.addf %add3A_632, %add3A_633 : vector<128x128xf32>
    %add3A_635 = arith.addf %add3A_634, %dot_general3A_630 : vector<128x128xf32>
    %lt3A_636 = arith.cmpf olt, %add3A_635, %select_n3A_623 : vector<128x128xf32>
    %select_n3A_637 = arith.select %lt3A_636, %add3A_635, %select_n3A_623 : vector<128x128xi1>, vector<128x128xf32>
    %add3A_638 = arith.constant 512 : i32
    %add3A_639 = vector.broadcast %add3A_638 : i32 to vector<128x128xi32>
    %add3A_640 = arith.addi %iota3A, %add3A_639 : vector<128x128xi32>
    %select_n3A_641 = arith.select %lt3A_636, %add3A_640, %select_n3A_627 : vector<128x128xi1>, vector<128x128xi32>
    %slice3A_642 = vector.extract_strided_slice %get3A_53 {offsets = [0, 640], sizes = [64, 128], strides = [1, 1]} : vector<64x1024xf32> to vector<64x128xf32>
    %dot_general3A_643 = arith.constant dense<0.000000e+00> : vector<128x128xf32>
    %dot_general3A_644 = tpu.matmul %slice3A_576, %slice3A_642, %dot_general3A_643 {dimension_numbers = #tpu.dot_dimension_numbers<[1], [0], [0], [1], [0, 0, 1, 1], [], []>, transpose_lhs_hint = false} : vector<128x64xf32>, vector<64x128xf32>, vector<128x128xf32> -> vector<128x128xf32>
    %slice3A_645 = vector.extract_strided_slice %mul3A_60 {offsets = [0, 640], sizes = [1, 128], strides = [1, 1]} : vector<1x1024xf32> to vector<1x128xf32>
    %add3A_646 = vector.broadcast %slice3A_577 : vector<128x1xf32> to vector<128x128xf32>
    %add3A_647 = vector.broadcast %slice3A_645 : vector<1x128xf32> to vector<128x128xf32>
    %add3A_648 = arith.addf %add3A_646, %add3A_647 : vector<128x128xf32>
    %add3A_649 = arith.addf %add3A_648, %dot_general3A_644 : vector<128x128xf32>
    %lt3A_650 = arith.cmpf olt, %add3A_649, %select_n3A_637 : vector<128x128xf32>
    %select_n3A_651 = arith.select %lt3A_650, %add3A_649, %select_n3A_637 : vector<128x128xi1>, vector<128x128xf32>
    %add3A_652 = arith.constant 640 : i32
    %add3A_653 = vector.broadcast %add3A_652 : i32 to vector<128x128xi32>
    %add3A_654 = arith.addi %iota3A, %add3A_653 : vector<128x128xi32>
    %select_n3A_655 = arith.select %lt3A_650, %add3A_654, %select_n3A_641 : vector<128x128xi1>, vector<128x128xi32>
    %slice3A_656 = vector.extract_strided_slice %get3A_53 {offsets = [0, 768], sizes = [64, 128], strides = [1, 1]} : vector<64x1024xf32> to vector<64x128xf32>
    %dot_general3A_657 = arith.constant dense<0.000000e+00> : vector<128x128xf32>
    %dot_general3A_658 = tpu.matmul %slice3A_576, %slice3A_656, %dot_general3A_657 {dimension_numbers = #tpu.dot_dimension_numbers<[1], [0], [0], [1], [0, 0, 1, 1], [], []>, transpose_lhs_hint = false} : vector<128x64xf32>, vector<64x128xf32>, vector<128x128xf32> -> vector<128x128xf32>
    %slice3A_659 = vector.extract_strided_slice %mul3A_60 {offsets = [0, 768], sizes = [1, 128], strides = [1, 1]} : vector<1x1024xf32> to vector<1x128xf32>
    %add3A_660 = vector.broadcast %slice3A_577 : vector<128x1xf32> to vector<128x128xf32>
    %add3A_661 = vector.broadcast %slice3A_659 : vector<1x128xf32> to vector<128x128xf32>
    %add3A_662 = arith.addf %add3A_660, %add3A_661 : vector<128x128xf32>
    %add3A_663 = arith.addf %add3A_662, %dot_general3A_658 : vector<128x128xf32>
    %lt3A_664 = arith.cmpf olt, %add3A_663, %select_n3A_651 : vector<128x128xf32>
    %select_n3A_665 = arith.select %lt3A_664, %add3A_663, %select_n3A_651 : vector<128x128xi1>, vector<128x128xf32>
    %add3A_666 = arith.constant 768 : i32
    %add3A_667 = vector.broadcast %add3A_666 : i32 to vector<128x128xi32>
    %add3A_668 = arith.addi %iota3A, %add3A_667 : vector<128x128xi32>
    %select_n3A_669 = arith.select %lt3A_664, %add3A_668, %select_n3A_655 : vector<128x128xi1>, vector<128x128xi32>
    %slice3A_670 = vector.extract_strided_slice %get3A_53 {offsets = [0, 896], sizes = [64, 128], strides = [1, 1]} : vector<64x1024xf32> to vector<64x128xf32>
    %dot_general3A_671 = arith.constant dense<0.000000e+00> : vector<128x128xf32>
    %dot_general3A_672 = tpu.matmul %slice3A_576, %slice3A_670, %dot_general3A_671 {dimension_numbers = #tpu.dot_dimension_numbers<[1], [0], [0], [1], [0, 0, 1, 1], [], []>, transpose_lhs_hint = false} : vector<128x64xf32>, vector<64x128xf32>, vector<128x128xf32> -> vector<128x128xf32>
    %slice3A_673 = vector.extract_strided_slice %mul3A_60 {offsets = [0, 896], sizes = [1, 128], strides = [1, 1]} : vector<1x1024xf32> to vector<1x128xf32>
    %add3A_674 = vector.broadcast %slice3A_577 : vector<128x1xf32> to vector<128x128xf32>
    %add3A_675 = vector.broadcast %slice3A_673 : vector<1x128xf32> to vector<128x128xf32>
    %add3A_676 = arith.addf %add3A_674, %add3A_675 : vector<128x128xf32>
    %add3A_677 = arith.addf %add3A_676, %dot_general3A_672 : vector<128x128xf32>
    %lt3A_678 = arith.cmpf olt, %add3A_677, %select_n3A_665 : vector<128x128xf32>
    %select_n3A_679 = arith.select %lt3A_678, %add3A_677, %select_n3A_665 : vector<128x128xi1>, vector<128x128xf32>
    %add3A_680 = arith.constant 896 : i32
    %add3A_681 = vector.broadcast %add3A_680 : i32 to vector<128x128xi32>
    %add3A_682 = arith.addi %iota3A, %add3A_681 : vector<128x128xi32>
    %select_n3A_683 = arith.select %lt3A_678, %add3A_682, %select_n3A_669 : vector<128x128xi1>, vector<128x128xi32>
    %reduce_min3A_684 = arith.constant dense<0x7F800000> : vector<128xf32>
    %reduce_min3A_685 = vector.multi_reduction <minimumf>, %select_n3A_679, %reduce_min3A_684 [1] : vector<128x128xf32> to vector<128xf32>
    %broadcast_in_dim3A_686 = vector.shape_cast %reduce_min3A_685 : vector<128xf32> to vector<128x1xf32>
    %eq3A_687 = vector.broadcast %broadcast_in_dim3A_686 : vector<128x1xf32> to vector<128x128xf32>
    %eq3A_688 = arith.cmpf oeq, %select_n3A_679, %eq3A_687 : vector<128x128xf32>
    %jit3A_689 = arith.constant 1024 : i32
    %broadcast_in_dim3A_690 = vector.broadcast %jit3A_689 : i32 to vector<128x128xi32>
    %select_n3A_691 = arith.select %eq3A_688, %select_n3A_683, %broadcast_in_dim3A_690 : vector<128x128xi1>, vector<128x128xi32>
    %reduce_min3A_692 = arith.constant dense<2147483647> : vector<128xi32>
    %reduce_min3A_693 = vector.multi_reduction <minsi>, %select_n3A_691, %reduce_min3A_692 [1] : vector<128x128xi32> to vector<128xi32>
    %swap3A_694 = arith.constant 0 : index
    %swap3A_695 = arith.constant 0 : index
    %swap3A_696 = arith.constant 512 : index
    %swap3A_697 = vector.load %arg3[%swap3A_694, %swap3A_695, %swap3A_696] : memref<1x1x1024xi32, #tpu.memory_space<vmem>>, vector<1x1x128xi32>
    %swap3A_698 = vector.shape_cast %swap3A_697 : vector<1x1x128xi32> to vector<128xi32>
    %swap3A_699 = vector.shape_cast %reduce_min3A_693 : vector<128xi32> to vector<1x1x128xi32>
    tpu.vector_store %arg3[%swap3A_694, %swap3A_695, %swap3A_696], %swap3A_699 {strides = array<i32>} : memref<1x1x1024xi32, #tpu.memory_space<vmem>>, vector<1x1x128xi32>,
    %reduce_sum3A_700 = vector.shape_cast %broadcast_in_dim3A_686 : vector<128x1xf32> to vector<1x128x1xf32>
    %reduce_sum3A_701 = arith.constant dense<0.000000e+00> : vector<1xf32>
    %reduce_sum3A_702 = vector.multi_reduction <add>, %reduce_sum3A_700, %reduce_sum3A_701 [1, 2] : vector<1x128x1xf32> to vector<1xf32>
    %reduce_sum3A_703 = vector.shape_cast %reduce_sum3A_702 : vector<1xf32> to vector<1x1x1xf32>
    %reduce_sum3A_704 = vector.extract %reduce_sum3A_703[0, 0, 0] : f32 from vector<1x1x1xf32>
    %add3A_705 = arith.addf %add3A_575, %reduce_sum3A_704 : f32
    %slice3A_706 = vector.extract_strided_slice %get3A_49 {offsets = [640, 0], sizes = [128, 64], strides = [1, 1]} : vector<1024x64xf32> to vector<128x64xf32>
    %slice3A_707 = vector.extract_strided_slice %broadcast_in_dim3A {offsets = [640, 0], sizes = [128, 1], strides = [1, 1]} : vector<1024x1xf32> to vector<128x1xf32>
    %slice3A_708 = vector.extract_strided_slice %get3A_53 {offsets = [0, 0], sizes = [64, 128], strides = [1, 1]} : vector<64x1024xf32> to vector<64x128xf32>
    %dot_general3A_709 = arith.constant dense<0.000000e+00> : vector<128x128xf32>
    %dot_general3A_710 = tpu.matmul %slice3A_706, %slice3A_708, %dot_general3A_709 {dimension_numbers = #tpu.dot_dimension_numbers<[1], [0], [0], [1], [0, 0, 1, 1], [], []>, transpose_lhs_hint = false} : vector<128x64xf32>, vector<64x128xf32>, vector<128x128xf32> -> vector<128x128xf32>
    %slice3A_711 = vector.extract_strided_slice %mul3A_60 {offsets = [0, 0], sizes = [1, 128], strides = [1, 1]} : vector<1x1024xf32> to vector<1x128xf32>
    %add3A_712 = vector.broadcast %slice3A_707 : vector<128x1xf32> to vector<128x128xf32>
    %add3A_713 = vector.broadcast %slice3A_711 : vector<1x128xf32> to vector<128x128xf32>
    %add3A_714 = arith.addf %add3A_712, %add3A_713 : vector<128x128xf32>
    %add3A_715 = arith.addf %add3A_714, %dot_general3A_710 : vector<128x128xf32>
    %slice3A_716 = vector.extract_strided_slice %get3A_53 {offsets = [0, 128], sizes = [64, 128], strides = [1, 1]} : vector<64x1024xf32> to vector<64x128xf32>
    %dot_general3A_717 = arith.constant dense<0.000000e+00> : vector<128x128xf32>
    %dot_general3A_718 = tpu.matmul %slice3A_706, %slice3A_716, %dot_general3A_717 {dimension_numbers = #tpu.dot_dimension_numbers<[1], [0], [0], [1], [0, 0, 1, 1], [], []>, transpose_lhs_hint = false} : vector<128x64xf32>, vector<64x128xf32>, vector<128x128xf32> -> vector<128x128xf32>
    %slice3A_719 = vector.extract_strided_slice %mul3A_60 {offsets = [0, 128], sizes = [1, 128], strides = [1, 1]} : vector<1x1024xf32> to vector<1x128xf32>
    %add3A_720 = vector.broadcast %slice3A_707 : vector<128x1xf32> to vector<128x128xf32>
    %add3A_721 = vector.broadcast %slice3A_719 : vector<1x128xf32> to vector<128x128xf32>
    %add3A_722 = arith.addf %add3A_720, %add3A_721 : vector<128x128xf32>
    %add3A_723 = arith.addf %add3A_722, %dot_general3A_718 : vector<128x128xf32>
    %lt3A_724 = arith.cmpf olt, %add3A_723, %add3A_715 : vector<128x128xf32>
    %select_n3A_725 = arith.select %lt3A_724, %add3A_723, %add3A_715 : vector<128x128xi1>, vector<128x128xf32>
    %add3A_726 = arith.constant 128 : i32
    %add3A_727 = vector.broadcast %add3A_726 : i32 to vector<128x128xi32>
    %add3A_728 = arith.addi %iota3A, %add3A_727 : vector<128x128xi32>
    %select_n3A_729 = arith.select %lt3A_724, %add3A_728, %iota3A : vector<128x128xi1>, vector<128x128xi32>
    %slice3A_730 = vector.extract_strided_slice %get3A_53 {offsets = [0, 256], sizes = [64, 128], strides = [1, 1]} : vector<64x1024xf32> to vector<64x128xf32>
    %dot_general3A_731 = arith.constant dense<0.000000e+00> : vector<128x128xf32>
    %dot_general3A_732 = tpu.matmul %slice3A_706, %slice3A_730, %dot_general3A_731 {dimension_numbers = #tpu.dot_dimension_numbers<[1], [0], [0], [1], [0, 0, 1, 1], [], []>, transpose_lhs_hint = false} : vector<128x64xf32>, vector<64x128xf32>, vector<128x128xf32> -> vector<128x128xf32>
    %slice3A_733 = vector.extract_strided_slice %mul3A_60 {offsets = [0, 256], sizes = [1, 128], strides = [1, 1]} : vector<1x1024xf32> to vector<1x128xf32>
    %add3A_734 = vector.broadcast %slice3A_707 : vector<128x1xf32> to vector<128x128xf32>
    %add3A_735 = vector.broadcast %slice3A_733 : vector<1x128xf32> to vector<128x128xf32>
    %add3A_736 = arith.addf %add3A_734, %add3A_735 : vector<128x128xf32>
    %add3A_737 = arith.addf %add3A_736, %dot_general3A_732 : vector<128x128xf32>
    %lt3A_738 = arith.cmpf olt, %add3A_737, %select_n3A_725 : vector<128x128xf32>
    %select_n3A_739 = arith.select %lt3A_738, %add3A_737, %select_n3A_725 : vector<128x128xi1>, vector<128x128xf32>
    %add3A_740 = arith.constant 256 : i32
    %add3A_741 = vector.broadcast %add3A_740 : i32 to vector<128x128xi32>
    %add3A_742 = arith.addi %iota3A, %add3A_741 : vector<128x128xi32>
    %select_n3A_743 = arith.select %lt3A_738, %add3A_742, %select_n3A_729 : vector<128x128xi1>, vector<128x128xi32>
    %slice3A_744 = vector.extract_strided_slice %get3A_53 {offsets = [0, 384], sizes = [64, 128], strides = [1, 1]} : vector<64x1024xf32> to vector<64x128xf32>
    %dot_general3A_745 = arith.constant dense<0.000000e+00> : vector<128x128xf32>
    %dot_general3A_746 = tpu.matmul %slice3A_706, %slice3A_744, %dot_general3A_745 {dimension_numbers = #tpu.dot_dimension_numbers<[1], [0], [0], [1], [0, 0, 1, 1], [], []>, transpose_lhs_hint = false} : vector<128x64xf32>, vector<64x128xf32>, vector<128x128xf32> -> vector<128x128xf32>
    %slice3A_747 = vector.extract_strided_slice %mul3A_60 {offsets = [0, 384], sizes = [1, 128], strides = [1, 1]} : vector<1x1024xf32> to vector<1x128xf32>
    %add3A_748 = vector.broadcast %slice3A_707 : vector<128x1xf32> to vector<128x128xf32>
    %add3A_749 = vector.broadcast %slice3A_747 : vector<1x128xf32> to vector<128x128xf32>
    %add3A_750 = arith.addf %add3A_748, %add3A_749 : vector<128x128xf32>
    %add3A_751 = arith.addf %add3A_750, %dot_general3A_746 : vector<128x128xf32>
    %lt3A_752 = arith.cmpf olt, %add3A_751, %select_n3A_739 : vector<128x128xf32>
    %select_n3A_753 = arith.select %lt3A_752, %add3A_751, %select_n3A_739 : vector<128x128xi1>, vector<128x128xf32>
    %add3A_754 = arith.constant 384 : i32
    %add3A_755 = vector.broadcast %add3A_754 : i32 to vector<128x128xi32>
    %add3A_756 = arith.addi %iota3A, %add3A_755 : vector<128x128xi32>
    %select_n3A_757 = arith.select %lt3A_752, %add3A_756, %select_n3A_743 : vector<128x128xi1>, vector<128x128xi32>
    %slice3A_758 = vector.extract_strided_slice %get3A_53 {offsets = [0, 512], sizes = [64, 128], strides = [1, 1]} : vector<64x1024xf32> to vector<64x128xf32>
    %dot_general3A_759 = arith.constant dense<0.000000e+00> : vector<128x128xf32>
    %dot_general3A_760 = tpu.matmul %slice3A_706, %slice3A_758, %dot_general3A_759 {dimension_numbers = #tpu.dot_dimension_numbers<[1], [0], [0], [1], [0, 0, 1, 1], [], []>, transpose_lhs_hint = false} : vector<128x64xf32>, vector<64x128xf32>, vector<128x128xf32> -> vector<128x128xf32>
    %slice3A_761 = vector.extract_strided_slice %mul3A_60 {offsets = [0, 512], sizes = [1, 128], strides = [1, 1]} : vector<1x1024xf32> to vector<1x128xf32>
    %add3A_762 = vector.broadcast %slice3A_707 : vector<128x1xf32> to vector<128x128xf32>
    %add3A_763 = vector.broadcast %slice3A_761 : vector<1x128xf32> to vector<128x128xf32>
    %add3A_764 = arith.addf %add3A_762, %add3A_763 : vector<128x128xf32>
    %add3A_765 = arith.addf %add3A_764, %dot_general3A_760 : vector<128x128xf32>
    %lt3A_766 = arith.cmpf olt, %add3A_765, %select_n3A_753 : vector<128x128xf32>
    %select_n3A_767 = arith.select %lt3A_766, %add3A_765, %select_n3A_753 : vector<128x128xi1>, vector<128x128xf32>
    %add3A_768 = arith.constant 512 : i32
    %add3A_769 = vector.broadcast %add3A_768 : i32 to vector<128x128xi32>
    %add3A_770 = arith.addi %iota3A, %add3A_769 : vector<128x128xi32>
    %select_n3A_771 = arith.select %lt3A_766, %add3A_770, %select_n3A_757 : vector<128x128xi1>, vector<128x128xi32>
    %slice3A_772 = vector.extract_strided_slice %get3A_53 {offsets = [0, 640], sizes = [64, 128], strides = [1, 1]} : vector<64x1024xf32> to vector<64x128xf32>
    %dot_general3A_773 = arith.constant dense<0.000000e+00> : vector<128x128xf32>
    %dot_general3A_774 = tpu.matmul %slice3A_706, %slice3A_772, %dot_general3A_773 {dimension_numbers = #tpu.dot_dimension_numbers<[1], [0], [0], [1], [0, 0, 1, 1], [], []>, transpose_lhs_hint = false} : vector<128x64xf32>, vector<64x128xf32>, vector<128x128xf32> -> vector<128x128xf32>
    %slice3A_775 = vector.extract_strided_slice %mul3A_60 {offsets = [0, 640], sizes = [1, 128], strides = [1, 1]} : vector<1x1024xf32> to vector<1x128xf32>
    %add3A_776 = vector.broadcast %slice3A_707 : vector<128x1xf32> to vector<128x128xf32>
    %add3A_777 = vector.broadcast %slice3A_775 : vector<1x128xf32> to vector<128x128xf32>
    %add3A_778 = arith.addf %add3A_776, %add3A_777 : vector<128x128xf32>
    %add3A_779 = arith.addf %add3A_778, %dot_general3A_774 : vector<128x128xf32>
    %lt3A_780 = arith.cmpf olt, %add3A_779, %select_n3A_767 : vector<128x128xf32>
    %select_n3A_781 = arith.select %lt3A_780, %add3A_779, %select_n3A_767 : vector<128x128xi1>, vector<128x128xf32>
    %add3A_782 = arith.constant 640 : i32
    %add3A_783 = vector.broadcast %add3A_782 : i32 to vector<128x128xi32>
    %add3A_784 = arith.addi %iota3A, %add3A_783 : vector<128x128xi32>
    %select_n3A_785 = arith.select %lt3A_780, %add3A_784, %select_n3A_771 : vector<128x128xi1>, vector<128x128xi32>
    %slice3A_786 = vector.extract_strided_slice %get3A_53 {offsets = [0, 768], sizes = [64, 128], strides = [1, 1]} : vector<64x1024xf32> to vector<64x128xf32>
    %dot_general3A_787 = arith.constant dense<0.000000e+00> : vector<128x128xf32>
    %dot_general3A_788 = tpu.matmul %slice3A_706, %slice3A_786, %dot_general3A_787 {dimension_numbers = #tpu.dot_dimension_numbers<[1], [0], [0], [1], [0, 0, 1, 1], [], []>, transpose_lhs_hint = false} : vector<128x64xf32>, vector<64x128xf32>, vector<128x128xf32> -> vector<128x128xf32>
    %slice3A_789 = vector.extract_strided_slice %mul3A_60 {offsets = [0, 768], sizes = [1, 128], strides = [1, 1]} : vector<1x1024xf32> to vector<1x128xf32>
    %add3A_790 = vector.broadcast %slice3A_707 : vector<128x1xf32> to vector<128x128xf32>
    %add3A_791 = vector.broadcast %slice3A_789 : vector<1x128xf32> to vector<128x128xf32>
    %add3A_792 = arith.addf %add3A_790, %add3A_791 : vector<128x128xf32>
    %add3A_793 = arith.addf %add3A_792, %dot_general3A_788 : vector<128x128xf32>
    %lt3A_794 = arith.cmpf olt, %add3A_793, %select_n3A_781 : vector<128x128xf32>
    %select_n3A_795 = arith.select %lt3A_794, %add3A_793, %select_n3A_781 : vector<128x128xi1>, vector<128x128xf32>
    %add3A_796 = arith.constant 768 : i32
    %add3A_797 = vector.broadcast %add3A_796 : i32 to vector<128x128xi32>
    %add3A_798 = arith.addi %iota3A, %add3A_797 : vector<128x128xi32>
    %select_n3A_799 = arith.select %lt3A_794, %add3A_798, %select_n3A_785 : vector<128x128xi1>, vector<128x128xi32>
    %slice3A_800 = vector.extract_strided_slice %get3A_53 {offsets = [0, 896], sizes = [64, 128], strides = [1, 1]} : vector<64x1024xf32> to vector<64x128xf32>
    %dot_general3A_801 = arith.constant dense<0.000000e+00> : vector<128x128xf32>
    %dot_general3A_802 = tpu.matmul %slice3A_706, %slice3A_800, %dot_general3A_801 {dimension_numbers = #tpu.dot_dimension_numbers<[1], [0], [0], [1], [0, 0, 1, 1], [], []>, transpose_lhs_hint = false} : vector<128x64xf32>, vector<64x128xf32>, vector<128x128xf32> -> vector<128x128xf32>
    %slice3A_803 = vector.extract_strided_slice %mul3A_60 {offsets = [0, 896], sizes = [1, 128], strides = [1, 1]} : vector<1x1024xf32> to vector<1x128xf32>
    %add3A_804 = vector.broadcast %slice3A_707 : vector<128x1xf32> to vector<128x128xf32>
    %add3A_805 = vector.broadcast %slice3A_803 : vector<1x128xf32> to vector<128x128xf32>
    %add3A_806 = arith.addf %add3A_804, %add3A_805 : vector<128x128xf32>
    %add3A_807 = arith.addf %add3A_806, %dot_general3A_802 : vector<128x128xf32>
    %lt3A_808 = arith.cmpf olt, %add3A_807, %select_n3A_795 : vector<128x128xf32>
    %select_n3A_809 = arith.select %lt3A_808, %add3A_807, %select_n3A_795 : vector<128x128xi1>, vector<128x128xf32>
    %add3A_810 = arith.constant 896 : i32
    %add3A_811 = vector.broadcast %add3A_810 : i32 to vector<128x128xi32>
    %add3A_812 = arith.addi %iota3A, %add3A_811 : vector<128x128xi32>
    %select_n3A_813 = arith.select %lt3A_808, %add3A_812, %select_n3A_799 : vector<128x128xi1>, vector<128x128xi32>
    %reduce_min3A_814 = arith.constant dense<0x7F800000> : vector<128xf32>
    %reduce_min3A_815 = vector.multi_reduction <minimumf>, %select_n3A_809, %reduce_min3A_814 [1] : vector<128x128xf32> to vector<128xf32>
    %broadcast_in_dim3A_816 = vector.shape_cast %reduce_min3A_815 : vector<128xf32> to vector<128x1xf32>
    %eq3A_817 = vector.broadcast %broadcast_in_dim3A_816 : vector<128x1xf32> to vector<128x128xf32>
    %eq3A_818 = arith.cmpf oeq, %select_n3A_809, %eq3A_817 : vector<128x128xf32>
    %jit3A_819 = arith.constant 1024 : i32
    %broadcast_in_dim3A_820 = vector.broadcast %jit3A_819 : i32 to vector<128x128xi32>
    %select_n3A_821 = arith.select %eq3A_818, %select_n3A_813, %broadcast_in_dim3A_820 : vector<128x128xi1>, vector<128x128xi32>
    %reduce_min3A_822 = arith.constant dense<2147483647> : vector<128xi32>
    %reduce_min3A_823 = vector.multi_reduction <minsi>, %select_n3A_821, %reduce_min3A_822 [1] : vector<128x128xi32> to vector<128xi32>
    %swap3A_824 = arith.constant 0 : index
    %swap3A_825 = arith.constant 0 : index
    %swap3A_826 = arith.constant 640 : index
    %swap3A_827 = vector.load %arg3[%swap3A_824, %swap3A_825, %swap3A_826] : memref<1x1x1024xi32, #tpu.memory_space<vmem>>, vector<1x1x128xi32>
    %swap3A_828 = vector.shape_cast %swap3A_827 : vector<1x1x128xi32> to vector<128xi32>
    %swap3A_829 = vector.shape_cast %reduce_min3A_823 : vector<128xi32> to vector<1x1x128xi32>
    tpu.vector_store %arg3[%swap3A_824, %swap3A_825, %swap3A_826], %swap3A_829 {strides = array<i32>} : memref<1x1x1024xi32, #tpu.memory_space<vmem>>, vector<1x1x128xi32>,
    %reduce_sum3A_830 = vector.shape_cast %broadcast_in_dim3A_816 : vector<128x1xf32> to vector<1x128x1xf32>
    %reduce_sum3A_831 = arith.constant dense<0.000000e+00> : vector<1xf32>
    %reduce_sum3A_832 = vector.multi_reduction <add>, %reduce_sum3A_830, %reduce_sum3A_831 [1, 2] : vector<1x128x1xf32> to vector<1xf32>
    %reduce_sum3A_833 = vector.shape_cast %reduce_sum3A_832 : vector<1xf32> to vector<1x1x1xf32>
    %reduce_sum3A_834 = vector.extract %reduce_sum3A_833[0, 0, 0] : f32 from vector<1x1x1xf32>
    %add3A_835 = arith.addf %add3A_705, %reduce_sum3A_834 : f32
    %slice3A_836 = vector.extract_strided_slice %get3A_49 {offsets = [768, 0], sizes = [128, 64], strides = [1, 1]} : vector<1024x64xf32> to vector<128x64xf32>
    %slice3A_837 = vector.extract_strided_slice %broadcast_in_dim3A {offsets = [768, 0], sizes = [128, 1], strides = [1, 1]} : vector<1024x1xf32> to vector<128x1xf32>
    %slice3A_838 = vector.extract_strided_slice %get3A_53 {offsets = [0, 0], sizes = [64, 128], strides = [1, 1]} : vector<64x1024xf32> to vector<64x128xf32>
    %dot_general3A_839 = arith.constant dense<0.000000e+00> : vector<128x128xf32>
    %dot_general3A_840 = tpu.matmul %slice3A_836, %slice3A_838, %dot_general3A_839 {dimension_numbers = #tpu.dot_dimension_numbers<[1], [0], [0], [1], [0, 0, 1, 1], [], []>, transpose_lhs_hint = false} : vector<128x64xf32>, vector<64x128xf32>, vector<128x128xf32> -> vector<128x128xf32>
    %slice3A_841 = vector.extract_strided_slice %mul3A_60 {offsets = [0, 0], sizes = [1, 128], strides = [1, 1]} : vector<1x1024xf32> to vector<1x128xf32>
    %add3A_842 = vector.broadcast %slice3A_837 : vector<128x1xf32> to vector<128x128xf32>
    %add3A_843 = vector.broadcast %slice3A_841 : vector<1x128xf32> to vector<128x128xf32>
    %add3A_844 = arith.addf %add3A_842, %add3A_843 : vector<128x128xf32>
    %add3A_845 = arith.addf %add3A_844, %dot_general3A_840 : vector<128x128xf32>
    %slice3A_846 = vector.extract_strided_slice %get3A_53 {offsets = [0, 128], sizes = [64, 128], strides = [1, 1]} : vector<64x1024xf32> to vector<64x128xf32>
    %dot_general3A_847 = arith.constant dense<0.000000e+00> : vector<128x128xf32>
    %dot_general3A_848 = tpu.matmul %slice3A_836, %slice3A_846, %dot_general3A_847 {dimension_numbers = #tpu.dot_dimension_numbers<[1], [0], [0], [1], [0, 0, 1, 1], [], []>, transpose_lhs_hint = false} : vector<128x64xf32>, vector<64x128xf32>, vector<128x128xf32> -> vector<128x128xf32>
    %slice3A_849 = vector.extract_strided_slice %mul3A_60 {offsets = [0, 128], sizes = [1, 128], strides = [1, 1]} : vector<1x1024xf32> to vector<1x128xf32>
    %add3A_850 = vector.broadcast %slice3A_837 : vector<128x1xf32> to vector<128x128xf32>
    %add3A_851 = vector.broadcast %slice3A_849 : vector<1x128xf32> to vector<128x128xf32>
    %add3A_852 = arith.addf %add3A_850, %add3A_851 : vector<128x128xf32>
    %add3A_853 = arith.addf %add3A_852, %dot_general3A_848 : vector<128x128xf32>
    %lt3A_854 = arith.cmpf olt, %add3A_853, %add3A_845 : vector<128x128xf32>
    %select_n3A_855 = arith.select %lt3A_854, %add3A_853, %add3A_845 : vector<128x128xi1>, vector<128x128xf32>
    %add3A_856 = arith.constant 128 : i32
    %add3A_857 = vector.broadcast %add3A_856 : i32 to vector<128x128xi32>
    %add3A_858 = arith.addi %iota3A, %add3A_857 : vector<128x128xi32>
    %select_n3A_859 = arith.select %lt3A_854, %add3A_858, %iota3A : vector<128x128xi1>, vector<128x128xi32>
    %slice3A_860 = vector.extract_strided_slice %get3A_53 {offsets = [0, 256], sizes = [64, 128], strides = [1, 1]} : vector<64x1024xf32> to vector<64x128xf32>
    %dot_general3A_861 = arith.constant dense<0.000000e+00> : vector<128x128xf32>
    %dot_general3A_862 = tpu.matmul %slice3A_836, %slice3A_860, %dot_general3A_861 {dimension_numbers = #tpu.dot_dimension_numbers<[1], [0], [0], [1], [0, 0, 1, 1], [], []>, transpose_lhs_hint = false} : vector<128x64xf32>, vector<64x128xf32>, vector<128x128xf32> -> vector<128x128xf32>
    %slice3A_863 = vector.extract_strided_slice %mul3A_60 {offsets = [0, 256], sizes = [1, 128], strides = [1, 1]} : vector<1x1024xf32> to vector<1x128xf32>
    %add3A_864 = vector.broadcast %slice3A_837 : vector<128x1xf32> to vector<128x128xf32>
    %add3A_865 = vector.broadcast %slice3A_863 : vector<1x128xf32> to vector<128x128xf32>
    %add3A_866 = arith.addf %add3A_864, %add3A_865 : vector<128x128xf32>
    %add3A_867 = arith.addf %add3A_866, %dot_general3A_862 : vector<128x128xf32>
    %lt3A_868 = arith.cmpf olt, %add3A_867, %select_n3A_855 : vector<128x128xf32>
    %select_n3A_869 = arith.select %lt3A_868, %add3A_867, %select_n3A_855 : vector<128x128xi1>, vector<128x128xf32>
    %add3A_870 = arith.constant 256 : i32
    %add3A_871 = vector.broadcast %add3A_870 : i32 to vector<128x128xi32>
    %add3A_872 = arith.addi %iota3A, %add3A_871 : vector<128x128xi32>
    %select_n3A_873 = arith.select %lt3A_868, %add3A_872, %select_n3A_859 : vector<128x128xi1>, vector<128x128xi32>
    %slice3A_874 = vector.extract_strided_slice %get3A_53 {offsets = [0, 384], sizes = [64, 128], strides = [1, 1]} : vector<64x1024xf32> to vector<64x128xf32>
    %dot_general3A_875 = arith.constant dense<0.000000e+00> : vector<128x128xf32>
    %dot_general3A_876 = tpu.matmul %slice3A_836, %slice3A_874, %dot_general3A_875 {dimension_numbers = #tpu.dot_dimension_numbers<[1], [0], [0], [1], [0, 0, 1, 1], [], []>, transpose_lhs_hint = false} : vector<128x64xf32>, vector<64x128xf32>, vector<128x128xf32> -> vector<128x128xf32>
    %slice3A_877 = vector.extract_strided_slice %mul3A_60 {offsets = [0, 384], sizes = [1, 128], strides = [1, 1]} : vector<1x1024xf32> to vector<1x128xf32>
    %add3A_878 = vector.broadcast %slice3A_837 : vector<128x1xf32> to vector<128x128xf32>
    %add3A_879 = vector.broadcast %slice3A_877 : vector<1x128xf32> to vector<128x128xf32>
    %add3A_880 = arith.addf %add3A_878, %add3A_879 : vector<128x128xf32>
    %add3A_881 = arith.addf %add3A_880, %dot_general3A_876 : vector<128x128xf32>
    %lt3A_882 = arith.cmpf olt, %add3A_881, %select_n3A_869 : vector<128x128xf32>
    %select_n3A_883 = arith.select %lt3A_882, %add3A_881, %select_n3A_869 : vector<128x128xi1>, vector<128x128xf32>
    %add3A_884 = arith.constant 384 : i32
    %add3A_885 = vector.broadcast %add3A_884 : i32 to vector<128x128xi32>
    %add3A_886 = arith.addi %iota3A, %add3A_885 : vector<128x128xi32>
    %select_n3A_887 = arith.select %lt3A_882, %add3A_886, %select_n3A_873 : vector<128x128xi1>, vector<128x128xi32>
    %slice3A_888 = vector.extract_strided_slice %get3A_53 {offsets = [0, 512], sizes = [64, 128], strides = [1, 1]} : vector<64x1024xf32> to vector<64x128xf32>
    %dot_general3A_889 = arith.constant dense<0.000000e+00> : vector<128x128xf32>
    %dot_general3A_890 = tpu.matmul %slice3A_836, %slice3A_888, %dot_general3A_889 {dimension_numbers = #tpu.dot_dimension_numbers<[1], [0], [0], [1], [0, 0, 1, 1], [], []>, transpose_lhs_hint = false} : vector<128x64xf32>, vector<64x128xf32>, vector<128x128xf32> -> vector<128x128xf32>
    %slice3A_891 = vector.extract_strided_slice %mul3A_60 {offsets = [0, 512], sizes = [1, 128], strides = [1, 1]} : vector<1x1024xf32> to vector<1x128xf32>
    %add3A_892 = vector.broadcast %slice3A_837 : vector<128x1xf32> to vector<128x128xf32>
    %add3A_893 = vector.broadcast %slice3A_891 : vector<1x128xf32> to vector<128x128xf32>
    %add3A_894 = arith.addf %add3A_892, %add3A_893 : vector<128x128xf32>
    %add3A_895 = arith.addf %add3A_894, %dot_general3A_890 : vector<128x128xf32>
    %lt3A_896 = arith.cmpf olt, %add3A_895, %select_n3A_883 : vector<128x128xf32>
    %select_n3A_897 = arith.select %lt3A_896, %add3A_895, %select_n3A_883 : vector<128x128xi1>, vector<128x128xf32>
    %add3A_898 = arith.constant 512 : i32
    %add3A_899 = vector.broadcast %add3A_898 : i32 to vector<128x128xi32>
    %add3A_900 = arith.addi %iota3A, %add3A_899 : vector<128x128xi32>
    %select_n3A_901 = arith.select %lt3A_896, %add3A_900, %select_n3A_887 : vector<128x128xi1>, vector<128x128xi32>
    %slice3A_902 = vector.extract_strided_slice %get3A_53 {offsets = [0, 640], sizes = [64, 128], strides = [1, 1]} : vector<64x1024xf32> to vector<64x128xf32>
    %dot_general3A_903 = arith.constant dense<0.000000e+00> : vector<128x128xf32>
    %dot_general3A_904 = tpu.matmul %slice3A_836, %slice3A_902, %dot_general3A_903 {dimension_numbers = #tpu.dot_dimension_numbers<[1], [0], [0], [1], [0, 0, 1, 1], [], []>, transpose_lhs_hint = false} : vector<128x64xf32>, vector<64x128xf32>, vector<128x128xf32> -> vector<128x128xf32>
    %slice3A_905 = vector.extract_strided_slice %mul3A_60 {offsets = [0, 640], sizes = [1, 128], strides = [1, 1]} : vector<1x1024xf32> to vector<1x128xf32>
    %add3A_906 = vector.broadcast %slice3A_837 : vector<128x1xf32> to vector<128x128xf32>
    %add3A_907 = vector.broadcast %slice3A_905 : vector<1x128xf32> to vector<128x128xf32>
    %add3A_908 = arith.addf %add3A_906, %add3A_907 : vector<128x128xf32>
    %add3A_909 = arith.addf %add3A_908, %dot_general3A_904 : vector<128x128xf32>
    %lt3A_910 = arith.cmpf olt, %add3A_909, %select_n3A_897 : vector<128x128xf32>
    %select_n3A_911 = arith.select %lt3A_910, %add3A_909, %select_n3A_897 : vector<128x128xi1>, vector<128x128xf32>
    %add3A_912 = arith.constant 640 : i32
    %add3A_913 = vector.broadcast %add3A_912 : i32 to vector<128x128xi32>
    %add3A_914 = arith.addi %iota3A, %add3A_913 : vector<128x128xi32>
    %select_n3A_915 = arith.select %lt3A_910, %add3A_914, %select_n3A_901 : vector<128x128xi1>, vector<128x128xi32>
    %slice3A_916 = vector.extract_strided_slice %get3A_53 {offsets = [0, 768], sizes = [64, 128], strides = [1, 1]} : vector<64x1024xf32> to vector<64x128xf32>
    %dot_general3A_917 = arith.constant dense<0.000000e+00> : vector<128x128xf32>
    %dot_general3A_918 = tpu.matmul %slice3A_836, %slice3A_916, %dot_general3A_917 {dimension_numbers = #tpu.dot_dimension_numbers<[1], [0], [0], [1], [0, 0, 1, 1], [], []>, transpose_lhs_hint = false} : vector<128x64xf32>, vector<64x128xf32>, vector<128x128xf32> -> vector<128x128xf32>
    %slice3A_919 = vector.extract_strided_slice %mul3A_60 {offsets = [0, 768], sizes = [1, 128], strides = [1, 1]} : vector<1x1024xf32> to vector<1x128xf32>
    %add3A_920 = vector.broadcast %slice3A_837 : vector<128x1xf32> to vector<128x128xf32>
    %add3A_921 = vector.broadcast %slice3A_919 : vector<1x128xf32> to vector<128x128xf32>
    %add3A_922 = arith.addf %add3A_920, %add3A_921 : vector<128x128xf32>
    %add3A_923 = arith.addf %add3A_922, %dot_general3A_918 : vector<128x128xf32>
    %lt3A_924 = arith.cmpf olt, %add3A_923, %select_n3A_911 : vector<128x128xf32>
    %select_n3A_925 = arith.select %lt3A_924, %add3A_923, %select_n3A_911 : vector<128x128xi1>, vector<128x128xf32>
    %add3A_926 = arith.constant 768 : i32
    %add3A_927 = vector.broadcast %add3A_926 : i32 to vector<128x128xi32>
    %add3A_928 = arith.addi %iota3A, %add3A_927 : vector<128x128xi32>
    %select_n3A_929 = arith.select %lt3A_924, %add3A_928, %select_n3A_915 : vector<128x128xi1>, vector<128x128xi32>
    %slice3A_930 = vector.extract_strided_slice %get3A_53 {offsets = [0, 896], sizes = [64, 128], strides = [1, 1]} : vector<64x1024xf32> to vector<64x128xf32>
    %dot_general3A_931 = arith.constant dense<0.000000e+00> : vector<128x128xf32>
    %dot_general3A_932 = tpu.matmul %slice3A_836, %slice3A_930, %dot_general3A_931 {dimension_numbers = #tpu.dot_dimension_numbers<[1], [0], [0], [1], [0, 0, 1, 1], [], []>, transpose_lhs_hint = false} : vector<128x64xf32>, vector<64x128xf32>, vector<128x128xf32> -> vector<128x128xf32>
    %slice3A_933 = vector.extract_strided_slice %mul3A_60 {offsets = [0, 896], sizes = [1, 128], strides = [1, 1]} : vector<1x1024xf32> to vector<1x128xf32>
    %add3A_934 = vector.broadcast %slice3A_837 : vector<128x1xf32> to vector<128x128xf32>
    %add3A_935 = vector.broadcast %slice3A_933 : vector<1x128xf32> to vector<128x128xf32>
    %add3A_936 = arith.addf %add3A_934, %add3A_935 : vector<128x128xf32>
    %add3A_937 = arith.addf %add3A_936, %dot_general3A_932 : vector<128x128xf32>
    %lt3A_938 = arith.cmpf olt, %add3A_937, %select_n3A_925 : vector<128x128xf32>
    %select_n3A_939 = arith.select %lt3A_938, %add3A_937, %select_n3A_925 : vector<128x128xi1>, vector<128x128xf32>
    %add3A_940 = arith.constant 896 : i32
    %add3A_941 = vector.broadcast %add3A_940 : i32 to vector<128x128xi32>
    %add3A_942 = arith.addi %iota3A, %add3A_941 : vector<128x128xi32>
    %select_n3A_943 = arith.select %lt3A_938, %add3A_942, %select_n3A_929 : vector<128x128xi1>, vector<128x128xi32>
    %reduce_min3A_944 = arith.constant dense<0x7F800000> : vector<128xf32>
    %reduce_min3A_945 = vector.multi_reduction <minimumf>, %select_n3A_939, %reduce_min3A_944 [1] : vector<128x128xf32> to vector<128xf32>
    %broadcast_in_dim3A_946 = vector.shape_cast %reduce_min3A_945 : vector<128xf32> to vector<128x1xf32>
    %eq3A_947 = vector.broadcast %broadcast_in_dim3A_946 : vector<128x1xf32> to vector<128x128xf32>
    %eq3A_948 = arith.cmpf oeq, %select_n3A_939, %eq3A_947 : vector<128x128xf32>
    %jit3A_949 = arith.constant 1024 : i32
    %broadcast_in_dim3A_950 = vector.broadcast %jit3A_949 : i32 to vector<128x128xi32>
    %select_n3A_951 = arith.select %eq3A_948, %select_n3A_943, %broadcast_in_dim3A_950 : vector<128x128xi1>, vector<128x128xi32>
    %reduce_min3A_952 = arith.constant dense<2147483647> : vector<128xi32>
    %reduce_min3A_953 = vector.multi_reduction <minsi>, %select_n3A_951, %reduce_min3A_952 [1] : vector<128x128xi32> to vector<128xi32>
    %swap3A_954 = arith.constant 0 : index
    %swap3A_955 = arith.constant 0 : index
    %swap3A_956 = arith.constant 768 : index
    %swap3A_957 = vector.load %arg3[%swap3A_954, %swap3A_955, %swap3A_956] : memref<1x1x1024xi32, #tpu.memory_space<vmem>>, vector<1x1x128xi32>
    %swap3A_958 = vector.shape_cast %swap3A_957 : vector<1x1x128xi32> to vector<128xi32>
    %swap3A_959 = vector.shape_cast %reduce_min3A_953 : vector<128xi32> to vector<1x1x128xi32>
    tpu.vector_store %arg3[%swap3A_954, %swap3A_955, %swap3A_956], %swap3A_959 {strides = array<i32>} : memref<1x1x1024xi32, #tpu.memory_space<vmem>>, vector<1x1x128xi32>,
    %reduce_sum3A_960 = vector.shape_cast %broadcast_in_dim3A_946 : vector<128x1xf32> to vector<1x128x1xf32>
    %reduce_sum3A_961 = arith.constant dense<0.000000e+00> : vector<1xf32>
    %reduce_sum3A_962 = vector.multi_reduction <add>, %reduce_sum3A_960, %reduce_sum3A_961 [1, 2] : vector<1x128x1xf32> to vector<1xf32>
    %reduce_sum3A_963 = vector.shape_cast %reduce_sum3A_962 : vector<1xf32> to vector<1x1x1xf32>
    %reduce_sum3A_964 = vector.extract %reduce_sum3A_963[0, 0, 0] : f32 from vector<1x1x1xf32>
    %add3A_965 = arith.addf %add3A_835, %reduce_sum3A_964 : f32
    %slice3A_966 = vector.extract_strided_slice %get3A_49 {offsets = [896, 0], sizes = [128, 64], strides = [1, 1]} : vector<1024x64xf32> to vector<128x64xf32>
    %slice3A_967 = vector.extract_strided_slice %broadcast_in_dim3A {offsets = [896, 0], sizes = [128, 1], strides = [1, 1]} : vector<1024x1xf32> to vector<128x1xf32>
    %slice3A_968 = vector.extract_strided_slice %get3A_53 {offsets = [0, 0], sizes = [64, 128], strides = [1, 1]} : vector<64x1024xf32> to vector<64x128xf32>
    %dot_general3A_969 = arith.constant dense<0.000000e+00> : vector<128x128xf32>
    %dot_general3A_970 = tpu.matmul %slice3A_966, %slice3A_968, %dot_general3A_969 {dimension_numbers = #tpu.dot_dimension_numbers<[1], [0], [0], [1], [0, 0, 1, 1], [], []>, transpose_lhs_hint = false} : vector<128x64xf32>, vector<64x128xf32>, vector<128x128xf32> -> vector<128x128xf32>
    %slice3A_971 = vector.extract_strided_slice %mul3A_60 {offsets = [0, 0], sizes = [1, 128], strides = [1, 1]} : vector<1x1024xf32> to vector<1x128xf32>
    %add3A_972 = vector.broadcast %slice3A_967 : vector<128x1xf32> to vector<128x128xf32>
    %add3A_973 = vector.broadcast %slice3A_971 : vector<1x128xf32> to vector<128x128xf32>
    %add3A_974 = arith.addf %add3A_972, %add3A_973 : vector<128x128xf32>
    %add3A_975 = arith.addf %add3A_974, %dot_general3A_970 : vector<128x128xf32>
    %slice3A_976 = vector.extract_strided_slice %get3A_53 {offsets = [0, 128], sizes = [64, 128], strides = [1, 1]} : vector<64x1024xf32> to vector<64x128xf32>
    %dot_general3A_977 = arith.constant dense<0.000000e+00> : vector<128x128xf32>
    %dot_general3A_978 = tpu.matmul %slice3A_966, %slice3A_976, %dot_general3A_977 {dimension_numbers = #tpu.dot_dimension_numbers<[1], [0], [0], [1], [0, 0, 1, 1], [], []>, transpose_lhs_hint = false} : vector<128x64xf32>, vector<64x128xf32>, vector<128x128xf32> -> vector<128x128xf32>
    %slice3A_979 = vector.extract_strided_slice %mul3A_60 {offsets = [0, 128], sizes = [1, 128], strides = [1, 1]} : vector<1x1024xf32> to vector<1x128xf32>
    %add3A_980 = vector.broadcast %slice3A_967 : vector<128x1xf32> to vector<128x128xf32>
    %add3A_981 = vector.broadcast %slice3A_979 : vector<1x128xf32> to vector<128x128xf32>
    %add3A_982 = arith.addf %add3A_980, %add3A_981 : vector<128x128xf32>
    %add3A_983 = arith.addf %add3A_982, %dot_general3A_978 : vector<128x128xf32>
    %lt3A_984 = arith.cmpf olt, %add3A_983, %add3A_975 : vector<128x128xf32>
    %select_n3A_985 = arith.select %lt3A_984, %add3A_983, %add3A_975 : vector<128x128xi1>, vector<128x128xf32>
    %add3A_986 = arith.constant 128 : i32
    %add3A_987 = vector.broadcast %add3A_986 : i32 to vector<128x128xi32>
    %add3A_988 = arith.addi %iota3A, %add3A_987 : vector<128x128xi32>
    %select_n3A_989 = arith.select %lt3A_984, %add3A_988, %iota3A : vector<128x128xi1>, vector<128x128xi32>
    %slice3A_990 = vector.extract_strided_slice %get3A_53 {offsets = [0, 256], sizes = [64, 128], strides = [1, 1]} : vector<64x1024xf32> to vector<64x128xf32>
    %dot_general3A_991 = arith.constant dense<0.000000e+00> : vector<128x128xf32>
    %dot_general3A_992 = tpu.matmul %slice3A_966, %slice3A_990, %dot_general3A_991 {dimension_numbers = #tpu.dot_dimension_numbers<[1], [0], [0], [1], [0, 0, 1, 1], [], []>, transpose_lhs_hint = false} : vector<128x64xf32>, vector<64x128xf32>, vector<128x128xf32> -> vector<128x128xf32>
    %slice3A_993 = vector.extract_strided_slice %mul3A_60 {offsets = [0, 256], sizes = [1, 128], strides = [1, 1]} : vector<1x1024xf32> to vector<1x128xf32>
    %add3A_994 = vector.broadcast %slice3A_967 : vector<128x1xf32> to vector<128x128xf32>
    %add3A_995 = vector.broadcast %slice3A_993 : vector<1x128xf32> to vector<128x128xf32>
    %add3A_996 = arith.addf %add3A_994, %add3A_995 : vector<128x128xf32>
    %add3A_997 = arith.addf %add3A_996, %dot_general3A_992 : vector<128x128xf32>
    %lt3A_998 = arith.cmpf olt, %add3A_997, %select_n3A_985 : vector<128x128xf32>
    %select_n3A_999 = arith.select %lt3A_998, %add3A_997, %select_n3A_985 : vector<128x128xi1>, vector<128x128xf32>
    %add3A_1000 = arith.constant 256 : i32
    %add3A_1001 = vector.broadcast %add3A_1000 : i32 to vector<128x128xi32>
    %add3A_1002 = arith.addi %iota3A, %add3A_1001 : vector<128x128xi32>
    %select_n3A_1003 = arith.select %lt3A_998, %add3A_1002, %select_n3A_989 : vector<128x128xi1>, vector<128x128xi32>
    %slice3A_1004 = vector.extract_strided_slice %get3A_53 {offsets = [0, 384], sizes = [64, 128], strides = [1, 1]} : vector<64x1024xf32> to vector<64x128xf32>
    %dot_general3A_1005 = arith.constant dense<0.000000e+00> : vector<128x128xf32>
    %dot_general3A_1006 = tpu.matmul %slice3A_966, %slice3A_1004, %dot_general3A_1005 {dimension_numbers = #tpu.dot_dimension_numbers<[1], [0], [0], [1], [0, 0, 1, 1], [], []>, transpose_lhs_hint = false} : vector<128x64xf32>, vector<64x128xf32>, vector<128x128xf32> -> vector<128x128xf32>
    %slice3A_1007 = vector.extract_strided_slice %mul3A_60 {offsets = [0, 384], sizes = [1, 128], strides = [1, 1]} : vector<1x1024xf32> to vector<1x128xf32>
    %add3A_1008 = vector.broadcast %slice3A_967 : vector<128x1xf32> to vector<128x128xf32>
    %add3A_1009 = vector.broadcast %slice3A_1007 : vector<1x128xf32> to vector<128x128xf32>
    %add3A_1010 = arith.addf %add3A_1008, %add3A_1009 : vector<128x128xf32>
    %add3A_1011 = arith.addf %add3A_1010, %dot_general3A_1006 : vector<128x128xf32>
    %lt3A_1012 = arith.cmpf olt, %add3A_1011, %select_n3A_999 : vector<128x128xf32>
    %select_n3A_1013 = arith.select %lt3A_1012, %add3A_1011, %select_n3A_999 : vector<128x128xi1>, vector<128x128xf32>
    %add3A_1014 = arith.constant 384 : i32
    %add3A_1015 = vector.broadcast %add3A_1014 : i32 to vector<128x128xi32>
    %add3A_1016 = arith.addi %iota3A, %add3A_1015 : vector<128x128xi32>
    %select_n3A_1017 = arith.select %lt3A_1012, %add3A_1016, %select_n3A_1003 : vector<128x128xi1>, vector<128x128xi32>
    %slice3A_1018 = vector.extract_strided_slice %get3A_53 {offsets = [0, 512], sizes = [64, 128], strides = [1, 1]} : vector<64x1024xf32> to vector<64x128xf32>
    %dot_general3A_1019 = arith.constant dense<0.000000e+00> : vector<128x128xf32>
    %dot_general3A_1020 = tpu.matmul %slice3A_966, %slice3A_1018, %dot_general3A_1019 {dimension_numbers = #tpu.dot_dimension_numbers<[1], [0], [0], [1], [0, 0, 1, 1], [], []>, transpose_lhs_hint = false} : vector<128x64xf32>, vector<64x128xf32>, vector<128x128xf32> -> vector<128x128xf32>
    %slice3A_1021 = vector.extract_strided_slice %mul3A_60 {offsets = [0, 512], sizes = [1, 128], strides = [1, 1]} : vector<1x1024xf32> to vector<1x128xf32>
    %add3A_1022 = vector.broadcast %slice3A_967 : vector<128x1xf32> to vector<128x128xf32>
    %add3A_1023 = vector.broadcast %slice3A_1021 : vector<1x128xf32> to vector<128x128xf32>
    %add3A_1024 = arith.addf %add3A_1022, %add3A_1023 : vector<128x128xf32>
    %add3A_1025 = arith.addf %add3A_1024, %dot_general3A_1020 : vector<128x128xf32>
    %lt3A_1026 = arith.cmpf olt, %add3A_1025, %select_n3A_1013 : vector<128x128xf32>
    %select_n3A_1027 = arith.select %lt3A_1026, %add3A_1025, %select_n3A_1013 : vector<128x128xi1>, vector<128x128xf32>
    %add3A_1028 = arith.constant 512 : i32
    %add3A_1029 = vector.broadcast %add3A_1028 : i32 to vector<128x128xi32>
    %add3A_1030 = arith.addi %iota3A, %add3A_1029 : vector<128x128xi32>
    %select_n3A_1031 = arith.select %lt3A_1026, %add3A_1030, %select_n3A_1017 : vector<128x128xi1>, vector<128x128xi32>
    %slice3A_1032 = vector.extract_strided_slice %get3A_53 {offsets = [0, 640], sizes = [64, 128], strides = [1, 1]} : vector<64x1024xf32> to vector<64x128xf32>
    %dot_general3A_1033 = arith.constant dense<0.000000e+00> : vector<128x128xf32>
    %dot_general3A_1034 = tpu.matmul %slice3A_966, %slice3A_1032, %dot_general3A_1033 {dimension_numbers = #tpu.dot_dimension_numbers<[1], [0], [0], [1], [0, 0, 1, 1], [], []>, transpose_lhs_hint = false} : vector<128x64xf32>, vector<64x128xf32>, vector<128x128xf32> -> vector<128x128xf32>
    %slice3A_1035 = vector.extract_strided_slice %mul3A_60 {offsets = [0, 640], sizes = [1, 128], strides = [1, 1]} : vector<1x1024xf32> to vector<1x128xf32>
    %add3A_1036 = vector.broadcast %slice3A_967 : vector<128x1xf32> to vector<128x128xf32>
    %add3A_1037 = vector.broadcast %slice3A_1035 : vector<1x128xf32> to vector<128x128xf32>
    %add3A_1038 = arith.addf %add3A_1036, %add3A_1037 : vector<128x128xf32>
    %add3A_1039 = arith.addf %add3A_1038, %dot_general3A_1034 : vector<128x128xf32>
    %lt3A_1040 = arith.cmpf olt, %add3A_1039, %select_n3A_1027 : vector<128x128xf32>
    %select_n3A_1041 = arith.select %lt3A_1040, %add3A_1039, %select_n3A_1027 : vector<128x128xi1>, vector<128x128xf32>
    %add3A_1042 = arith.constant 640 : i32
    %add3A_1043 = vector.broadcast %add3A_1042 : i32 to vector<128x128xi32>
    %add3A_1044 = arith.addi %iota3A, %add3A_1043 : vector<128x128xi32>
    %select_n3A_1045 = arith.select %lt3A_1040, %add3A_1044, %select_n3A_1031 : vector<128x128xi1>, vector<128x128xi32>
    %slice3A_1046 = vector.extract_strided_slice %get3A_53 {offsets = [0, 768], sizes = [64, 128], strides = [1, 1]} : vector<64x1024xf32> to vector<64x128xf32>
    %dot_general3A_1047 = arith.constant dense<0.000000e+00> : vector<128x128xf32>
    %dot_general3A_1048 = tpu.matmul %slice3A_966, %slice3A_1046, %dot_general3A_1047 {dimension_numbers = #tpu.dot_dimension_numbers<[1], [0], [0], [1], [0, 0, 1, 1], [], []>, transpose_lhs_hint = false} : vector<128x64xf32>, vector<64x128xf32>, vector<128x128xf32> -> vector<128x128xf32>
    %slice3A_1049 = vector.extract_strided_slice %mul3A_60 {offsets = [0, 768], sizes = [1, 128], strides = [1, 1]} : vector<1x1024xf32> to vector<1x128xf32>
    %add3A_1050 = vector.broadcast %slice3A_967 : vector<128x1xf32> to vector<128x128xf32>
    %add3A_1051 = vector.broadcast %slice3A_1049 : vector<1x128xf32> to vector<128x128xf32>
    %add3A_1052 = arith.addf %add3A_1050, %add3A_1051 : vector<128x128xf32>
    %add3A_1053 = arith.addf %add3A_1052, %dot_general3A_1048 : vector<128x128xf32>
    %lt3A_1054 = arith.cmpf olt, %add3A_1053, %select_n3A_1041 : vector<128x128xf32>
    %select_n3A_1055 = arith.select %lt3A_1054, %add3A_1053, %select_n3A_1041 : vector<128x128xi1>, vector<128x128xf32>
    %add3A_1056 = arith.constant 768 : i32
    %add3A_1057 = vector.broadcast %add3A_1056 : i32 to vector<128x128xi32>
    %add3A_1058 = arith.addi %iota3A, %add3A_1057 : vector<128x128xi32>
    %select_n3A_1059 = arith.select %lt3A_1054, %add3A_1058, %select_n3A_1045 : vector<128x128xi1>, vector<128x128xi32>
    %slice3A_1060 = vector.extract_strided_slice %get3A_53 {offsets = [0, 896], sizes = [64, 128], strides = [1, 1]} : vector<64x1024xf32> to vector<64x128xf32>
    %dot_general3A_1061 = arith.constant dense<0.000000e+00> : vector<128x128xf32>
    %dot_general3A_1062 = tpu.matmul %slice3A_966, %slice3A_1060, %dot_general3A_1061 {dimension_numbers = #tpu.dot_dimension_numbers<[1], [0], [0], [1], [0, 0, 1, 1], [], []>, transpose_lhs_hint = false} : vector<128x64xf32>, vector<64x128xf32>, vector<128x128xf32> -> vector<128x128xf32>
    %slice3A_1063 = vector.extract_strided_slice %mul3A_60 {offsets = [0, 896], sizes = [1, 128], strides = [1, 1]} : vector<1x1024xf32> to vector<1x128xf32>
    %add3A_1064 = vector.broadcast %slice3A_967 : vector<128x1xf32> to vector<128x128xf32>
    %add3A_1065 = vector.broadcast %slice3A_1063 : vector<1x128xf32> to vector<128x128xf32>
    %add3A_1066 = arith.addf %add3A_1064, %add3A_1065 : vector<128x128xf32>
    %add3A_1067 = arith.addf %add3A_1066, %dot_general3A_1062 : vector<128x128xf32>
    %lt3A_1068 = arith.cmpf olt, %add3A_1067, %select_n3A_1055 : vector<128x128xf32>
    %select_n3A_1069 = arith.select %lt3A_1068, %add3A_1067, %select_n3A_1055 : vector<128x128xi1>, vector<128x128xf32>
    %add3A_1070 = arith.constant 896 : i32
    %add3A_1071 = vector.broadcast %add3A_1070 : i32 to vector<128x128xi32>
    %add3A_1072 = arith.addi %iota3A, %add3A_1071 : vector<128x128xi32>
    %select_n3A_1073 = arith.select %lt3A_1068, %add3A_1072, %select_n3A_1059 : vector<128x128xi1>, vector<128x128xi32>
    %reduce_min3A_1074 = arith.constant dense<0x7F800000> : vector<128xf32>
    %reduce_min3A_1075 = vector.multi_reduction <minimumf>, %select_n3A_1069, %reduce_min3A_1074 [1] : vector<128x128xf32> to vector<128xf32>
    %broadcast_in_dim3A_1076 = vector.shape_cast %reduce_min3A_1075 : vector<128xf32> to vector<128x1xf32>
    %eq3A_1077 = vector.broadcast %broadcast_in_dim3A_1076 : vector<128x1xf32> to vector<128x128xf32>
    %eq3A_1078 = arith.cmpf oeq, %select_n3A_1069, %eq3A_1077 : vector<128x128xf32>
    %jit3A_1079 = arith.constant 1024 : i32
    %broadcast_in_dim3A_1080 = vector.broadcast %jit3A_1079 : i32 to vector<128x128xi32>
    %select_n3A_1081 = arith.select %eq3A_1078, %select_n3A_1073, %broadcast_in_dim3A_1080 : vector<128x128xi1>, vector<128x128xi32>
    %reduce_min3A_1082 = arith.constant dense<2147483647> : vector<128xi32>
    %reduce_min3A_1083 = vector.multi_reduction <minsi>, %select_n3A_1081, %reduce_min3A_1082 [1] : vector<128x128xi32> to vector<128xi32>
    %swap3A_1084 = arith.constant 0 : index
    %swap3A_1085 = arith.constant 0 : index
    %swap3A_1086 = arith.constant 896 : index
    %swap3A_1087 = vector.load %arg3[%swap3A_1084, %swap3A_1085, %swap3A_1086] : memref<1x1x1024xi32, #tpu.memory_space<vmem>>, vector<1x1x128xi32>
    %swap3A_1088 = vector.shape_cast %swap3A_1087 : vector<1x1x128xi32> to vector<128xi32>
    %swap3A_1089 = vector.shape_cast %reduce_min3A_1083 : vector<128xi32> to vector<1x1x128xi32>
    tpu.vector_store %arg3[%swap3A_1084, %swap3A_1085, %swap3A_1086], %swap3A_1089 {strides = array<i32>} : memref<1x1x1024xi32, #tpu.memory_space<vmem>>, vector<1x1x128xi32>,
    %reduce_sum3A_1090 = vector.shape_cast %broadcast_in_dim3A_1076 : vector<128x1xf32> to vector<1x128x1xf32>
    %reduce_sum3A_1091 = arith.constant dense<0.000000e+00> : vector<1xf32>
    %reduce_sum3A_1092 = vector.multi_reduction <add>, %reduce_sum3A_1090, %reduce_sum3A_1091 [1, 2] : vector<1x128x1xf32> to vector<1xf32>
    %reduce_sum3A_1093 = vector.shape_cast %reduce_sum3A_1092 : vector<1xf32> to vector<1x1x1xf32>
    %reduce_sum3A_1094 = vector.extract %reduce_sum3A_1093[0, 0, 0] : f32 from vector<1x1x1xf32>
    %add3A_1095 = arith.addf %add3A_965, %reduce_sum3A_1094 : f32
    %eq3A_1096 = arith.constant 0 : i32
    %eq3A_1097 = arith.cmpi eq, %arg0, %eq3A_1096 : i32
    %convert_element_type3A_1098 = arith.extui %eq3A_1097 : i1 to i32
    %cond3A_1099 = arith.constant 0 : i32
    %cond3A_1100 = arith.cmpi ne, %convert_element_type3A_1098, %cond3A_1099 : i32
    scf.if %cond3A_1100 {
      %swap3A_1108 = arith.constant 0.000000e+00 : f32
      %swap3A_1109 = arith.constant 0 : index
      %swap3A_1110 = arith.constant 0 : index
      %swap3A_1111 = memref.load %arg4[%swap3A_1109, %swap3A_1110] : memref<1x1xf32, #tpu.memory_space<smem>>
      memref.store %swap3A_1108, %arg4[%swap3A_1109, %swap3A_1110] : memref<1x1xf32, #tpu.memory_space<smem>>
    } else {
    }
    %get3A_1101 = arith.constant 0 : index
    %get3A_1102 = arith.constant 0 : index
    %get3A_1103 = memref.load %arg4[%get3A_1101, %get3A_1102] : memref<1x1xf32, #tpu.memory_space<smem>>
    %add3A_1104 = arith.addf %get3A_1103, %add3A_1095 : f32
    %swap3A_1105 = arith.constant 0 : index
    %swap3A_1106 = arith.constant 0 : index
    %swap3A_1107 = memref.load %arg4[%swap3A_1105, %swap3A_1106] : memref<1x1xf32, #tpu.memory_space<smem>>
    memref.store %add3A_1104, %arg4[%swap3A_1105, %swap3A_1106] : memref<1x1xf32, #tpu.memory_space<smem>>
    return
  }
  func.func @transform_1(%arg0: i32) -> (i32, i32) {
    %c0_i32 = arith.constant 0 : i32
    %c0_i32_0 = arith.constant 0 : i32
    %c0_i32_1 = arith.constant 0 : i32
    return %c0_i32, %c0_i32_0 : i32, i32
  }
  func.func @transform_2(%arg0: i32) -> (i32, i32, i32) {
    %c0_i32 = arith.constant 0 : i32
    %c0_i32_0 = arith.constant 0 : i32
    %c0_i32_1 = arith.constant 0 : i32
    return %arg0, %c0_i32, %c0_i32_0 : i32, i32, i32
  }
  func.func @transform_3(%arg0: i32) -> (i32, i32) {
    %c0_i32 = arith.constant 0 : i32
    %c0_i32_0 = arith.constant 0 : i32
    %c0_i32_1 = arith.constant 0 : i32
    return %c0_i32, %c0_i32_0 : i32, i32
  }
}

module attributes {stable_mosaic.version = 14 : i64} {
  func.func @_tc_body(%arg0: i32, %arg1: memref<16x1024x64xf32, #tpu.memory_space<hbm>>, %arg2: memref<64x1024xf32, #tpu.memory_space<vmem>>, %arg3: memref<1x1x1024xi32, #tpu.memory_space<vmem>>, %arg4: memref<1x1xf32, #tpu.memory_space<smem>>, %arg5: memref<2x1x1024x64xf32, #tpu.memory_space<vmem>>, %arg6: memref<2x!tpu.dma_semaphore, #tpu.memory_space<semaphore_mem>>) attributes {dimension_semantics = [#tpu.dimension_semantics<arbitrary>], iteration_bounds = array<i64: 8>, scalar_prefetch = 0 : i64, scratch_operands = 2 : i64, tpu.core_type = #tpu.core_type<tc>, window_params = [{}, {pipeline_mode = #tpu.pipeline_mode<synchronous>, transform_indices = @transform_1, window_bounds = array<i64: 64, 1024>}, {transform_indices = @transform_2, window_bounds = array<i64: 1, 1, 1024>}, {transform_indices = @transform_3, window_bounds = array<i64: 1, 1>}]} {
    %eq3A = arith.constant 0 : i32
    %eq3A_0 = arith.cmpi eq, %arg0, %eq3A : i32
    %convert_element_type3A = arith.extui %eq3A_0 : i1 to i32
    %cond3A = arith.constant 0 : i32
    %cond3A_1 = arith.cmpi ne, %convert_element_type3A, %cond3A : i32
    scf.if %cond3A_1 {
      %dma_start3A = arith.constant 0 : i32
      %dma_start3A_1108 = arith.constant 0 : i32
      %dma_start3A_1109 = tpu.memref_slice %arg6[%dma_start3A_1108] : memref<2x!tpu.dma_semaphore, #tpu.memory_space<semaphore_mem>> -> memref<1x!tpu.dma_semaphore, #tpu.memory_space<semaphore_mem>>
      %dma_start3A_1110 = tpu.memref_squeeze %dma_start3A_1109 : memref<1x!tpu.dma_semaphore, #tpu.memory_space<semaphore_mem>> -> memref<!tpu.dma_semaphore, #tpu.memory_space<semaphore_mem>>
      %dma_start3A_1111 = arith.constant 0 : i32
      %dma_start3A_1112 = arith.constant 0 : i32
      %dma_start3A_1113 = arith.constant 0 : i32
      %dma_start3A_1114 = tpu.memref_slice %arg5[%dma_start3A, %dma_start3A_1111, %dma_start3A_1112, %dma_start3A_1113] : memref<2x1x1024x64xf32, #tpu.memory_space<vmem>> -> memref<1x1x1024x64xf32, #tpu.memory_space<vmem>>
      %dma_start3A_1115 = tpu.memref_squeeze %dma_start3A_1114 : memref<1x1x1024x64xf32, #tpu.memory_space<vmem>> -> memref<1x1024x64xf32, #tpu.memory_space<vmem>>
      %dma_start3A_1116 = arith.constant 8 : i32
      %dma_start3A_1117 = arith.constant 0 : i32
      %dma_start3A_1118 = arith.constant 0 : i32
      %dma_start3A_1119 = tpu.memref_slice %arg1[%dma_start3A_1116, %dma_start3A_1117, %dma_start3A_1118] : memref<16x1024x64xf32, #tpu.memory_space<hbm>> -> memref<1x1024x64xf32, #tpu.memory_space<hbm>>
      tpu.enqueue_dma source(%dma_start3A_1119 : memref<1x1024x64xf32, #tpu.memory_space<hbm>>) target(%dma_start3A_1115 : memref<1x1024x64xf32, #tpu.memory_space<vmem>>) target_semaphore(%dma_start3A_1110 : memref<!tpu.dma_semaphore, #tpu.memory_space<semaphore_mem>>)
    } else {
    }
    %add3A = arith.constant 1 : i32
    %add3A_2 = arith.addi %arg0, %add3A : i32
    %lt3A = arith.constant 8 : i32
    %lt3A_3 = arith.cmpi slt, %add3A_2, %lt3A : i32
    %convert_element_type3A_4 = arith.extui %lt3A_3 : i1 to i32
    %cond3A_5 = arith.constant 0 : i32
    %cond3A_6 = arith.cmpi ne, %convert_element_type3A_4, %cond3A_5 : i32
    scf.if %cond3A_6 {
      %add3A_1108 = arith.constant 1 : i32
      %add3A_1109 = arith.addi %arg0, %add3A_1108 : i32
      %add3A_1110 = arith.constant 1 : i32
      %add3A_1111 = arith.addi %arg0, %add3A_1110 : i32
      %jit3A_1112 = arith.constant 2 : i32
      %eq3A_1113 = arith.constant 0 : i32
      %eq3A_1114 = arith.cmpi eq, %jit3A_1112, %eq3A_1113 : i32
      %jit3A_1115 = arith.constant 1 : i32
      %select_n3A_1116 = arith.select %eq3A_1114, %jit3A_1115, %jit3A_1112 : i32
      %rem3A_1117 = arith.remsi %add3A_1111, %select_n3A_1116 : i32
      %ne3A_1118 = arith.constant 0 : i32
      %ne3A_1119 = arith.cmpi ne, %rem3A_1117, %ne3A_1118 : i32
      %lt3A_1120 = arith.constant 0 : i32
      %lt3A_1121 = arith.cmpi slt, %rem3A_1117, %lt3A_1120 : i32
      %lt3A_1122 = arith.constant 0 : i32
      %lt3A_1123 = arith.cmpi slt, %select_n3A_1116, %lt3A_1122 : i32
      %ne3A_1124 = arith.xori %lt3A_1121, %lt3A_1123 : i1
      %and3A_1125 = arith.andi %ne3A_1124, %ne3A_1119 : i1
      %add3A_1126 = arith.addi %rem3A_1117, %select_n3A_1116 : i32
      %select_n3A_1127 = arith.select %and3A_1125, %add3A_1126, %rem3A_1117 : i32
      %add3A_1128 = arith.constant 8 : i32
      %add3A_1129 = arith.addi %add3A_1128, %add3A_1109 : i32
      %dma_start3A = tpu.memref_slice %arg6[%select_n3A_1127] : memref<2x!tpu.dma_semaphore, #tpu.memory_space<semaphore_mem>> -> memref<1x!tpu.dma_semaphore, #tpu.memory_space<semaphore_mem>>
      %dma_start3A_1130 = tpu.memref_squeeze %dma_start3A : memref<1x!tpu.dma_semaphore, #tpu.memory_space<semaphore_mem>> -> memref<!tpu.dma_semaphore, #tpu.memory_space<semaphore_mem>>
      %dma_start3A_1131 = arith.constant 0 : i32
      %dma_start3A_1132 = arith.constant 0 : i32
      %dma_start3A_1133 = arith.constant 0 : i32
      %dma_start3A_1134 = tpu.memref_slice %arg5[%select_n3A_1127, %dma_start3A_1131, %dma_start3A_1132, %dma_start3A_1133] : memref<2x1x1024x64xf32, #tpu.memory_space<vmem>> -> memref<1x1x1024x64xf32, #tpu.memory_space<vmem>>
      %dma_start3A_1135 = tpu.memref_squeeze %dma_start3A_1134 : memref<1x1x1024x64xf32, #tpu.memory_space<vmem>> -> memref<1x1024x64xf32, #tpu.memory_space<vmem>>
      %dma_start3A_1136 = arith.constant 0 : i32
      %dma_start3A_1137 = arith.constant 0 : i32
      %dma_start3A_1138 = tpu.memref_slice %arg1[%add3A_1129, %dma_start3A_1136, %dma_start3A_1137] : memref<16x1024x64xf32, #tpu.memory_space<hbm>> -> memref<1x1024x64xf32, #tpu.memory_space<hbm>>
      tpu.enqueue_dma source(%dma_start3A_1138 : memref<1x1024x64xf32, #tpu.memory_space<hbm>>) target(%dma_start3A_1135 : memref<1x1024x64xf32, #tpu.memory_space<vmem>>) target_semaphore(%dma_start3A_1130 : memref<!tpu.dma_semaphore, #tpu.memory_space<semaphore_mem>>)
    } else {
    }
    %jit3A = arith.constant 2 : i32
    %eq3A_7 = arith.constant 0 : i32
    %eq3A_8 = arith.cmpi eq, %jit3A, %eq3A_7 : i32
    %jit3A_9 = arith.constant 1 : i32
    %select_n3A = arith.select %eq3A_8, %jit3A_9, %jit3A : i32
    %rem3A = arith.remsi %arg0, %select_n3A : i32
    %ne3A = arith.constant 0 : i32
    %ne3A_10 = arith.cmpi ne, %rem3A, %ne3A : i32
    %lt3A_11 = arith.constant 0 : i32
    %lt3A_12 = arith.cmpi slt, %rem3A, %lt3A_11 : i32
    %lt3A_13 = arith.constant 0 : i32
    %lt3A_14 = arith.cmpi slt, %select_n3A, %lt3A_13 : i32
    %ne3A_15 = arith.xori %lt3A_12, %lt3A_14 : i1
    %and3A = arith.andi %ne3A_15, %ne3A_10 : i1
    %add3A_16 = arith.addi %rem3A, %select_n3A : i32
    %select_n3A_17 = arith.select %and3A, %add3A_16, %rem3A : i32
    %add3A_18 = arith.constant 8 : i32
    %add3A_19 = arith.addi %add3A_18, %arg0 : i32
    %dma_wait3A = tpu.memref_slice %arg6[%select_n3A_17] : memref<2x!tpu.dma_semaphore, #tpu.memory_space<semaphore_mem>> -> memref<1x!tpu.dma_semaphore, #tpu.memory_space<semaphore_mem>>
    %dma_wait3A_20 = tpu.memref_squeeze %dma_wait3A : memref<1x!tpu.dma_semaphore, #tpu.memory_space<semaphore_mem>> -> memref<!tpu.dma_semaphore, #tpu.memory_space<semaphore_mem>>
    %dma_wait3A_21 = arith.constant 0 : i32
    %dma_wait3A_22 = arith.constant 0 : i32
    %dma_wait3A_23 = arith.constant 0 : i32
    %dma_wait3A_24 = tpu.memref_slice %arg5[%select_n3A_17, %dma_wait3A_21, %dma_wait3A_22, %dma_wait3A_23] : memref<2x1x1024x64xf32, #tpu.memory_space<vmem>> -> memref<1x1x1024x64xf32, #tpu.memory_space<vmem>>
    %dma_wait3A_25 = tpu.memref_squeeze %dma_wait3A_24 : memref<1x1x1024x64xf32, #tpu.memory_space<vmem>> -> memref<1x1024x64xf32, #tpu.memory_space<vmem>>
    %dma_wait3A_26 = arith.constant 0 : i32
    %dma_wait3A_27 = arith.constant 0 : i32
    %dma_wait3A_28 = tpu.memref_slice %arg1[%add3A_19, %dma_wait3A_26, %dma_wait3A_27] : memref<16x1024x64xf32, #tpu.memory_space<hbm>> -> memref<1x1024x64xf32, #tpu.memory_space<hbm>>
    tpu.wait_dma2 semaphore(%dma_wait3A_20 : memref<!tpu.dma_semaphore, #tpu.memory_space<semaphore_mem>>) src(%dma_wait3A_28 : memref<1x1024x64xf32, #tpu.memory_space<hbm>>) dst(%dma_wait3A_25 : memref<1x1024x64xf32, #tpu.memory_space<vmem>>)
    %jit3A_29 = arith.constant 2 : i32
    %eq3A_30 = arith.constant 0 : i32
    %eq3A_31 = arith.cmpi eq, %jit3A_29, %eq3A_30 : i32
    %jit3A_32 = arith.constant 1 : i32
    %select_n3A_33 = arith.select %eq3A_31, %jit3A_32, %jit3A_29 : i32
    %rem3A_34 = arith.remsi %arg0, %select_n3A_33 : i32
    %ne3A_35 = arith.constant 0 : i32
    %ne3A_36 = arith.cmpi ne, %rem3A_34, %ne3A_35 : i32
    %lt3A_37 = arith.constant 0 : i32
    %lt3A_38 = arith.cmpi slt, %rem3A_34, %lt3A_37 : i32
    %lt3A_39 = arith.constant 0 : i32
    %lt3A_40 = arith.cmpi slt, %select_n3A_33, %lt3A_39 : i32
    %ne3A_41 = arith.xori %lt3A_38, %lt3A_40 : i1
    %and3A_42 = arith.andi %ne3A_41, %ne3A_36 : i1
    %add3A_43 = arith.addi %rem3A_34, %select_n3A_33 : i32
    %select_n3A_44 = arith.select %and3A_42, %add3A_43, %rem3A_34 : i32
    %get3A = arith.index_cast %select_n3A_44 : i32 to index
    %get3A_45 = arith.constant 0 : index
    %get3A_46 = arith.constant 0 : index
    %get3A_47 = arith.constant 0 : index
    %get3A_48 = vector.load %arg5[%get3A, %get3A_45, %get3A_46, %get3A_47] : memref<2x1x1024x64xf32, #tpu.memory_space<vmem>>, vector<1x1x1024x64xf32>
    %get3A_49 = vector.shape_cast %get3A_48 : vector<1x1x1024x64xf32> to vector<1024x64xf32>
    %mul3A = arith.mulf %get3A_49, %get3A_49 : vector<1024x64xf32>
    %reduce_sum3A = arith.constant dense<0.000000e+00> : vector<1024xf32>
    %reduce_sum3A_50 = vector.multi_reduction <add>, %mul3A, %reduce_sum3A [1] : vector<1024x64xf32> to vector<1024xf32>
    %broadcast_in_dim3A = vector.shape_cast %reduce_sum3A_50 : vector<1024xf32> to vector<1024x1xf32>
    %get3A_51 = arith.constant 0 : index
    %get3A_52 = arith.constant 0 : index
    %get3A_53 = vector.load %arg2[%get3A_51, %get3A_52] : memref<64x1024xf32, #tpu.memory_space<vmem>>, vector<64x1024xf32>
    %mul3A_54 = arith.mulf %get3A_53, %get3A_53 : vector<64x1024xf32>
    %reduce_sum3A_55 = arith.constant dense<0.000000e+00> : vector<1024xf32>
    %reduce_sum3A_56 = vector.multi_reduction <add>, %mul3A_54, %reduce_sum3A_55 [0] : vector<64x1024xf32> to vector<1024xf32>
    %broadcast_in_dim3A_57 = vector.shape_cast %reduce_sum3A_56 : vector<1024xf32> to vector<1x1024xf32>
    %mul3A_58 = arith.constant 2.500000e-01 : f32
    %mul3A_59 = vector.broadcast %mul3A_58 : f32 to vector<1x1024xf32>
    %mul3A_60 = arith.mulf %broadcast_in_dim3A_57, %mul3A_59 : vector<1x1024xf32>
    %iota3A = tpu.iota {dimensions = array<i32: 1>} : vector<128x128xi32>
    %slice3A = vector.extract_strided_slice %get3A_49 {offsets = [0, 0], sizes = [128, 64], strides = [1, 1]} : vector<1024x64xf32> to vector<128x64xf32>
    %slice3A_61 = vector.extract_strided_slice %broadcast_in_dim3A {offsets = [0, 0], sizes = [128, 1], strides = [1, 1]} : vector<1024x1xf32> to vector<128x1xf32>
    %slice3A_62 = vector.extract_strided_slice %get3A_53 {offsets = [0, 0], sizes = [64, 128], strides = [1, 1]} : vector<64x1024xf32> to vector<64x128xf32>
    %dot_general3A = arith.constant dense<0.000000e+00> : vector<128x128xf32>
    %dot_general3A_63 = tpu.matmul %slice3A, %slice3A_62, %dot_general3A {dimension_numbers = #tpu.dot_dimension_numbers<[1], [0], [0], [1], [0, 0, 1, 1], [], []>, transpose_lhs_hint = false} : vector<128x64xf32>, vector<64x128xf32>, vector<128x128xf32> -> vector<128x128xf32>
    %slice3A_64 = vector.extract_strided_slice %mul3A_60 {offsets = [0, 0], sizes = [1, 128], strides = [1, 1]} : vector<1x1024xf32> to vector<1x128xf32>
    %add3A_65 = vector.broadcast %slice3A_61 : vector<128x1xf32> to vector<128x128xf32>
    %add3A_66 = vector.broadcast %slice3A_64 : vector<1x128xf32> to vector<128x128xf32>
    %add3A_67 = arith.addf %add3A_65, %add3A_66 : vector<128x128xf32>
    %add3A_68 = arith.addf %add3A_67, %dot_general3A_63 : vector<128x128xf32>
    %slice3A_69 = vector.extract_strided_slice %get3A_53 {offsets = [0, 128], sizes = [64, 128], strides = [1, 1]} : vector<64x1024xf32> to vector<64x128xf32>
    %dot_general3A_70 = arith.constant dense<0.000000e+00> : vector<128x128xf32>
    %dot_general3A_71 = tpu.matmul %slice3A, %slice3A_69, %dot_general3A_70 {dimension_numbers = #tpu.dot_dimension_numbers<[1], [0], [0], [1], [0, 0, 1, 1], [], []>, transpose_lhs_hint = false} : vector<128x64xf32>, vector<64x128xf32>, vector<128x128xf32> -> vector<128x128xf32>
    %slice3A_72 = vector.extract_strided_slice %mul3A_60 {offsets = [0, 128], sizes = [1, 128], strides = [1, 1]} : vector<1x1024xf32> to vector<1x128xf32>
    %add3A_73 = vector.broadcast %slice3A_61 : vector<128x1xf32> to vector<128x128xf32>
    %add3A_74 = vector.broadcast %slice3A_72 : vector<1x128xf32> to vector<128x128xf32>
    %add3A_75 = arith.addf %add3A_73, %add3A_74 : vector<128x128xf32>
    %add3A_76 = arith.addf %add3A_75, %dot_general3A_71 : vector<128x128xf32>
    %lt3A_77 = arith.cmpf olt, %add3A_76, %add3A_68 : vector<128x128xf32>
    %select_n3A_78 = arith.select %lt3A_77, %add3A_76, %add3A_68 : vector<128x128xi1>, vector<128x128xf32>
    %add3A_79 = arith.constant 128 : i32
    %add3A_80 = vector.broadcast %add3A_79 : i32 to vector<128x128xi32>
    %add3A_81 = arith.addi %iota3A, %add3A_80 : vector<128x128xi32>
    %select_n3A_82 = arith.select %lt3A_77, %add3A_81, %iota3A : vector<128x128xi1>, vector<128x128xi32>
    %slice3A_83 = vector.extract_strided_slice %get3A_53 {offsets = [0, 256], sizes = [64, 128], strides = [1, 1]} : vector<64x1024xf32> to vector<64x128xf32>
    %dot_general3A_84 = arith.constant dense<0.000000e+00> : vector<128x128xf32>
    %dot_general3A_85 = tpu.matmul %slice3A, %slice3A_83, %dot_general3A_84 {dimension_numbers = #tpu.dot_dimension_numbers<[1], [0], [0], [1], [0, 0, 1, 1], [], []>, transpose_lhs_hint = false} : vector<128x64xf32>, vector<64x128xf32>, vector<128x128xf32> -> vector<128x128xf32>
    %slice3A_86 = vector.extract_strided_slice %mul3A_60 {offsets = [0, 256], sizes = [1, 128], strides = [1, 1]} : vector<1x1024xf32> to vector<1x128xf32>
    %add3A_87 = vector.broadcast %slice3A_61 : vector<128x1xf32> to vector<128x128xf32>
    %add3A_88 = vector.broadcast %slice3A_86 : vector<1x128xf32> to vector<128x128xf32>
    %add3A_89 = arith.addf %add3A_87, %add3A_88 : vector<128x128xf32>
    %add3A_90 = arith.addf %add3A_89, %dot_general3A_85 : vector<128x128xf32>
    %lt3A_91 = arith.cmpf olt, %add3A_90, %select_n3A_78 : vector<128x128xf32>
    %select_n3A_92 = arith.select %lt3A_91, %add3A_90, %select_n3A_78 : vector<128x128xi1>, vector<128x128xf32>
    %add3A_93 = arith.constant 256 : i32
    %add3A_94 = vector.broadcast %add3A_93 : i32 to vector<128x128xi32>
    %add3A_95 = arith.addi %iota3A, %add3A_94 : vector<128x128xi32>
    %select_n3A_96 = arith.select %lt3A_91, %add3A_95, %select_n3A_82 : vector<128x128xi1>, vector<128x128xi32>
    %slice3A_97 = vector.extract_strided_slice %get3A_53 {offsets = [0, 384], sizes = [64, 128], strides = [1, 1]} : vector<64x1024xf32> to vector<64x128xf32>
    %dot_general3A_98 = arith.constant dense<0.000000e+00> : vector<128x128xf32>
    %dot_general3A_99 = tpu.matmul %slice3A, %slice3A_97, %dot_general3A_98 {dimension_numbers = #tpu.dot_dimension_numbers<[1], [0], [0], [1], [0, 0, 1, 1], [], []>, transpose_lhs_hint = false} : vector<128x64xf32>, vector<64x128xf32>, vector<128x128xf32> -> vector<128x128xf32>
    %slice3A_100 = vector.extract_strided_slice %mul3A_60 {offsets = [0, 384], sizes = [1, 128], strides = [1, 1]} : vector<1x1024xf32> to vector<1x128xf32>
    %add3A_101 = vector.broadcast %slice3A_61 : vector<128x1xf32> to vector<128x128xf32>
    %add3A_102 = vector.broadcast %slice3A_100 : vector<1x128xf32> to vector<128x128xf32>
    %add3A_103 = arith.addf %add3A_101, %add3A_102 : vector<128x128xf32>
    %add3A_104 = arith.addf %add3A_103, %dot_general3A_99 : vector<128x128xf32>
    %lt3A_105 = arith.cmpf olt, %add3A_104, %select_n3A_92 : vector<128x128xf32>
    %select_n3A_106 = arith.select %lt3A_105, %add3A_104, %select_n3A_92 : vector<128x128xi1>, vector<128x128xf32>
    %add3A_107 = arith.constant 384 : i32
    %add3A_108 = vector.broadcast %add3A_107 : i32 to vector<128x128xi32>
    %add3A_109 = arith.addi %iota3A, %add3A_108 : vector<128x128xi32>
    %select_n3A_110 = arith.select %lt3A_105, %add3A_109, %select_n3A_96 : vector<128x128xi1>, vector<128x128xi32>
    %slice3A_111 = vector.extract_strided_slice %get3A_53 {offsets = [0, 512], sizes = [64, 128], strides = [1, 1]} : vector<64x1024xf32> to vector<64x128xf32>
    %dot_general3A_112 = arith.constant dense<0.000000e+00> : vector<128x128xf32>
    %dot_general3A_113 = tpu.matmul %slice3A, %slice3A_111, %dot_general3A_112 {dimension_numbers = #tpu.dot_dimension_numbers<[1], [0], [0], [1], [0, 0, 1, 1], [], []>, transpose_lhs_hint = false} : vector<128x64xf32>, vector<64x128xf32>, vector<128x128xf32> -> vector<128x128xf32>
    %slice3A_114 = vector.extract_strided_slice %mul3A_60 {offsets = [0, 512], sizes = [1, 128], strides = [1, 1]} : vector<1x1024xf32> to vector<1x128xf32>
    %add3A_115 = vector.broadcast %slice3A_61 : vector<128x1xf32> to vector<128x128xf32>
    %add3A_116 = vector.broadcast %slice3A_114 : vector<1x128xf32> to vector<128x128xf32>
    %add3A_117 = arith.addf %add3A_115, %add3A_116 : vector<128x128xf32>
    %add3A_118 = arith.addf %add3A_117, %dot_general3A_113 : vector<128x128xf32>
    %lt3A_119 = arith.cmpf olt, %add3A_118, %select_n3A_106 : vector<128x128xf32>
    %select_n3A_120 = arith.select %lt3A_119, %add3A_118, %select_n3A_106 : vector<128x128xi1>, vector<128x128xf32>
    %add3A_121 = arith.constant 512 : i32
    %add3A_122 = vector.broadcast %add3A_121 : i32 to vector<128x128xi32>
    %add3A_123 = arith.addi %iota3A, %add3A_122 : vector<128x128xi32>
    %select_n3A_124 = arith.select %lt3A_119, %add3A_123, %select_n3A_110 : vector<128x128xi1>, vector<128x128xi32>
    %slice3A_125 = vector.extract_strided_slice %get3A_53 {offsets = [0, 640], sizes = [64, 128], strides = [1, 1]} : vector<64x1024xf32> to vector<64x128xf32>
    %dot_general3A_126 = arith.constant dense<0.000000e+00> : vector<128x128xf32>
    %dot_general3A_127 = tpu.matmul %slice3A, %slice3A_125, %dot_general3A_126 {dimension_numbers = #tpu.dot_dimension_numbers<[1], [0], [0], [1], [0, 0, 1, 1], [], []>, transpose_lhs_hint = false} : vector<128x64xf32>, vector<64x128xf32>, vector<128x128xf32> -> vector<128x128xf32>
    %slice3A_128 = vector.extract_strided_slice %mul3A_60 {offsets = [0, 640], sizes = [1, 128], strides = [1, 1]} : vector<1x1024xf32> to vector<1x128xf32>
    %add3A_129 = vector.broadcast %slice3A_61 : vector<128x1xf32> to vector<128x128xf32>
    %add3A_130 = vector.broadcast %slice3A_128 : vector<1x128xf32> to vector<128x128xf32>
    %add3A_131 = arith.addf %add3A_129, %add3A_130 : vector<128x128xf32>
    %add3A_132 = arith.addf %add3A_131, %dot_general3A_127 : vector<128x128xf32>
    %lt3A_133 = arith.cmpf olt, %add3A_132, %select_n3A_120 : vector<128x128xf32>
    %select_n3A_134 = arith.select %lt3A_133, %add3A_132, %select_n3A_120 : vector<128x128xi1>, vector<128x128xf32>
    %add3A_135 = arith.constant 640 : i32
    %add3A_136 = vector.broadcast %add3A_135 : i32 to vector<128x128xi32>
    %add3A_137 = arith.addi %iota3A, %add3A_136 : vector<128x128xi32>
    %select_n3A_138 = arith.select %lt3A_133, %add3A_137, %select_n3A_124 : vector<128x128xi1>, vector<128x128xi32>
    %slice3A_139 = vector.extract_strided_slice %get3A_53 {offsets = [0, 768], sizes = [64, 128], strides = [1, 1]} : vector<64x1024xf32> to vector<64x128xf32>
    %dot_general3A_140 = arith.constant dense<0.000000e+00> : vector<128x128xf32>
    %dot_general3A_141 = tpu.matmul %slice3A, %slice3A_139, %dot_general3A_140 {dimension_numbers = #tpu.dot_dimension_numbers<[1], [0], [0], [1], [0, 0, 1, 1], [], []>, transpose_lhs_hint = false} : vector<128x64xf32>, vector<64x128xf32>, vector<128x128xf32> -> vector<128x128xf32>
    %slice3A_142 = vector.extract_strided_slice %mul3A_60 {offsets = [0, 768], sizes = [1, 128], strides = [1, 1]} : vector<1x1024xf32> to vector<1x128xf32>
    %add3A_143 = vector.broadcast %slice3A_61 : vector<128x1xf32> to vector<128x128xf32>
    %add3A_144 = vector.broadcast %slice3A_142 : vector<1x128xf32> to vector<128x128xf32>
    %add3A_145 = arith.addf %add3A_143, %add3A_144 : vector<128x128xf32>
    %add3A_146 = arith.addf %add3A_145, %dot_general3A_141 : vector<128x128xf32>
    %lt3A_147 = arith.cmpf olt, %add3A_146, %select_n3A_134 : vector<128x128xf32>
    %select_n3A_148 = arith.select %lt3A_147, %add3A_146, %select_n3A_134 : vector<128x128xi1>, vector<128x128xf32>
    %add3A_149 = arith.constant 768 : i32
    %add3A_150 = vector.broadcast %add3A_149 : i32 to vector<128x128xi32>
    %add3A_151 = arith.addi %iota3A, %add3A_150 : vector<128x128xi32>
    %select_n3A_152 = arith.select %lt3A_147, %add3A_151, %select_n3A_138 : vector<128x128xi1>, vector<128x128xi32>
    %slice3A_153 = vector.extract_strided_slice %get3A_53 {offsets = [0, 896], sizes = [64, 128], strides = [1, 1]} : vector<64x1024xf32> to vector<64x128xf32>
    %dot_general3A_154 = arith.constant dense<0.000000e+00> : vector<128x128xf32>
    %dot_general3A_155 = tpu.matmul %slice3A, %slice3A_153, %dot_general3A_154 {dimension_numbers = #tpu.dot_dimension_numbers<[1], [0], [0], [1], [0, 0, 1, 1], [], []>, transpose_lhs_hint = false} : vector<128x64xf32>, vector<64x128xf32>, vector<128x128xf32> -> vector<128x128xf32>
    %slice3A_156 = vector.extract_strided_slice %mul3A_60 {offsets = [0, 896], sizes = [1, 128], strides = [1, 1]} : vector<1x1024xf32> to vector<1x128xf32>
    %add3A_157 = vector.broadcast %slice3A_61 : vector<128x1xf32> to vector<128x128xf32>
    %add3A_158 = vector.broadcast %slice3A_156 : vector<1x128xf32> to vector<128x128xf32>
    %add3A_159 = arith.addf %add3A_157, %add3A_158 : vector<128x128xf32>
    %add3A_160 = arith.addf %add3A_159, %dot_general3A_155 : vector<128x128xf32>
    %lt3A_161 = arith.cmpf olt, %add3A_160, %select_n3A_148 : vector<128x128xf32>
    %select_n3A_162 = arith.select %lt3A_161, %add3A_160, %select_n3A_148 : vector<128x128xi1>, vector<128x128xf32>
    %add3A_163 = arith.constant 896 : i32
    %add3A_164 = vector.broadcast %add3A_163 : i32 to vector<128x128xi32>
    %add3A_165 = arith.addi %iota3A, %add3A_164 : vector<128x128xi32>
    %select_n3A_166 = arith.select %lt3A_161, %add3A_165, %select_n3A_152 : vector<128x128xi1>, vector<128x128xi32>
    %reduce_min3A = arith.constant dense<0x7F800000> : vector<128xf32>
    %reduce_min3A_167 = vector.multi_reduction <minimumf>, %select_n3A_162, %reduce_min3A [1] : vector<128x128xf32> to vector<128xf32>
    %broadcast_in_dim3A_168 = vector.shape_cast %reduce_min3A_167 : vector<128xf32> to vector<128x1xf32>
    %eq3A_169 = vector.broadcast %broadcast_in_dim3A_168 : vector<128x1xf32> to vector<128x128xf32>
    %eq3A_170 = arith.cmpf oeq, %select_n3A_162, %eq3A_169 : vector<128x128xf32>
    %jit3A_171 = arith.constant 1024 : i32
    %broadcast_in_dim3A_172 = vector.broadcast %jit3A_171 : i32 to vector<128x128xi32>
    %select_n3A_173 = arith.select %eq3A_170, %select_n3A_166, %broadcast_in_dim3A_172 : vector<128x128xi1>, vector<128x128xi32>
    %reduce_min3A_174 = arith.constant dense<2147483647> : vector<128xi32>
    %reduce_min3A_175 = vector.multi_reduction <minsi>, %select_n3A_173, %reduce_min3A_174 [1] : vector<128x128xi32> to vector<128xi32>
    %swap3A = arith.constant 0 : index
    %swap3A_176 = arith.constant 0 : index
    %swap3A_177 = arith.constant 0 : index
    %swap3A_178 = vector.load %arg3[%swap3A, %swap3A_176, %swap3A_177] : memref<1x1x1024xi32, #tpu.memory_space<vmem>>, vector<1x1x128xi32>
    %swap3A_179 = vector.shape_cast %swap3A_178 : vector<1x1x128xi32> to vector<128xi32>
    %swap3A_180 = vector.shape_cast %reduce_min3A_175 : vector<128xi32> to vector<1x1x128xi32>
    tpu.vector_store %arg3[%swap3A, %swap3A_176, %swap3A_177], %swap3A_180 {strides = array<i32>} : memref<1x1x1024xi32, #tpu.memory_space<vmem>>, vector<1x1x128xi32>,
    %reduce_sum3A_181 = vector.shape_cast %broadcast_in_dim3A_168 : vector<128x1xf32> to vector<1x128x1xf32>
    %reduce_sum3A_182 = arith.constant dense<0.000000e+00> : vector<1xf32>
    %reduce_sum3A_183 = vector.multi_reduction <add>, %reduce_sum3A_181, %reduce_sum3A_182 [1, 2] : vector<1x128x1xf32> to vector<1xf32>
    %reduce_sum3A_184 = vector.shape_cast %reduce_sum3A_183 : vector<1xf32> to vector<1x1x1xf32>
    %reduce_sum3A_185 = vector.extract %reduce_sum3A_184[0, 0, 0] : f32 from vector<1x1x1xf32>
    %slice3A_186 = vector.extract_strided_slice %get3A_49 {offsets = [128, 0], sizes = [128, 64], strides = [1, 1]} : vector<1024x64xf32> to vector<128x64xf32>
    %slice3A_187 = vector.extract_strided_slice %broadcast_in_dim3A {offsets = [128, 0], sizes = [128, 1], strides = [1, 1]} : vector<1024x1xf32> to vector<128x1xf32>
    %slice3A_188 = vector.extract_strided_slice %get3A_53 {offsets = [0, 0], sizes = [64, 128], strides = [1, 1]} : vector<64x1024xf32> to vector<64x128xf32>
    %dot_general3A_189 = arith.constant dense<0.000000e+00> : vector<128x128xf32>
    %dot_general3A_190 = tpu.matmul %slice3A_186, %slice3A_188, %dot_general3A_189 {dimension_numbers = #tpu.dot_dimension_numbers<[1], [0], [0], [1], [0, 0, 1, 1], [], []>, transpose_lhs_hint = false} : vector<128x64xf32>, vector<64x128xf32>, vector<128x128xf32> -> vector<128x128xf32>
    %slice3A_191 = vector.extract_strided_slice %mul3A_60 {offsets = [0, 0], sizes = [1, 128], strides = [1, 1]} : vector<1x1024xf32> to vector<1x128xf32>
    %add3A_192 = vector.broadcast %slice3A_187 : vector<128x1xf32> to vector<128x128xf32>
    %add3A_193 = vector.broadcast %slice3A_191 : vector<1x128xf32> to vector<128x128xf32>
    %add3A_194 = arith.addf %add3A_192, %add3A_193 : vector<128x128xf32>
    %add3A_195 = arith.addf %add3A_194, %dot_general3A_190 : vector<128x128xf32>
    %slice3A_196 = vector.extract_strided_slice %get3A_53 {offsets = [0, 128], sizes = [64, 128], strides = [1, 1]} : vector<64x1024xf32> to vector<64x128xf32>
    %dot_general3A_197 = arith.constant dense<0.000000e+00> : vector<128x128xf32>
    %dot_general3A_198 = tpu.matmul %slice3A_186, %slice3A_196, %dot_general3A_197 {dimension_numbers = #tpu.dot_dimension_numbers<[1], [0], [0], [1], [0, 0, 1, 1], [], []>, transpose_lhs_hint = false} : vector<128x64xf32>, vector<64x128xf32>, vector<128x128xf32> -> vector<128x128xf32>
    %slice3A_199 = vector.extract_strided_slice %mul3A_60 {offsets = [0, 128], sizes = [1, 128], strides = [1, 1]} : vector<1x1024xf32> to vector<1x128xf32>
    %add3A_200 = vector.broadcast %slice3A_187 : vector<128x1xf32> to vector<128x128xf32>
    %add3A_201 = vector.broadcast %slice3A_199 : vector<1x128xf32> to vector<128x128xf32>
    %add3A_202 = arith.addf %add3A_200, %add3A_201 : vector<128x128xf32>
    %add3A_203 = arith.addf %add3A_202, %dot_general3A_198 : vector<128x128xf32>
    %lt3A_204 = arith.cmpf olt, %add3A_203, %add3A_195 : vector<128x128xf32>
    %select_n3A_205 = arith.select %lt3A_204, %add3A_203, %add3A_195 : vector<128x128xi1>, vector<128x128xf32>
    %add3A_206 = arith.constant 128 : i32
    %add3A_207 = vector.broadcast %add3A_206 : i32 to vector<128x128xi32>
    %add3A_208 = arith.addi %iota3A, %add3A_207 : vector<128x128xi32>
    %select_n3A_209 = arith.select %lt3A_204, %add3A_208, %iota3A : vector<128x128xi1>, vector<128x128xi32>
    %slice3A_210 = vector.extract_strided_slice %get3A_53 {offsets = [0, 256], sizes = [64, 128], strides = [1, 1]} : vector<64x1024xf32> to vector<64x128xf32>
    %dot_general3A_211 = arith.constant dense<0.000000e+00> : vector<128x128xf32>
    %dot_general3A_212 = tpu.matmul %slice3A_186, %slice3A_210, %dot_general3A_211 {dimension_numbers = #tpu.dot_dimension_numbers<[1], [0], [0], [1], [0, 0, 1, 1], [], []>, transpose_lhs_hint = false} : vector<128x64xf32>, vector<64x128xf32>, vector<128x128xf32> -> vector<128x128xf32>
    %slice3A_213 = vector.extract_strided_slice %mul3A_60 {offsets = [0, 256], sizes = [1, 128], strides = [1, 1]} : vector<1x1024xf32> to vector<1x128xf32>
    %add3A_214 = vector.broadcast %slice3A_187 : vector<128x1xf32> to vector<128x128xf32>
    %add3A_215 = vector.broadcast %slice3A_213 : vector<1x128xf32> to vector<128x128xf32>
    %add3A_216 = arith.addf %add3A_214, %add3A_215 : vector<128x128xf32>
    %add3A_217 = arith.addf %add3A_216, %dot_general3A_212 : vector<128x128xf32>
    %lt3A_218 = arith.cmpf olt, %add3A_217, %select_n3A_205 : vector<128x128xf32>
    %select_n3A_219 = arith.select %lt3A_218, %add3A_217, %select_n3A_205 : vector<128x128xi1>, vector<128x128xf32>
    %add3A_220 = arith.constant 256 : i32
    %add3A_221 = vector.broadcast %add3A_220 : i32 to vector<128x128xi32>
    %add3A_222 = arith.addi %iota3A, %add3A_221 : vector<128x128xi32>
    %select_n3A_223 = arith.select %lt3A_218, %add3A_222, %select_n3A_209 : vector<128x128xi1>, vector<128x128xi32>
    %slice3A_224 = vector.extract_strided_slice %get3A_53 {offsets = [0, 384], sizes = [64, 128], strides = [1, 1]} : vector<64x1024xf32> to vector<64x128xf32>
    %dot_general3A_225 = arith.constant dense<0.000000e+00> : vector<128x128xf32>
    %dot_general3A_226 = tpu.matmul %slice3A_186, %slice3A_224, %dot_general3A_225 {dimension_numbers = #tpu.dot_dimension_numbers<[1], [0], [0], [1], [0, 0, 1, 1], [], []>, transpose_lhs_hint = false} : vector<128x64xf32>, vector<64x128xf32>, vector<128x128xf32> -> vector<128x128xf32>
    %slice3A_227 = vector.extract_strided_slice %mul3A_60 {offsets = [0, 384], sizes = [1, 128], strides = [1, 1]} : vector<1x1024xf32> to vector<1x128xf32>
    %add3A_228 = vector.broadcast %slice3A_187 : vector<128x1xf32> to vector<128x128xf32>
    %add3A_229 = vector.broadcast %slice3A_227 : vector<1x128xf32> to vector<128x128xf32>
    %add3A_230 = arith.addf %add3A_228, %add3A_229 : vector<128x128xf32>
    %add3A_231 = arith.addf %add3A_230, %dot_general3A_226 : vector<128x128xf32>
    %lt3A_232 = arith.cmpf olt, %add3A_231, %select_n3A_219 : vector<128x128xf32>
    %select_n3A_233 = arith.select %lt3A_232, %add3A_231, %select_n3A_219 : vector<128x128xi1>, vector<128x128xf32>
    %add3A_234 = arith.constant 384 : i32
    %add3A_235 = vector.broadcast %add3A_234 : i32 to vector<128x128xi32>
    %add3A_236 = arith.addi %iota3A, %add3A_235 : vector<128x128xi32>
    %select_n3A_237 = arith.select %lt3A_232, %add3A_236, %select_n3A_223 : vector<128x128xi1>, vector<128x128xi32>
    %slice3A_238 = vector.extract_strided_slice %get3A_53 {offsets = [0, 512], sizes = [64, 128], strides = [1, 1]} : vector<64x1024xf32> to vector<64x128xf32>
    %dot_general3A_239 = arith.constant dense<0.000000e+00> : vector<128x128xf32>
    %dot_general3A_240 = tpu.matmul %slice3A_186, %slice3A_238, %dot_general3A_239 {dimension_numbers = #tpu.dot_dimension_numbers<[1], [0], [0], [1], [0, 0, 1, 1], [], []>, transpose_lhs_hint = false} : vector<128x64xf32>, vector<64x128xf32>, vector<128x128xf32> -> vector<128x128xf32>
    %slice3A_241 = vector.extract_strided_slice %mul3A_60 {offsets = [0, 512], sizes = [1, 128], strides = [1, 1]} : vector<1x1024xf32> to vector<1x128xf32>
    %add3A_242 = vector.broadcast %slice3A_187 : vector<128x1xf32> to vector<128x128xf32>
    %add3A_243 = vector.broadcast %slice3A_241 : vector<1x128xf32> to vector<128x128xf32>
    %add3A_244 = arith.addf %add3A_242, %add3A_243 : vector<128x128xf32>
    %add3A_245 = arith.addf %add3A_244, %dot_general3A_240 : vector<128x128xf32>
    %lt3A_246 = arith.cmpf olt, %add3A_245, %select_n3A_233 : vector<128x128xf32>
    %select_n3A_247 = arith.select %lt3A_246, %add3A_245, %select_n3A_233 : vector<128x128xi1>, vector<128x128xf32>
    %add3A_248 = arith.constant 512 : i32
    %add3A_249 = vector.broadcast %add3A_248 : i32 to vector<128x128xi32>
    %add3A_250 = arith.addi %iota3A, %add3A_249 : vector<128x128xi32>
    %select_n3A_251 = arith.select %lt3A_246, %add3A_250, %select_n3A_237 : vector<128x128xi1>, vector<128x128xi32>
    %slice3A_252 = vector.extract_strided_slice %get3A_53 {offsets = [0, 640], sizes = [64, 128], strides = [1, 1]} : vector<64x1024xf32> to vector<64x128xf32>
    %dot_general3A_253 = arith.constant dense<0.000000e+00> : vector<128x128xf32>
    %dot_general3A_254 = tpu.matmul %slice3A_186, %slice3A_252, %dot_general3A_253 {dimension_numbers = #tpu.dot_dimension_numbers<[1], [0], [0], [1], [0, 0, 1, 1], [], []>, transpose_lhs_hint = false} : vector<128x64xf32>, vector<64x128xf32>, vector<128x128xf32> -> vector<128x128xf32>
    %slice3A_255 = vector.extract_strided_slice %mul3A_60 {offsets = [0, 640], sizes = [1, 128], strides = [1, 1]} : vector<1x1024xf32> to vector<1x128xf32>
    %add3A_256 = vector.broadcast %slice3A_187 : vector<128x1xf32> to vector<128x128xf32>
    %add3A_257 = vector.broadcast %slice3A_255 : vector<1x128xf32> to vector<128x128xf32>
    %add3A_258 = arith.addf %add3A_256, %add3A_257 : vector<128x128xf32>
    %add3A_259 = arith.addf %add3A_258, %dot_general3A_254 : vector<128x128xf32>
    %lt3A_260 = arith.cmpf olt, %add3A_259, %select_n3A_247 : vector<128x128xf32>
    %select_n3A_261 = arith.select %lt3A_260, %add3A_259, %select_n3A_247 : vector<128x128xi1>, vector<128x128xf32>
    %add3A_262 = arith.constant 640 : i32
    %add3A_263 = vector.broadcast %add3A_262 : i32 to vector<128x128xi32>
    %add3A_264 = arith.addi %iota3A, %add3A_263 : vector<128x128xi32>
    %select_n3A_265 = arith.select %lt3A_260, %add3A_264, %select_n3A_251 : vector<128x128xi1>, vector<128x128xi32>
    %slice3A_266 = vector.extract_strided_slice %get3A_53 {offsets = [0, 768], sizes = [64, 128], strides = [1, 1]} : vector<64x1024xf32> to vector<64x128xf32>
    %dot_general3A_267 = arith.constant dense<0.000000e+00> : vector<128x128xf32>
    %dot_general3A_268 = tpu.matmul %slice3A_186, %slice3A_266, %dot_general3A_267 {dimension_numbers = #tpu.dot_dimension_numbers<[1], [0], [0], [1], [0, 0, 1, 1], [], []>, transpose_lhs_hint = false} : vector<128x64xf32>, vector<64x128xf32>, vector<128x128xf32> -> vector<128x128xf32>
    %slice3A_269 = vector.extract_strided_slice %mul3A_60 {offsets = [0, 768], sizes = [1, 128], strides = [1, 1]} : vector<1x1024xf32> to vector<1x128xf32>
    %add3A_270 = vector.broadcast %slice3A_187 : vector<128x1xf32> to vector<128x128xf32>
    %add3A_271 = vector.broadcast %slice3A_269 : vector<1x128xf32> to vector<128x128xf32>
    %add3A_272 = arith.addf %add3A_270, %add3A_271 : vector<128x128xf32>
    %add3A_273 = arith.addf %add3A_272, %dot_general3A_268 : vector<128x128xf32>
    %lt3A_274 = arith.cmpf olt, %add3A_273, %select_n3A_261 : vector<128x128xf32>
    %select_n3A_275 = arith.select %lt3A_274, %add3A_273, %select_n3A_261 : vector<128x128xi1>, vector<128x128xf32>
    %add3A_276 = arith.constant 768 : i32
    %add3A_277 = vector.broadcast %add3A_276 : i32 to vector<128x128xi32>
    %add3A_278 = arith.addi %iota3A, %add3A_277 : vector<128x128xi32>
    %select_n3A_279 = arith.select %lt3A_274, %add3A_278, %select_n3A_265 : vector<128x128xi1>, vector<128x128xi32>
    %slice3A_280 = vector.extract_strided_slice %get3A_53 {offsets = [0, 896], sizes = [64, 128], strides = [1, 1]} : vector<64x1024xf32> to vector<64x128xf32>
    %dot_general3A_281 = arith.constant dense<0.000000e+00> : vector<128x128xf32>
    %dot_general3A_282 = tpu.matmul %slice3A_186, %slice3A_280, %dot_general3A_281 {dimension_numbers = #tpu.dot_dimension_numbers<[1], [0], [0], [1], [0, 0, 1, 1], [], []>, transpose_lhs_hint = false} : vector<128x64xf32>, vector<64x128xf32>, vector<128x128xf32> -> vector<128x128xf32>
    %slice3A_283 = vector.extract_strided_slice %mul3A_60 {offsets = [0, 896], sizes = [1, 128], strides = [1, 1]} : vector<1x1024xf32> to vector<1x128xf32>
    %add3A_284 = vector.broadcast %slice3A_187 : vector<128x1xf32> to vector<128x128xf32>
    %add3A_285 = vector.broadcast %slice3A_283 : vector<1x128xf32> to vector<128x128xf32>
    %add3A_286 = arith.addf %add3A_284, %add3A_285 : vector<128x128xf32>
    %add3A_287 = arith.addf %add3A_286, %dot_general3A_282 : vector<128x128xf32>
    %lt3A_288 = arith.cmpf olt, %add3A_287, %select_n3A_275 : vector<128x128xf32>
    %select_n3A_289 = arith.select %lt3A_288, %add3A_287, %select_n3A_275 : vector<128x128xi1>, vector<128x128xf32>
    %add3A_290 = arith.constant 896 : i32
    %add3A_291 = vector.broadcast %add3A_290 : i32 to vector<128x128xi32>
    %add3A_292 = arith.addi %iota3A, %add3A_291 : vector<128x128xi32>
    %select_n3A_293 = arith.select %lt3A_288, %add3A_292, %select_n3A_279 : vector<128x128xi1>, vector<128x128xi32>
    %reduce_min3A_294 = arith.constant dense<0x7F800000> : vector<128xf32>
    %reduce_min3A_295 = vector.multi_reduction <minimumf>, %select_n3A_289, %reduce_min3A_294 [1] : vector<128x128xf32> to vector<128xf32>
    %broadcast_in_dim3A_296 = vector.shape_cast %reduce_min3A_295 : vector<128xf32> to vector<128x1xf32>
    %eq3A_297 = vector.broadcast %broadcast_in_dim3A_296 : vector<128x1xf32> to vector<128x128xf32>
    %eq3A_298 = arith.cmpf oeq, %select_n3A_289, %eq3A_297 : vector<128x128xf32>
    %jit3A_299 = arith.constant 1024 : i32
    %broadcast_in_dim3A_300 = vector.broadcast %jit3A_299 : i32 to vector<128x128xi32>
    %select_n3A_301 = arith.select %eq3A_298, %select_n3A_293, %broadcast_in_dim3A_300 : vector<128x128xi1>, vector<128x128xi32>
    %reduce_min3A_302 = arith.constant dense<2147483647> : vector<128xi32>
    %reduce_min3A_303 = vector.multi_reduction <minsi>, %select_n3A_301, %reduce_min3A_302 [1] : vector<128x128xi32> to vector<128xi32>
    %swap3A_304 = arith.constant 0 : index
    %swap3A_305 = arith.constant 0 : index
    %swap3A_306 = arith.constant 128 : index
    %swap3A_307 = vector.load %arg3[%swap3A_304, %swap3A_305, %swap3A_306] : memref<1x1x1024xi32, #tpu.memory_space<vmem>>, vector<1x1x128xi32>
    %swap3A_308 = vector.shape_cast %swap3A_307 : vector<1x1x128xi32> to vector<128xi32>
    %swap3A_309 = vector.shape_cast %reduce_min3A_303 : vector<128xi32> to vector<1x1x128xi32>
    tpu.vector_store %arg3[%swap3A_304, %swap3A_305, %swap3A_306], %swap3A_309 {strides = array<i32>} : memref<1x1x1024xi32, #tpu.memory_space<vmem>>, vector<1x1x128xi32>,
    %reduce_sum3A_310 = vector.shape_cast %broadcast_in_dim3A_296 : vector<128x1xf32> to vector<1x128x1xf32>
    %reduce_sum3A_311 = arith.constant dense<0.000000e+00> : vector<1xf32>
    %reduce_sum3A_312 = vector.multi_reduction <add>, %reduce_sum3A_310, %reduce_sum3A_311 [1, 2] : vector<1x128x1xf32> to vector<1xf32>
    %reduce_sum3A_313 = vector.shape_cast %reduce_sum3A_312 : vector<1xf32> to vector<1x1x1xf32>
    %reduce_sum3A_314 = vector.extract %reduce_sum3A_313[0, 0, 0] : f32 from vector<1x1x1xf32>
    %add3A_315 = arith.addf %reduce_sum3A_185, %reduce_sum3A_314 : f32
    %slice3A_316 = vector.extract_strided_slice %get3A_49 {offsets = [256, 0], sizes = [128, 64], strides = [1, 1]} : vector<1024x64xf32> to vector<128x64xf32>
    %slice3A_317 = vector.extract_strided_slice %broadcast_in_dim3A {offsets = [256, 0], sizes = [128, 1], strides = [1, 1]} : vector<1024x1xf32> to vector<128x1xf32>
    %slice3A_318 = vector.extract_strided_slice %get3A_53 {offsets = [0, 0], sizes = [64, 128], strides = [1, 1]} : vector<64x1024xf32> to vector<64x128xf32>
    %dot_general3A_319 = arith.constant dense<0.000000e+00> : vector<128x128xf32>
    %dot_general3A_320 = tpu.matmul %slice3A_316, %slice3A_318, %dot_general3A_319 {dimension_numbers = #tpu.dot_dimension_numbers<[1], [0], [0], [1], [0, 0, 1, 1], [], []>, transpose_lhs_hint = false} : vector<128x64xf32>, vector<64x128xf32>, vector<128x128xf32> -> vector<128x128xf32>
    %slice3A_321 = vector.extract_strided_slice %mul3A_60 {offsets = [0, 0], sizes = [1, 128], strides = [1, 1]} : vector<1x1024xf32> to vector<1x128xf32>
    %add3A_322 = vector.broadcast %slice3A_317 : vector<128x1xf32> to vector<128x128xf32>
    %add3A_323 = vector.broadcast %slice3A_321 : vector<1x128xf32> to vector<128x128xf32>
    %add3A_324 = arith.addf %add3A_322, %add3A_323 : vector<128x128xf32>
    %add3A_325 = arith.addf %add3A_324, %dot_general3A_320 : vector<128x128xf32>
    %slice3A_326 = vector.extract_strided_slice %get3A_53 {offsets = [0, 128], sizes = [64, 128], strides = [1, 1]} : vector<64x1024xf32> to vector<64x128xf32>
    %dot_general3A_327 = arith.constant dense<0.000000e+00> : vector<128x128xf32>
    %dot_general3A_328 = tpu.matmul %slice3A_316, %slice3A_326, %dot_general3A_327 {dimension_numbers = #tpu.dot_dimension_numbers<[1], [0], [0], [1], [0, 0, 1, 1], [], []>, transpose_lhs_hint = false} : vector<128x64xf32>, vector<64x128xf32>, vector<128x128xf32> -> vector<128x128xf32>
    %slice3A_329 = vector.extract_strided_slice %mul3A_60 {offsets = [0, 128], sizes = [1, 128], strides = [1, 1]} : vector<1x1024xf32> to vector<1x128xf32>
    %add3A_330 = vector.broadcast %slice3A_317 : vector<128x1xf32> to vector<128x128xf32>
    %add3A_331 = vector.broadcast %slice3A_329 : vector<1x128xf32> to vector<128x128xf32>
    %add3A_332 = arith.addf %add3A_330, %add3A_331 : vector<128x128xf32>
    %add3A_333 = arith.addf %add3A_332, %dot_general3A_328 : vector<128x128xf32>
    %lt3A_334 = arith.cmpf olt, %add3A_333, %add3A_325 : vector<128x128xf32>
    %select_n3A_335 = arith.select %lt3A_334, %add3A_333, %add3A_325 : vector<128x128xi1>, vector<128x128xf32>
    %add3A_336 = arith.constant 128 : i32
    %add3A_337 = vector.broadcast %add3A_336 : i32 to vector<128x128xi32>
    %add3A_338 = arith.addi %iota3A, %add3A_337 : vector<128x128xi32>
    %select_n3A_339 = arith.select %lt3A_334, %add3A_338, %iota3A : vector<128x128xi1>, vector<128x128xi32>
    %slice3A_340 = vector.extract_strided_slice %get3A_53 {offsets = [0, 256], sizes = [64, 128], strides = [1, 1]} : vector<64x1024xf32> to vector<64x128xf32>
    %dot_general3A_341 = arith.constant dense<0.000000e+00> : vector<128x128xf32>
    %dot_general3A_342 = tpu.matmul %slice3A_316, %slice3A_340, %dot_general3A_341 {dimension_numbers = #tpu.dot_dimension_numbers<[1], [0], [0], [1], [0, 0, 1, 1], [], []>, transpose_lhs_hint = false} : vector<128x64xf32>, vector<64x128xf32>, vector<128x128xf32> -> vector<128x128xf32>
    %slice3A_343 = vector.extract_strided_slice %mul3A_60 {offsets = [0, 256], sizes = [1, 128], strides = [1, 1]} : vector<1x1024xf32> to vector<1x128xf32>
    %add3A_344 = vector.broadcast %slice3A_317 : vector<128x1xf32> to vector<128x128xf32>
    %add3A_345 = vector.broadcast %slice3A_343 : vector<1x128xf32> to vector<128x128xf32>
    %add3A_346 = arith.addf %add3A_344, %add3A_345 : vector<128x128xf32>
    %add3A_347 = arith.addf %add3A_346, %dot_general3A_342 : vector<128x128xf32>
    %lt3A_348 = arith.cmpf olt, %add3A_347, %select_n3A_335 : vector<128x128xf32>
    %select_n3A_349 = arith.select %lt3A_348, %add3A_347, %select_n3A_335 : vector<128x128xi1>, vector<128x128xf32>
    %add3A_350 = arith.constant 256 : i32
    %add3A_351 = vector.broadcast %add3A_350 : i32 to vector<128x128xi32>
    %add3A_352 = arith.addi %iota3A, %add3A_351 : vector<128x128xi32>
    %select_n3A_353 = arith.select %lt3A_348, %add3A_352, %select_n3A_339 : vector<128x128xi1>, vector<128x128xi32>
    %slice3A_354 = vector.extract_strided_slice %get3A_53 {offsets = [0, 384], sizes = [64, 128], strides = [1, 1]} : vector<64x1024xf32> to vector<64x128xf32>
    %dot_general3A_355 = arith.constant dense<0.000000e+00> : vector<128x128xf32>
    %dot_general3A_356 = tpu.matmul %slice3A_316, %slice3A_354, %dot_general3A_355 {dimension_numbers = #tpu.dot_dimension_numbers<[1], [0], [0], [1], [0, 0, 1, 1], [], []>, transpose_lhs_hint = false} : vector<128x64xf32>, vector<64x128xf32>, vector<128x128xf32> -> vector<128x128xf32>
    %slice3A_357 = vector.extract_strided_slice %mul3A_60 {offsets = [0, 384], sizes = [1, 128], strides = [1, 1]} : vector<1x1024xf32> to vector<1x128xf32>
    %add3A_358 = vector.broadcast %slice3A_317 : vector<128x1xf32> to vector<128x128xf32>
    %add3A_359 = vector.broadcast %slice3A_357 : vector<1x128xf32> to vector<128x128xf32>
    %add3A_360 = arith.addf %add3A_358, %add3A_359 : vector<128x128xf32>
    %add3A_361 = arith.addf %add3A_360, %dot_general3A_356 : vector<128x128xf32>
    %lt3A_362 = arith.cmpf olt, %add3A_361, %select_n3A_349 : vector<128x128xf32>
    %select_n3A_363 = arith.select %lt3A_362, %add3A_361, %select_n3A_349 : vector<128x128xi1>, vector<128x128xf32>
    %add3A_364 = arith.constant 384 : i32
    %add3A_365 = vector.broadcast %add3A_364 : i32 to vector<128x128xi32>
    %add3A_366 = arith.addi %iota3A, %add3A_365 : vector<128x128xi32>
    %select_n3A_367 = arith.select %lt3A_362, %add3A_366, %select_n3A_353 : vector<128x128xi1>, vector<128x128xi32>
    %slice3A_368 = vector.extract_strided_slice %get3A_53 {offsets = [0, 512], sizes = [64, 128], strides = [1, 1]} : vector<64x1024xf32> to vector<64x128xf32>
    %dot_general3A_369 = arith.constant dense<0.000000e+00> : vector<128x128xf32>
    %dot_general3A_370 = tpu.matmul %slice3A_316, %slice3A_368, %dot_general3A_369 {dimension_numbers = #tpu.dot_dimension_numbers<[1], [0], [0], [1], [0, 0, 1, 1], [], []>, transpose_lhs_hint = false} : vector<128x64xf32>, vector<64x128xf32>, vector<128x128xf32> -> vector<128x128xf32>
    %slice3A_371 = vector.extract_strided_slice %mul3A_60 {offsets = [0, 512], sizes = [1, 128], strides = [1, 1]} : vector<1x1024xf32> to vector<1x128xf32>
    %add3A_372 = vector.broadcast %slice3A_317 : vector<128x1xf32> to vector<128x128xf32>
    %add3A_373 = vector.broadcast %slice3A_371 : vector<1x128xf32> to vector<128x128xf32>
    %add3A_374 = arith.addf %add3A_372, %add3A_373 : vector<128x128xf32>
    %add3A_375 = arith.addf %add3A_374, %dot_general3A_370 : vector<128x128xf32>
    %lt3A_376 = arith.cmpf olt, %add3A_375, %select_n3A_363 : vector<128x128xf32>
    %select_n3A_377 = arith.select %lt3A_376, %add3A_375, %select_n3A_363 : vector<128x128xi1>, vector<128x128xf32>
    %add3A_378 = arith.constant 512 : i32
    %add3A_379 = vector.broadcast %add3A_378 : i32 to vector<128x128xi32>
    %add3A_380 = arith.addi %iota3A, %add3A_379 : vector<128x128xi32>
    %select_n3A_381 = arith.select %lt3A_376, %add3A_380, %select_n3A_367 : vector<128x128xi1>, vector<128x128xi32>
    %slice3A_382 = vector.extract_strided_slice %get3A_53 {offsets = [0, 640], sizes = [64, 128], strides = [1, 1]} : vector<64x1024xf32> to vector<64x128xf32>
    %dot_general3A_383 = arith.constant dense<0.000000e+00> : vector<128x128xf32>
    %dot_general3A_384 = tpu.matmul %slice3A_316, %slice3A_382, %dot_general3A_383 {dimension_numbers = #tpu.dot_dimension_numbers<[1], [0], [0], [1], [0, 0, 1, 1], [], []>, transpose_lhs_hint = false} : vector<128x64xf32>, vector<64x128xf32>, vector<128x128xf32> -> vector<128x128xf32>
    %slice3A_385 = vector.extract_strided_slice %mul3A_60 {offsets = [0, 640], sizes = [1, 128], strides = [1, 1]} : vector<1x1024xf32> to vector<1x128xf32>
    %add3A_386 = vector.broadcast %slice3A_317 : vector<128x1xf32> to vector<128x128xf32>
    %add3A_387 = vector.broadcast %slice3A_385 : vector<1x128xf32> to vector<128x128xf32>
    %add3A_388 = arith.addf %add3A_386, %add3A_387 : vector<128x128xf32>
    %add3A_389 = arith.addf %add3A_388, %dot_general3A_384 : vector<128x128xf32>
    %lt3A_390 = arith.cmpf olt, %add3A_389, %select_n3A_377 : vector<128x128xf32>
    %select_n3A_391 = arith.select %lt3A_390, %add3A_389, %select_n3A_377 : vector<128x128xi1>, vector<128x128xf32>
    %add3A_392 = arith.constant 640 : i32
    %add3A_393 = vector.broadcast %add3A_392 : i32 to vector<128x128xi32>
    %add3A_394 = arith.addi %iota3A, %add3A_393 : vector<128x128xi32>
    %select_n3A_395 = arith.select %lt3A_390, %add3A_394, %select_n3A_381 : vector<128x128xi1>, vector<128x128xi32>
    %slice3A_396 = vector.extract_strided_slice %get3A_53 {offsets = [0, 768], sizes = [64, 128], strides = [1, 1]} : vector<64x1024xf32> to vector<64x128xf32>
    %dot_general3A_397 = arith.constant dense<0.000000e+00> : vector<128x128xf32>
    %dot_general3A_398 = tpu.matmul %slice3A_316, %slice3A_396, %dot_general3A_397 {dimension_numbers = #tpu.dot_dimension_numbers<[1], [0], [0], [1], [0, 0, 1, 1], [], []>, transpose_lhs_hint = false} : vector<128x64xf32>, vector<64x128xf32>, vector<128x128xf32> -> vector<128x128xf32>
    %slice3A_399 = vector.extract_strided_slice %mul3A_60 {offsets = [0, 768], sizes = [1, 128], strides = [1, 1]} : vector<1x1024xf32> to vector<1x128xf32>
    %add3A_400 = vector.broadcast %slice3A_317 : vector<128x1xf32> to vector<128x128xf32>
    %add3A_401 = vector.broadcast %slice3A_399 : vector<1x128xf32> to vector<128x128xf32>
    %add3A_402 = arith.addf %add3A_400, %add3A_401 : vector<128x128xf32>
    %add3A_403 = arith.addf %add3A_402, %dot_general3A_398 : vector<128x128xf32>
    %lt3A_404 = arith.cmpf olt, %add3A_403, %select_n3A_391 : vector<128x128xf32>
    %select_n3A_405 = arith.select %lt3A_404, %add3A_403, %select_n3A_391 : vector<128x128xi1>, vector<128x128xf32>
    %add3A_406 = arith.constant 768 : i32
    %add3A_407 = vector.broadcast %add3A_406 : i32 to vector<128x128xi32>
    %add3A_408 = arith.addi %iota3A, %add3A_407 : vector<128x128xi32>
    %select_n3A_409 = arith.select %lt3A_404, %add3A_408, %select_n3A_395 : vector<128x128xi1>, vector<128x128xi32>
    %slice3A_410 = vector.extract_strided_slice %get3A_53 {offsets = [0, 896], sizes = [64, 128], strides = [1, 1]} : vector<64x1024xf32> to vector<64x128xf32>
    %dot_general3A_411 = arith.constant dense<0.000000e+00> : vector<128x128xf32>
    %dot_general3A_412 = tpu.matmul %slice3A_316, %slice3A_410, %dot_general3A_411 {dimension_numbers = #tpu.dot_dimension_numbers<[1], [0], [0], [1], [0, 0, 1, 1], [], []>, transpose_lhs_hint = false} : vector<128x64xf32>, vector<64x128xf32>, vector<128x128xf32> -> vector<128x128xf32>
    %slice3A_413 = vector.extract_strided_slice %mul3A_60 {offsets = [0, 896], sizes = [1, 128], strides = [1, 1]} : vector<1x1024xf32> to vector<1x128xf32>
    %add3A_414 = vector.broadcast %slice3A_317 : vector<128x1xf32> to vector<128x128xf32>
    %add3A_415 = vector.broadcast %slice3A_413 : vector<1x128xf32> to vector<128x128xf32>
    %add3A_416 = arith.addf %add3A_414, %add3A_415 : vector<128x128xf32>
    %add3A_417 = arith.addf %add3A_416, %dot_general3A_412 : vector<128x128xf32>
    %lt3A_418 = arith.cmpf olt, %add3A_417, %select_n3A_405 : vector<128x128xf32>
    %select_n3A_419 = arith.select %lt3A_418, %add3A_417, %select_n3A_405 : vector<128x128xi1>, vector<128x128xf32>
    %add3A_420 = arith.constant 896 : i32
    %add3A_421 = vector.broadcast %add3A_420 : i32 to vector<128x128xi32>
    %add3A_422 = arith.addi %iota3A, %add3A_421 : vector<128x128xi32>
    %select_n3A_423 = arith.select %lt3A_418, %add3A_422, %select_n3A_409 : vector<128x128xi1>, vector<128x128xi32>
    %reduce_min3A_424 = arith.constant dense<0x7F800000> : vector<128xf32>
    %reduce_min3A_425 = vector.multi_reduction <minimumf>, %select_n3A_419, %reduce_min3A_424 [1] : vector<128x128xf32> to vector<128xf32>
    %broadcast_in_dim3A_426 = vector.shape_cast %reduce_min3A_425 : vector<128xf32> to vector<128x1xf32>
    %eq3A_427 = vector.broadcast %broadcast_in_dim3A_426 : vector<128x1xf32> to vector<128x128xf32>
    %eq3A_428 = arith.cmpf oeq, %select_n3A_419, %eq3A_427 : vector<128x128xf32>
    %jit3A_429 = arith.constant 1024 : i32
    %broadcast_in_dim3A_430 = vector.broadcast %jit3A_429 : i32 to vector<128x128xi32>
    %select_n3A_431 = arith.select %eq3A_428, %select_n3A_423, %broadcast_in_dim3A_430 : vector<128x128xi1>, vector<128x128xi32>
    %reduce_min3A_432 = arith.constant dense<2147483647> : vector<128xi32>
    %reduce_min3A_433 = vector.multi_reduction <minsi>, %select_n3A_431, %reduce_min3A_432 [1] : vector<128x128xi32> to vector<128xi32>
    %swap3A_434 = arith.constant 0 : index
    %swap3A_435 = arith.constant 0 : index
    %swap3A_436 = arith.constant 256 : index
    %swap3A_437 = vector.load %arg3[%swap3A_434, %swap3A_435, %swap3A_436] : memref<1x1x1024xi32, #tpu.memory_space<vmem>>, vector<1x1x128xi32>
    %swap3A_438 = vector.shape_cast %swap3A_437 : vector<1x1x128xi32> to vector<128xi32>
    %swap3A_439 = vector.shape_cast %reduce_min3A_433 : vector<128xi32> to vector<1x1x128xi32>
    tpu.vector_store %arg3[%swap3A_434, %swap3A_435, %swap3A_436], %swap3A_439 {strides = array<i32>} : memref<1x1x1024xi32, #tpu.memory_space<vmem>>, vector<1x1x128xi32>,
    %reduce_sum3A_440 = vector.shape_cast %broadcast_in_dim3A_426 : vector<128x1xf32> to vector<1x128x1xf32>
    %reduce_sum3A_441 = arith.constant dense<0.000000e+00> : vector<1xf32>
    %reduce_sum3A_442 = vector.multi_reduction <add>, %reduce_sum3A_440, %reduce_sum3A_441 [1, 2] : vector<1x128x1xf32> to vector<1xf32>
    %reduce_sum3A_443 = vector.shape_cast %reduce_sum3A_442 : vector<1xf32> to vector<1x1x1xf32>
    %reduce_sum3A_444 = vector.extract %reduce_sum3A_443[0, 0, 0] : f32 from vector<1x1x1xf32>
    %add3A_445 = arith.addf %add3A_315, %reduce_sum3A_444 : f32
    %slice3A_446 = vector.extract_strided_slice %get3A_49 {offsets = [384, 0], sizes = [128, 64], strides = [1, 1]} : vector<1024x64xf32> to vector<128x64xf32>
    %slice3A_447 = vector.extract_strided_slice %broadcast_in_dim3A {offsets = [384, 0], sizes = [128, 1], strides = [1, 1]} : vector<1024x1xf32> to vector<128x1xf32>
    %slice3A_448 = vector.extract_strided_slice %get3A_53 {offsets = [0, 0], sizes = [64, 128], strides = [1, 1]} : vector<64x1024xf32> to vector<64x128xf32>
    %dot_general3A_449 = arith.constant dense<0.000000e+00> : vector<128x128xf32>
    %dot_general3A_450 = tpu.matmul %slice3A_446, %slice3A_448, %dot_general3A_449 {dimension_numbers = #tpu.dot_dimension_numbers<[1], [0], [0], [1], [0, 0, 1, 1], [], []>, transpose_lhs_hint = false} : vector<128x64xf32>, vector<64x128xf32>, vector<128x128xf32> -> vector<128x128xf32>
    %slice3A_451 = vector.extract_strided_slice %mul3A_60 {offsets = [0, 0], sizes = [1, 128], strides = [1, 1]} : vector<1x1024xf32> to vector<1x128xf32>
    %add3A_452 = vector.broadcast %slice3A_447 : vector<128x1xf32> to vector<128x128xf32>
    %add3A_453 = vector.broadcast %slice3A_451 : vector<1x128xf32> to vector<128x128xf32>
    %add3A_454 = arith.addf %add3A_452, %add3A_453 : vector<128x128xf32>
    %add3A_455 = arith.addf %add3A_454, %dot_general3A_450 : vector<128x128xf32>
    %slice3A_456 = vector.extract_strided_slice %get3A_53 {offsets = [0, 128], sizes = [64, 128], strides = [1, 1]} : vector<64x1024xf32> to vector<64x128xf32>
    %dot_general3A_457 = arith.constant dense<0.000000e+00> : vector<128x128xf32>
    %dot_general3A_458 = tpu.matmul %slice3A_446, %slice3A_456, %dot_general3A_457 {dimension_numbers = #tpu.dot_dimension_numbers<[1], [0], [0], [1], [0, 0, 1, 1], [], []>, transpose_lhs_hint = false} : vector<128x64xf32>, vector<64x128xf32>, vector<128x128xf32> -> vector<128x128xf32>
    %slice3A_459 = vector.extract_strided_slice %mul3A_60 {offsets = [0, 128], sizes = [1, 128], strides = [1, 1]} : vector<1x1024xf32> to vector<1x128xf32>
    %add3A_460 = vector.broadcast %slice3A_447 : vector<128x1xf32> to vector<128x128xf32>
    %add3A_461 = vector.broadcast %slice3A_459 : vector<1x128xf32> to vector<128x128xf32>
    %add3A_462 = arith.addf %add3A_460, %add3A_461 : vector<128x128xf32>
    %add3A_463 = arith.addf %add3A_462, %dot_general3A_458 : vector<128x128xf32>
    %lt3A_464 = arith.cmpf olt, %add3A_463, %add3A_455 : vector<128x128xf32>
    %select_n3A_465 = arith.select %lt3A_464, %add3A_463, %add3A_455 : vector<128x128xi1>, vector<128x128xf32>
    %add3A_466 = arith.constant 128 : i32
    %add3A_467 = vector.broadcast %add3A_466 : i32 to vector<128x128xi32>
    %add3A_468 = arith.addi %iota3A, %add3A_467 : vector<128x128xi32>
    %select_n3A_469 = arith.select %lt3A_464, %add3A_468, %iota3A : vector<128x128xi1>, vector<128x128xi32>
    %slice3A_470 = vector.extract_strided_slice %get3A_53 {offsets = [0, 256], sizes = [64, 128], strides = [1, 1]} : vector<64x1024xf32> to vector<64x128xf32>
    %dot_general3A_471 = arith.constant dense<0.000000e+00> : vector<128x128xf32>
    %dot_general3A_472 = tpu.matmul %slice3A_446, %slice3A_470, %dot_general3A_471 {dimension_numbers = #tpu.dot_dimension_numbers<[1], [0], [0], [1], [0, 0, 1, 1], [], []>, transpose_lhs_hint = false} : vector<128x64xf32>, vector<64x128xf32>, vector<128x128xf32> -> vector<128x128xf32>
    %slice3A_473 = vector.extract_strided_slice %mul3A_60 {offsets = [0, 256], sizes = [1, 128], strides = [1, 1]} : vector<1x1024xf32> to vector<1x128xf32>
    %add3A_474 = vector.broadcast %slice3A_447 : vector<128x1xf32> to vector<128x128xf32>
    %add3A_475 = vector.broadcast %slice3A_473 : vector<1x128xf32> to vector<128x128xf32>
    %add3A_476 = arith.addf %add3A_474, %add3A_475 : vector<128x128xf32>
    %add3A_477 = arith.addf %add3A_476, %dot_general3A_472 : vector<128x128xf32>
    %lt3A_478 = arith.cmpf olt, %add3A_477, %select_n3A_465 : vector<128x128xf32>
    %select_n3A_479 = arith.select %lt3A_478, %add3A_477, %select_n3A_465 : vector<128x128xi1>, vector<128x128xf32>
    %add3A_480 = arith.constant 256 : i32
    %add3A_481 = vector.broadcast %add3A_480 : i32 to vector<128x128xi32>
    %add3A_482 = arith.addi %iota3A, %add3A_481 : vector<128x128xi32>
    %select_n3A_483 = arith.select %lt3A_478, %add3A_482, %select_n3A_469 : vector<128x128xi1>, vector<128x128xi32>
    %slice3A_484 = vector.extract_strided_slice %get3A_53 {offsets = [0, 384], sizes = [64, 128], strides = [1, 1]} : vector<64x1024xf32> to vector<64x128xf32>
    %dot_general3A_485 = arith.constant dense<0.000000e+00> : vector<128x128xf32>
    %dot_general3A_486 = tpu.matmul %slice3A_446, %slice3A_484, %dot_general3A_485 {dimension_numbers = #tpu.dot_dimension_numbers<[1], [0], [0], [1], [0, 0, 1, 1], [], []>, transpose_lhs_hint = false} : vector<128x64xf32>, vector<64x128xf32>, vector<128x128xf32> -> vector<128x128xf32>
    %slice3A_487 = vector.extract_strided_slice %mul3A_60 {offsets = [0, 384], sizes = [1, 128], strides = [1, 1]} : vector<1x1024xf32> to vector<1x128xf32>
    %add3A_488 = vector.broadcast %slice3A_447 : vector<128x1xf32> to vector<128x128xf32>
    %add3A_489 = vector.broadcast %slice3A_487 : vector<1x128xf32> to vector<128x128xf32>
    %add3A_490 = arith.addf %add3A_488, %add3A_489 : vector<128x128xf32>
    %add3A_491 = arith.addf %add3A_490, %dot_general3A_486 : vector<128x128xf32>
    %lt3A_492 = arith.cmpf olt, %add3A_491, %select_n3A_479 : vector<128x128xf32>
    %select_n3A_493 = arith.select %lt3A_492, %add3A_491, %select_n3A_479 : vector<128x128xi1>, vector<128x128xf32>
    %add3A_494 = arith.constant 384 : i32
    %add3A_495 = vector.broadcast %add3A_494 : i32 to vector<128x128xi32>
    %add3A_496 = arith.addi %iota3A, %add3A_495 : vector<128x128xi32>
    %select_n3A_497 = arith.select %lt3A_492, %add3A_496, %select_n3A_483 : vector<128x128xi1>, vector<128x128xi32>
    %slice3A_498 = vector.extract_strided_slice %get3A_53 {offsets = [0, 512], sizes = [64, 128], strides = [1, 1]} : vector<64x1024xf32> to vector<64x128xf32>
    %dot_general3A_499 = arith.constant dense<0.000000e+00> : vector<128x128xf32>
    %dot_general3A_500 = tpu.matmul %slice3A_446, %slice3A_498, %dot_general3A_499 {dimension_numbers = #tpu.dot_dimension_numbers<[1], [0], [0], [1], [0, 0, 1, 1], [], []>, transpose_lhs_hint = false} : vector<128x64xf32>, vector<64x128xf32>, vector<128x128xf32> -> vector<128x128xf32>
    %slice3A_501 = vector.extract_strided_slice %mul3A_60 {offsets = [0, 512], sizes = [1, 128], strides = [1, 1]} : vector<1x1024xf32> to vector<1x128xf32>
    %add3A_502 = vector.broadcast %slice3A_447 : vector<128x1xf32> to vector<128x128xf32>
    %add3A_503 = vector.broadcast %slice3A_501 : vector<1x128xf32> to vector<128x128xf32>
    %add3A_504 = arith.addf %add3A_502, %add3A_503 : vector<128x128xf32>
    %add3A_505 = arith.addf %add3A_504, %dot_general3A_500 : vector<128x128xf32>
    %lt3A_506 = arith.cmpf olt, %add3A_505, %select_n3A_493 : vector<128x128xf32>
    %select_n3A_507 = arith.select %lt3A_506, %add3A_505, %select_n3A_493 : vector<128x128xi1>, vector<128x128xf32>
    %add3A_508 = arith.constant 512 : i32
    %add3A_509 = vector.broadcast %add3A_508 : i32 to vector<128x128xi32>
    %add3A_510 = arith.addi %iota3A, %add3A_509 : vector<128x128xi32>
    %select_n3A_511 = arith.select %lt3A_506, %add3A_510, %select_n3A_497 : vector<128x128xi1>, vector<128x128xi32>
    %slice3A_512 = vector.extract_strided_slice %get3A_53 {offsets = [0, 640], sizes = [64, 128], strides = [1, 1]} : vector<64x1024xf32> to vector<64x128xf32>
    %dot_general3A_513 = arith.constant dense<0.000000e+00> : vector<128x128xf32>
    %dot_general3A_514 = tpu.matmul %slice3A_446, %slice3A_512, %dot_general3A_513 {dimension_numbers = #tpu.dot_dimension_numbers<[1], [0], [0], [1], [0, 0, 1, 1], [], []>, transpose_lhs_hint = false} : vector<128x64xf32>, vector<64x128xf32>, vector<128x128xf32> -> vector<128x128xf32>
    %slice3A_515 = vector.extract_strided_slice %mul3A_60 {offsets = [0, 640], sizes = [1, 128], strides = [1, 1]} : vector<1x1024xf32> to vector<1x128xf32>
    %add3A_516 = vector.broadcast %slice3A_447 : vector<128x1xf32> to vector<128x128xf32>
    %add3A_517 = vector.broadcast %slice3A_515 : vector<1x128xf32> to vector<128x128xf32>
    %add3A_518 = arith.addf %add3A_516, %add3A_517 : vector<128x128xf32>
    %add3A_519 = arith.addf %add3A_518, %dot_general3A_514 : vector<128x128xf32>
    %lt3A_520 = arith.cmpf olt, %add3A_519, %select_n3A_507 : vector<128x128xf32>
    %select_n3A_521 = arith.select %lt3A_520, %add3A_519, %select_n3A_507 : vector<128x128xi1>, vector<128x128xf32>
    %add3A_522 = arith.constant 640 : i32
    %add3A_523 = vector.broadcast %add3A_522 : i32 to vector<128x128xi32>
    %add3A_524 = arith.addi %iota3A, %add3A_523 : vector<128x128xi32>
    %select_n3A_525 = arith.select %lt3A_520, %add3A_524, %select_n3A_511 : vector<128x128xi1>, vector<128x128xi32>
    %slice3A_526 = vector.extract_strided_slice %get3A_53 {offsets = [0, 768], sizes = [64, 128], strides = [1, 1]} : vector<64x1024xf32> to vector<64x128xf32>
    %dot_general3A_527 = arith.constant dense<0.000000e+00> : vector<128x128xf32>
    %dot_general3A_528 = tpu.matmul %slice3A_446, %slice3A_526, %dot_general3A_527 {dimension_numbers = #tpu.dot_dimension_numbers<[1], [0], [0], [1], [0, 0, 1, 1], [], []>, transpose_lhs_hint = false} : vector<128x64xf32>, vector<64x128xf32>, vector<128x128xf32> -> vector<128x128xf32>
    %slice3A_529 = vector.extract_strided_slice %mul3A_60 {offsets = [0, 768], sizes = [1, 128], strides = [1, 1]} : vector<1x1024xf32> to vector<1x128xf32>
    %add3A_530 = vector.broadcast %slice3A_447 : vector<128x1xf32> to vector<128x128xf32>
    %add3A_531 = vector.broadcast %slice3A_529 : vector<1x128xf32> to vector<128x128xf32>
    %add3A_532 = arith.addf %add3A_530, %add3A_531 : vector<128x128xf32>
    %add3A_533 = arith.addf %add3A_532, %dot_general3A_528 : vector<128x128xf32>
    %lt3A_534 = arith.cmpf olt, %add3A_533, %select_n3A_521 : vector<128x128xf32>
    %select_n3A_535 = arith.select %lt3A_534, %add3A_533, %select_n3A_521 : vector<128x128xi1>, vector<128x128xf32>
    %add3A_536 = arith.constant 768 : i32
    %add3A_537 = vector.broadcast %add3A_536 : i32 to vector<128x128xi32>
    %add3A_538 = arith.addi %iota3A, %add3A_537 : vector<128x128xi32>
    %select_n3A_539 = arith.select %lt3A_534, %add3A_538, %select_n3A_525 : vector<128x128xi1>, vector<128x128xi32>
    %slice3A_540 = vector.extract_strided_slice %get3A_53 {offsets = [0, 896], sizes = [64, 128], strides = [1, 1]} : vector<64x1024xf32> to vector<64x128xf32>
    %dot_general3A_541 = arith.constant dense<0.000000e+00> : vector<128x128xf32>
    %dot_general3A_542 = tpu.matmul %slice3A_446, %slice3A_540, %dot_general3A_541 {dimension_numbers = #tpu.dot_dimension_numbers<[1], [0], [0], [1], [0, 0, 1, 1], [], []>, transpose_lhs_hint = false} : vector<128x64xf32>, vector<64x128xf32>, vector<128x128xf32> -> vector<128x128xf32>
    %slice3A_543 = vector.extract_strided_slice %mul3A_60 {offsets = [0, 896], sizes = [1, 128], strides = [1, 1]} : vector<1x1024xf32> to vector<1x128xf32>
    %add3A_544 = vector.broadcast %slice3A_447 : vector<128x1xf32> to vector<128x128xf32>
    %add3A_545 = vector.broadcast %slice3A_543 : vector<1x128xf32> to vector<128x128xf32>
    %add3A_546 = arith.addf %add3A_544, %add3A_545 : vector<128x128xf32>
    %add3A_547 = arith.addf %add3A_546, %dot_general3A_542 : vector<128x128xf32>
    %lt3A_548 = arith.cmpf olt, %add3A_547, %select_n3A_535 : vector<128x128xf32>
    %select_n3A_549 = arith.select %lt3A_548, %add3A_547, %select_n3A_535 : vector<128x128xi1>, vector<128x128xf32>
    %add3A_550 = arith.constant 896 : i32
    %add3A_551 = vector.broadcast %add3A_550 : i32 to vector<128x128xi32>
    %add3A_552 = arith.addi %iota3A, %add3A_551 : vector<128x128xi32>
    %select_n3A_553 = arith.select %lt3A_548, %add3A_552, %select_n3A_539 : vector<128x128xi1>, vector<128x128xi32>
    %reduce_min3A_554 = arith.constant dense<0x7F800000> : vector<128xf32>
    %reduce_min3A_555 = vector.multi_reduction <minimumf>, %select_n3A_549, %reduce_min3A_554 [1] : vector<128x128xf32> to vector<128xf32>
    %broadcast_in_dim3A_556 = vector.shape_cast %reduce_min3A_555 : vector<128xf32> to vector<128x1xf32>
    %eq3A_557 = vector.broadcast %broadcast_in_dim3A_556 : vector<128x1xf32> to vector<128x128xf32>
    %eq3A_558 = arith.cmpf oeq, %select_n3A_549, %eq3A_557 : vector<128x128xf32>
    %jit3A_559 = arith.constant 1024 : i32
    %broadcast_in_dim3A_560 = vector.broadcast %jit3A_559 : i32 to vector<128x128xi32>
    %select_n3A_561 = arith.select %eq3A_558, %select_n3A_553, %broadcast_in_dim3A_560 : vector<128x128xi1>, vector<128x128xi32>
    %reduce_min3A_562 = arith.constant dense<2147483647> : vector<128xi32>
    %reduce_min3A_563 = vector.multi_reduction <minsi>, %select_n3A_561, %reduce_min3A_562 [1] : vector<128x128xi32> to vector<128xi32>
    %swap3A_564 = arith.constant 0 : index
    %swap3A_565 = arith.constant 0 : index
    %swap3A_566 = arith.constant 384 : index
    %swap3A_567 = vector.load %arg3[%swap3A_564, %swap3A_565, %swap3A_566] : memref<1x1x1024xi32, #tpu.memory_space<vmem>>, vector<1x1x128xi32>
    %swap3A_568 = vector.shape_cast %swap3A_567 : vector<1x1x128xi32> to vector<128xi32>
    %swap3A_569 = vector.shape_cast %reduce_min3A_563 : vector<128xi32> to vector<1x1x128xi32>
    tpu.vector_store %arg3[%swap3A_564, %swap3A_565, %swap3A_566], %swap3A_569 {strides = array<i32>} : memref<1x1x1024xi32, #tpu.memory_space<vmem>>, vector<1x1x128xi32>,
    %reduce_sum3A_570 = vector.shape_cast %broadcast_in_dim3A_556 : vector<128x1xf32> to vector<1x128x1xf32>
    %reduce_sum3A_571 = arith.constant dense<0.000000e+00> : vector<1xf32>
    %reduce_sum3A_572 = vector.multi_reduction <add>, %reduce_sum3A_570, %reduce_sum3A_571 [1, 2] : vector<1x128x1xf32> to vector<1xf32>
    %reduce_sum3A_573 = vector.shape_cast %reduce_sum3A_572 : vector<1xf32> to vector<1x1x1xf32>
    %reduce_sum3A_574 = vector.extract %reduce_sum3A_573[0, 0, 0] : f32 from vector<1x1x1xf32>
    %add3A_575 = arith.addf %add3A_445, %reduce_sum3A_574 : f32
    %slice3A_576 = vector.extract_strided_slice %get3A_49 {offsets = [512, 0], sizes = [128, 64], strides = [1, 1]} : vector<1024x64xf32> to vector<128x64xf32>
    %slice3A_577 = vector.extract_strided_slice %broadcast_in_dim3A {offsets = [512, 0], sizes = [128, 1], strides = [1, 1]} : vector<1024x1xf32> to vector<128x1xf32>
    %slice3A_578 = vector.extract_strided_slice %get3A_53 {offsets = [0, 0], sizes = [64, 128], strides = [1, 1]} : vector<64x1024xf32> to vector<64x128xf32>
    %dot_general3A_579 = arith.constant dense<0.000000e+00> : vector<128x128xf32>
    %dot_general3A_580 = tpu.matmul %slice3A_576, %slice3A_578, %dot_general3A_579 {dimension_numbers = #tpu.dot_dimension_numbers<[1], [0], [0], [1], [0, 0, 1, 1], [], []>, transpose_lhs_hint = false} : vector<128x64xf32>, vector<64x128xf32>, vector<128x128xf32> -> vector<128x128xf32>
    %slice3A_581 = vector.extract_strided_slice %mul3A_60 {offsets = [0, 0], sizes = [1, 128], strides = [1, 1]} : vector<1x1024xf32> to vector<1x128xf32>
    %add3A_582 = vector.broadcast %slice3A_577 : vector<128x1xf32> to vector<128x128xf32>
    %add3A_583 = vector.broadcast %slice3A_581 : vector<1x128xf32> to vector<128x128xf32>
    %add3A_584 = arith.addf %add3A_582, %add3A_583 : vector<128x128xf32>
    %add3A_585 = arith.addf %add3A_584, %dot_general3A_580 : vector<128x128xf32>
    %slice3A_586 = vector.extract_strided_slice %get3A_53 {offsets = [0, 128], sizes = [64, 128], strides = [1, 1]} : vector<64x1024xf32> to vector<64x128xf32>
    %dot_general3A_587 = arith.constant dense<0.000000e+00> : vector<128x128xf32>
    %dot_general3A_588 = tpu.matmul %slice3A_576, %slice3A_586, %dot_general3A_587 {dimension_numbers = #tpu.dot_dimension_numbers<[1], [0], [0], [1], [0, 0, 1, 1], [], []>, transpose_lhs_hint = false} : vector<128x64xf32>, vector<64x128xf32>, vector<128x128xf32> -> vector<128x128xf32>
    %slice3A_589 = vector.extract_strided_slice %mul3A_60 {offsets = [0, 128], sizes = [1, 128], strides = [1, 1]} : vector<1x1024xf32> to vector<1x128xf32>
    %add3A_590 = vector.broadcast %slice3A_577 : vector<128x1xf32> to vector<128x128xf32>
    %add3A_591 = vector.broadcast %slice3A_589 : vector<1x128xf32> to vector<128x128xf32>
    %add3A_592 = arith.addf %add3A_590, %add3A_591 : vector<128x128xf32>
    %add3A_593 = arith.addf %add3A_592, %dot_general3A_588 : vector<128x128xf32>
    %lt3A_594 = arith.cmpf olt, %add3A_593, %add3A_585 : vector<128x128xf32>
    %select_n3A_595 = arith.select %lt3A_594, %add3A_593, %add3A_585 : vector<128x128xi1>, vector<128x128xf32>
    %add3A_596 = arith.constant 128 : i32
    %add3A_597 = vector.broadcast %add3A_596 : i32 to vector<128x128xi32>
    %add3A_598 = arith.addi %iota3A, %add3A_597 : vector<128x128xi32>
    %select_n3A_599 = arith.select %lt3A_594, %add3A_598, %iota3A : vector<128x128xi1>, vector<128x128xi32>
    %slice3A_600 = vector.extract_strided_slice %get3A_53 {offsets = [0, 256], sizes = [64, 128], strides = [1, 1]} : vector<64x1024xf32> to vector<64x128xf32>
    %dot_general3A_601 = arith.constant dense<0.000000e+00> : vector<128x128xf32>
    %dot_general3A_602 = tpu.matmul %slice3A_576, %slice3A_600, %dot_general3A_601 {dimension_numbers = #tpu.dot_dimension_numbers<[1], [0], [0], [1], [0, 0, 1, 1], [], []>, transpose_lhs_hint = false} : vector<128x64xf32>, vector<64x128xf32>, vector<128x128xf32> -> vector<128x128xf32>
    %slice3A_603 = vector.extract_strided_slice %mul3A_60 {offsets = [0, 256], sizes = [1, 128], strides = [1, 1]} : vector<1x1024xf32> to vector<1x128xf32>
    %add3A_604 = vector.broadcast %slice3A_577 : vector<128x1xf32> to vector<128x128xf32>
    %add3A_605 = vector.broadcast %slice3A_603 : vector<1x128xf32> to vector<128x128xf32>
    %add3A_606 = arith.addf %add3A_604, %add3A_605 : vector<128x128xf32>
    %add3A_607 = arith.addf %add3A_606, %dot_general3A_602 : vector<128x128xf32>
    %lt3A_608 = arith.cmpf olt, %add3A_607, %select_n3A_595 : vector<128x128xf32>
    %select_n3A_609 = arith.select %lt3A_608, %add3A_607, %select_n3A_595 : vector<128x128xi1>, vector<128x128xf32>
    %add3A_610 = arith.constant 256 : i32
    %add3A_611 = vector.broadcast %add3A_610 : i32 to vector<128x128xi32>
    %add3A_612 = arith.addi %iota3A, %add3A_611 : vector<128x128xi32>
    %select_n3A_613 = arith.select %lt3A_608, %add3A_612, %select_n3A_599 : vector<128x128xi1>, vector<128x128xi32>
    %slice3A_614 = vector.extract_strided_slice %get3A_53 {offsets = [0, 384], sizes = [64, 128], strides = [1, 1]} : vector<64x1024xf32> to vector<64x128xf32>
    %dot_general3A_615 = arith.constant dense<0.000000e+00> : vector<128x128xf32>
    %dot_general3A_616 = tpu.matmul %slice3A_576, %slice3A_614, %dot_general3A_615 {dimension_numbers = #tpu.dot_dimension_numbers<[1], [0], [0], [1], [0, 0, 1, 1], [], []>, transpose_lhs_hint = false} : vector<128x64xf32>, vector<64x128xf32>, vector<128x128xf32> -> vector<128x128xf32>
    %slice3A_617 = vector.extract_strided_slice %mul3A_60 {offsets = [0, 384], sizes = [1, 128], strides = [1, 1]} : vector<1x1024xf32> to vector<1x128xf32>
    %add3A_618 = vector.broadcast %slice3A_577 : vector<128x1xf32> to vector<128x128xf32>
    %add3A_619 = vector.broadcast %slice3A_617 : vector<1x128xf32> to vector<128x128xf32>
    %add3A_620 = arith.addf %add3A_618, %add3A_619 : vector<128x128xf32>
    %add3A_621 = arith.addf %add3A_620, %dot_general3A_616 : vector<128x128xf32>
    %lt3A_622 = arith.cmpf olt, %add3A_621, %select_n3A_609 : vector<128x128xf32>
    %select_n3A_623 = arith.select %lt3A_622, %add3A_621, %select_n3A_609 : vector<128x128xi1>, vector<128x128xf32>
    %add3A_624 = arith.constant 384 : i32
    %add3A_625 = vector.broadcast %add3A_624 : i32 to vector<128x128xi32>
    %add3A_626 = arith.addi %iota3A, %add3A_625 : vector<128x128xi32>
    %select_n3A_627 = arith.select %lt3A_622, %add3A_626, %select_n3A_613 : vector<128x128xi1>, vector<128x128xi32>
    %slice3A_628 = vector.extract_strided_slice %get3A_53 {offsets = [0, 512], sizes = [64, 128], strides = [1, 1]} : vector<64x1024xf32> to vector<64x128xf32>
    %dot_general3A_629 = arith.constant dense<0.000000e+00> : vector<128x128xf32>
    %dot_general3A_630 = tpu.matmul %slice3A_576, %slice3A_628, %dot_general3A_629 {dimension_numbers = #tpu.dot_dimension_numbers<[1], [0], [0], [1], [0, 0, 1, 1], [], []>, transpose_lhs_hint = false} : vector<128x64xf32>, vector<64x128xf32>, vector<128x128xf32> -> vector<128x128xf32>
    %slice3A_631 = vector.extract_strided_slice %mul3A_60 {offsets = [0, 512], sizes = [1, 128], strides = [1, 1]} : vector<1x1024xf32> to vector<1x128xf32>
    %add3A_632 = vector.broadcast %slice3A_577 : vector<128x1xf32> to vector<128x128xf32>
    %add3A_633 = vector.broadcast %slice3A_631 : vector<1x128xf32> to vector<128x128xf32>
    %add3A_634 = arith.addf %add3A_632, %add3A_633 : vector<128x128xf32>
    %add3A_635 = arith.addf %add3A_634, %dot_general3A_630 : vector<128x128xf32>
    %lt3A_636 = arith.cmpf olt, %add3A_635, %select_n3A_623 : vector<128x128xf32>
    %select_n3A_637 = arith.select %lt3A_636, %add3A_635, %select_n3A_623 : vector<128x128xi1>, vector<128x128xf32>
    %add3A_638 = arith.constant 512 : i32
    %add3A_639 = vector.broadcast %add3A_638 : i32 to vector<128x128xi32>
    %add3A_640 = arith.addi %iota3A, %add3A_639 : vector<128x128xi32>
    %select_n3A_641 = arith.select %lt3A_636, %add3A_640, %select_n3A_627 : vector<128x128xi1>, vector<128x128xi32>
    %slice3A_642 = vector.extract_strided_slice %get3A_53 {offsets = [0, 640], sizes = [64, 128], strides = [1, 1]} : vector<64x1024xf32> to vector<64x128xf32>
    %dot_general3A_643 = arith.constant dense<0.000000e+00> : vector<128x128xf32>
    %dot_general3A_644 = tpu.matmul %slice3A_576, %slice3A_642, %dot_general3A_643 {dimension_numbers = #tpu.dot_dimension_numbers<[1], [0], [0], [1], [0, 0, 1, 1], [], []>, transpose_lhs_hint = false} : vector<128x64xf32>, vector<64x128xf32>, vector<128x128xf32> -> vector<128x128xf32>
    %slice3A_645 = vector.extract_strided_slice %mul3A_60 {offsets = [0, 640], sizes = [1, 128], strides = [1, 1]} : vector<1x1024xf32> to vector<1x128xf32>
    %add3A_646 = vector.broadcast %slice3A_577 : vector<128x1xf32> to vector<128x128xf32>
    %add3A_647 = vector.broadcast %slice3A_645 : vector<1x128xf32> to vector<128x128xf32>
    %add3A_648 = arith.addf %add3A_646, %add3A_647 : vector<128x128xf32>
    %add3A_649 = arith.addf %add3A_648, %dot_general3A_644 : vector<128x128xf32>
    %lt3A_650 = arith.cmpf olt, %add3A_649, %select_n3A_637 : vector<128x128xf32>
    %select_n3A_651 = arith.select %lt3A_650, %add3A_649, %select_n3A_637 : vector<128x128xi1>, vector<128x128xf32>
    %add3A_652 = arith.constant 640 : i32
    %add3A_653 = vector.broadcast %add3A_652 : i32 to vector<128x128xi32>
    %add3A_654 = arith.addi %iota3A, %add3A_653 : vector<128x128xi32>
    %select_n3A_655 = arith.select %lt3A_650, %add3A_654, %select_n3A_641 : vector<128x128xi1>, vector<128x128xi32>
    %slice3A_656 = vector.extract_strided_slice %get3A_53 {offsets = [0, 768], sizes = [64, 128], strides = [1, 1]} : vector<64x1024xf32> to vector<64x128xf32>
    %dot_general3A_657 = arith.constant dense<0.000000e+00> : vector<128x128xf32>
    %dot_general3A_658 = tpu.matmul %slice3A_576, %slice3A_656, %dot_general3A_657 {dimension_numbers = #tpu.dot_dimension_numbers<[1], [0], [0], [1], [0, 0, 1, 1], [], []>, transpose_lhs_hint = false} : vector<128x64xf32>, vector<64x128xf32>, vector<128x128xf32> -> vector<128x128xf32>
    %slice3A_659 = vector.extract_strided_slice %mul3A_60 {offsets = [0, 768], sizes = [1, 128], strides = [1, 1]} : vector<1x1024xf32> to vector<1x128xf32>
    %add3A_660 = vector.broadcast %slice3A_577 : vector<128x1xf32> to vector<128x128xf32>
    %add3A_661 = vector.broadcast %slice3A_659 : vector<1x128xf32> to vector<128x128xf32>
    %add3A_662 = arith.addf %add3A_660, %add3A_661 : vector<128x128xf32>
    %add3A_663 = arith.addf %add3A_662, %dot_general3A_658 : vector<128x128xf32>
    %lt3A_664 = arith.cmpf olt, %add3A_663, %select_n3A_651 : vector<128x128xf32>
    %select_n3A_665 = arith.select %lt3A_664, %add3A_663, %select_n3A_651 : vector<128x128xi1>, vector<128x128xf32>
    %add3A_666 = arith.constant 768 : i32
    %add3A_667 = vector.broadcast %add3A_666 : i32 to vector<128x128xi32>
    %add3A_668 = arith.addi %iota3A, %add3A_667 : vector<128x128xi32>
    %select_n3A_669 = arith.select %lt3A_664, %add3A_668, %select_n3A_655 : vector<128x128xi1>, vector<128x128xi32>
    %slice3A_670 = vector.extract_strided_slice %get3A_53 {offsets = [0, 896], sizes = [64, 128], strides = [1, 1]} : vector<64x1024xf32> to vector<64x128xf32>
    %dot_general3A_671 = arith.constant dense<0.000000e+00> : vector<128x128xf32>
    %dot_general3A_672 = tpu.matmul %slice3A_576, %slice3A_670, %dot_general3A_671 {dimension_numbers = #tpu.dot_dimension_numbers<[1], [0], [0], [1], [0, 0, 1, 1], [], []>, transpose_lhs_hint = false} : vector<128x64xf32>, vector<64x128xf32>, vector<128x128xf32> -> vector<128x128xf32>
    %slice3A_673 = vector.extract_strided_slice %mul3A_60 {offsets = [0, 896], sizes = [1, 128], strides = [1, 1]} : vector<1x1024xf32> to vector<1x128xf32>
    %add3A_674 = vector.broadcast %slice3A_577 : vector<128x1xf32> to vector<128x128xf32>
    %add3A_675 = vector.broadcast %slice3A_673 : vector<1x128xf32> to vector<128x128xf32>
    %add3A_676 = arith.addf %add3A_674, %add3A_675 : vector<128x128xf32>
    %add3A_677 = arith.addf %add3A_676, %dot_general3A_672 : vector<128x128xf32>
    %lt3A_678 = arith.cmpf olt, %add3A_677, %select_n3A_665 : vector<128x128xf32>
    %select_n3A_679 = arith.select %lt3A_678, %add3A_677, %select_n3A_665 : vector<128x128xi1>, vector<128x128xf32>
    %add3A_680 = arith.constant 896 : i32
    %add3A_681 = vector.broadcast %add3A_680 : i32 to vector<128x128xi32>
    %add3A_682 = arith.addi %iota3A, %add3A_681 : vector<128x128xi32>
    %select_n3A_683 = arith.select %lt3A_678, %add3A_682, %select_n3A_669 : vector<128x128xi1>, vector<128x128xi32>
    %reduce_min3A_684 = arith.constant dense<0x7F800000> : vector<128xf32>
    %reduce_min3A_685 = vector.multi_reduction <minimumf>, %select_n3A_679, %reduce_min3A_684 [1] : vector<128x128xf32> to vector<128xf32>
    %broadcast_in_dim3A_686 = vector.shape_cast %reduce_min3A_685 : vector<128xf32> to vector<128x1xf32>
    %eq3A_687 = vector.broadcast %broadcast_in_dim3A_686 : vector<128x1xf32> to vector<128x128xf32>
    %eq3A_688 = arith.cmpf oeq, %select_n3A_679, %eq3A_687 : vector<128x128xf32>
    %jit3A_689 = arith.constant 1024 : i32
    %broadcast_in_dim3A_690 = vector.broadcast %jit3A_689 : i32 to vector<128x128xi32>
    %select_n3A_691 = arith.select %eq3A_688, %select_n3A_683, %broadcast_in_dim3A_690 : vector<128x128xi1>, vector<128x128xi32>
    %reduce_min3A_692 = arith.constant dense<2147483647> : vector<128xi32>
    %reduce_min3A_693 = vector.multi_reduction <minsi>, %select_n3A_691, %reduce_min3A_692 [1] : vector<128x128xi32> to vector<128xi32>
    %swap3A_694 = arith.constant 0 : index
    %swap3A_695 = arith.constant 0 : index
    %swap3A_696 = arith.constant 512 : index
    %swap3A_697 = vector.load %arg3[%swap3A_694, %swap3A_695, %swap3A_696] : memref<1x1x1024xi32, #tpu.memory_space<vmem>>, vector<1x1x128xi32>
    %swap3A_698 = vector.shape_cast %swap3A_697 : vector<1x1x128xi32> to vector<128xi32>
    %swap3A_699 = vector.shape_cast %reduce_min3A_693 : vector<128xi32> to vector<1x1x128xi32>
    tpu.vector_store %arg3[%swap3A_694, %swap3A_695, %swap3A_696], %swap3A_699 {strides = array<i32>} : memref<1x1x1024xi32, #tpu.memory_space<vmem>>, vector<1x1x128xi32>,
    %reduce_sum3A_700 = vector.shape_cast %broadcast_in_dim3A_686 : vector<128x1xf32> to vector<1x128x1xf32>
    %reduce_sum3A_701 = arith.constant dense<0.000000e+00> : vector<1xf32>
    %reduce_sum3A_702 = vector.multi_reduction <add>, %reduce_sum3A_700, %reduce_sum3A_701 [1, 2] : vector<1x128x1xf32> to vector<1xf32>
    %reduce_sum3A_703 = vector.shape_cast %reduce_sum3A_702 : vector<1xf32> to vector<1x1x1xf32>
    %reduce_sum3A_704 = vector.extract %reduce_sum3A_703[0, 0, 0] : f32 from vector<1x1x1xf32>
    %add3A_705 = arith.addf %add3A_575, %reduce_sum3A_704 : f32
    %slice3A_706 = vector.extract_strided_slice %get3A_49 {offsets = [640, 0], sizes = [128, 64], strides = [1, 1]} : vector<1024x64xf32> to vector<128x64xf32>
    %slice3A_707 = vector.extract_strided_slice %broadcast_in_dim3A {offsets = [640, 0], sizes = [128, 1], strides = [1, 1]} : vector<1024x1xf32> to vector<128x1xf32>
    %slice3A_708 = vector.extract_strided_slice %get3A_53 {offsets = [0, 0], sizes = [64, 128], strides = [1, 1]} : vector<64x1024xf32> to vector<64x128xf32>
    %dot_general3A_709 = arith.constant dense<0.000000e+00> : vector<128x128xf32>
    %dot_general3A_710 = tpu.matmul %slice3A_706, %slice3A_708, %dot_general3A_709 {dimension_numbers = #tpu.dot_dimension_numbers<[1], [0], [0], [1], [0, 0, 1, 1], [], []>, transpose_lhs_hint = false} : vector<128x64xf32>, vector<64x128xf32>, vector<128x128xf32> -> vector<128x128xf32>
    %slice3A_711 = vector.extract_strided_slice %mul3A_60 {offsets = [0, 0], sizes = [1, 128], strides = [1, 1]} : vector<1x1024xf32> to vector<1x128xf32>
    %add3A_712 = vector.broadcast %slice3A_707 : vector<128x1xf32> to vector<128x128xf32>
    %add3A_713 = vector.broadcast %slice3A_711 : vector<1x128xf32> to vector<128x128xf32>
    %add3A_714 = arith.addf %add3A_712, %add3A_713 : vector<128x128xf32>
    %add3A_715 = arith.addf %add3A_714, %dot_general3A_710 : vector<128x128xf32>
    %slice3A_716 = vector.extract_strided_slice %get3A_53 {offsets = [0, 128], sizes = [64, 128], strides = [1, 1]} : vector<64x1024xf32> to vector<64x128xf32>
    %dot_general3A_717 = arith.constant dense<0.000000e+00> : vector<128x128xf32>
    %dot_general3A_718 = tpu.matmul %slice3A_706, %slice3A_716, %dot_general3A_717 {dimension_numbers = #tpu.dot_dimension_numbers<[1], [0], [0], [1], [0, 0, 1, 1], [], []>, transpose_lhs_hint = false} : vector<128x64xf32>, vector<64x128xf32>, vector<128x128xf32> -> vector<128x128xf32>
    %slice3A_719 = vector.extract_strided_slice %mul3A_60 {offsets = [0, 128], sizes = [1, 128], strides = [1, 1]} : vector<1x1024xf32> to vector<1x128xf32>
    %add3A_720 = vector.broadcast %slice3A_707 : vector<128x1xf32> to vector<128x128xf32>
    %add3A_721 = vector.broadcast %slice3A_719 : vector<1x128xf32> to vector<128x128xf32>
    %add3A_722 = arith.addf %add3A_720, %add3A_721 : vector<128x128xf32>
    %add3A_723 = arith.addf %add3A_722, %dot_general3A_718 : vector<128x128xf32>
    %lt3A_724 = arith.cmpf olt, %add3A_723, %add3A_715 : vector<128x128xf32>
    %select_n3A_725 = arith.select %lt3A_724, %add3A_723, %add3A_715 : vector<128x128xi1>, vector<128x128xf32>
    %add3A_726 = arith.constant 128 : i32
    %add3A_727 = vector.broadcast %add3A_726 : i32 to vector<128x128xi32>
    %add3A_728 = arith.addi %iota3A, %add3A_727 : vector<128x128xi32>
    %select_n3A_729 = arith.select %lt3A_724, %add3A_728, %iota3A : vector<128x128xi1>, vector<128x128xi32>
    %slice3A_730 = vector.extract_strided_slice %get3A_53 {offsets = [0, 256], sizes = [64, 128], strides = [1, 1]} : vector<64x1024xf32> to vector<64x128xf32>
    %dot_general3A_731 = arith.constant dense<0.000000e+00> : vector<128x128xf32>
    %dot_general3A_732 = tpu.matmul %slice3A_706, %slice3A_730, %dot_general3A_731 {dimension_numbers = #tpu.dot_dimension_numbers<[1], [0], [0], [1], [0, 0, 1, 1], [], []>, transpose_lhs_hint = false} : vector<128x64xf32>, vector<64x128xf32>, vector<128x128xf32> -> vector<128x128xf32>
    %slice3A_733 = vector.extract_strided_slice %mul3A_60 {offsets = [0, 256], sizes = [1, 128], strides = [1, 1]} : vector<1x1024xf32> to vector<1x128xf32>
    %add3A_734 = vector.broadcast %slice3A_707 : vector<128x1xf32> to vector<128x128xf32>
    %add3A_735 = vector.broadcast %slice3A_733 : vector<1x128xf32> to vector<128x128xf32>
    %add3A_736 = arith.addf %add3A_734, %add3A_735 : vector<128x128xf32>
    %add3A_737 = arith.addf %add3A_736, %dot_general3A_732 : vector<128x128xf32>
    %lt3A_738 = arith.cmpf olt, %add3A_737, %select_n3A_725 : vector<128x128xf32>
    %select_n3A_739 = arith.select %lt3A_738, %add3A_737, %select_n3A_725 : vector<128x128xi1>, vector<128x128xf32>
    %add3A_740 = arith.constant 256 : i32
    %add3A_741 = vector.broadcast %add3A_740 : i32 to vector<128x128xi32>
    %add3A_742 = arith.addi %iota3A, %add3A_741 : vector<128x128xi32>
    %select_n3A_743 = arith.select %lt3A_738, %add3A_742, %select_n3A_729 : vector<128x128xi1>, vector<128x128xi32>
    %slice3A_744 = vector.extract_strided_slice %get3A_53 {offsets = [0, 384], sizes = [64, 128], strides = [1, 1]} : vector<64x1024xf32> to vector<64x128xf32>
    %dot_general3A_745 = arith.constant dense<0.000000e+00> : vector<128x128xf32>
    %dot_general3A_746 = tpu.matmul %slice3A_706, %slice3A_744, %dot_general3A_745 {dimension_numbers = #tpu.dot_dimension_numbers<[1], [0], [0], [1], [0, 0, 1, 1], [], []>, transpose_lhs_hint = false} : vector<128x64xf32>, vector<64x128xf32>, vector<128x128xf32> -> vector<128x128xf32>
    %slice3A_747 = vector.extract_strided_slice %mul3A_60 {offsets = [0, 384], sizes = [1, 128], strides = [1, 1]} : vector<1x1024xf32> to vector<1x128xf32>
    %add3A_748 = vector.broadcast %slice3A_707 : vector<128x1xf32> to vector<128x128xf32>
    %add3A_749 = vector.broadcast %slice3A_747 : vector<1x128xf32> to vector<128x128xf32>
    %add3A_750 = arith.addf %add3A_748, %add3A_749 : vector<128x128xf32>
    %add3A_751 = arith.addf %add3A_750, %dot_general3A_746 : vector<128x128xf32>
    %lt3A_752 = arith.cmpf olt, %add3A_751, %select_n3A_739 : vector<128x128xf32>
    %select_n3A_753 = arith.select %lt3A_752, %add3A_751, %select_n3A_739 : vector<128x128xi1>, vector<128x128xf32>
    %add3A_754 = arith.constant 384 : i32
    %add3A_755 = vector.broadcast %add3A_754 : i32 to vector<128x128xi32>
    %add3A_756 = arith.addi %iota3A, %add3A_755 : vector<128x128xi32>
    %select_n3A_757 = arith.select %lt3A_752, %add3A_756, %select_n3A_743 : vector<128x128xi1>, vector<128x128xi32>
    %slice3A_758 = vector.extract_strided_slice %get3A_53 {offsets = [0, 512], sizes = [64, 128], strides = [1, 1]} : vector<64x1024xf32> to vector<64x128xf32>
    %dot_general3A_759 = arith.constant dense<0.000000e+00> : vector<128x128xf32>
    %dot_general3A_760 = tpu.matmul %slice3A_706, %slice3A_758, %dot_general3A_759 {dimension_numbers = #tpu.dot_dimension_numbers<[1], [0], [0], [1], [0, 0, 1, 1], [], []>, transpose_lhs_hint = false} : vector<128x64xf32>, vector<64x128xf32>, vector<128x128xf32> -> vector<128x128xf32>
    %slice3A_761 = vector.extract_strided_slice %mul3A_60 {offsets = [0, 512], sizes = [1, 128], strides = [1, 1]} : vector<1x1024xf32> to vector<1x128xf32>
    %add3A_762 = vector.broadcast %slice3A_707 : vector<128x1xf32> to vector<128x128xf32>
    %add3A_763 = vector.broadcast %slice3A_761 : vector<1x128xf32> to vector<128x128xf32>
    %add3A_764 = arith.addf %add3A_762, %add3A_763 : vector<128x128xf32>
    %add3A_765 = arith.addf %add3A_764, %dot_general3A_760 : vector<128x128xf32>
    %lt3A_766 = arith.cmpf olt, %add3A_765, %select_n3A_753 : vector<128x128xf32>
    %select_n3A_767 = arith.select %lt3A_766, %add3A_765, %select_n3A_753 : vector<128x128xi1>, vector<128x128xf32>
    %add3A_768 = arith.constant 512 : i32
    %add3A_769 = vector.broadcast %add3A_768 : i32 to vector<128x128xi32>
    %add3A_770 = arith.addi %iota3A, %add3A_769 : vector<128x128xi32>
    %select_n3A_771 = arith.select %lt3A_766, %add3A_770, %select_n3A_757 : vector<128x128xi1>, vector<128x128xi32>
    %slice3A_772 = vector.extract_strided_slice %get3A_53 {offsets = [0, 640], sizes = [64, 128], strides = [1, 1]} : vector<64x1024xf32> to vector<64x128xf32>
    %dot_general3A_773 = arith.constant dense<0.000000e+00> : vector<128x128xf32>
    %dot_general3A_774 = tpu.matmul %slice3A_706, %slice3A_772, %dot_general3A_773 {dimension_numbers = #tpu.dot_dimension_numbers<[1], [0], [0], [1], [0, 0, 1, 1], [], []>, transpose_lhs_hint = false} : vector<128x64xf32>, vector<64x128xf32>, vector<128x128xf32> -> vector<128x128xf32>
    %slice3A_775 = vector.extract_strided_slice %mul3A_60 {offsets = [0, 640], sizes = [1, 128], strides = [1, 1]} : vector<1x1024xf32> to vector<1x128xf32>
    %add3A_776 = vector.broadcast %slice3A_707 : vector<128x1xf32> to vector<128x128xf32>
    %add3A_777 = vector.broadcast %slice3A_775 : vector<1x128xf32> to vector<128x128xf32>
    %add3A_778 = arith.addf %add3A_776, %add3A_777 : vector<128x128xf32>
    %add3A_779 = arith.addf %add3A_778, %dot_general3A_774 : vector<128x128xf32>
    %lt3A_780 = arith.cmpf olt, %add3A_779, %select_n3A_767 : vector<128x128xf32>
    %select_n3A_781 = arith.select %lt3A_780, %add3A_779, %select_n3A_767 : vector<128x128xi1>, vector<128x128xf32>
    %add3A_782 = arith.constant 640 : i32
    %add3A_783 = vector.broadcast %add3A_782 : i32 to vector<128x128xi32>
    %add3A_784 = arith.addi %iota3A, %add3A_783 : vector<128x128xi32>
    %select_n3A_785 = arith.select %lt3A_780, %add3A_784, %select_n3A_771 : vector<128x128xi1>, vector<128x128xi32>
    %slice3A_786 = vector.extract_strided_slice %get3A_53 {offsets = [0, 768], sizes = [64, 128], strides = [1, 1]} : vector<64x1024xf32> to vector<64x128xf32>
    %dot_general3A_787 = arith.constant dense<0.000000e+00> : vector<128x128xf32>
    %dot_general3A_788 = tpu.matmul %slice3A_706, %slice3A_786, %dot_general3A_787 {dimension_numbers = #tpu.dot_dimension_numbers<[1], [0], [0], [1], [0, 0, 1, 1], [], []>, transpose_lhs_hint = false} : vector<128x64xf32>, vector<64x128xf32>, vector<128x128xf32> -> vector<128x128xf32>
    %slice3A_789 = vector.extract_strided_slice %mul3A_60 {offsets = [0, 768], sizes = [1, 128], strides = [1, 1]} : vector<1x1024xf32> to vector<1x128xf32>
    %add3A_790 = vector.broadcast %slice3A_707 : vector<128x1xf32> to vector<128x128xf32>
    %add3A_791 = vector.broadcast %slice3A_789 : vector<1x128xf32> to vector<128x128xf32>
    %add3A_792 = arith.addf %add3A_790, %add3A_791 : vector<128x128xf32>
    %add3A_793 = arith.addf %add3A_792, %dot_general3A_788 : vector<128x128xf32>
    %lt3A_794 = arith.cmpf olt, %add3A_793, %select_n3A_781 : vector<128x128xf32>
    %select_n3A_795 = arith.select %lt3A_794, %add3A_793, %select_n3A_781 : vector<128x128xi1>, vector<128x128xf32>
    %add3A_796 = arith.constant 768 : i32
    %add3A_797 = vector.broadcast %add3A_796 : i32 to vector<128x128xi32>
    %add3A_798 = arith.addi %iota3A, %add3A_797 : vector<128x128xi32>
    %select_n3A_799 = arith.select %lt3A_794, %add3A_798, %select_n3A_785 : vector<128x128xi1>, vector<128x128xi32>
    %slice3A_800 = vector.extract_strided_slice %get3A_53 {offsets = [0, 896], sizes = [64, 128], strides = [1, 1]} : vector<64x1024xf32> to vector<64x128xf32>
    %dot_general3A_801 = arith.constant dense<0.000000e+00> : vector<128x128xf32>
    %dot_general3A_802 = tpu.matmul %slice3A_706, %slice3A_800, %dot_general3A_801 {dimension_numbers = #tpu.dot_dimension_numbers<[1], [0], [0], [1], [0, 0, 1, 1], [], []>, transpose_lhs_hint = false} : vector<128x64xf32>, vector<64x128xf32>, vector<128x128xf32> -> vector<128x128xf32>
    %slice3A_803 = vector.extract_strided_slice %mul3A_60 {offsets = [0, 896], sizes = [1, 128], strides = [1, 1]} : vector<1x1024xf32> to vector<1x128xf32>
    %add3A_804 = vector.broadcast %slice3A_707 : vector<128x1xf32> to vector<128x128xf32>
    %add3A_805 = vector.broadcast %slice3A_803 : vector<1x128xf32> to vector<128x128xf32>
    %add3A_806 = arith.addf %add3A_804, %add3A_805 : vector<128x128xf32>
    %add3A_807 = arith.addf %add3A_806, %dot_general3A_802 : vector<128x128xf32>
    %lt3A_808 = arith.cmpf olt, %add3A_807, %select_n3A_795 : vector<128x128xf32>
    %select_n3A_809 = arith.select %lt3A_808, %add3A_807, %select_n3A_795 : vector<128x128xi1>, vector<128x128xf32>
    %add3A_810 = arith.constant 896 : i32
    %add3A_811 = vector.broadcast %add3A_810 : i32 to vector<128x128xi32>
    %add3A_812 = arith.addi %iota3A, %add3A_811 : vector<128x128xi32>
    %select_n3A_813 = arith.select %lt3A_808, %add3A_812, %select_n3A_799 : vector<128x128xi1>, vector<128x128xi32>
    %reduce_min3A_814 = arith.constant dense<0x7F800000> : vector<128xf32>
    %reduce_min3A_815 = vector.multi_reduction <minimumf>, %select_n3A_809, %reduce_min3A_814 [1] : vector<128x128xf32> to vector<128xf32>
    %broadcast_in_dim3A_816 = vector.shape_cast %reduce_min3A_815 : vector<128xf32> to vector<128x1xf32>
    %eq3A_817 = vector.broadcast %broadcast_in_dim3A_816 : vector<128x1xf32> to vector<128x128xf32>
    %eq3A_818 = arith.cmpf oeq, %select_n3A_809, %eq3A_817 : vector<128x128xf32>
    %jit3A_819 = arith.constant 1024 : i32
    %broadcast_in_dim3A_820 = vector.broadcast %jit3A_819 : i32 to vector<128x128xi32>
    %select_n3A_821 = arith.select %eq3A_818, %select_n3A_813, %broadcast_in_dim3A_820 : vector<128x128xi1>, vector<128x128xi32>
    %reduce_min3A_822 = arith.constant dense<2147483647> : vector<128xi32>
    %reduce_min3A_823 = vector.multi_reduction <minsi>, %select_n3A_821, %reduce_min3A_822 [1] : vector<128x128xi32> to vector<128xi32>
    %swap3A_824 = arith.constant 0 : index
    %swap3A_825 = arith.constant 0 : index
    %swap3A_826 = arith.constant 640 : index
    %swap3A_827 = vector.load %arg3[%swap3A_824, %swap3A_825, %swap3A_826] : memref<1x1x1024xi32, #tpu.memory_space<vmem>>, vector<1x1x128xi32>
    %swap3A_828 = vector.shape_cast %swap3A_827 : vector<1x1x128xi32> to vector<128xi32>
    %swap3A_829 = vector.shape_cast %reduce_min3A_823 : vector<128xi32> to vector<1x1x128xi32>
    tpu.vector_store %arg3[%swap3A_824, %swap3A_825, %swap3A_826], %swap3A_829 {strides = array<i32>} : memref<1x1x1024xi32, #tpu.memory_space<vmem>>, vector<1x1x128xi32>,
    %reduce_sum3A_830 = vector.shape_cast %broadcast_in_dim3A_816 : vector<128x1xf32> to vector<1x128x1xf32>
    %reduce_sum3A_831 = arith.constant dense<0.000000e+00> : vector<1xf32>
    %reduce_sum3A_832 = vector.multi_reduction <add>, %reduce_sum3A_830, %reduce_sum3A_831 [1, 2] : vector<1x128x1xf32> to vector<1xf32>
    %reduce_sum3A_833 = vector.shape_cast %reduce_sum3A_832 : vector<1xf32> to vector<1x1x1xf32>
    %reduce_sum3A_834 = vector.extract %reduce_sum3A_833[0, 0, 0] : f32 from vector<1x1x1xf32>
    %add3A_835 = arith.addf %add3A_705, %reduce_sum3A_834 : f32
    %slice3A_836 = vector.extract_strided_slice %get3A_49 {offsets = [768, 0], sizes = [128, 64], strides = [1, 1]} : vector<1024x64xf32> to vector<128x64xf32>
    %slice3A_837 = vector.extract_strided_slice %broadcast_in_dim3A {offsets = [768, 0], sizes = [128, 1], strides = [1, 1]} : vector<1024x1xf32> to vector<128x1xf32>
    %slice3A_838 = vector.extract_strided_slice %get3A_53 {offsets = [0, 0], sizes = [64, 128], strides = [1, 1]} : vector<64x1024xf32> to vector<64x128xf32>
    %dot_general3A_839 = arith.constant dense<0.000000e+00> : vector<128x128xf32>
    %dot_general3A_840 = tpu.matmul %slice3A_836, %slice3A_838, %dot_general3A_839 {dimension_numbers = #tpu.dot_dimension_numbers<[1], [0], [0], [1], [0, 0, 1, 1], [], []>, transpose_lhs_hint = false} : vector<128x64xf32>, vector<64x128xf32>, vector<128x128xf32> -> vector<128x128xf32>
    %slice3A_841 = vector.extract_strided_slice %mul3A_60 {offsets = [0, 0], sizes = [1, 128], strides = [1, 1]} : vector<1x1024xf32> to vector<1x128xf32>
    %add3A_842 = vector.broadcast %slice3A_837 : vector<128x1xf32> to vector<128x128xf32>
    %add3A_843 = vector.broadcast %slice3A_841 : vector<1x128xf32> to vector<128x128xf32>
    %add3A_844 = arith.addf %add3A_842, %add3A_843 : vector<128x128xf32>
    %add3A_845 = arith.addf %add3A_844, %dot_general3A_840 : vector<128x128xf32>
    %slice3A_846 = vector.extract_strided_slice %get3A_53 {offsets = [0, 128], sizes = [64, 128], strides = [1, 1]} : vector<64x1024xf32> to vector<64x128xf32>
    %dot_general3A_847 = arith.constant dense<0.000000e+00> : vector<128x128xf32>
    %dot_general3A_848 = tpu.matmul %slice3A_836, %slice3A_846, %dot_general3A_847 {dimension_numbers = #tpu.dot_dimension_numbers<[1], [0], [0], [1], [0, 0, 1, 1], [], []>, transpose_lhs_hint = false} : vector<128x64xf32>, vector<64x128xf32>, vector<128x128xf32> -> vector<128x128xf32>
    %slice3A_849 = vector.extract_strided_slice %mul3A_60 {offsets = [0, 128], sizes = [1, 128], strides = [1, 1]} : vector<1x1024xf32> to vector<1x128xf32>
    %add3A_850 = vector.broadcast %slice3A_837 : vector<128x1xf32> to vector<128x128xf32>
    %add3A_851 = vector.broadcast %slice3A_849 : vector<1x128xf32> to vector<128x128xf32>
    %add3A_852 = arith.addf %add3A_850, %add3A_851 : vector<128x128xf32>
    %add3A_853 = arith.addf %add3A_852, %dot_general3A_848 : vector<128x128xf32>
    %lt3A_854 = arith.cmpf olt, %add3A_853, %add3A_845 : vector<128x128xf32>
    %select_n3A_855 = arith.select %lt3A_854, %add3A_853, %add3A_845 : vector<128x128xi1>, vector<128x128xf32>
    %add3A_856 = arith.constant 128 : i32
    %add3A_857 = vector.broadcast %add3A_856 : i32 to vector<128x128xi32>
    %add3A_858 = arith.addi %iota3A, %add3A_857 : vector<128x128xi32>
    %select_n3A_859 = arith.select %lt3A_854, %add3A_858, %iota3A : vector<128x128xi1>, vector<128x128xi32>
    %slice3A_860 = vector.extract_strided_slice %get3A_53 {offsets = [0, 256], sizes = [64, 128], strides = [1, 1]} : vector<64x1024xf32> to vector<64x128xf32>
    %dot_general3A_861 = arith.constant dense<0.000000e+00> : vector<128x128xf32>
    %dot_general3A_862 = tpu.matmul %slice3A_836, %slice3A_860, %dot_general3A_861 {dimension_numbers = #tpu.dot_dimension_numbers<[1], [0], [0], [1], [0, 0, 1, 1], [], []>, transpose_lhs_hint = false} : vector<128x64xf32>, vector<64x128xf32>, vector<128x128xf32> -> vector<128x128xf32>
    %slice3A_863 = vector.extract_strided_slice %mul3A_60 {offsets = [0, 256], sizes = [1, 128], strides = [1, 1]} : vector<1x1024xf32> to vector<1x128xf32>
    %add3A_864 = vector.broadcast %slice3A_837 : vector<128x1xf32> to vector<128x128xf32>
    %add3A_865 = vector.broadcast %slice3A_863 : vector<1x128xf32> to vector<128x128xf32>
    %add3A_866 = arith.addf %add3A_864, %add3A_865 : vector<128x128xf32>
    %add3A_867 = arith.addf %add3A_866, %dot_general3A_862 : vector<128x128xf32>
    %lt3A_868 = arith.cmpf olt, %add3A_867, %select_n3A_855 : vector<128x128xf32>
    %select_n3A_869 = arith.select %lt3A_868, %add3A_867, %select_n3A_855 : vector<128x128xi1>, vector<128x128xf32>
    %add3A_870 = arith.constant 256 : i32
    %add3A_871 = vector.broadcast %add3A_870 : i32 to vector<128x128xi32>
    %add3A_872 = arith.addi %iota3A, %add3A_871 : vector<128x128xi32>
    %select_n3A_873 = arith.select %lt3A_868, %add3A_872, %select_n3A_859 : vector<128x128xi1>, vector<128x128xi32>
    %slice3A_874 = vector.extract_strided_slice %get3A_53 {offsets = [0, 384], sizes = [64, 128], strides = [1, 1]} : vector<64x1024xf32> to vector<64x128xf32>
    %dot_general3A_875 = arith.constant dense<0.000000e+00> : vector<128x128xf32>
    %dot_general3A_876 = tpu.matmul %slice3A_836, %slice3A_874, %dot_general3A_875 {dimension_numbers = #tpu.dot_dimension_numbers<[1], [0], [0], [1], [0, 0, 1, 1], [], []>, transpose_lhs_hint = false} : vector<128x64xf32>, vector<64x128xf32>, vector<128x128xf32> -> vector<128x128xf32>
    %slice3A_877 = vector.extract_strided_slice %mul3A_60 {offsets = [0, 384], sizes = [1, 128], strides = [1, 1]} : vector<1x1024xf32> to vector<1x128xf32>
    %add3A_878 = vector.broadcast %slice3A_837 : vector<128x1xf32> to vector<128x128xf32>
    %add3A_879 = vector.broadcast %slice3A_877 : vector<1x128xf32> to vector<128x128xf32>
    %add3A_880 = arith.addf %add3A_878, %add3A_879 : vector<128x128xf32>
    %add3A_881 = arith.addf %add3A_880, %dot_general3A_876 : vector<128x128xf32>
    %lt3A_882 = arith.cmpf olt, %add3A_881, %select_n3A_869 : vector<128x128xf32>
    %select_n3A_883 = arith.select %lt3A_882, %add3A_881, %select_n3A_869 : vector<128x128xi1>, vector<128x128xf32>
    %add3A_884 = arith.constant 384 : i32
    %add3A_885 = vector.broadcast %add3A_884 : i32 to vector<128x128xi32>
    %add3A_886 = arith.addi %iota3A, %add3A_885 : vector<128x128xi32>
    %select_n3A_887 = arith.select %lt3A_882, %add3A_886, %select_n3A_873 : vector<128x128xi1>, vector<128x128xi32>
    %slice3A_888 = vector.extract_strided_slice %get3A_53 {offsets = [0, 512], sizes = [64, 128], strides = [1, 1]} : vector<64x1024xf32> to vector<64x128xf32>
    %dot_general3A_889 = arith.constant dense<0.000000e+00> : vector<128x128xf32>
    %dot_general3A_890 = tpu.matmul %slice3A_836, %slice3A_888, %dot_general3A_889 {dimension_numbers = #tpu.dot_dimension_numbers<[1], [0], [0], [1], [0, 0, 1, 1], [], []>, transpose_lhs_hint = false} : vector<128x64xf32>, vector<64x128xf32>, vector<128x128xf32> -> vector<128x128xf32>
    %slice3A_891 = vector.extract_strided_slice %mul3A_60 {offsets = [0, 512], sizes = [1, 128], strides = [1, 1]} : vector<1x1024xf32> to vector<1x128xf32>
    %add3A_892 = vector.broadcast %slice3A_837 : vector<128x1xf32> to vector<128x128xf32>
    %add3A_893 = vector.broadcast %slice3A_891 : vector<1x128xf32> to vector<128x128xf32>
    %add3A_894 = arith.addf %add3A_892, %add3A_893 : vector<128x128xf32>
    %add3A_895 = arith.addf %add3A_894, %dot_general3A_890 : vector<128x128xf32>
    %lt3A_896 = arith.cmpf olt, %add3A_895, %select_n3A_883 : vector<128x128xf32>
    %select_n3A_897 = arith.select %lt3A_896, %add3A_895, %select_n3A_883 : vector<128x128xi1>, vector<128x128xf32>
    %add3A_898 = arith.constant 512 : i32
    %add3A_899 = vector.broadcast %add3A_898 : i32 to vector<128x128xi32>
    %add3A_900 = arith.addi %iota3A, %add3A_899 : vector<128x128xi32>
    %select_n3A_901 = arith.select %lt3A_896, %add3A_900, %select_n3A_887 : vector<128x128xi1>, vector<128x128xi32>
    %slice3A_902 = vector.extract_strided_slice %get3A_53 {offsets = [0, 640], sizes = [64, 128], strides = [1, 1]} : vector<64x1024xf32> to vector<64x128xf32>
    %dot_general3A_903 = arith.constant dense<0.000000e+00> : vector<128x128xf32>
    %dot_general3A_904 = tpu.matmul %slice3A_836, %slice3A_902, %dot_general3A_903 {dimension_numbers = #tpu.dot_dimension_numbers<[1], [0], [0], [1], [0, 0, 1, 1], [], []>, transpose_lhs_hint = false} : vector<128x64xf32>, vector<64x128xf32>, vector<128x128xf32> -> vector<128x128xf32>
    %slice3A_905 = vector.extract_strided_slice %mul3A_60 {offsets = [0, 640], sizes = [1, 128], strides = [1, 1]} : vector<1x1024xf32> to vector<1x128xf32>
    %add3A_906 = vector.broadcast %slice3A_837 : vector<128x1xf32> to vector<128x128xf32>
    %add3A_907 = vector.broadcast %slice3A_905 : vector<1x128xf32> to vector<128x128xf32>
    %add3A_908 = arith.addf %add3A_906, %add3A_907 : vector<128x128xf32>
    %add3A_909 = arith.addf %add3A_908, %dot_general3A_904 : vector<128x128xf32>
    %lt3A_910 = arith.cmpf olt, %add3A_909, %select_n3A_897 : vector<128x128xf32>
    %select_n3A_911 = arith.select %lt3A_910, %add3A_909, %select_n3A_897 : vector<128x128xi1>, vector<128x128xf32>
    %add3A_912 = arith.constant 640 : i32
    %add3A_913 = vector.broadcast %add3A_912 : i32 to vector<128x128xi32>
    %add3A_914 = arith.addi %iota3A, %add3A_913 : vector<128x128xi32>
    %select_n3A_915 = arith.select %lt3A_910, %add3A_914, %select_n3A_901 : vector<128x128xi1>, vector<128x128xi32>
    %slice3A_916 = vector.extract_strided_slice %get3A_53 {offsets = [0, 768], sizes = [64, 128], strides = [1, 1]} : vector<64x1024xf32> to vector<64x128xf32>
    %dot_general3A_917 = arith.constant dense<0.000000e+00> : vector<128x128xf32>
    %dot_general3A_918 = tpu.matmul %slice3A_836, %slice3A_916, %dot_general3A_917 {dimension_numbers = #tpu.dot_dimension_numbers<[1], [0], [0], [1], [0, 0, 1, 1], [], []>, transpose_lhs_hint = false} : vector<128x64xf32>, vector<64x128xf32>, vector<128x128xf32> -> vector<128x128xf32>
    %slice3A_919 = vector.extract_strided_slice %mul3A_60 {offsets = [0, 768], sizes = [1, 128], strides = [1, 1]} : vector<1x1024xf32> to vector<1x128xf32>
    %add3A_920 = vector.broadcast %slice3A_837 : vector<128x1xf32> to vector<128x128xf32>
    %add3A_921 = vector.broadcast %slice3A_919 : vector<1x128xf32> to vector<128x128xf32>
    %add3A_922 = arith.addf %add3A_920, %add3A_921 : vector<128x128xf32>
    %add3A_923 = arith.addf %add3A_922, %dot_general3A_918 : vector<128x128xf32>
    %lt3A_924 = arith.cmpf olt, %add3A_923, %select_n3A_911 : vector<128x128xf32>
    %select_n3A_925 = arith.select %lt3A_924, %add3A_923, %select_n3A_911 : vector<128x128xi1>, vector<128x128xf32>
    %add3A_926 = arith.constant 768 : i32
    %add3A_927 = vector.broadcast %add3A_926 : i32 to vector<128x128xi32>
    %add3A_928 = arith.addi %iota3A, %add3A_927 : vector<128x128xi32>
    %select_n3A_929 = arith.select %lt3A_924, %add3A_928, %select_n3A_915 : vector<128x128xi1>, vector<128x128xi32>
    %slice3A_930 = vector.extract_strided_slice %get3A_53 {offsets = [0, 896], sizes = [64, 128], strides = [1, 1]} : vector<64x1024xf32> to vector<64x128xf32>
    %dot_general3A_931 = arith.constant dense<0.000000e+00> : vector<128x128xf32>
    %dot_general3A_932 = tpu.matmul %slice3A_836, %slice3A_930, %dot_general3A_931 {dimension_numbers = #tpu.dot_dimension_numbers<[1], [0], [0], [1], [0, 0, 1, 1], [], []>, transpose_lhs_hint = false} : vector<128x64xf32>, vector<64x128xf32>, vector<128x128xf32> -> vector<128x128xf32>
    %slice3A_933 = vector.extract_strided_slice %mul3A_60 {offsets = [0, 896], sizes = [1, 128], strides = [1, 1]} : vector<1x1024xf32> to vector<1x128xf32>
    %add3A_934 = vector.broadcast %slice3A_837 : vector<128x1xf32> to vector<128x128xf32>
    %add3A_935 = vector.broadcast %slice3A_933 : vector<1x128xf32> to vector<128x128xf32>
    %add3A_936 = arith.addf %add3A_934, %add3A_935 : vector<128x128xf32>
    %add3A_937 = arith.addf %add3A_936, %dot_general3A_932 : vector<128x128xf32>
    %lt3A_938 = arith.cmpf olt, %add3A_937, %select_n3A_925 : vector<128x128xf32>
    %select_n3A_939 = arith.select %lt3A_938, %add3A_937, %select_n3A_925 : vector<128x128xi1>, vector<128x128xf32>
    %add3A_940 = arith.constant 896 : i32
    %add3A_941 = vector.broadcast %add3A_940 : i32 to vector<128x128xi32>
    %add3A_942 = arith.addi %iota3A, %add3A_941 : vector<128x128xi32>
    %select_n3A_943 = arith.select %lt3A_938, %add3A_942, %select_n3A_929 : vector<128x128xi1>, vector<128x128xi32>
    %reduce_min3A_944 = arith.constant dense<0x7F800000> : vector<128xf32>
    %reduce_min3A_945 = vector.multi_reduction <minimumf>, %select_n3A_939, %reduce_min3A_944 [1] : vector<128x128xf32> to vector<128xf32>
    %broadcast_in_dim3A_946 = vector.shape_cast %reduce_min3A_945 : vector<128xf32> to vector<128x1xf32>
    %eq3A_947 = vector.broadcast %broadcast_in_dim3A_946 : vector<128x1xf32> to vector<128x128xf32>
    %eq3A_948 = arith.cmpf oeq, %select_n3A_939, %eq3A_947 : vector<128x128xf32>
    %jit3A_949 = arith.constant 1024 : i32
    %broadcast_in_dim3A_950 = vector.broadcast %jit3A_949 : i32 to vector<128x128xi32>
    %select_n3A_951 = arith.select %eq3A_948, %select_n3A_943, %broadcast_in_dim3A_950 : vector<128x128xi1>, vector<128x128xi32>
    %reduce_min3A_952 = arith.constant dense<2147483647> : vector<128xi32>
    %reduce_min3A_953 = vector.multi_reduction <minsi>, %select_n3A_951, %reduce_min3A_952 [1] : vector<128x128xi32> to vector<128xi32>
    %swap3A_954 = arith.constant 0 : index
    %swap3A_955 = arith.constant 0 : index
    %swap3A_956 = arith.constant 768 : index
    %swap3A_957 = vector.load %arg3[%swap3A_954, %swap3A_955, %swap3A_956] : memref<1x1x1024xi32, #tpu.memory_space<vmem>>, vector<1x1x128xi32>
    %swap3A_958 = vector.shape_cast %swap3A_957 : vector<1x1x128xi32> to vector<128xi32>
    %swap3A_959 = vector.shape_cast %reduce_min3A_953 : vector<128xi32> to vector<1x1x128xi32>
    tpu.vector_store %arg3[%swap3A_954, %swap3A_955, %swap3A_956], %swap3A_959 {strides = array<i32>} : memref<1x1x1024xi32, #tpu.memory_space<vmem>>, vector<1x1x128xi32>,
    %reduce_sum3A_960 = vector.shape_cast %broadcast_in_dim3A_946 : vector<128x1xf32> to vector<1x128x1xf32>
    %reduce_sum3A_961 = arith.constant dense<0.000000e+00> : vector<1xf32>
    %reduce_sum3A_962 = vector.multi_reduction <add>, %reduce_sum3A_960, %reduce_sum3A_961 [1, 2] : vector<1x128x1xf32> to vector<1xf32>
    %reduce_sum3A_963 = vector.shape_cast %reduce_sum3A_962 : vector<1xf32> to vector<1x1x1xf32>
    %reduce_sum3A_964 = vector.extract %reduce_sum3A_963[0, 0, 0] : f32 from vector<1x1x1xf32>
    %add3A_965 = arith.addf %add3A_835, %reduce_sum3A_964 : f32
    %slice3A_966 = vector.extract_strided_slice %get3A_49 {offsets = [896, 0], sizes = [128, 64], strides = [1, 1]} : vector<1024x64xf32> to vector<128x64xf32>
    %slice3A_967 = vector.extract_strided_slice %broadcast_in_dim3A {offsets = [896, 0], sizes = [128, 1], strides = [1, 1]} : vector<1024x1xf32> to vector<128x1xf32>
    %slice3A_968 = vector.extract_strided_slice %get3A_53 {offsets = [0, 0], sizes = [64, 128], strides = [1, 1]} : vector<64x1024xf32> to vector<64x128xf32>
    %dot_general3A_969 = arith.constant dense<0.000000e+00> : vector<128x128xf32>
    %dot_general3A_970 = tpu.matmul %slice3A_966, %slice3A_968, %dot_general3A_969 {dimension_numbers = #tpu.dot_dimension_numbers<[1], [0], [0], [1], [0, 0, 1, 1], [], []>, transpose_lhs_hint = false} : vector<128x64xf32>, vector<64x128xf32>, vector<128x128xf32> -> vector<128x128xf32>
    %slice3A_971 = vector.extract_strided_slice %mul3A_60 {offsets = [0, 0], sizes = [1, 128], strides = [1, 1]} : vector<1x1024xf32> to vector<1x128xf32>
    %add3A_972 = vector.broadcast %slice3A_967 : vector<128x1xf32> to vector<128x128xf32>
    %add3A_973 = vector.broadcast %slice3A_971 : vector<1x128xf32> to vector<128x128xf32>
    %add3A_974 = arith.addf %add3A_972, %add3A_973 : vector<128x128xf32>
    %add3A_975 = arith.addf %add3A_974, %dot_general3A_970 : vector<128x128xf32>
    %slice3A_976 = vector.extract_strided_slice %get3A_53 {offsets = [0, 128], sizes = [64, 128], strides = [1, 1]} : vector<64x1024xf32> to vector<64x128xf32>
    %dot_general3A_977 = arith.constant dense<0.000000e+00> : vector<128x128xf32>
    %dot_general3A_978 = tpu.matmul %slice3A_966, %slice3A_976, %dot_general3A_977 {dimension_numbers = #tpu.dot_dimension_numbers<[1], [0], [0], [1], [0, 0, 1, 1], [], []>, transpose_lhs_hint = false} : vector<128x64xf32>, vector<64x128xf32>, vector<128x128xf32> -> vector<128x128xf32>
    %slice3A_979 = vector.extract_strided_slice %mul3A_60 {offsets = [0, 128], sizes = [1, 128], strides = [1, 1]} : vector<1x1024xf32> to vector<1x128xf32>
    %add3A_980 = vector.broadcast %slice3A_967 : vector<128x1xf32> to vector<128x128xf32>
    %add3A_981 = vector.broadcast %slice3A_979 : vector<1x128xf32> to vector<128x128xf32>
    %add3A_982 = arith.addf %add3A_980, %add3A_981 : vector<128x128xf32>
    %add3A_983 = arith.addf %add3A_982, %dot_general3A_978 : vector<128x128xf32>
    %lt3A_984 = arith.cmpf olt, %add3A_983, %add3A_975 : vector<128x128xf32>
    %select_n3A_985 = arith.select %lt3A_984, %add3A_983, %add3A_975 : vector<128x128xi1>, vector<128x128xf32>
    %add3A_986 = arith.constant 128 : i32
    %add3A_987 = vector.broadcast %add3A_986 : i32 to vector<128x128xi32>
    %add3A_988 = arith.addi %iota3A, %add3A_987 : vector<128x128xi32>
    %select_n3A_989 = arith.select %lt3A_984, %add3A_988, %iota3A : vector<128x128xi1>, vector<128x128xi32>
    %slice3A_990 = vector.extract_strided_slice %get3A_53 {offsets = [0, 256], sizes = [64, 128], strides = [1, 1]} : vector<64x1024xf32> to vector<64x128xf32>
    %dot_general3A_991 = arith.constant dense<0.000000e+00> : vector<128x128xf32>
    %dot_general3A_992 = tpu.matmul %slice3A_966, %slice3A_990, %dot_general3A_991 {dimension_numbers = #tpu.dot_dimension_numbers<[1], [0], [0], [1], [0, 0, 1, 1], [], []>, transpose_lhs_hint = false} : vector<128x64xf32>, vector<64x128xf32>, vector<128x128xf32> -> vector<128x128xf32>
    %slice3A_993 = vector.extract_strided_slice %mul3A_60 {offsets = [0, 256], sizes = [1, 128], strides = [1, 1]} : vector<1x1024xf32> to vector<1x128xf32>
    %add3A_994 = vector.broadcast %slice3A_967 : vector<128x1xf32> to vector<128x128xf32>
    %add3A_995 = vector.broadcast %slice3A_993 : vector<1x128xf32> to vector<128x128xf32>
    %add3A_996 = arith.addf %add3A_994, %add3A_995 : vector<128x128xf32>
    %add3A_997 = arith.addf %add3A_996, %dot_general3A_992 : vector<128x128xf32>
    %lt3A_998 = arith.cmpf olt, %add3A_997, %select_n3A_985 : vector<128x128xf32>
    %select_n3A_999 = arith.select %lt3A_998, %add3A_997, %select_n3A_985 : vector<128x128xi1>, vector<128x128xf32>
    %add3A_1000 = arith.constant 256 : i32
    %add3A_1001 = vector.broadcast %add3A_1000 : i32 to vector<128x128xi32>
    %add3A_1002 = arith.addi %iota3A, %add3A_1001 : vector<128x128xi32>
    %select_n3A_1003 = arith.select %lt3A_998, %add3A_1002, %select_n3A_989 : vector<128x128xi1>, vector<128x128xi32>
    %slice3A_1004 = vector.extract_strided_slice %get3A_53 {offsets = [0, 384], sizes = [64, 128], strides = [1, 1]} : vector<64x1024xf32> to vector<64x128xf32>
    %dot_general3A_1005 = arith.constant dense<0.000000e+00> : vector<128x128xf32>
    %dot_general3A_1006 = tpu.matmul %slice3A_966, %slice3A_1004, %dot_general3A_1005 {dimension_numbers = #tpu.dot_dimension_numbers<[1], [0], [0], [1], [0, 0, 1, 1], [], []>, transpose_lhs_hint = false} : vector<128x64xf32>, vector<64x128xf32>, vector<128x128xf32> -> vector<128x128xf32>
    %slice3A_1007 = vector.extract_strided_slice %mul3A_60 {offsets = [0, 384], sizes = [1, 128], strides = [1, 1]} : vector<1x1024xf32> to vector<1x128xf32>
    %add3A_1008 = vector.broadcast %slice3A_967 : vector<128x1xf32> to vector<128x128xf32>
    %add3A_1009 = vector.broadcast %slice3A_1007 : vector<1x128xf32> to vector<128x128xf32>
    %add3A_1010 = arith.addf %add3A_1008, %add3A_1009 : vector<128x128xf32>
    %add3A_1011 = arith.addf %add3A_1010, %dot_general3A_1006 : vector<128x128xf32>
    %lt3A_1012 = arith.cmpf olt, %add3A_1011, %select_n3A_999 : vector<128x128xf32>
    %select_n3A_1013 = arith.select %lt3A_1012, %add3A_1011, %select_n3A_999 : vector<128x128xi1>, vector<128x128xf32>
    %add3A_1014 = arith.constant 384 : i32
    %add3A_1015 = vector.broadcast %add3A_1014 : i32 to vector<128x128xi32>
    %add3A_1016 = arith.addi %iota3A, %add3A_1015 : vector<128x128xi32>
    %select_n3A_1017 = arith.select %lt3A_1012, %add3A_1016, %select_n3A_1003 : vector<128x128xi1>, vector<128x128xi32>
    %slice3A_1018 = vector.extract_strided_slice %get3A_53 {offsets = [0, 512], sizes = [64, 128], strides = [1, 1]} : vector<64x1024xf32> to vector<64x128xf32>
    %dot_general3A_1019 = arith.constant dense<0.000000e+00> : vector<128x128xf32>
    %dot_general3A_1020 = tpu.matmul %slice3A_966, %slice3A_1018, %dot_general3A_1019 {dimension_numbers = #tpu.dot_dimension_numbers<[1], [0], [0], [1], [0, 0, 1, 1], [], []>, transpose_lhs_hint = false} : vector<128x64xf32>, vector<64x128xf32>, vector<128x128xf32> -> vector<128x128xf32>
    %slice3A_1021 = vector.extract_strided_slice %mul3A_60 {offsets = [0, 512], sizes = [1, 128], strides = [1, 1]} : vector<1x1024xf32> to vector<1x128xf32>
    %add3A_1022 = vector.broadcast %slice3A_967 : vector<128x1xf32> to vector<128x128xf32>
    %add3A_1023 = vector.broadcast %slice3A_1021 : vector<1x128xf32> to vector<128x128xf32>
    %add3A_1024 = arith.addf %add3A_1022, %add3A_1023 : vector<128x128xf32>
    %add3A_1025 = arith.addf %add3A_1024, %dot_general3A_1020 : vector<128x128xf32>
    %lt3A_1026 = arith.cmpf olt, %add3A_1025, %select_n3A_1013 : vector<128x128xf32>
    %select_n3A_1027 = arith.select %lt3A_1026, %add3A_1025, %select_n3A_1013 : vector<128x128xi1>, vector<128x128xf32>
    %add3A_1028 = arith.constant 512 : i32
    %add3A_1029 = vector.broadcast %add3A_1028 : i32 to vector<128x128xi32>
    %add3A_1030 = arith.addi %iota3A, %add3A_1029 : vector<128x128xi32>
    %select_n3A_1031 = arith.select %lt3A_1026, %add3A_1030, %select_n3A_1017 : vector<128x128xi1>, vector<128x128xi32>
    %slice3A_1032 = vector.extract_strided_slice %get3A_53 {offsets = [0, 640], sizes = [64, 128], strides = [1, 1]} : vector<64x1024xf32> to vector<64x128xf32>
    %dot_general3A_1033 = arith.constant dense<0.000000e+00> : vector<128x128xf32>
    %dot_general3A_1034 = tpu.matmul %slice3A_966, %slice3A_1032, %dot_general3A_1033 {dimension_numbers = #tpu.dot_dimension_numbers<[1], [0], [0], [1], [0, 0, 1, 1], [], []>, transpose_lhs_hint = false} : vector<128x64xf32>, vector<64x128xf32>, vector<128x128xf32> -> vector<128x128xf32>
    %slice3A_1035 = vector.extract_strided_slice %mul3A_60 {offsets = [0, 640], sizes = [1, 128], strides = [1, 1]} : vector<1x1024xf32> to vector<1x128xf32>
    %add3A_1036 = vector.broadcast %slice3A_967 : vector<128x1xf32> to vector<128x128xf32>
    %add3A_1037 = vector.broadcast %slice3A_1035 : vector<1x128xf32> to vector<128x128xf32>
    %add3A_1038 = arith.addf %add3A_1036, %add3A_1037 : vector<128x128xf32>
    %add3A_1039 = arith.addf %add3A_1038, %dot_general3A_1034 : vector<128x128xf32>
    %lt3A_1040 = arith.cmpf olt, %add3A_1039, %select_n3A_1027 : vector<128x128xf32>
    %select_n3A_1041 = arith.select %lt3A_1040, %add3A_1039, %select_n3A_1027 : vector<128x128xi1>, vector<128x128xf32>
    %add3A_1042 = arith.constant 640 : i32
    %add3A_1043 = vector.broadcast %add3A_1042 : i32 to vector<128x128xi32>
    %add3A_1044 = arith.addi %iota3A, %add3A_1043 : vector<128x128xi32>
    %select_n3A_1045 = arith.select %lt3A_1040, %add3A_1044, %select_n3A_1031 : vector<128x128xi1>, vector<128x128xi32>
    %slice3A_1046 = vector.extract_strided_slice %get3A_53 {offsets = [0, 768], sizes = [64, 128], strides = [1, 1]} : vector<64x1024xf32> to vector<64x128xf32>
    %dot_general3A_1047 = arith.constant dense<0.000000e+00> : vector<128x128xf32>
    %dot_general3A_1048 = tpu.matmul %slice3A_966, %slice3A_1046, %dot_general3A_1047 {dimension_numbers = #tpu.dot_dimension_numbers<[1], [0], [0], [1], [0, 0, 1, 1], [], []>, transpose_lhs_hint = false} : vector<128x64xf32>, vector<64x128xf32>, vector<128x128xf32> -> vector<128x128xf32>
    %slice3A_1049 = vector.extract_strided_slice %mul3A_60 {offsets = [0, 768], sizes = [1, 128], strides = [1, 1]} : vector<1x1024xf32> to vector<1x128xf32>
    %add3A_1050 = vector.broadcast %slice3A_967 : vector<128x1xf32> to vector<128x128xf32>
    %add3A_1051 = vector.broadcast %slice3A_1049 : vector<1x128xf32> to vector<128x128xf32>
    %add3A_1052 = arith.addf %add3A_1050, %add3A_1051 : vector<128x128xf32>
    %add3A_1053 = arith.addf %add3A_1052, %dot_general3A_1048 : vector<128x128xf32>
    %lt3A_1054 = arith.cmpf olt, %add3A_1053, %select_n3A_1041 : vector<128x128xf32>
    %select_n3A_1055 = arith.select %lt3A_1054, %add3A_1053, %select_n3A_1041 : vector<128x128xi1>, vector<128x128xf32>
    %add3A_1056 = arith.constant 768 : i32
    %add3A_1057 = vector.broadcast %add3A_1056 : i32 to vector<128x128xi32>
    %add3A_1058 = arith.addi %iota3A, %add3A_1057 : vector<128x128xi32>
    %select_n3A_1059 = arith.select %lt3A_1054, %add3A_1058, %select_n3A_1045 : vector<128x128xi1>, vector<128x128xi32>
    %slice3A_1060 = vector.extract_strided_slice %get3A_53 {offsets = [0, 896], sizes = [64, 128], strides = [1, 1]} : vector<64x1024xf32> to vector<64x128xf32>
    %dot_general3A_1061 = arith.constant dense<0.000000e+00> : vector<128x128xf32>
    %dot_general3A_1062 = tpu.matmul %slice3A_966, %slice3A_1060, %dot_general3A_1061 {dimension_numbers = #tpu.dot_dimension_numbers<[1], [0], [0], [1], [0, 0, 1, 1], [], []>, transpose_lhs_hint = false} : vector<128x64xf32>, vector<64x128xf32>, vector<128x128xf32> -> vector<128x128xf32>
    %slice3A_1063 = vector.extract_strided_slice %mul3A_60 {offsets = [0, 896], sizes = [1, 128], strides = [1, 1]} : vector<1x1024xf32> to vector<1x128xf32>
    %add3A_1064 = vector.broadcast %slice3A_967 : vector<128x1xf32> to vector<128x128xf32>
    %add3A_1065 = vector.broadcast %slice3A_1063 : vector<1x128xf32> to vector<128x128xf32>
    %add3A_1066 = arith.addf %add3A_1064, %add3A_1065 : vector<128x128xf32>
    %add3A_1067 = arith.addf %add3A_1066, %dot_general3A_1062 : vector<128x128xf32>
    %lt3A_1068 = arith.cmpf olt, %add3A_1067, %select_n3A_1055 : vector<128x128xf32>
    %select_n3A_1069 = arith.select %lt3A_1068, %add3A_1067, %select_n3A_1055 : vector<128x128xi1>, vector<128x128xf32>
    %add3A_1070 = arith.constant 896 : i32
    %add3A_1071 = vector.broadcast %add3A_1070 : i32 to vector<128x128xi32>
    %add3A_1072 = arith.addi %iota3A, %add3A_1071 : vector<128x128xi32>
    %select_n3A_1073 = arith.select %lt3A_1068, %add3A_1072, %select_n3A_1059 : vector<128x128xi1>, vector<128x128xi32>
    %reduce_min3A_1074 = arith.constant dense<0x7F800000> : vector<128xf32>
    %reduce_min3A_1075 = vector.multi_reduction <minimumf>, %select_n3A_1069, %reduce_min3A_1074 [1] : vector<128x128xf32> to vector<128xf32>
    %broadcast_in_dim3A_1076 = vector.shape_cast %reduce_min3A_1075 : vector<128xf32> to vector<128x1xf32>
    %eq3A_1077 = vector.broadcast %broadcast_in_dim3A_1076 : vector<128x1xf32> to vector<128x128xf32>
    %eq3A_1078 = arith.cmpf oeq, %select_n3A_1069, %eq3A_1077 : vector<128x128xf32>
    %jit3A_1079 = arith.constant 1024 : i32
    %broadcast_in_dim3A_1080 = vector.broadcast %jit3A_1079 : i32 to vector<128x128xi32>
    %select_n3A_1081 = arith.select %eq3A_1078, %select_n3A_1073, %broadcast_in_dim3A_1080 : vector<128x128xi1>, vector<128x128xi32>
    %reduce_min3A_1082 = arith.constant dense<2147483647> : vector<128xi32>
    %reduce_min3A_1083 = vector.multi_reduction <minsi>, %select_n3A_1081, %reduce_min3A_1082 [1] : vector<128x128xi32> to vector<128xi32>
    %swap3A_1084 = arith.constant 0 : index
    %swap3A_1085 = arith.constant 0 : index
    %swap3A_1086 = arith.constant 896 : index
    %swap3A_1087 = vector.load %arg3[%swap3A_1084, %swap3A_1085, %swap3A_1086] : memref<1x1x1024xi32, #tpu.memory_space<vmem>>, vector<1x1x128xi32>
    %swap3A_1088 = vector.shape_cast %swap3A_1087 : vector<1x1x128xi32> to vector<128xi32>
    %swap3A_1089 = vector.shape_cast %reduce_min3A_1083 : vector<128xi32> to vector<1x1x128xi32>
    tpu.vector_store %arg3[%swap3A_1084, %swap3A_1085, %swap3A_1086], %swap3A_1089 {strides = array<i32>} : memref<1x1x1024xi32, #tpu.memory_space<vmem>>, vector<1x1x128xi32>,
    %reduce_sum3A_1090 = vector.shape_cast %broadcast_in_dim3A_1076 : vector<128x1xf32> to vector<1x128x1xf32>
    %reduce_sum3A_1091 = arith.constant dense<0.000000e+00> : vector<1xf32>
    %reduce_sum3A_1092 = vector.multi_reduction <add>, %reduce_sum3A_1090, %reduce_sum3A_1091 [1, 2] : vector<1x128x1xf32> to vector<1xf32>
    %reduce_sum3A_1093 = vector.shape_cast %reduce_sum3A_1092 : vector<1xf32> to vector<1x1x1xf32>
    %reduce_sum3A_1094 = vector.extract %reduce_sum3A_1093[0, 0, 0] : f32 from vector<1x1x1xf32>
    %add3A_1095 = arith.addf %add3A_965, %reduce_sum3A_1094 : f32
    %eq3A_1096 = arith.constant 0 : i32
    %eq3A_1097 = arith.cmpi eq, %arg0, %eq3A_1096 : i32
    %convert_element_type3A_1098 = arith.extui %eq3A_1097 : i1 to i32
    %cond3A_1099 = arith.constant 0 : i32
    %cond3A_1100 = arith.cmpi ne, %convert_element_type3A_1098, %cond3A_1099 : i32
    scf.if %cond3A_1100 {
      %swap3A_1108 = arith.constant 0.000000e+00 : f32
      %swap3A_1109 = arith.constant 0 : index
      %swap3A_1110 = arith.constant 0 : index
      %swap3A_1111 = memref.load %arg4[%swap3A_1109, %swap3A_1110] : memref<1x1xf32, #tpu.memory_space<smem>>
      memref.store %swap3A_1108, %arg4[%swap3A_1109, %swap3A_1110] : memref<1x1xf32, #tpu.memory_space<smem>>
    } else {
    }
    %get3A_1101 = arith.constant 0 : index
    %get3A_1102 = arith.constant 0 : index
    %get3A_1103 = memref.load %arg4[%get3A_1101, %get3A_1102] : memref<1x1xf32, #tpu.memory_space<smem>>
    %add3A_1104 = arith.addf %get3A_1103, %add3A_1095 : f32
    %swap3A_1105 = arith.constant 0 : index
    %swap3A_1106 = arith.constant 0 : index
    %swap3A_1107 = memref.load %arg4[%swap3A_1105, %swap3A_1106] : memref<1x1xf32, #tpu.memory_space<smem>>
    memref.store %add3A_1104, %arg4[%swap3A_1105, %swap3A_1106] : memref<1x1xf32, #tpu.memory_space<smem>>
    return
  }
  func.func @transform_1(%arg0: i32) -> (i32, i32) {
    %c0_i32 = arith.constant 0 : i32
    %c0_i32_0 = arith.constant 0 : i32
    %c0_i32_1 = arith.constant 0 : i32
    return %c0_i32, %c0_i32_0 : i32, i32
  }
  func.func @transform_2(%arg0: i32) -> (i32, i32, i32) {
    %c0_i32 = arith.constant 0 : i32
    %c0_i32_0 = arith.constant 0 : i32
    %c0_i32_1 = arith.constant 0 : i32
    return %arg0, %c0_i32, %c0_i32_0 : i32, i32, i32
  }
  func.func @transform_3(%arg0: i32) -> (i32, i32) {
    %c0_i32 = arith.constant 0 : i32
    %c0_i32_0 = arith.constant 0 : i32
    %c0_i32_1 = arith.constant 0 : i32
    return %c0_i32, %c0_i32_0 : i32, i32
  }
}

</mosaic_0001>

<sc_bundles>
// kernel: kernel.6.cloned.1.call-start
scs
__scs_entry_jumppad:
0x0: {  	(pc) =	sbr.rel $0x88, $3  }
0x1: {  	(tag) =	ssettag $0x0;
	lr =	simm.s32 $0x1  }
0x2: {  	[smem:$0x3F9F] =	sst lr;
	_ =	strace $0xD0000000  }
0x3: {  	_ = 	snop  }
0x4: {  	_ = 	snop  }
0x5: {  	_ = 	snop  }
0x6: {  	_ = 	snop  }
0x7: {  	_ = 	snop  }
__scs_overlays_trampoline_lowered:
0x8: {  	[smem:$0x3FAE] =	sst s0  }
0x9: {  	[smem:$0x3FAF] =	sst s1  }
0xa: {  	[smem:$0x3FB0] =	sst s2  }
0xb: {  	[smem:$0x3FB1] =	sst s3  }
0xc: {  	[smem:$0x3FB2] =	sst s4  }
0xd: {  	[smem:$0x3FB3] =	sst s5  }
0xe: {  	[smem:$0x3FB4] =	sst s6  }
0xf: {  	[smem:$0x3FB5] =	sst s7  }
0x10: {  	[smem:$0x3FB6] =	sst s8  }
0x11: {  	[smem:$0x3FB7] =	sst s9;
	s0 =	simm.s32 @!p0 $0x0  }
0x12: {  	s1 =	sld [smem:$0x3F9D];
	s0 =	simm.s32 @p0 $0x1  }
0x13: {  	[smem:$0x3FB8] =	sst s0;
	s0 =	simm.s32 @!p1 $0x0  }
0x14: {  	s2 =	sld [smem:$0x3F9C];
	s0 =	simm.s32 @p1 $0x1  }
0x15: {  	[smem:$0x3FB9] =	sst s0;
	s0 =	simm.s32 @!p2 $0x0  }
0x16: {  	s3 =	sld [smem:$0x3FDB];
	s0 =	simm.s32 @p2 $0x1  }
0x17: {  	s4 =	simm.s32 $0x1BF5;
	[smem:$0x3FBB] =	sst s0  }
0x18: {  	s0 =	sld [smem:$0x3F9E];
	_ =	swait.ge [sflag:s4], $0x0  }
0x19: {  	s7 =	sld [smem:$0x3F9F]  }
0x1a: {  	s8 =	sadd.s32 $0xFFFFE003, lr  }
0x1b: {  	s9 =	sadd.s32 $0xFFFFFEF7, lr;
	s5 =	simm.s32 $0xFFFFFFFF;
	p2 =	slt.u32 s8, $0xFFFFF086  }
0x1c: {  	p1 =	slt.u32 s9, $0xF7A;
	s5 =	simm.s32 @!p2 $0x0  }
0x1d: {  	s5 =	simm.s32 @p1 $0x1;
	p0 =	seq.s32 s7, s2  }
0x1e: {  	s7 =	smul.u32 @!p0 $0xF7A, s2;
	p2 =	seq.s32 @!p0 s5, $0x0  }
0x1f: {  	s9 =	smul.u32 $0xF7A, s1;
	s8 =	simm.s32 @!p0 $0x1BF5;
	p2 =	por !p2, p0  }
0x20: {  	[sflag:s8] =	ssyncset.s32 @!p0 $0xFFFFF086;
	s6 =	sadd.s32 @!p0 s3, s7;
	s7 =	simm.s32 @!p0 $0x108  }
0x21: {  	s3 =	sadd.s32 s3, s9;
	s6 =	sadd.s32 @!p0 $0x88, s6;
	s7 =	simm.s32 @p2 $0x1082  }
0x22: {  	[simem:s7], [sflag:s8] =	dma.local @!p0 [hbm:s6], $0xF7A  }
0x23: {  	s9 =	sor.u32 $0xD0000000, s2;
	s6 =	simm.s32 $0x108;
	_ =	swait.ge @!p0 [sflag:s8], $0x0  }
0x24: {  	s3 =	sadd.s32 $0x88, s3;
	s6 =	simm.s32 @!p1 $0x1082;
	[sflag:s4] =	ssyncset.s32 $0xFFFFF086  }
0x25: {  	[simem:s6], [sflag:s4] =	dma.local [hbm:s3], $0xF7A  }
0x26: {  	[smem:$0x3F9F] =	sst s1;
	(tag) =	ssettag s2;
	_ =	strace s9  }
0x27: {  	s1 =	sld [smem:$0x3FAF]  }
0x28: {  	s2 =	sld [smem:$0x3FB0]  }
0x29: {  	s4 =	sld [smem:$0x3FB2]  }
0x2a: {  	p0 =	seq.s32 s5, $0x0;
	s5 =	sld [smem:$0x3FB3]  }
0x2b: {  	s6 =	sld [smem:$0x3FB4]  }
0x2c: {  	s7 =	sld [smem:$0x3FB5]  }
0x2d: {  	s3 =	simm.s32 $0x108;
	s8 =	sld [smem:$0x3FB6]  }
0x2e: {  	s3 =	simm.s32 @!p0 $0x1082;
	s9 =	sld [smem:$0x3FB7]  }
0x2f: {  	lr =	sadd.s32 s0, s3;
	s0 =	sld [smem:$0x3FAE]  }
0x30: {  	s3 =	sld [smem:$0x3FB1]  }
0x31: {  	[smem:$0x3FBA] =	sst s10  }
0x32: {  	s10 =	sld [smem:$0x3FB8];
	_ =	sdelay $0x3  }
0x33: {  	p0 =	seq.s32 s10, $0x1;
	s10 =	sld [smem:$0x3FBA];
	_ =	sdelay $0x3  }
0x34: {  	[smem:$0x3FBA] =	sst s10  }
0x35: {  	s10 =	sld [smem:$0x3FB9];
	_ =	sdelay $0x3  }
0x36: {  	p1 =	seq.s32 s10, $0x1;
	s10 =	sld [smem:$0x3FBA];
	_ =	sdelay $0x3  }
0x37: {  	[smem:$0x3FBA] =	sst s10  }
0x38: {  	s10 =	sld [smem:$0x3FBB]  }
0x39: {  	_ = 	snop;
	(pc) =	sbr.ind lr, $3  }
0x3a: {  	_ = 	snop  }
0x3b: {  	_ = 	snop  }
0x3c: {  	p2 =	seq.s32 s10, $0x1;
	s10 =	sld [smem:$0x3FBA]  }
0x3d: {  	_ =	shalt  }
0x3e: {  	_ =	shalt  }
0x3f: {  	_ =	shalt  }
0x40: {  	_ =	shalt  }
0x41: {  	_ =	shalt  }
0x42: {  	_ =	shalt  }
0x43: {  	_ =	shalt  }
0x44: {  	_ =	shalt  }
0x45: {  	_ =	shalt  }
0x46: {  	_ =	shalt  }
0x47: {  	_ =	shalt  }
0x48: {  	_ =	shalt  }
0x49: {  	_ =	shalt  }
0x4a: {  	_ =	shalt  }
0x4b: {  	_ =	shalt  }
0x4c: {  	_ =	shalt  }
0x4d: {  	_ =	shalt  }
0x4e: {  	_ =	shalt  }
0x4f: {  	_ =	shalt  }
0x50: {  	_ =	shalt  }
0x51: {  	_ =	shalt  }
0x52: {  	_ =	shalt  }
0x53: {  	_ =	shalt  }
0x54: {  	_ =	shalt  }
0x55: {  	_ =	shalt  }
0x56: {  	_ =	shalt  }
0x57: {  	_ =	shalt  }
0x58: {  	_ =	shalt  }
0x59: {  	_ =	shalt  }
0x5a: {  	_ =	shalt  }
0x5b: {  	_ =	shalt  }
0x5c: {  	_ =	shalt  }
0x5d: {  	_ =	shalt  }
0x5e: {  	_ =	shalt  }
0x5f: {  	_ =	shalt  }
0x60: {  	_ =	shalt  }
0x61: {  	_ =	shalt  }
0x62: {  	_ =	shalt  }
0x63: {  	_ =	shalt  }
0x64: {  	_ =	shalt  }
0x65: {  	_ =	shalt  }
0x66: {  	_ =	shalt  }
0x67: {  	_ =	shalt  }
0x68: {  	_ =	shalt  }
0x69: {  	_ =	shalt  }
0x6a: {  	_ =	shalt  }
0x6b: {  	_ =	shalt  }
0x6c: {  	_ =	shalt  }
0x6d: {  	_ =	shalt  }
0x6e: {  	_ =	shalt  }
0x6f: {  	_ =	shalt  }
0x70: {  	_ =	shalt  }
0x71: {  	_ =	shalt  }
0x72: {  	_ =	shalt  }
0x73: {  	_ =	shalt  }
0x74: {  	_ =	shalt  }
0x75: {  	_ =	shalt  }
0x76: {  	_ =	shalt  }
0x77: {  	_ =	shalt  }
0x78: {  	_ =	shalt  }
0x79: {  	_ =	shalt  }
0x7a: {  	_ =	shalt  }
0x7b: {  	_ =	shalt  }
0x7c: {  	_ =	shalt  }
0x7d: {  	_ =	shalt  }
0x7e: {  	_ =	shalt  }
0x7f: {  	_ =	shalt  }
0x80: {  	_ =	shalt  }
0x81: {  	_ =	shalt  }
0x82: {  	_ =	shalt  }
0x83: {  	_ =	shalt  }
0x84: {  	_ =	shalt  }
0x85: {  	_ =	shalt  }
0x86: {  	_ =	shalt  }
0x87: {  	_ =	shalt  }
.Lfunc_end0:
.L_simem_size_0:
called_computation_lowered:
.L_overlay_start_0:
0x88: {  	s2 =	sld [smem:$0x3FD9]  }
0x89: {  	s3 =	sld [smem:$0x3FFE];
	_ =	sdelay $0x1  }
0x8a: {  	s1 =	srdreg.scid  }
0x8b: {  	s0 =	sand.u32 $0x1, s1  }
0x8c: {  	s16 =	sshll.u32 s0, $0xA;
	s2 =	sadd.s32 s3, s2  }
0x8d: {  	s2 =	sadd.s32 s2, s16  }
0x8e: {  	[smem:$0x3FC6] =	sst s2  }
0x8f: {  	_ = 	snop  }
0x90: {  	(tm) =	ssettm $0x1  }
0x91: {  	s17 =	sld [smem:$0x3FFB];
	_ =	sdelay $0x3  }
0x92: {  	_ =	strace s17  }
0x93: {  	s2 =	sld [smem:$0x3FFC];
	_ =	sdelay $0x3  }
0x94: {  	_ =	strace s2  }
0x95: {  	s2 =	sld [smem:$0x3FFD];
	_ =	sdelay $0x3  }
0x96: {  	_ =	strace s2  }
0x97: {  	_ =	strace $0x8FFFFFFF  }
0x98: {  	s18 =	sld [smem:$0x3FDB];
	_ =	sdelay $0x1  }
0x99: {  	s19 =	simm.s32 $_scs_section_size  }
0x9a: {  	s4 =	simm.s32 $_size__tile_overlayer_lowered;
	s5 =	simm.s32 $_tile_overlayer_lowered  }
0x9b: {  	s22 =	simm.s32 $0x1BFF;
	s21 =	sshll.u32 s5, $0x1;
	s2 =	sadd.s32 s19, s18  }
0x9c: {  	s6 =	simm.s32 $0x0;
	s20 =	sshll.u32 s4, $0x1;
	s4 =	sadd.s32 s21, s2  }
0x9d: {  	[timem:s6], [sflag:s22] =	dma.local [hbm:s4], s20  }
0x9e: {  	_ =	swait.ge [sflag:s22], s20  }
0x9f: {  	s3 =	ssub.s32 $0x0, s20;
	[sflag:s22] =	ssyncset.done $0x0  }
0xa0: {  	[sflag:s22] =	ssyncadd.s32 s3;
	_ =	sdelay $0x1  }
0xa1: {  	s23 =	simm.s32 $0x1B8B  }
0xa2: {  	_ =	swait.ge [sflag:s23], $0x1  }
0xa3: {  	[sflag:s23] =	ssyncset.done $0x0  }
0xa4: {  	s25 =	simm.s32 $0x1B8E;
	s24 =	sld [smem:$0x3FFE];
	[sflag:s23] =	ssyncadd.s32 $0xFFFFFFFF  }
0xa5: {  	s26 =	simm.s32 $execute0_lowered;
	[smem:$0x3FD2] =	sst s25  }
0xa6: {  	s4 =	sshll.u32 s26, $0x1;
	_ =	strace $0x80000046;
	[dreg:$0x1] =	wrdreg $0xFFFFFFFF  }
0xa7: {  	s28 =	simm.s32 $_size_execute0_lowered;
	s2 =	sadd.s32 s2, s4;
	[dreg:$0x0] =	wrdreg $0x0  }
0xa8: {  	s4 =	sshll.u32 s28, $0x1;
	[dreg:$0x2] =	wrdreg s2  }
0xa9: {  	[dreg:$0x3] =	wrdreg s4  }
0xaa: {  	[dreg:$0x4] =	wrdreg $0xC0  }
0xab: {  	_ =	task [dreg:s6], $0x5FFFF  }
0xac: {  	[dreg:$0x1] =	wrdreg $0xFFFFFFFF  }
0xad: {  	[dreg:$0x0] =	wrdreg $0x60  }
0xae: {  	[dreg:$0x2] =	wrdreg s24  }
0xaf: {  	[dreg:$0x3] =	wrdreg $0x9  }
0xb0: {  	_ =	task.clear_ibuf [dreg:s6], $0x4FFFF;
	_ =	strace $0x90000046  }
0xb1: {  	s29 =	simm.s32 $0x9;
	_ =	strace $0x80000048  }
0xb2: {  	_ =	swait.ge [sflag:s29], $0x1  }
0xb3: {  	[sflag:s29] =	ssyncadd.s32 $0xFFFFFFFF  }
0xb4: {  	_ =	strace $0x90000048  }
0xb5: {  	_ =	sfence  }
0xb6: {  	s30 =	sld [smem:$0x0];
	_ =	sdelay $0x2  }
0xb7: {  	s31 =	sshll.u32 s1, $0xD;
	s1 =	sshrl.u32 s1, $0x2  }
0xb8: {  	s3 =	sand.u32 $0x4000, s31;
	s1 =	sadd.s32 s1, s30  }
0xb9: {  	s0 =	sor.u32 s3, s0;
	s1 =	sshll.u32 s1, $0x11  }
0xba: {  	s0 =	sor.u32 s1, s0  }
0xbb: {  	s0 =	sadd.s32 $0x8F2B, s0  }
0xbc: {  	[sflag:s0] =	ssyncadd.remote.s32 $0x1  }
0xbd: {  	_ =	sfence.sel $0xFFFF  }
0xbe: {  	[dreg:$0x0] =	wrdreg $0xFFFFFFFF;
	(pc) =	sbr.abs _section_cstart, $3  }
0xbf: {  	[dreg:$0x1] =	wrdreg $0xFFFFFFFF  }
0xc0: {  	_ =	task.clear_ibuf [dreg:s6], $0x2FFFF;
	_ =	strace $0x9FFFFFFF  }
0xc1: {  	(tm) =	ssettm $0x7FFFFFFF  }
tec
execute0_lowered:
.L_overlay_start_1:
0x0: {  	(tag) =	ssettag $0x1  }
0x1: {  	s3 =	rddreg [dreg:$0x0];
	s1 =	stileid.u32  }
0x2: {  	s0 =	rddreg [dreg:$0x1];
	s4 =	srdreg.scid  }
0x3: {  	s2 =	simm.s32 $0x0;
	s8 =	simm.s32 $0x1;
	s9 =	simm.s32 $0x2  }
0x4: {  	s10 =	simm.s32 $0x4400;
	s11 =	simm.s32 $0x3;
	s12 =	simm.s32 $0x0  }
0x5: {  	s5 =	sshll.u32 s1, $0x1;
	s4 =	sand.u32 $0x1, s4;
	[smem:$0x7FF] =	sst s2  }
0x6: {  	s6 =	sshrl.u32 s1, $0x1;
	s5 =	sand.u32 $0x2, s5;
	_ =	strace $0x80000047  }
0x7: {  	s7 =	sshll.u32 s6, $0x7;
	s5 =	sor.u32 s4, s5;
	s4 =	ssub.s32 $0x2, s4  }
0x8: {  	s6 =	sshll.u32 s6, $0xD;
	s5 =	sshll.u32 s5, $0xB;
	s31 =	sshrl.u32 s4, $0x1  }
0x9: {  	s5 =	sadd.s32 s5, s3;
	s3 =	sadd.s32 s7, s3;
	s7 =	ssub.s32 s4, s31  }
0xa: {  	s3 =	sadd.s32 $0x3200, s3;
	s6 =	sadd.s32 s6, s5;
	s4 =	sadd.s32 $0x1000, s5  }
0xb: {  	s5 =	sadd.s32 $0x3600, s6;
	s6 =	smax.u32 s7, $0x1;
	s7 =	simm.s32 $0x400  }
.LBB2_1:
0xc: {  	[tilespmem:s2], [sflag:$0x1] =	stream.linear.gather [hbm4b:s3+s2], $0x400, $0x38;
	[tilespmem:$0x8400] =	vst v63  }
0xd: {  	_ = 	snop  }
0xe: {  	[tilespmem:s7], [sflag:$0x2] =	stream.linear.gather [hbm4b:s4+s2], $0x4000, $0x38;
	[tilespmem:$0x8400] =	vst v63  }
0xf: {  	_ =	swait.ge [sflag:s8], $0x400  }
0x10: {  	[sflag:s8] =	ssyncset.done $0x0  }
0x11: {  	[sflag:s8] =	ssyncadd.s32 $0xFFFFFC00  }
0x12: {  	_ =	swait.ge [sflag:s9], $0x4000  }
0x13: {  	[sflag:s9] =	ssyncset.done $0x0  }
0x14: {  	s13 =	simm.s32 $0x0;
	[sflag:s9] =	ssyncadd.s32 $0xFFFFC000  }
0x15: {  	v0 =	vld [tilespmem:s13+$0x0];
	_ =	sdelay $0x7  }
0x16: {  	v1 =	vld.idx.msk [tilespmem:v0+s7+$0x0], $0xffff  }
0x17: {  	v2 =	vadd.s32 $0x400, v0;
	_ =	sdelay $0x3  }
0x18: {  	[tilespmem:s13+$0x4400] =	vst v1  }
0x19: {  	v1 =	vld.idx.msk [tilespmem:v2+s7+$0x0], $0xffff  }
0x1a: {  	v2 =	vadd.s32 $0x800, v0;
	_ =	sdelay $0x3  }
0x1b: {  	[tilespmem:s13+$0x4800] =	vst v1  }
0x1c: {  	v1 =	vld.idx.msk [tilespmem:v2+s7+$0x0], $0xffff  }
0x1d: {  	v2 =	vadd.s32 $0xC00, v0;
	_ =	sdelay $0x3  }
0x1e: {  	[tilespmem:s13+$0x4C00] =	vst v1  }
0x1f: {  	v1 =	vld.idx.msk [tilespmem:v2+s7+$0x0], $0xffff  }
0x20: {  	v2 =	vadd.s32 $0x1000, v0;
	_ =	sdelay $0x3  }
0x21: {  	[tilespmem:s13+$0x5000] =	vst v1  }
0x22: {  	v1 =	vld.idx.msk [tilespmem:v2+s7+$0x0], $0xffff  }
0x23: {  	v2 =	vadd.s32 $0x1400, v0;
	_ =	sdelay $0x3  }
0x24: {  	[tilespmem:s13+$0x5400] =	vst v1  }
0x25: {  	v1 =	vld.idx.msk [tilespmem:v2+s7+$0x0], $0xffff  }
0x26: {  	v2 =	vadd.s32 $0x1800, v0;
	_ =	sdelay $0x3  }
0x27: {  	[tilespmem:s13+$0x5800] =	vst v1  }
0x28: {  	v1 =	vld.idx.msk [tilespmem:v2+s7+$0x0], $0xffff  }
0x29: {  	v2 =	vadd.s32 $0x1C00, v0;
	_ =	sdelay $0x3  }
0x2a: {  	[tilespmem:s13+$0x5C00] =	vst v1  }
0x2b: {  	v1 =	vld.idx.msk [tilespmem:v2+s7+$0x0], $0xffff  }
0x2c: {  	v2 =	vadd.s32 $0x2000, v0;
	_ =	sdelay $0x3  }
0x2d: {  	[tilespmem:s13+$0x6000] =	vst v1  }
0x2e: {  	v1 =	vld.idx.msk [tilespmem:v2+s7+$0x0], $0xffff  }
0x2f: {  	v2 =	vadd.s32 $0x2400, v0;
	_ =	sdelay $0x3  }
0x30: {  	[tilespmem:s13+$0x6400] =	vst v1  }
0x31: {  	v1 =	vld.idx.msk [tilespmem:v2+s7+$0x0], $0xffff  }
0x32: {  	v2 =	vadd.s32 $0x2800, v0;
	_ =	sdelay $0x3  }
0x33: {  	[tilespmem:s13+$0x6800] =	vst v1  }
0x34: {  	v1 =	vld.idx.msk [tilespmem:v2+s7+$0x0], $0xffff  }
0x35: {  	v2 =	vadd.s32 $0x2C00, v0;
	_ =	sdelay $0x3  }
0x36: {  	[tilespmem:s13+$0x6C00] =	vst v1  }
0x37: {  	v1 =	vld.idx.msk [tilespmem:v2+s7+$0x0], $0xffff  }
0x38: {  	v2 =	vadd.s32 $0x3000, v0;
	_ =	sdelay $0x3  }
0x39: {  	[tilespmem:s13+$0x7000] =	vst v1  }
0x3a: {  	v1 =	vld.idx.msk [tilespmem:v2+s7+$0x0], $0xffff  }
0x3b: {  	v2 =	vadd.s32 $0x3400, v0;
	_ =	sdelay $0x3  }
0x3c: {  	[tilespmem:s13+$0x7400] =	vst v1  }
0x3d: {  	v1 =	vld.idx.msk [tilespmem:v2+s7+$0x0], $0xffff  }
0x3e: {  	v2 =	vadd.s32 $0x3800, v0;
	_ =	sdelay $0x3  }
0x3f: {  	[tilespmem:s13+$0x7800] =	vst v1  }
0x40: {  	v1 =	vld.idx.msk [tilespmem:v2+s7+$0x0], $0xffff  }
0x41: {  	v0 =	vadd.s32 $0x3C00, v0;
	_ =	sdelay $0x2  }
0x42: {  	v2 =	vld [tilespmem:s13+$0x10]  }
0x43: {  	[tilespmem:s13+$0x7C00] =	vst v1  }
0x44: {  	v0 =	vld.idx.msk [tilespmem:v0+s7+$0x0], $0xffff;
	_ =	sdelay $0x4  }
0x45: {  	[tilespmem:s13+$0x8000] =	vst v0  }
0x46: {  	v0 =	vld.idx.msk [tilespmem:v2+s7+$0x0], $0xffff  }
0x47: {  	v1 =	vadd.s32 $0x400, v2;
	_ =	sdelay $0x3  }
0x48: {  	[tilespmem:s13+$0x4410] =	vst v0  }
0x49: {  	v0 =	vld.idx.msk [tilespmem:v1+s7+$0x0], $0xffff  }
0x4a: {  	v1 =	vadd.s32 $0x800, v2;
	_ =	sdelay $0x3  }
0x4b: {  	[tilespmem:s13+$0x4810] =	vst v0  }
0x4c: {  	v0 =	vld.idx.msk [tilespmem:v1+s7+$0x0], $0xffff  }
0x4d: {  	v1 =	vadd.s32 $0xC00, v2;
	_ =	sdelay $0x3  }
0x4e: {  	[tilespmem:s13+$0x4C10] =	vst v0  }
0x4f: {  	v0 =	vld.idx.msk [tilespmem:v1+s7+$0x0], $0xffff  }
0x50: {  	v1 =	vadd.s32 $0x1000, v2;
	_ =	sdelay $0x3  }
0x51: {  	[tilespmem:s13+$0x5010] =	vst v0  }
0x52: {  	v0 =	vld.idx.msk [tilespmem:v1+s7+$0x0], $0xffff  }
0x53: {  	v1 =	vadd.s32 $0x1400, v2;
	_ =	sdelay $0x3  }
0x54: {  	[tilespmem:s13+$0x5410] =	vst v0  }
0x55: {  	v0 =	vld.idx.msk [tilespmem:v1+s7+$0x0], $0xffff  }
0x56: {  	v1 =	vadd.s32 $0x1800, v2;
	_ =	sdelay $0x3  }
0x57: {  	[tilespmem:s13+$0x5810] =	vst v0  }
0x58: {  	v0 =	vld.idx.msk [tilespmem:v1+s7+$0x0], $0xffff  }
0x59: {  	v1 =	vadd.s32 $0x1C00, v2;
	_ =	sdelay $0x3  }
0x5a: {  	[tilespmem:s13+$0x5C10] =	vst v0  }
0x5b: {  	v0 =	vld.idx.msk [tilespmem:v1+s7+$0x0], $0xffff  }
0x5c: {  	v1 =	vadd.s32 $0x2000, v2;
	_ =	sdelay $0x3  }
0x5d: {  	[tilespmem:s13+$0x6010] =	vst v0  }
0x5e: {  	v0 =	vld.idx.msk [tilespmem:v1+s7+$0x0], $0xffff  }
0x5f: {  	v1 =	vadd.s32 $0x2400, v2;
	_ =	sdelay $0x3  }
0x60: {  	[tilespmem:s13+$0x6410] =	vst v0  }
0x61: {  	v0 =	vld.idx.msk [tilespmem:v1+s7+$0x0], $0xffff  }
0x62: {  	v1 =	vadd.s32 $0x2800, v2;
	_ =	sdelay $0x3  }
0x63: {  	[tilespmem:s13+$0x6810] =	vst v0  }
0x64: {  	v0 =	vld.idx.msk [tilespmem:v1+s7+$0x0], $0xffff  }
0x65: {  	v1 =	vadd.s32 $0x2C00, v2;
	_ =	sdelay $0x3  }
0x66: {  	[tilespmem:s13+$0x6C10] =	vst v0  }
0x67: {  	v0 =	vld.idx.msk [tilespmem:v1+s7+$0x0], $0xffff  }
0x68: {  	v1 =	vadd.s32 $0x3000, v2;
	_ =	sdelay $0x3  }
0x69: {  	[tilespmem:s13+$0x7010] =	vst v0  }
0x6a: {  	v0 =	vld.idx.msk [tilespmem:v1+s7+$0x0], $0xffff  }
0x6b: {  	v1 =	vadd.s32 $0x3400, v2;
	_ =	sdelay $0x3  }
0x6c: {  	[tilespmem:s13+$0x7410] =	vst v0  }
0x6d: {  	v0 =	vld.idx.msk [tilespmem:v1+s7+$0x0], $0xffff  }
0x6e: {  	v1 =	vadd.s32 $0x3800, v2;
	_ =	sdelay $0x3  }
0x6f: {  	[tilespmem:s13+$0x7810] =	vst v0  }
0x70: {  	v1 =	vld.idx.msk [tilespmem:v1+s7+$0x0], $0xffff  }
0x71: {  	v2 =	vadd.s32 $0x3C00, v2;
	_ =	sdelay $0x2  }
0x72: {  	s15 =	simm.s32 $0x20;
	s14 =	simm.s32 $0x100  }
.LBB2_2:
0x73: {  	p0 =	sne.s32 s14, $0xF80;
	v0 =	vld [tilespmem:s15+$0x0];
	[tilespmem:s13+$0x7C10] =	vst v1  }
0x74: {  	v1 =	vld.idx.msk [tilespmem:v2+s7+$0x0], $0xffff;
	_ =	sdelay $0x5  }
0x75: {  	[tilespmem:s13+$0x8010] =	vst v1;
	s13 =	smov.u32 s15  }
0x76: {  	v1 =	vld.idx.msk [tilespmem:v0+s7+$0x0], $0xffff;
	_ =	sdelay $0x1  }
0x77: {  	v2 =	vadd.s32 $0x400, v0;
	_ =	sdelay $0x3  }
0x78: {  	[tilespmem:s13+$0x4400] =	vst v1  }
0x79: {  	v1 =	vld.idx.msk [tilespmem:v2+s7+$0x0], $0xffff;
	_ =	sdelay $0x1  }
0x7a: {  	v2 =	vadd.s32 $0x800, v0;
	_ =	sdelay $0x3  }
0x7b: {  	[tilespmem:s13+$0x4800] =	vst v1  }
0x7c: {  	v1 =	vld.idx.msk [tilespmem:v2+s7+$0x0], $0xffff;
	_ =	sdelay $0x1  }
0x7d: {  	v2 =	vadd.s32 $0xC00, v0;
	_ =	sdelay $0x3  }
0x7e: {  	[tilespmem:s13+$0x4C00] =	vst v1  }
0x7f: {  	v1 =	vld.idx.msk [tilespmem:v2+s7+$0x0], $0xffff;
	_ =	sdelay $0x1  }
0x80: {  	v2 =	vadd.s32 $0x1000, v0;
	_ =	sdelay $0x3  }
0x81: {  	[tilespmem:s13+$0x5000] =	vst v1  }
0x82: {  	v1 =	vld.idx.msk [tilespmem:v2+s7+$0x0], $0xffff;
	_ =	sdelay $0x1  }
0x83: {  	v2 =	vadd.s32 $0x1400, v0;
	_ =	sdelay $0x3  }
0x84: {  	[tilespmem:s13+$0x5400] =	vst v1  }
0x85: {  	v1 =	vld.idx.msk [tilespmem:v2+s7+$0x0], $0xffff;
	_ =	sdelay $0x1  }
0x86: {  	v2 =	vadd.s32 $0x1800, v0;
	_ =	sdelay $0x3  }
0x87: {  	[tilespmem:s13+$0x5800] =	vst v1  }
0x88: {  	v1 =	vld.idx.msk [tilespmem:v2+s7+$0x0], $0xffff;
	_ =	sdelay $0x1  }
0x89: {  	v2 =	vadd.s32 $0x1C00, v0;
	_ =	sdelay $0x3  }
0x8a: {  	[tilespmem:s13+$0x5C00] =	vst v1  }
0x8b: {  	v1 =	vld.idx.msk [tilespmem:v2+s7+$0x0], $0xffff;
	_ =	sdelay $0x1  }
0x8c: {  	v2 =	vadd.s32 $0x2000, v0;
	_ =	sdelay $0x3  }
0x8d: {  	[tilespmem:s13+$0x6000] =	vst v1  }
0x8e: {  	v1 =	vld.idx.msk [tilespmem:v2+s7+$0x0], $0xffff;
	_ =	sdelay $0x1  }
0x8f: {  	v2 =	vadd.s32 $0x2400, v0;
	_ =	sdelay $0x3  }
0x90: {  	[tilespmem:s13+$0x6400] =	vst v1  }
0x91: {  	v1 =	vld.idx.msk [tilespmem:v2+s7+$0x0], $0xffff;
	_ =	sdelay $0x1  }
0x92: {  	v2 =	vadd.s32 $0x2800, v0;
	_ =	sdelay $0x3  }
0x93: {  	[tilespmem:s13+$0x6800] =	vst v1  }
0x94: {  	v1 =	vld.idx.msk [tilespmem:v2+s7+$0x0], $0xffff;
	_ =	sdelay $0x1  }
0x95: {  	v2 =	vadd.s32 $0x2C00, v0;
	_ =	sdelay $0x3  }
0x96: {  	[tilespmem:s13+$0x6C00] =	vst v1  }
0x97: {  	v1 =	vld.idx.msk [tilespmem:v2+s7+$0x0], $0xffff;
	_ =	sdelay $0x1  }
0x98: {  	v2 =	vadd.s32 $0x3000, v0;
	_ =	sdelay $0x3  }
0x99: {  	[tilespmem:s13+$0x7000] =	vst v1  }
0x9a: {  	v1 =	vld.idx.msk [tilespmem:v2+s7+$0x0], $0xffff;
	_ =	sdelay $0x1  }
0x9b: {  	v2 =	vadd.s32 $0x3400, v0;
	_ =	sdelay $0x3  }
0x9c: {  	[tilespmem:s13+$0x7400] =	vst v1  }
0x9d: {  	v1 =	vld.idx.msk [tilespmem:v2+s7+$0x0], $0xffff;
	_ =	sdelay $0x1  }
0x9e: {  	v2 =	vadd.s32 $0x3800, v0;
	_ =	sdelay $0x3  }
0x9f: {  	[tilespmem:s13+$0x7800] =	vst v1  }
0xa0: {  	v1 =	vld.idx.msk [tilespmem:v2+s7+$0x0], $0xffff;
	_ =	sdelay $0x1  }
0xa1: {  	v2 =	vadd.s32 $0x3C00, v0;
	_ =	sdelay $0x3  }
0xa2: {  	[tilespmem:s13+$0x7C00] =	vst v1;
	v0 =	vld [tilespmem:s13+$0x10]  }
0xa3: {  	v1 =	vld.idx.msk [tilespmem:v2+s7+$0x0], $0xffff;
	_ =	sdelay $0x5  }
0xa4: {  	[tilespmem:s13+$0x8000] =	vst v1  }
0xa5: {  	v1 =	vld.idx.msk [tilespmem:v0+s7+$0x0], $0xffff;
	_ =	sdelay $0x1  }
0xa6: {  	v2 =	vadd.s32 $0x400, v0;
	_ =	sdelay $0x3  }
0xa7: {  	[tilespmem:s13+$0x4410] =	vst v1  }
0xa8: {  	v1 =	vld.idx.msk [tilespmem:v2+s7+$0x0], $0xffff;
	_ =	sdelay $0x1  }
0xa9: {  	v2 =	vadd.s32 $0x800, v0;
	_ =	sdelay $0x3  }
0xaa: {  	[tilespmem:s13+$0x4810] =	vst v1  }
0xab: {  	v1 =	vld.idx.msk [tilespmem:v2+s7+$0x0], $0xffff;
	_ =	sdelay $0x1  }
0xac: {  	v2 =	vadd.s32 $0xC00, v0;
	_ =	sdelay $0x3  }
0xad: {  	[tilespmem:s13+$0x4C10] =	vst v1  }
0xae: {  	v1 =	vld.idx.msk [tilespmem:v2+s7+$0x0], $0xffff;
	_ =	sdelay $0x1  }
0xaf: {  	v2 =	vadd.s32 $0x1000, v0;
	_ =	sdelay $0x3  }
0xb0: {  	[tilespmem:s13+$0x5010] =	vst v1  }
0xb1: {  	v1 =	vld.idx.msk [tilespmem:v2+s7+$0x0], $0xffff;
	_ =	sdelay $0x1  }
0xb2: {  	v2 =	vadd.s32 $0x1400, v0;
	_ =	sdelay $0x3  }
0xb3: {  	[tilespmem:s13+$0x5410] =	vst v1  }
0xb4: {  	v1 =	vld.idx.msk [tilespmem:v2+s7+$0x0], $0xffff;
	_ =	sdelay $0x1  }
0xb5: {  	v2 =	vadd.s32 $0x1800, v0;
	_ =	sdelay $0x3  }
0xb6: {  	[tilespmem:s13+$0x5810] =	vst v1  }
0xb7: {  	v1 =	vld.idx.msk [tilespmem:v2+s7+$0x0], $0xffff;
	_ =	sdelay $0x1  }
0xb8: {  	v2 =	vadd.s32 $0x1C00, v0;
	_ =	sdelay $0x3  }
0xb9: {  	[tilespmem:s13+$0x5C10] =	vst v1  }
0xba: {  	v1 =	vld.idx.msk [tilespmem:v2+s7+$0x0], $0xffff;
	_ =	sdelay $0x1  }
0xbb: {  	v2 =	vadd.s32 $0x2000, v0;
	_ =	sdelay $0x3  }
0xbc: {  	[tilespmem:s13+$0x6010] =	vst v1  }
0xbd: {  	v1 =	vld.idx.msk [tilespmem:v2+s7+$0x0], $0xffff;
	_ =	sdelay $0x1  }
0xbe: {  	v2 =	vadd.s32 $0x2400, v0;
	_ =	sdelay $0x3  }
0xbf: {  	[tilespmem:s13+$0x6410] =	vst v1  }
0xc0: {  	v1 =	vld.idx.msk [tilespmem:v2+s7+$0x0], $0xffff;
	_ =	sdelay $0x1  }
0xc1: {  	v2 =	vadd.s32 $0x2800, v0;
	_ =	sdelay $0x3  }
0xc2: {  	[tilespmem:s13+$0x6810] =	vst v1  }
0xc3: {  	v1 =	vld.idx.msk [tilespmem:v2+s7+$0x0], $0xffff;
	_ =	sdelay $0x1  }
0xc4: {  	v2 =	vadd.s32 $0x2C00, v0;
	_ =	sdelay $0x3  }
0xc5: {  	[tilespmem:s13+$0x6C10] =	vst v1  }
0xc6: {  	v1 =	vld.idx.msk [tilespmem:v2+s7+$0x0], $0xffff;
	_ =	sdelay $0x1  }
0xc7: {  	v2 =	vadd.s32 $0x3000, v0;
	_ =	sdelay $0x3  }
0xc8: {  	[tilespmem:s13+$0x7010] =	vst v1  }
0xc9: {  	v1 =	vld.idx.msk [tilespmem:v2+s7+$0x0], $0xffff;
	_ =	sdelay $0x1  }
0xca: {  	v2 =	vadd.s32 $0x3400, v0;
	_ =	sdelay $0x3  }
0xcb: {  	[tilespmem:s13+$0x7410] =	vst v1  }
0xcc: {  	v1 =	vld.idx.msk [tilespmem:v2+s7+$0x0], $0xffff;
	_ =	sdelay $0x1  }
0xcd: {  	v2 =	vadd.s32 $0x3800, v0;
	_ =	sdelay $0x3  }
0xce: {  	[tilespmem:s13+$0x7810] =	vst v1  }
0xcf: {  	v1 =	vld.idx.msk [tilespmem:v2+s7+$0x0], $0xffff  }
.Ltmp0:
0xd0: {  	(pc) =	sbr.rel @p0 .LBB2_2-.Ltmp0, $2  }
0xd1: {  	v2 =	vadd.s32 $0x3C00, v0;
	_ =	sdelay $0x2  }
0xd2: {  	s15 =	sshra.s32 s14, $0x2;
	s14 =	sadd.s32 $0x80, s14  }
0xd3: {  	_ =	sdelay $0x1  }
0xd4: {  	v0 =	vld [tilespmem:s15+$0x0]  }
0xd5: {  	[tilespmem:s13+$0x7C10] =	vst v1  }
0xd6: {  	v1 =	vld.idx.msk [tilespmem:v2+s7+$0x0], $0xffff;
	_ =	sdelay $0x4  }
0xd7: {  	[tilespmem:s13+$0x8010] =	vst v1  }
0xd8: {  	v1 =	vld.idx.msk [tilespmem:v0+s7+$0x0], $0xffff  }
0xd9: {  	v35 =	vadd.s32 $0x400, v0;
	_ =	sdelay $0x3  }
0xda: {  	[tilespmem:s15+$0x4400] =	vst v1  }
0xdb: {  	v1 =	vld.idx.msk [tilespmem:v35+s7+$0x0], $0xffff  }
0xdc: {  	v36 =	vadd.s32 $0x800, v0;
	_ =	sdelay $0x3  }
0xdd: {  	[tilespmem:s15+$0x4800] =	vst v1  }
0xde: {  	v1 =	vld.idx.msk [tilespmem:v36+s7+$0x0], $0xffff  }
0xdf: {  	v37 =	vadd.s32 $0xC00, v0;
	_ =	sdelay $0x3  }
0xe0: {  	[tilespmem:s15+$0x4C00] =	vst v1  }
0xe1: {  	v1 =	vld.idx.msk [tilespmem:v37+s7+$0x0], $0xffff  }
0xe2: {  	v38 =	vadd.s32 $0x1000, v0;
	_ =	sdelay $0x3  }
0xe3: {  	[tilespmem:s15+$0x5000] =	vst v1  }
0xe4: {  	v1 =	vld.idx.msk [tilespmem:v38+s7+$0x0], $0xffff  }
0xe5: {  	v39 =	vadd.s32 $0x1400, v0;
	_ =	sdelay $0x3  }
0xe6: {  	[tilespmem:s15+$0x5400] =	vst v1  }
0xe7: {  	v1 =	vld.idx.msk [tilespmem:v39+s7+$0x0], $0xffff  }
0xe8: {  	v40 =	vadd.s32 $0x1800, v0;
	_ =	sdelay $0x3  }
0xe9: {  	[tilespmem:s15+$0x5800] =	vst v1  }
0xea: {  	v1 =	vld.idx.msk [tilespmem:v40+s7+$0x0], $0xffff  }
0xeb: {  	v41 =	vadd.s32 $0x1C00, v0;
	_ =	sdelay $0x3  }
0xec: {  	[tilespmem:s15+$0x5C00] =	vst v1  }
0xed: {  	v1 =	vld.idx.msk [tilespmem:v41+s7+$0x0], $0xffff  }
0xee: {  	v42 =	vadd.s32 $0x2000, v0;
	_ =	sdelay $0x3  }
0xef: {  	[tilespmem:s15+$0x6000] =	vst v1  }
0xf0: {  	v1 =	vld.idx.msk [tilespmem:v42+s7+$0x0], $0xffff  }
0xf1: {  	v43 =	vadd.s32 $0x2400, v0;
	_ =	sdelay $0x3  }
0xf2: {  	[tilespmem:s15+$0x6400] =	vst v1  }
0xf3: {  	v1 =	vld.idx.msk [tilespmem:v43+s7+$0x0], $0xffff  }
0xf4: {  	v44 =	vadd.s32 $0x2800, v0;
	_ =	sdelay $0x3  }
0xf5: {  	[tilespmem:s15+$0x6800] =	vst v1  }
0xf6: {  	v1 =	vld.idx.msk [tilespmem:v44+s7+$0x0], $0xffff  }
0xf7: {  	v45 =	vadd.s32 $0x2C00, v0;
	_ =	sdelay $0x3  }
0xf8: {  	[tilespmem:s15+$0x6C00] =	vst v1  }
0xf9: {  	v1 =	vld.idx.msk [tilespmem:v45+s7+$0x0], $0xffff  }
0xfa: {  	v46 =	vadd.s32 $0x3000, v0;
	_ =	sdelay $0x3  }
0xfb: {  	[tilespmem:s15+$0x7000] =	vst v1  }
0xfc: {  	v1 =	vld.idx.msk [tilespmem:v46+s7+$0x0], $0xffff  }
0xfd: {  	v47 =	vadd.s32 $0x3400, v0;
	_ =	sdelay $0x3  }
0xfe: {  	[tilespmem:s15+$0x7400] =	vst v1  }
0xff: {  	v1 =	vld.idx.msk [tilespmem:v47+s7+$0x0], $0xffff  }
0x100: {  	v48 =	vadd.s32 $0x3800, v0;
	_ =	sdelay $0x3  }
0x101: {  	[tilespmem:s15+$0x7800] =	vst v1  }
0x102: {  	v1 =	vld.idx.msk [tilespmem:v48+s7+$0x0], $0xffff  }
0x103: {  	v0 =	vadd.s32 $0x3C00, v0;
	_ =	sdelay $0x2  }
0x104: {  	v49 =	vld [tilespmem:s15+$0x10]  }
0x105: {  	[tilespmem:s15+$0x7C00] =	vst v1  }
0x106: {  	v0 =	vld.idx.msk [tilespmem:v0+s7+$0x0], $0xffff;
	_ =	sdelay $0x4  }
0x107: {  	[tilespmem:s15+$0x8000] =	vst v0  }
0x108: {  	v0 =	vld.idx.msk [tilespmem:v49+s7+$0x0], $0xffff  }
0x109: {  	v50 =	vadd.s32 $0x400, v49;
	_ =	sdelay $0x3  }
0x10a: {  	[tilespmem:s15+$0x4410] =	vst v0  }
0x10b: {  	v0 =	vld.idx.msk [tilespmem:v50+s7+$0x0], $0xffff  }
0x10c: {  	v51 =	vadd.s32 $0x800, v49;
	_ =	sdelay $0x3  }
0x10d: {  	[tilespmem:s15+$0x4810] =	vst v0  }
0x10e: {  	v0 =	vld.idx.msk [tilespmem:v51+s7+$0x0], $0xffff  }
0x10f: {  	v52 =	vadd.s32 $0xC00, v49;
	_ =	sdelay $0x3  }
0x110: {  	[tilespmem:s15+$0x4C10] =	vst v0  }
0x111: {  	v0 =	vld.idx.msk [tilespmem:v52+s7+$0x0], $0xffff  }
0x112: {  	v53 =	vadd.s32 $0x1000, v49;
	_ =	sdelay $0x3  }
0x113: {  	[tilespmem:s15+$0x5010] =	vst v0  }
0x114: {  	v0 =	vld.idx.msk [tilespmem:v53+s7+$0x0], $0xffff  }
0x115: {  	v54 =	vadd.s32 $0x1400, v49;
	_ =	sdelay $0x3  }
0x116: {  	[tilespmem:s15+$0x5410] =	vst v0  }
0x117: {  	v0 =	vld.idx.msk [tilespmem:v54+s7+$0x0], $0xffff  }
0x118: {  	v55 =	vadd.s32 $0x1800, v49;
	_ =	sdelay $0x3  }
0x119: {  	[tilespmem:s15+$0x5810] =	vst v0  }
0x11a: {  	v0 =	vld.idx.msk [tilespmem:v55+s7+$0x0], $0xffff  }
0x11b: {  	v56 =	vadd.s32 $0x1C00, v49;
	_ =	sdelay $0x3  }
0x11c: {  	[tilespmem:s15+$0x5C10] =	vst v0  }
0x11d: {  	v0 =	vld.idx.msk [tilespmem:v56+s7+$0x0], $0xffff  }
0x11e: {  	v57 =	vadd.s32 $0x2000, v49;
	_ =	sdelay $0x3  }
0x11f: {  	[tilespmem:s15+$0x6010] =	vst v0  }
0x120: {  	v0 =	vld.idx.msk [tilespmem:v57+s7+$0x0], $0xffff  }
0x121: {  	v58 =	vadd.s32 $0x2400, v49;
	_ =	sdelay $0x3  }
0x122: {  	[tilespmem:s15+$0x6410] =	vst v0  }
0x123: {  	v0 =	vld.idx.msk [tilespmem:v58+s7+$0x0], $0xffff  }
0x124: {  	v59 =	vadd.s32 $0x2800, v49;
	_ =	sdelay $0x3  }
0x125: {  	[tilespmem:s15+$0x6810] =	vst v0  }
0x126: {  	v0 =	vld.idx.msk [tilespmem:v59+s7+$0x0], $0xffff  }
0x127: {  	v60 =	vadd.s32 $0x2C00, v49;
	_ =	sdelay $0x3  }
0x128: {  	[tilespmem:s15+$0x6C10] =	vst v0  }
0x129: {  	v0 =	vld.idx.msk [tilespmem:v60+s7+$0x0], $0xffff  }
0x12a: {  	v61 =	vadd.s32 $0x3000, v49;
	_ =	sdelay $0x3  }
0x12b: {  	[tilespmem:s15+$0x7010] =	vst v0  }
0x12c: {  	v0 =	vld.idx.msk [tilespmem:v61+s7+$0x0], $0xffff  }
0x12d: {  	v62 =	vadd.s32 $0x3400, v49;
	_ =	sdelay $0x3  }
0x12e: {  	[tilespmem:s15+$0x7410] =	vst v0  }
0x12f: {  	v0 =	vld.idx.msk [tilespmem:v62+s7+$0x0], $0xffff  }
0x130: {  	v63 =	vadd.s32 $0x3800, v49;
	_ =	sdelay $0x3  }
0x131: {  	[tilespmem:s15+$0x7810] =	vst v0  }
0x132: {  	v0 =	vld.idx.msk [tilespmem:v63+s7+$0x0], $0xffff  }
0x133: {  	v1 =	vadd.s32 $0x3C00, v49;
	_ =	sdelay $0x3  }
0x134: {  	[tilespmem:s15+$0x7C10] =	vst v0  }
0x135: {  	v0 =	vld.idx.msk [tilespmem:v1+s7+$0x0], $0xffff;
	_ =	sdelay $0x2  }
0x136: {  	s12 =	sadd.s32 $0x1, s12  }
0x137: {  	p0 =	sne.s32 s12, s6  }
.Ltmp1:
0x138: {  	[tilespmem:s15+$0x8010] =	vst v0;
	(pc) =	sbr.rel @p0 .LBB2_1-.Ltmp1, $4  }
0x139: {  	[hbm4b:s5+s2] =	stream.linear.scatter [tilespmem:s10], [sflag:$0x3], $0x4000, $0x38;
	[tilespmem:$0x8400] =	vst v63  }
0x13a: {  	_ =	swait.ge [sflag:s11], $0x4000  }
0x13b: {  	[sflag:s11] =	ssyncset.done $0x0  }
0x13c: {  	[sflag:s11] =	ssyncadd.s32 $0xFFFFC000  }
0x13d: {  	_ =	sfence.sel $0x180000  }
0x13e: {  	[bflag:$0x0] =	sbarrier.arrive $0xFFFF  }
0x13f: {  	p0 =	sne.s32 s1, $0x0;
	_ =	strace $0x90000047  }
0x140: {  	s0 =	sadd.s32 @!p0 $0x100000, s0;
	[bflag:$0x2] =	sbarrier.arrive $0xFFFF  }
0x141: {  	[sflag:s0] =	ssyncadd.tile.s32 @!p0 $0x1;
	_ =	shalt  }
.Lfunc_end2:
_tile_overlayer_lowered:
.L_overlay_start_2:
0x142: {  	(tag) =	ssettag $0x2  }
0x143: {  	s0 =	rddreg [dreg:$0x0];
	s2 =	stileid.u32  }
0x144: {  	s1 =	rddreg [dreg:$0x1];
	p0 =	sne.s32 s2, $0x0  }
0x145: {  	s3 =	rddreg [dreg:$0x2];
	[bflag:$0x3] =	sbarrier.arrive $0xFFFF;
	s2 =	simm.s32 @!p0 $0x1C03  }
0x146: {  	[timem:s3], [sflag:s2] =	dma.local @!p0 [hbm:s0], s1  }
0x147: {  	s0 =	simm.s32 @!p0 $0x3  }
0x148: {  	_ =	swait.ge @!p0 [sflag:s0], s1  }
0x149: {  	s1 =	ssub.s32 @!p0 $0x0, s1;
	[sflag:s0] =	ssyncset.done @!p0 $0x0  }
0x14a: {  	[sflag:s0] =	ssyncadd.s32 @!p0 s1  }
0x14b: {  	[bflag:$0x3] =	sbarrier.arrive $0xFFFF  }
0x14c: {  	_ =	shalt  }

// kernel: kernel.9.cloned.1.call-start
scs
__scs_entry_jumppad:
0x0: {  	(pc) =	sbr.rel $0x88, $3  }
0x1: {  	(tag) =	ssettag $0x0;
	lr =	simm.s32 $0x1  }
0x2: {  	[smem:$0x3F9F] =	sst lr;
	_ =	strace $0xD0000000  }
0x3: {  	_ = 	snop  }
0x4: {  	_ = 	snop  }
0x5: {  	_ = 	snop  }
0x6: {  	_ = 	snop  }
0x7: {  	_ = 	snop  }
__scs_overlays_trampoline_lowered:
0x8: {  	[smem:$0x3FAE] =	sst s0  }
0x9: {  	[smem:$0x3FAF] =	sst s1  }
0xa: {  	[smem:$0x3FB0] =	sst s2  }
0xb: {  	[smem:$0x3FB1] =	sst s3  }
0xc: {  	[smem:$0x3FB2] =	sst s4  }
0xd: {  	[smem:$0x3FB3] =	sst s5  }
0xe: {  	[smem:$0x3FB4] =	sst s6  }
0xf: {  	[smem:$0x3FB5] =	sst s7  }
0x10: {  	[smem:$0x3FB6] =	sst s8  }
0x11: {  	[smem:$0x3FB7] =	sst s9;
	s0 =	simm.s32 @!p0 $0x0  }
0x12: {  	s1 =	sld [smem:$0x3F9D];
	s0 =	simm.s32 @p0 $0x1  }
0x13: {  	[smem:$0x3FB8] =	sst s0;
	s0 =	simm.s32 @!p1 $0x0  }
0x14: {  	s2 =	sld [smem:$0x3F9C];
	s0 =	simm.s32 @p1 $0x1  }
0x15: {  	[smem:$0x3FB9] =	sst s0;
	s0 =	simm.s32 @!p2 $0x0  }
0x16: {  	s3 =	sld [smem:$0x3FDB];
	s0 =	simm.s32 @p2 $0x1  }
0x17: {  	s4 =	simm.s32 $0x1BF5;
	[smem:$0x3FBB] =	sst s0  }
0x18: {  	s0 =	sld [smem:$0x3F9E];
	_ =	swait.ge [sflag:s4], $0x0  }
0x19: {  	s7 =	sld [smem:$0x3F9F]  }
0x1a: {  	s8 =	sadd.s32 $0xFFFFE003, lr  }
0x1b: {  	s9 =	sadd.s32 $0xFFFFFEF7, lr;
	s5 =	simm.s32 $0xFFFFFFFF;
	p2 =	slt.u32 s8, $0xFFFFF086  }
0x1c: {  	p1 =	slt.u32 s9, $0xF7A;
	s5 =	simm.s32 @!p2 $0x0  }
0x1d: {  	s5 =	simm.s32 @p1 $0x1;
	p0 =	seq.s32 s7, s2  }
0x1e: {  	s7 =	smul.u32 @!p0 $0xF7A, s2;
	p2 =	seq.s32 @!p0 s5, $0x0  }
0x1f: {  	s9 =	smul.u32 $0xF7A, s1;
	s8 =	simm.s32 @!p0 $0x1BF5;
	p2 =	por !p2, p0  }
0x20: {  	[sflag:s8] =	ssyncset.s32 @!p0 $0xFFFFF086;
	s6 =	sadd.s32 @!p0 s3, s7;
	s7 =	simm.s32 @!p0 $0x108  }
0x21: {  	s3 =	sadd.s32 s3, s9;
	s6 =	sadd.s32 @!p0 $0x88, s6;
	s7 =	simm.s32 @p2 $0x1082  }
0x22: {  	[simem:s7], [sflag:s8] =	dma.local @!p0 [hbm:s6], $0xF7A  }
0x23: {  	s9 =	sor.u32 $0xD0000000, s2;
	s6 =	simm.s32 $0x108;
	_ =	swait.ge @!p0 [sflag:s8], $0x0  }
0x24: {  	s3 =	sadd.s32 $0x88, s3;
	s6 =	simm.s32 @!p1 $0x1082;
	[sflag:s4] =	ssyncset.s32 $0xFFFFF086  }
0x25: {  	[simem:s6], [sflag:s4] =	dma.local [hbm:s3], $0xF7A  }
0x26: {  	[smem:$0x3F9F] =	sst s1;
	(tag) =	ssettag s2;
	_ =	strace s9  }
0x27: {  	s1 =	sld [smem:$0x3FAF]  }
0x28: {  	s2 =	sld [smem:$0x3FB0]  }
0x29: {  	s4 =	sld [smem:$0x3FB2]  }
0x2a: {  	p0 =	seq.s32 s5, $0x0;
	s5 =	sld [smem:$0x3FB3]  }
0x2b: {  	s6 =	sld [smem:$0x3FB4]  }
0x2c: {  	s7 =	sld [smem:$0x3FB5]  }
0x2d: {  	s3 =	simm.s32 $0x108;
	s8 =	sld [smem:$0x3FB6]  }
0x2e: {  	s3 =	simm.s32 @!p0 $0x1082;
	s9 =	sld [smem:$0x3FB7]  }
0x2f: {  	lr =	sadd.s32 s0, s3;
	s0 =	sld [smem:$0x3FAE]  }
0x30: {  	s3 =	sld [smem:$0x3FB1]  }
0x31: {  	[smem:$0x3FBA] =	sst s10  }
0x32: {  	s10 =	sld [smem:$0x3FB8];
	_ =	sdelay $0x3  }
0x33: {  	p0 =	seq.s32 s10, $0x1;
	s10 =	sld [smem:$0x3FBA];
	_ =	sdelay $0x3  }
0x34: {  	[smem:$0x3FBA] =	sst s10  }
0x35: {  	s10 =	sld [smem:$0x3FB9];
	_ =	sdelay $0x3  }
0x36: {  	p1 =	seq.s32 s10, $0x1;
	s10 =	sld [smem:$0x3FBA];
	_ =	sdelay $0x3  }
0x37: {  	[smem:$0x3FBA] =	sst s10  }
0x38: {  	s10 =	sld [smem:$0x3FBB]  }
0x39: {  	_ = 	snop;
	(pc) =	sbr.ind lr, $3  }
0x3a: {  	_ = 	snop  }
0x3b: {  	_ = 	snop  }
0x3c: {  	p2 =	seq.s32 s10, $0x1;
	s10 =	sld [smem:$0x3FBA]  }
0x3d: {  	_ =	shalt  }
0x3e: {  	_ =	shalt  }
0x3f: {  	_ =	shalt  }
0x40: {  	_ =	shalt  }
0x41: {  	_ =	shalt  }
0x42: {  	_ =	shalt  }
0x43: {  	_ =	shalt  }
0x44: {  	_ =	shalt  }
0x45: {  	_ =	shalt  }
0x46: {  	_ =	shalt  }
0x47: {  	_ =	shalt  }
0x48: {  	_ =	shalt  }
0x49: {  	_ =	shalt  }
0x4a: {  	_ =	shalt  }
0x4b: {  	_ =	shalt  }
0x4c: {  	_ =	shalt  }
0x4d: {  	_ =	shalt  }
0x4e: {  	_ =	shalt  }
0x4f: {  	_ =	shalt  }
0x50: {  	_ =	shalt  }
0x51: {  	_ =	shalt  }
0x52: {  	_ =	shalt  }
0x53: {  	_ =	shalt  }
0x54: {  	_ =	shalt  }
0x55: {  	_ =	shalt  }
0x56: {  	_ =	shalt  }
0x57: {  	_ =	shalt  }
0x58: {  	_ =	shalt  }
0x59: {  	_ =	shalt  }
0x5a: {  	_ =	shalt  }
0x5b: {  	_ =	shalt  }
0x5c: {  	_ =	shalt  }
0x5d: {  	_ =	shalt  }
0x5e: {  	_ =	shalt  }
0x5f: {  	_ =	shalt  }
0x60: {  	_ =	shalt  }
0x61: {  	_ =	shalt  }
0x62: {  	_ =	shalt  }
0x63: {  	_ =	shalt  }
0x64: {  	_ =	shalt  }
0x65: {  	_ =	shalt  }
0x66: {  	_ =	shalt  }
0x67: {  	_ =	shalt  }
0x68: {  	_ =	shalt  }
0x69: {  	_ =	shalt  }
0x6a: {  	_ =	shalt  }
0x6b: {  	_ =	shalt  }
0x6c: {  	_ =	shalt  }
0x6d: {  	_ =	shalt  }
0x6e: {  	_ =	shalt  }
0x6f: {  	_ =	shalt  }
0x70: {  	_ =	shalt  }
0x71: {  	_ =	shalt  }
0x72: {  	_ =	shalt  }
0x73: {  	_ =	shalt  }
0x74: {  	_ =	shalt  }
0x75: {  	_ =	shalt  }
0x76: {  	_ =	shalt  }
0x77: {  	_ =	shalt  }
0x78: {  	_ =	shalt  }
0x79: {  	_ =	shalt  }
0x7a: {  	_ =	shalt  }
0x7b: {  	_ =	shalt  }
0x7c: {  	_ =	shalt  }
0x7d: {  	_ =	shalt  }
0x7e: {  	_ =	shalt  }
0x7f: {  	_ =	shalt  }
0x80: {  	_ =	shalt  }
0x81: {  	_ =	shalt  }
0x82: {  	_ =	shalt  }
0x83: {  	_ =	shalt  }
0x84: {  	_ =	shalt  }
0x85: {  	_ =	shalt  }
0x86: {  	_ =	shalt  }
0x87: {  	_ =	shalt  }
.Lfunc_end0:
.L_simem_size_0:
called_computation.1_lowered:
.L_overlay_start_0:
0x88: {  	s2 =	sld [smem:$0x3FD9]  }
0x89: {  	s3 =	sld [smem:$0x3FFE];
	_ =	sdelay $0x1  }
0x8a: {  	s1 =	srdreg.scid  }
0x8b: {  	s0 =	sand.u32 $0x1, s1  }
0x8c: {  	s15 =	sshll.u32 s0, $0xA;
	s2 =	sadd.s32 s3, s2  }
0x8d: {  	s2 =	sadd.s32 s2, s15  }
0x8e: {  	[smem:$0x3FC6] =	sst s2  }
0x8f: {  	_ = 	snop  }
0x90: {  	s2 =	sld [smem:$0x3FD0];
	_ =	sdelay $0x2  }
0x91: {  	s16 =	simm.s32 $0xB;
	s4 =	simm.s32 $0x10  }
0x92: {  	[smem:s4], [sflag:s16] =	dma.local [hbm:s2], $0x1  }
0x93: {  	_ =	swait.eq [sflag:s16], $0x1  }
0x94: {  	[sflag:s16] =	ssyncset.done $0x0  }
0x95: {  	[sflag:s16] =	ssyncadd.s32 $0xFFFFFFFF  }
0x96: {  	s17 =	sld [smem:$0x10];
	(tm) =	ssettm $0x1  }
0x97: {  	s18 =	sld [smem:$0x3FFB];
	_ =	sdelay $0x3  }
0x98: {  	_ =	strace s18  }
0x99: {  	s2 =	sld [smem:$0x3FFC];
	_ =	sdelay $0x3  }
0x9a: {  	_ =	strace s2  }
0x9b: {  	s2 =	sld [smem:$0x3FFD];
	_ =	sdelay $0x3  }
0x9c: {  	_ =	strace s2  }
0x9d: {  	_ =	strace $0x8FFFFFFF  }
0x9e: {  	s19 =	sld [smem:$0x3FDB];
	_ =	sdelay $0x1  }
0x9f: {  	s20 =	simm.s32 $_scs_section_size  }
0xa0: {  	s5 =	simm.s32 $_size__tile_overlayer_lowered;
	s6 =	simm.s32 $_tile_overlayer_lowered  }
0xa1: {  	s7 =	simm.s32 $0x1BFF;
	s21 =	sshll.u32 s6, $0x1;
	s4 =	sadd.s32 s20, s19  }
0xa2: {  	s22 =	simm.s32 $0x0;
	s5 =	sshll.u32 s5, $0x1;
	s6 =	sadd.s32 s21, s4  }
0xa3: {  	[timem:s22], [sflag:s7] =	dma.local [hbm:s6], s5  }
0xa4: {  	_ =	swait.ge [sflag:s7], s5  }
0xa5: {  	s5 =	ssub.s32 $0x0, s5;
	[sflag:s7] =	ssyncset.done $0x0  }
0xa6: {  	[sflag:s7] =	ssyncadd.s32 s5;
	_ =	sdelay $0x1  }
0xa7: {  	s23 =	simm.s32 $0x1B8B  }
0xa8: {  	_ =	swait.ge [sflag:s23], $0x1  }
0xa9: {  	[sflag:s23] =	ssyncset.done $0x0  }
0xaa: {  	[sflag:s23] =	ssyncadd.s32 $0xFFFFFFFF  }
0xab: {  	s5 =	sld [smem:$0x0]  }
0xac: {  	s6 =	sand.u32 $0xFFFFFFFE, s1  }
0xad: {  	p0 =	sne.s32 s1, s6  }
0xae: {  	s6 =	sshll.u32 @p0 s6, $0xE  }
0xaf: {  	s6 =	sadd.s32 @p0 $0x11B8D, s6;
	s7 =	sshll.u32 @p0 s5, $0x11  }
0xb0: {  	s6 =	sor.u32 @p0 s7, s6  }
0xb1: {  	[sflag:s6] =	ssyncadd.remote.s32 @p0 $0x1;
	_ =	sdelay $0x1  }
0xb2: {  	s6 =	simm.s32 @p0 $0x1B8D  }
0xb3: {  	_ =	swait.eq @p0 [sflag:s6], $0x1  }
0xb4: {  	[sflag:s6] =	ssyncadd.s32 @p0 $0xFFFFFFFF  }
0xb5: {  	s7 =	sshll.u32 @!p0 s1, $0xE  }
0xb6: {  	s7 =	sor.u32 @!p0 $0x4000, s7;
	s6 =	simm.s32 @!p0 $0x1B8D  }
0xb7: {  	s5 =	sshll.u32 @!p0 s5, $0x11;
	s7 =	sadd.s32 @!p0 $0x11B8D, s7;
	_ =	swait.eq @!p0 [sflag:s6], $0x1  }
0xb8: {  	s5 =	sor.u32 @!p0 s5, s7;
	[sflag:s6] =	ssyncadd.s32 @!p0 $0xFFFFFFFF  }
0xb9: {  	s25 =	simm.s32 $0x1B8E;
	s24 =	sld [smem:$0x3FFE];
	[sflag:s5] =	ssyncadd.remote.s32 @!p0 $0x1  }
0xba: {  	s26 =	simm.s32 $execute0_lowered;
	[smem:$0x3FD2] =	sst s25  }
0xbb: {  	s6 =	sshll.u32 s26, $0x1;
	_ =	strace $0x80000049;
	[dreg:$0x1] =	wrdreg $0xFFFFFFFF  }
0xbc: {  	s28 =	simm.s32 $_size_execute0_lowered;
	s4 =	sadd.s32 s4, s6;
	[dreg:$0x0] =	wrdreg $0x0  }
0xbd: {  	s6 =	sshll.u32 s28, $0x1;
	[dreg:$0x2] =	wrdreg s4  }
0xbe: {  	[dreg:$0x3] =	wrdreg s6  }
0xbf: {  	[dreg:$0x4] =	wrdreg $0xC0  }
0xc0: {  	_ =	task [dreg:s22], $0x5FFFF  }
0xc1: {  	[dreg:$0x1] =	wrdreg $0xFFFFFFFF  }
0xc2: {  	[dreg:$0x0] =	wrdreg $0x60  }
0xc3: {  	[dreg:$0x2] =	wrdreg s24  }
0xc4: {  	[dreg:$0x3] =	wrdreg s17  }
0xc5: {  	[dreg:$0x4] =	wrdreg $0xA  }
0xc6: {  	_ =	task.clear_ibuf [dreg:s22], $0x5FFFF;
	_ =	strace $0x90000049  }
0xc7: {  	s29 =	simm.s32 $0xA;
	_ =	strace $0x8000004B  }
0xc8: {  	_ =	swait.ge [sflag:s29], $0x1  }
0xc9: {  	[sflag:s29] =	ssyncadd.s32 $0xFFFFFFFF  }
0xca: {  	_ =	strace $0x9000004B  }
0xcb: {  	_ =	sfence  }
0xcc: {  	s30 =	sld [smem:$0x0];
	_ =	sdelay $0x2  }
0xcd: {  	s31 =	sshll.u32 s1, $0xD;
	s1 =	sshrl.u32 s1, $0x2  }
0xce: {  	s4 =	sand.u32 $0x4000, s31;
	s1 =	sadd.s32 s1, s30  }
0xcf: {  	s0 =	sor.u32 s4, s0;
	s1 =	sshll.u32 s1, $0x11  }
0xd0: {  	s0 =	sor.u32 s1, s0  }
0xd1: {  	s0 =	sadd.s32 $0x8F2B, s0  }
0xd2: {  	[sflag:s0] =	ssyncadd.remote.s32 $0x1  }
0xd3: {  	_ =	sfence.sel $0xFFFF  }
0xd4: {  	[dreg:$0x0] =	wrdreg $0xFFFFFFFF;
	(pc) =	sbr.abs _section_cstart, $3  }
0xd5: {  	[dreg:$0x1] =	wrdreg $0xFFFFFFFF  }
0xd6: {  	_ =	task.clear_ibuf [dreg:s22], $0x2FFFF;
	_ =	strace $0x9FFFFFFF  }
0xd7: {  	(tm) =	ssettm $0x7FFFFFFF  }
tec
execute0_lowered:
.L_overlay_start_1:
0x0: {  	(tag) =	ssettag $0x1  }
0x1: {  	s3 =	rddreg [dreg:$0x0]  }
0x2: {  	s4 =	rddreg [dreg:$0x1];
	s1 =	stileid.u32  }
0x3: {  	s0 =	rddreg [dreg:$0x2];
	s5 =	srdreg.scid  }
0x4: {  	s2 =	simm.s32 $0x0;
	s10 =	simm.s32 $0x4400;
	s11 =	simm.s32 $0x3  }
0x5: {  	s12 =	simm.s32 $0x0;
	s6 =	sshll.u32 s1, $0x1;
	s5 =	sand.u32 $0x1, s5  }
0x6: {  	[smem:$0x7FF] =	sst s2;
	s7 =	sshrl.u32 s1, $0x1;
	s6 =	sand.u32 $0x2, s6  }
0x7: {  	_ =	strace $0x8000004A;
	s9 =	sshll.u32 s7, $0x7;
	s7 =	sshll.u32 s7, $0xD  }
0x8: {  	s6 =	sor.u32 s5, s6;
	s5 =	ssub.s32 $0x2, s5;
	s31 =	sadd.s32 s4, s7  }
0x9: {  	s7 =	simm.s32 $0x400;
	s6 =	sshll.u32 s6, $0xB;
	s30 =	sshrl.u32 s5, $0x1  }
0xa: {  	s8 =	sadd.s32 s6, s3;
	s3 =	sadd.s32 s9, s3;
	s9 =	ssub.s32 s5, s30  }
0xb: {  	s5 =	sadd.s32 s6, s31;
	s3 =	sadd.s32 $0x13600, s3;
	s4 =	sadd.s32 $0x1000, s8  }
0xc: {  	s6 =	smax.u32 s9, $0x1;
	s8 =	simm.s32 $0x1;
	s9 =	simm.s32 $0x2  }
.LBB2_1:
0xd: {  	[tilespmem:s2], [sflag:$0x1] =	stream.linear.gather [hbm4b:s3+s2], $0x400, $0x38;
	[tilespmem:$0x8400] =	vst v63  }
0xe: {  	_ = 	snop  }
0xf: {  	[tilespmem:s7], [sflag:$0x2] =	stream.linear.gather [hbm4b:s4+s2], $0x4000, $0x38;
	[tilespmem:$0x8400] =	vst v63  }
0x10: {  	_ =	swait.ge [sflag:s8], $0x400  }
0x11: {  	[sflag:s8] =	ssyncset.done $0x0  }
0x12: {  	[sflag:s8] =	ssyncadd.s32 $0xFFFFFC00  }
0x13: {  	_ =	swait.ge [sflag:s9], $0x4000  }
0x14: {  	[sflag:s9] =	ssyncset.done $0x0  }
0x15: {  	s13 =	simm.s32 $0x0;
	[sflag:s9] =	ssyncadd.s32 $0xFFFFC000  }
0x16: {  	v0 =	vld [tilespmem:s13+$0x0];
	_ =	sdelay $0x7  }
0x17: {  	v1 =	vld.idx.msk [tilespmem:v0+s7+$0x0], $0xffff  }
0x18: {  	v2 =	vadd.s32 $0x400, v0;
	_ =	sdelay $0x3  }
0x19: {  	[tilespmem:s13+$0x4400] =	vst v1  }
0x1a: {  	v1 =	vld.idx.msk [tilespmem:v2+s7+$0x0], $0xffff  }
0x1b: {  	v2 =	vadd.s32 $0x800, v0;
	_ =	sdelay $0x3  }
0x1c: {  	[tilespmem:s13+$0x4800] =	vst v1  }
0x1d: {  	v1 =	vld.idx.msk [tilespmem:v2+s7+$0x0], $0xffff  }
0x1e: {  	v2 =	vadd.s32 $0xC00, v0;
	_ =	sdelay $0x3  }
0x1f: {  	[tilespmem:s13+$0x4C00] =	vst v1  }
0x20: {  	v1 =	vld.idx.msk [tilespmem:v2+s7+$0x0], $0xffff  }
0x21: {  	v2 =	vadd.s32 $0x1000, v0;
	_ =	sdelay $0x3  }
0x22: {  	[tilespmem:s13+$0x5000] =	vst v1  }
0x23: {  	v1 =	vld.idx.msk [tilespmem:v2+s7+$0x0], $0xffff  }
0x24: {  	v2 =	vadd.s32 $0x1400, v0;
	_ =	sdelay $0x3  }
0x25: {  	[tilespmem:s13+$0x5400] =	vst v1  }
0x26: {  	v1 =	vld.idx.msk [tilespmem:v2+s7+$0x0], $0xffff  }
0x27: {  	v2 =	vadd.s32 $0x1800, v0;
	_ =	sdelay $0x3  }
0x28: {  	[tilespmem:s13+$0x5800] =	vst v1  }
0x29: {  	v1 =	vld.idx.msk [tilespmem:v2+s7+$0x0], $0xffff  }
0x2a: {  	v2 =	vadd.s32 $0x1C00, v0;
	_ =	sdelay $0x3  }
0x2b: {  	[tilespmem:s13+$0x5C00] =	vst v1  }
0x2c: {  	v1 =	vld.idx.msk [tilespmem:v2+s7+$0x0], $0xffff  }
0x2d: {  	v2 =	vadd.s32 $0x2000, v0;
	_ =	sdelay $0x3  }
0x2e: {  	[tilespmem:s13+$0x6000] =	vst v1  }
0x2f: {  	v1 =	vld.idx.msk [tilespmem:v2+s7+$0x0], $0xffff  }
0x30: {  	v2 =	vadd.s32 $0x2400, v0;
	_ =	sdelay $0x3  }
0x31: {  	[tilespmem:s13+$0x6400] =	vst v1  }
0x32: {  	v1 =	vld.idx.msk [tilespmem:v2+s7+$0x0], $0xffff  }
0x33: {  	v2 =	vadd.s32 $0x2800, v0;
	_ =	sdelay $0x3  }
0x34: {  	[tilespmem:s13+$0x6800] =	vst v1  }
0x35: {  	v1 =	vld.idx.msk [tilespmem:v2+s7+$0x0], $0xffff  }
0x36: {  	v2 =	vadd.s32 $0x2C00, v0;
	_ =	sdelay $0x3  }
0x37: {  	[tilespmem:s13+$0x6C00] =	vst v1  }
0x38: {  	v1 =	vld.idx.msk [tilespmem:v2+s7+$0x0], $0xffff  }
0x39: {  	v2 =	vadd.s32 $0x3000, v0;
	_ =	sdelay $0x3  }
0x3a: {  	[tilespmem:s13+$0x7000] =	vst v1  }
0x3b: {  	v1 =	vld.idx.msk [tilespmem:v2+s7+$0x0], $0xffff  }
0x3c: {  	v2 =	vadd.s32 $0x3400, v0;
	_ =	sdelay $0x3  }
0x3d: {  	[tilespmem:s13+$0x7400] =	vst v1  }
0x3e: {  	v1 =	vld.idx.msk [tilespmem:v2+s7+$0x0], $0xffff  }
0x3f: {  	v2 =	vadd.s32 $0x3800, v0;
	_ =	sdelay $0x3  }
0x40: {  	[tilespmem:s13+$0x7800] =	vst v1  }
0x41: {  	v1 =	vld.idx.msk [tilespmem:v2+s7+$0x0], $0xffff  }
0x42: {  	v0 =	vadd.s32 $0x3C00, v0;
	_ =	sdelay $0x2  }
0x43: {  	v2 =	vld [tilespmem:s13+$0x10]  }
0x44: {  	[tilespmem:s13+$0x7C00] =	vst v1  }
0x45: {  	v0 =	vld.idx.msk [tilespmem:v0+s7+$0x0], $0xffff;
	_ =	sdelay $0x4  }
0x46: {  	[tilespmem:s13+$0x8000] =	vst v0  }
0x47: {  	v0 =	vld.idx.msk [tilespmem:v2+s7+$0x0], $0xffff  }
0x48: {  	v1 =	vadd.s32 $0x400, v2;
	_ =	sdelay $0x3  }
0x49: {  	[tilespmem:s13+$0x4410] =	vst v0  }
0x4a: {  	v0 =	vld.idx.msk [tilespmem:v1+s7+$0x0], $0xffff  }
0x4b: {  	v1 =	vadd.s32 $0x800, v2;
	_ =	sdelay $0x3  }
0x4c: {  	[tilespmem:s13+$0x4810] =	vst v0  }
0x4d: {  	v0 =	vld.idx.msk [tilespmem:v1+s7+$0x0], $0xffff  }
0x4e: {  	v1 =	vadd.s32 $0xC00, v2;
	_ =	sdelay $0x3  }
0x4f: {  	[tilespmem:s13+$0x4C10] =	vst v0  }
0x50: {  	v0 =	vld.idx.msk [tilespmem:v1+s7+$0x0], $0xffff  }
0x51: {  	v1 =	vadd.s32 $0x1000, v2;
	_ =	sdelay $0x3  }
0x52: {  	[tilespmem:s13+$0x5010] =	vst v0  }
0x53: {  	v0 =	vld.idx.msk [tilespmem:v1+s7+$0x0], $0xffff  }
0x54: {  	v1 =	vadd.s32 $0x1400, v2;
	_ =	sdelay $0x3  }
0x55: {  	[tilespmem:s13+$0x5410] =	vst v0  }
0x56: {  	v0 =	vld.idx.msk [tilespmem:v1+s7+$0x0], $0xffff  }
0x57: {  	v1 =	vadd.s32 $0x1800, v2;
	_ =	sdelay $0x3  }
0x58: {  	[tilespmem:s13+$0x5810] =	vst v0  }
0x59: {  	v0 =	vld.idx.msk [tilespmem:v1+s7+$0x0], $0xffff  }
0x5a: {  	v1 =	vadd.s32 $0x1C00, v2;
	_ =	sdelay $0x3  }
0x5b: {  	[tilespmem:s13+$0x5C10] =	vst v0  }
0x5c: {  	v0 =	vld.idx.msk [tilespmem:v1+s7+$0x0], $0xffff  }
0x5d: {  	v1 =	vadd.s32 $0x2000, v2;
	_ =	sdelay $0x3  }
0x5e: {  	[tilespmem:s13+$0x6010] =	vst v0  }
0x5f: {  	v0 =	vld.idx.msk [tilespmem:v1+s7+$0x0], $0xffff  }
0x60: {  	v1 =	vadd.s32 $0x2400, v2;
	_ =	sdelay $0x3  }
0x61: {  	[tilespmem:s13+$0x6410] =	vst v0  }
0x62: {  	v0 =	vld.idx.msk [tilespmem:v1+s7+$0x0], $0xffff  }
0x63: {  	v1 =	vadd.s32 $0x2800, v2;
	_ =	sdelay $0x3  }
0x64: {  	[tilespmem:s13+$0x6810] =	vst v0  }
0x65: {  	v0 =	vld.idx.msk [tilespmem:v1+s7+$0x0], $0xffff  }
0x66: {  	v1 =	vadd.s32 $0x2C00, v2;
	_ =	sdelay $0x3  }
0x67: {  	[tilespmem:s13+$0x6C10] =	vst v0  }
0x68: {  	v0 =	vld.idx.msk [tilespmem:v1+s7+$0x0], $0xffff  }
0x69: {  	v1 =	vadd.s32 $0x3000, v2;
	_ =	sdelay $0x3  }
0x6a: {  	[tilespmem:s13+$0x7010] =	vst v0  }
0x6b: {  	v0 =	vld.idx.msk [tilespmem:v1+s7+$0x0], $0xffff  }
0x6c: {  	v1 =	vadd.s32 $0x3400, v2;
	_ =	sdelay $0x3  }
0x6d: {  	[tilespmem:s13+$0x7410] =	vst v0  }
0x6e: {  	v0 =	vld.idx.msk [tilespmem:v1+s7+$0x0], $0xffff  }
0x6f: {  	v1 =	vadd.s32 $0x3800, v2;
	_ =	sdelay $0x3  }
0x70: {  	[tilespmem:s13+$0x7810] =	vst v0  }
0x71: {  	v1 =	vld.idx.msk [tilespmem:v1+s7+$0x0], $0xffff  }
0x72: {  	v2 =	vadd.s32 $0x3C00, v2;
	_ =	sdelay $0x2  }
0x73: {  	s15 =	simm.s32 $0x20;
	s14 =	simm.s32 $0x100  }
.LBB2_2:
0x74: {  	p0 =	sne.s32 s14, $0xF80;
	v0 =	vld [tilespmem:s15+$0x0];
	[tilespmem:s13+$0x7C10] =	vst v1  }
0x75: {  	v1 =	vld.idx.msk [tilespmem:v2+s7+$0x0], $0xffff;
	_ =	sdelay $0x5  }
0x76: {  	[tilespmem:s13+$0x8010] =	vst v1;
	s13 =	smov.u32 s15  }
0x77: {  	v1 =	vld.idx.msk [tilespmem:v0+s7+$0x0], $0xffff;
	_ =	sdelay $0x1  }
0x78: {  	v2 =	vadd.s32 $0x400, v0;
	_ =	sdelay $0x3  }
0x79: {  	[tilespmem:s13+$0x4400] =	vst v1  }
0x7a: {  	v1 =	vld.idx.msk [tilespmem:v2+s7+$0x0], $0xffff;
	_ =	sdelay $0x1  }
0x7b: {  	v2 =	vadd.s32 $0x800, v0;
	_ =	sdelay $0x3  }
0x7c: {  	[tilespmem:s13+$0x4800] =	vst v1  }
0x7d: {  	v1 =	vld.idx.msk [tilespmem:v2+s7+$0x0], $0xffff;
	_ =	sdelay $0x1  }
0x7e: {  	v2 =	vadd.s32 $0xC00, v0;
	_ =	sdelay $0x3  }
0x7f: {  	[tilespmem:s13+$0x4C00] =	vst v1  }
0x80: {  	v1 =	vld.idx.msk [tilespmem:v2+s7+$0x0], $0xffff;
	_ =	sdelay $0x1  }
0x81: {  	v2 =	vadd.s32 $0x1000, v0;
	_ =	sdelay $0x3  }
0x82: {  	[tilespmem:s13+$0x5000] =	vst v1  }
0x83: {  	v1 =	vld.idx.msk [tilespmem:v2+s7+$0x0], $0xffff;
	_ =	sdelay $0x1  }
0x84: {  	v2 =	vadd.s32 $0x1400, v0;
	_ =	sdelay $0x3  }
0x85: {  	[tilespmem:s13+$0x5400] =	vst v1  }
0x86: {  	v1 =	vld.idx.msk [tilespmem:v2+s7+$0x0], $0xffff;
	_ =	sdelay $0x1  }
0x87: {  	v2 =	vadd.s32 $0x1800, v0;
	_ =	sdelay $0x3  }
0x88: {  	[tilespmem:s13+$0x5800] =	vst v1  }
0x89: {  	v1 =	vld.idx.msk [tilespmem:v2+s7+$0x0], $0xffff;
	_ =	sdelay $0x1  }
0x8a: {  	v2 =	vadd.s32 $0x1C00, v0;
	_ =	sdelay $0x3  }
0x8b: {  	[tilespmem:s13+$0x5C00] =	vst v1  }
0x8c: {  	v1 =	vld.idx.msk [tilespmem:v2+s7+$0x0], $0xffff;
	_ =	sdelay $0x1  }
0x8d: {  	v2 =	vadd.s32 $0x2000, v0;
	_ =	sdelay $0x3  }
0x8e: {  	[tilespmem:s13+$0x6000] =	vst v1  }
0x8f: {  	v1 =	vld.idx.msk [tilespmem:v2+s7+$0x0], $0xffff;
	_ =	sdelay $0x1  }
0x90: {  	v2 =	vadd.s32 $0x2400, v0;
	_ =	sdelay $0x3  }
0x91: {  	[tilespmem:s13+$0x6400] =	vst v1  }
0x92: {  	v1 =	vld.idx.msk [tilespmem:v2+s7+$0x0], $0xffff;
	_ =	sdelay $0x1  }
0x93: {  	v2 =	vadd.s32 $0x2800, v0;
	_ =	sdelay $0x3  }
0x94: {  	[tilespmem:s13+$0x6800] =	vst v1  }
0x95: {  	v1 =	vld.idx.msk [tilespmem:v2+s7+$0x0], $0xffff;
	_ =	sdelay $0x1  }
0x96: {  	v2 =	vadd.s32 $0x2C00, v0;
	_ =	sdelay $0x3  }
0x97: {  	[tilespmem:s13+$0x6C00] =	vst v1  }
0x98: {  	v1 =	vld.idx.msk [tilespmem:v2+s7+$0x0], $0xffff;
	_ =	sdelay $0x1  }
0x99: {  	v2 =	vadd.s32 $0x3000, v0;
	_ =	sdelay $0x3  }
0x9a: {  	[tilespmem:s13+$0x7000] =	vst v1  }
0x9b: {  	v1 =	vld.idx.msk [tilespmem:v2+s7+$0x0], $0xffff;
	_ =	sdelay $0x1  }
0x9c: {  	v2 =	vadd.s32 $0x3400, v0;
	_ =	sdelay $0x3  }
0x9d: {  	[tilespmem:s13+$0x7400] =	vst v1  }
0x9e: {  	v1 =	vld.idx.msk [tilespmem:v2+s7+$0x0], $0xffff;
	_ =	sdelay $0x1  }
0x9f: {  	v2 =	vadd.s32 $0x3800, v0;
	_ =	sdelay $0x3  }
0xa0: {  	[tilespmem:s13+$0x7800] =	vst v1  }
0xa1: {  	v1 =	vld.idx.msk [tilespmem:v2+s7+$0x0], $0xffff;
	_ =	sdelay $0x1  }
0xa2: {  	v2 =	vadd.s32 $0x3C00, v0;
	_ =	sdelay $0x3  }
0xa3: {  	[tilespmem:s13+$0x7C00] =	vst v1;
	v0 =	vld [tilespmem:s13+$0x10]  }
0xa4: {  	v1 =	vld.idx.msk [tilespmem:v2+s7+$0x0], $0xffff;
	_ =	sdelay $0x5  }
0xa5: {  	[tilespmem:s13+$0x8000] =	vst v1  }
0xa6: {  	v1 =	vld.idx.msk [tilespmem:v0+s7+$0x0], $0xffff;
	_ =	sdelay $0x1  }
0xa7: {  	v2 =	vadd.s32 $0x400, v0;
	_ =	sdelay $0x3  }
0xa8: {  	[tilespmem:s13+$0x4410] =	vst v1  }
0xa9: {  	v1 =	vld.idx.msk [tilespmem:v2+s7+$0x0], $0xffff;
	_ =	sdelay $0x1  }
0xaa: {  	v2 =	vadd.s32 $0x800, v0;
	_ =	sdelay $0x3  }
0xab: {  	[tilespmem:s13+$0x4810] =	vst v1  }
0xac: {  	v1 =	vld.idx.msk [tilespmem:v2+s7+$0x0], $0xffff;
	_ =	sdelay $0x1  }
0xad: {  	v2 =	vadd.s32 $0xC00, v0;
	_ =	sdelay $0x3  }
0xae: {  	[tilespmem:s13+$0x4C10] =	vst v1  }
0xaf: {  	v1 =	vld.idx.msk [tilespmem:v2+s7+$0x0], $0xffff;
	_ =	sdelay $0x1  }
0xb0: {  	v2 =	vadd.s32 $0x1000, v0;
	_ =	sdelay $0x3  }
0xb1: {  	[tilespmem:s13+$0x5010] =	vst v1  }
0xb2: {  	v1 =	vld.idx.msk [tilespmem:v2+s7+$0x0], $0xffff;
	_ =	sdelay $0x1  }
0xb3: {  	v2 =	vadd.s32 $0x1400, v0;
	_ =	sdelay $0x3  }
0xb4: {  	[tilespmem:s13+$0x5410] =	vst v1  }
0xb5: {  	v1 =	vld.idx.msk [tilespmem:v2+s7+$0x0], $0xffff;
	_ =	sdelay $0x1  }
0xb6: {  	v2 =	vadd.s32 $0x1800, v0;
	_ =	sdelay $0x3  }
0xb7: {  	[tilespmem:s13+$0x5810] =	vst v1  }
0xb8: {  	v1 =	vld.idx.msk [tilespmem:v2+s7+$0x0], $0xffff;
	_ =	sdelay $0x1  }
0xb9: {  	v2 =	vadd.s32 $0x1C00, v0;
	_ =	sdelay $0x3  }
0xba: {  	[tilespmem:s13+$0x5C10] =	vst v1  }
0xbb: {  	v1 =	vld.idx.msk [tilespmem:v2+s7+$0x0], $0xffff;
	_ =	sdelay $0x1  }
0xbc: {  	v2 =	vadd.s32 $0x2000, v0;
	_ =	sdelay $0x3  }
0xbd: {  	[tilespmem:s13+$0x6010] =	vst v1  }
0xbe: {  	v1 =	vld.idx.msk [tilespmem:v2+s7+$0x0], $0xffff;
	_ =	sdelay $0x1  }
0xbf: {  	v2 =	vadd.s32 $0x2400, v0;
	_ =	sdelay $0x3  }
0xc0: {  	[tilespmem:s13+$0x6410] =	vst v1  }
0xc1: {  	v1 =	vld.idx.msk [tilespmem:v2+s7+$0x0], $0xffff;
	_ =	sdelay $0x1  }
0xc2: {  	v2 =	vadd.s32 $0x2800, v0;
	_ =	sdelay $0x3  }
0xc3: {  	[tilespmem:s13+$0x6810] =	vst v1  }
0xc4: {  	v1 =	vld.idx.msk [tilespmem:v2+s7+$0x0], $0xffff;
	_ =	sdelay $0x1  }
0xc5: {  	v2 =	vadd.s32 $0x2C00, v0;
	_ =	sdelay $0x3  }
0xc6: {  	[tilespmem:s13+$0x6C10] =	vst v1  }
0xc7: {  	v1 =	vld.idx.msk [tilespmem:v2+s7+$0x0], $0xffff;
	_ =	sdelay $0x1  }
0xc8: {  	v2 =	vadd.s32 $0x3000, v0;
	_ =	sdelay $0x3  }
0xc9: {  	[tilespmem:s13+$0x7010] =	vst v1  }
0xca: {  	v1 =	vld.idx.msk [tilespmem:v2+s7+$0x0], $0xffff;
	_ =	sdelay $0x1  }
0xcb: {  	v2 =	vadd.s32 $0x3400, v0;
	_ =	sdelay $0x3  }
0xcc: {  	[tilespmem:s13+$0x7410] =	vst v1  }
0xcd: {  	v1 =	vld.idx.msk [tilespmem:v2+s7+$0x0], $0xffff;
	_ =	sdelay $0x1  }
0xce: {  	v2 =	vadd.s32 $0x3800, v0;
	_ =	sdelay $0x3  }
0xcf: {  	[tilespmem:s13+$0x7810] =	vst v1  }
0xd0: {  	v1 =	vld.idx.msk [tilespmem:v2+s7+$0x0], $0xffff  }
.Ltmp0:
0xd1: {  	(pc) =	sbr.rel @p0 .LBB2_2-.Ltmp0, $2  }
0xd2: {  	v2 =	vadd.s32 $0x3C00, v0;
	_ =	sdelay $0x2  }
0xd3: {  	s15 =	sshra.s32 s14, $0x2;
	s14 =	sadd.s32 $0x80, s14  }
0xd4: {  	_ =	sdelay $0x1  }
0xd5: {  	v0 =	vld [tilespmem:s15+$0x0]  }
0xd6: {  	[tilespmem:s13+$0x7C10] =	vst v1  }
0xd7: {  	v1 =	vld.idx.msk [tilespmem:v2+s7+$0x0], $0xffff;
	_ =	sdelay $0x4  }
0xd8: {  	[tilespmem:s13+$0x8010] =	vst v1  }
0xd9: {  	v1 =	vld.idx.msk [tilespmem:v0+s7+$0x0], $0xffff  }
0xda: {  	v35 =	vadd.s32 $0x400, v0;
	_ =	sdelay $0x3  }
0xdb: {  	[tilespmem:s15+$0x4400] =	vst v1  }
0xdc: {  	v1 =	vld.idx.msk [tilespmem:v35+s7+$0x0], $0xffff  }
0xdd: {  	v36 =	vadd.s32 $0x800, v0;
	_ =	sdelay $0x3  }
0xde: {  	[tilespmem:s15+$0x4800] =	vst v1  }
0xdf: {  	v1 =	vld.idx.msk [tilespmem:v36+s7+$0x0], $0xffff  }
0xe0: {  	v37 =	vadd.s32 $0xC00, v0;
	_ =	sdelay $0x3  }
0xe1: {  	[tilespmem:s15+$0x4C00] =	vst v1  }
0xe2: {  	v1 =	vld.idx.msk [tilespmem:v37+s7+$0x0], $0xffff  }
0xe3: {  	v38 =	vadd.s32 $0x1000, v0;
	_ =	sdelay $0x3  }
0xe4: {  	[tilespmem:s15+$0x5000] =	vst v1  }
0xe5: {  	v1 =	vld.idx.msk [tilespmem:v38+s7+$0x0], $0xffff  }
0xe6: {  	v39 =	vadd.s32 $0x1400, v0;
	_ =	sdelay $0x3  }
0xe7: {  	[tilespmem:s15+$0x5400] =	vst v1  }
0xe8: {  	v1 =	vld.idx.msk [tilespmem:v39+s7+$0x0], $0xffff  }
0xe9: {  	v40 =	vadd.s32 $0x1800, v0;
	_ =	sdelay $0x3  }
0xea: {  	[tilespmem:s15+$0x5800] =	vst v1  }
0xeb: {  	v1 =	vld.idx.msk [tilespmem:v40+s7+$0x0], $0xffff  }
0xec: {  	v41 =	vadd.s32 $0x1C00, v0;
	_ =	sdelay $0x3  }
0xed: {  	[tilespmem:s15+$0x5C00] =	vst v1  }
0xee: {  	v1 =	vld.idx.msk [tilespmem:v41+s7+$0x0], $0xffff  }
0xef: {  	v42 =	vadd.s32 $0x2000, v0;
	_ =	sdelay $0x3  }
0xf0: {  	[tilespmem:s15+$0x6000] =	vst v1  }
0xf1: {  	v1 =	vld.idx.msk [tilespmem:v42+s7+$0x0], $0xffff  }
0xf2: {  	v43 =	vadd.s32 $0x2400, v0;
	_ =	sdelay $0x3  }
0xf3: {  	[tilespmem:s15+$0x6400] =	vst v1  }
0xf4: {  	v1 =	vld.idx.msk [tilespmem:v43+s7+$0x0], $0xffff  }
0xf5: {  	v44 =	vadd.s32 $0x2800, v0;
	_ =	sdelay $0x3  }
0xf6: {  	[tilespmem:s15+$0x6800] =	vst v1  }
0xf7: {  	v1 =	vld.idx.msk [tilespmem:v44+s7+$0x0], $0xffff  }
0xf8: {  	v45 =	vadd.s32 $0x2C00, v0;
	_ =	sdelay $0x3  }
0xf9: {  	[tilespmem:s15+$0x6C00] =	vst v1  }
0xfa: {  	v1 =	vld.idx.msk [tilespmem:v45+s7+$0x0], $0xffff  }
0xfb: {  	v46 =	vadd.s32 $0x3000, v0;
	_ =	sdelay $0x3  }
0xfc: {  	[tilespmem:s15+$0x7000] =	vst v1  }
0xfd: {  	v1 =	vld.idx.msk [tilespmem:v46+s7+$0x0], $0xffff  }
0xfe: {  	v47 =	vadd.s32 $0x3400, v0;
	_ =	sdelay $0x3  }
0xff: {  	[tilespmem:s15+$0x7400] =	vst v1  }
0x100: {  	v1 =	vld.idx.msk [tilespmem:v47+s7+$0x0], $0xffff  }
0x101: {  	v48 =	vadd.s32 $0x3800, v0;
	_ =	sdelay $0x3  }
0x102: {  	[tilespmem:s15+$0x7800] =	vst v1  }
0x103: {  	v1 =	vld.idx.msk [tilespmem:v48+s7+$0x0], $0xffff  }
0x104: {  	v0 =	vadd.s32 $0x3C00, v0;
	_ =	sdelay $0x2  }
0x105: {  	v49 =	vld [tilespmem:s15+$0x10]  }
0x106: {  	[tilespmem:s15+$0x7C00] =	vst v1  }
0x107: {  	v0 =	vld.idx.msk [tilespmem:v0+s7+$0x0], $0xffff;
	_ =	sdelay $0x4  }
0x108: {  	[tilespmem:s15+$0x8000] =	vst v0  }
0x109: {  	v0 =	vld.idx.msk [tilespmem:v49+s7+$0x0], $0xffff  }
0x10a: {  	v50 =	vadd.s32 $0x400, v49;
	_ =	sdelay $0x3  }
0x10b: {  	[tilespmem:s15+$0x4410] =	vst v0  }
0x10c: {  	v0 =	vld.idx.msk [tilespmem:v50+s7+$0x0], $0xffff  }
0x10d: {  	v51 =	vadd.s32 $0x800, v49;
	_ =	sdelay $0x3  }
0x10e: {  	[tilespmem:s15+$0x4810] =	vst v0  }
0x10f: {  	v0 =	vld.idx.msk [tilespmem:v51+s7+$0x0], $0xffff  }
0x110: {  	v52 =	vadd.s32 $0xC00, v49;
	_ =	sdelay $0x3  }
0x111: {  	[tilespmem:s15+$0x4C10] =	vst v0  }
0x112: {  	v0 =	vld.idx.msk [tilespmem:v52+s7+$0x0], $0xffff  }
0x113: {  	v53 =	vadd.s32 $0x1000, v49;
	_ =	sdelay $0x3  }
0x114: {  	[tilespmem:s15+$0x5010] =	vst v0  }
0x115: {  	v0 =	vld.idx.msk [tilespmem:v53+s7+$0x0], $0xffff  }
0x116: {  	v54 =	vadd.s32 $0x1400, v49;
	_ =	sdelay $0x3  }
0x117: {  	[tilespmem:s15+$0x5410] =	vst v0  }
0x118: {  	v0 =	vld.idx.msk [tilespmem:v54+s7+$0x0], $0xffff  }
0x119: {  	v55 =	vadd.s32 $0x1800, v49;
	_ =	sdelay $0x3  }
0x11a: {  	[tilespmem:s15+$0x5810] =	vst v0  }
0x11b: {  	v0 =	vld.idx.msk [tilespmem:v55+s7+$0x0], $0xffff  }
0x11c: {  	v56 =	vadd.s32 $0x1C00, v49;
	_ =	sdelay $0x3  }
0x11d: {  	[tilespmem:s15+$0x5C10] =	vst v0  }
0x11e: {  	v0 =	vld.idx.msk [tilespmem:v56+s7+$0x0], $0xffff  }
0x11f: {  	v57 =	vadd.s32 $0x2000, v49;
	_ =	sdelay $0x3  }
0x120: {  	[tilespmem:s15+$0x6010] =	vst v0  }
0x121: {  	v0 =	vld.idx.msk [tilespmem:v57+s7+$0x0], $0xffff  }
0x122: {  	v58 =	vadd.s32 $0x2400, v49;
	_ =	sdelay $0x3  }
0x123: {  	[tilespmem:s15+$0x6410] =	vst v0  }
0x124: {  	v0 =	vld.idx.msk [tilespmem:v58+s7+$0x0], $0xffff  }
0x125: {  	v59 =	vadd.s32 $0x2800, v49;
	_ =	sdelay $0x3  }
0x126: {  	[tilespmem:s15+$0x6810] =	vst v0  }
0x127: {  	v0 =	vld.idx.msk [tilespmem:v59+s7+$0x0], $0xffff  }
0x128: {  	v60 =	vadd.s32 $0x2C00, v49;
	_ =	sdelay $0x3  }
0x129: {  	[tilespmem:s15+$0x6C10] =	vst v0  }
0x12a: {  	v0 =	vld.idx.msk [tilespmem:v60+s7+$0x0], $0xffff  }
0x12b: {  	v61 =	vadd.s32 $0x3000, v49;
	_ =	sdelay $0x3  }
0x12c: {  	[tilespmem:s15+$0x7010] =	vst v0  }
0x12d: {  	v0 =	vld.idx.msk [tilespmem:v61+s7+$0x0], $0xffff  }
0x12e: {  	v62 =	vadd.s32 $0x3400, v49;
	_ =	sdelay $0x3  }
0x12f: {  	[tilespmem:s15+$0x7410] =	vst v0  }
0x130: {  	v0 =	vld.idx.msk [tilespmem:v62+s7+$0x0], $0xffff  }
0x131: {  	v63 =	vadd.s32 $0x3800, v49;
	_ =	sdelay $0x3  }
0x132: {  	[tilespmem:s15+$0x7810] =	vst v0  }
0x133: {  	v0 =	vld.idx.msk [tilespmem:v63+s7+$0x0], $0xffff  }
0x134: {  	v1 =	vadd.s32 $0x3C00, v49;
	_ =	sdelay $0x3  }
0x135: {  	[tilespmem:s15+$0x7C10] =	vst v0  }
0x136: {  	v0 =	vld.idx.msk [tilespmem:v1+s7+$0x0], $0xffff;
	_ =	sdelay $0x2  }
0x137: {  	s12 =	sadd.s32 $0x1, s12  }
0x138: {  	p0 =	sne.s32 s12, s6  }
.Ltmp1:
0x139: {  	[tilespmem:s15+$0x8010] =	vst v0;
	(pc) =	sbr.rel @p0 .LBB2_1-.Ltmp1, $4  }
0x13a: {  	[hbm4b:s5+s2] =	stream.linear.scatter [tilespmem:s10], [sflag:$0x3], $0x4000, $0x38;
	[tilespmem:$0x8400] =	vst v63  }
0x13b: {  	_ =	swait.ge [sflag:s11], $0x4000  }
0x13c: {  	[sflag:s11] =	ssyncset.done $0x0  }
0x13d: {  	[sflag:s11] =	ssyncadd.s32 $0xFFFFC000  }
0x13e: {  	_ =	sfence.sel $0x180000  }
0x13f: {  	[bflag:$0x0] =	sbarrier.arrive $0xFFFF  }
0x140: {  	p0 =	sne.s32 s1, $0x0;
	_ =	strace $0x9000004A  }
0x141: {  	s0 =	sadd.s32 @!p0 $0x100000, s0;
	[bflag:$0x2] =	sbarrier.arrive $0xFFFF  }
0x142: {  	[sflag:s0] =	ssyncadd.tile.s32 @!p0 $0x1;
	_ =	shalt  }
.Lfunc_end2:
_tile_overlayer_lowered:
.L_overlay_start_2:
0x143: {  	(tag) =	ssettag $0x2  }
0x144: {  	s0 =	rddreg [dreg:$0x0];
	s2 =	stileid.u32  }
0x145: {  	s1 =	rddreg [dreg:$0x1];
	p0 =	sne.s32 s2, $0x0  }
0x146: {  	s3 =	rddreg [dreg:$0x2];
	[bflag:$0x3] =	sbarrier.arrive $0xFFFF;
	s2 =	simm.s32 @!p0 $0x1C03  }
0x147: {  	[timem:s3], [sflag:s2] =	dma.local @!p0 [hbm:s0], s1  }
0x148: {  	s0 =	simm.s32 @!p0 $0x3  }
0x149: {  	_ =	swait.ge @!p0 [sflag:s0], s1  }
0x14a: {  	s1 =	ssub.s32 @!p0 $0x0, s1;
	[sflag:s0] =	ssyncset.done @!p0 $0x0  }
0x14b: {  	[sflag:s0] =	ssyncadd.s32 @!p0 s1  }
0x14c: {  	[bflag:$0x3] =	sbarrier.arrive $0xFFFF  }
0x14d: {  	_ =	shalt  }

</sc_bundles>
